<compile_context>
chip_gen: v7x
topology: tpu7x:2x2x1
jax: 0.10.2.dev20260603
libtpu: 0.0.44.dev20260713+nightly
codegen_flags: <defaults>
</compile_context>

<pallas_src>
import functools

import jax
import jax.numpy as jnp
from jax import lax
from jax.experimental import pallas as pl
from jax.experimental.pallas import tpu as pltpu
from jax.experimental.pallas import tpu_sc as plsc

N = 100000
HIDDEN = 128
CHUNK = 128
LAST_BASE = N - CHUNK
NCHUNK = 782

_info = plsc.get_sparse_core_info()
NC, NS = _info.num_cores, _info.num_subcores
NW = NC * NS
CPW = 25
NBUF = 7
LAG = 2


def _make_sc_gather():
    mesh = plsc.VectorSubcoreMesh(core_axis_name="c", subcore_axis_name="s")

    @functools.partial(
        pl.kernel,
        mesh=mesh,
        out_type=jax.ShapeDtypeStruct((N, HIDDEN), jnp.float32),
        scratch_types=[
            pltpu.VMEM((CPW, CHUNK), jnp.int32),
            pltpu.VMEM((NBUF, CHUNK, HIDDEN), jnp.float32),
            pltpu.VMEM_SHARED((28, HIDDEN), jnp.float32),
        ]
        + [pltpu.SemaphoreType.DMA] * (2 * NBUF + 1),
    )
    def gather_kernel(idx_hbm, table_hbm, out_hbm, idx_all, rows, table_sh, *sems):
        sem_g = sems[:NBUF]
        sem_w = sems[NBUF : 2 * NBUF]
        sem_i = sems[2 * NBUF]
        sid = lax.axis_index("s")
        wid = sid * NC + lax.axis_index("c")

        @pl.when(sid == 0)
        def _():
            pltpu.sync_copy(table_hbm, table_sh)

        for j in range(CPW):
            cid = wid * CPW + j
            gbase = jnp.minimum(cid * CHUNK, LAST_BASE)

            @pl.when(cid < NCHUNK)
            def _(j=j, gbase=gbase):
                pltpu.async_copy(
                    idx_hbm.at[pl.ds(gbase, CHUNK)], idx_all.at[j], sem_i
                )
        for j in range(CPW):
            cid = wid * CPW + j

            @pl.when(cid < NCHUNK)
            def _(j=j):
                pltpu.make_async_copy(
                    idx_hbm.at[pl.ds(0, CHUNK)], idx_all.at[j], sem_i
                ).wait()
        plsc.subcore_barrier()

        def _writeback(j):
            b = j % NBUF
            cid = wid * CPW + j
            base = jnp.minimum(cid * CHUNK, LAST_BASE)

            @pl.when(cid < NCHUNK)
            def _():
                pltpu.make_async_copy(
                    table_sh.at[idx_all.at[j]], rows.at[b], sem_g[b]
                ).wait()
                pltpu.async_copy(
                    rows.at[b], out_hbm.at[pl.ds(base, CHUNK)], sem_w[b]
                )

        for j in range(CPW):
            b = j % NBUF
            cid = wid * CPW + j

            if j >= NBUF:
                @pl.when(wid * CPW + (j - NBUF) < NCHUNK)
                def _(b=b):
                    pltpu.make_async_copy(
                        rows.at[b], out_hbm.at[pl.ds(0, CHUNK)], sem_w[b]
                    ).wait()

            @pl.when(cid < NCHUNK)
            def _(b=b, j=j):
                pltpu.async_copy(
                    table_sh.at[idx_all.at[j]], rows.at[b], sem_g[b]
                )

            if j >= LAG:
                _writeback(j - LAG)
        for j in range(CPW - LAG, CPW):
            _writeback(j)
        for j in range(CPW - NBUF, CPW):
            cid = wid * CPW + j

            @pl.when(cid < NCHUNK)
            def _(j=j):
                pltpu.make_async_copy(
                    rows.at[j % NBUF], out_hbm.at[pl.ds(0, CHUNK)], sem_w[j % NBUF]
                ).wait()

    return gather_kernel


_sc_gather = _make_sc_gather()


def kernel(x, W):
    idx = x.reshape(N).astype(jnp.int32)
    return _sc_gather(idx, W)

# --- scband reference (transcript-rebuilt; emitter-appended) ---
"""Pipeline reference for scband-zincatom-encoder-28269474743133 (READ-ONLY COPY).

The authoritative reference and input builder live on the scoring server;
editing this copy changes nothing except your own understanding.
"""

import jax, jax.numpy as jnp
import numpy as np

HIDDEN = 128
NUM_EMB = 28
N = 100000

def _xavier_uniform(key, shape):
    fan_in, fan_out = shape[1], shape[0]
    a = float(np.sqrt(6.0 / (fan_in + fan_out)))
    return jax.random.uniform(key, shape, dtype=jnp.float32, minval=-a, maxval=a)

def setup_inputs(seed: int = 0) -> dict:
    key = jax.random.key(seed)
    k_x, k_w = jax.random.split(key)
    x = jax.random.randint(k_x, (N, 1), 0, NUM_EMB, dtype=jnp.int64)
    W = _xavier_uniform(k_w, (NUM_EMB, HIDDEN))
    return {"x": x, "W": W}

def reference(x, W):
    x = jnp.squeeze(x, axis=1)
    masked = x == -1
    x_safe = jnp.where(masked, 0, x)
    out = jnp.take(W, x_safe, axis=0)
    out = jnp.where(masked[:, None], out * 0.0, out)
    return out

if __name__ == "__main__":
    import jax
    _d = setup_inputs()
    print(jax.jit(kernel)(*tuple(_d.values())))

</pallas_src>

<mosaic_0001>
#map = affine_map<(d0, d1) -> (0)>
#map1 = affine_map<(d0, d1) -> (0, 0)>
module attributes {stable_mosaic.version = 14 : i64} {
  func.func @gather_kernel(%arg0: i32, %arg1: i32, %arg2: memref<100000xi32, #tpu.memory_space<hbm>>, %arg3: memref<28x128xf32, #tpu.memory_space<hbm>>, %arg4: memref<100000x128xf32, #tpu.memory_space<hbm>>, %arg5: memref<25x128xi32, #tpu.memory_space<vmem>>, %arg6: memref<7x128x128xf32, #tpu.memory_space<vmem>>, %arg7: memref<28x128xf32, #tpu.memory_space<vmem_shared>>, %arg8: memref<!tpu.dma_semaphore, #tpu.memory_space<semaphore_mem>>, %arg9: memref<!tpu.dma_semaphore, #tpu.memory_space<semaphore_mem>>, %arg10: memref<!tpu.dma_semaphore, #tpu.memory_space<semaphore_mem>>, %arg11: memref<!tpu.dma_semaphore, #tpu.memory_space<semaphore_mem>>, %arg12: memref<!tpu.dma_semaphore, #tpu.memory_space<semaphore_mem>>, %arg13: memref<!tpu.dma_semaphore, #tpu.memory_space<semaphore_mem>>, %arg14: memref<!tpu.dma_semaphore, #tpu.memory_space<semaphore_mem>>, %arg15: memref<!tpu.dma_semaphore, #tpu.memory_space<semaphore_mem>>, %arg16: memref<!tpu.dma_semaphore, #tpu.memory_space<semaphore_mem>>, %arg17: memref<!tpu.dma_semaphore, #tpu.memory_space<semaphore_mem>>, %arg18: memref<!tpu.dma_semaphore, #tpu.memory_space<semaphore_mem>>, %arg19: memref<!tpu.dma_semaphore, #tpu.memory_space<semaphore_mem>>, %arg20: memref<!tpu.dma_semaphore, #tpu.memory_space<semaphore_mem>>, %arg21: memref<!tpu.dma_semaphore, #tpu.memory_space<semaphore_mem>>, %arg22: memref<!tpu.dma_semaphore, #tpu.memory_space<semaphore_mem>>) attributes {dimension_semantics = [#tpu.dimension_semantics<core_parallel>, #tpu.dimension_semantics<subcore_parallel>], iteration_bounds = array<i64: 2, 16>, scalar_prefetch = 0 : i64, scratch_operands = 18 : i64, tpu.core_type = #tpu.core_type<sc_vector_subcore>, window_params = [{transform_indices = #map}, {transform_indices = #map1}, {transform_indices = #map1}]} {
    %mul3A = arith.constant 2 : i32
    %mul3A_0 = arith.muli %arg1, %mul3A : i32
    %add3A = arith.addi %mul3A_0, %arg0 : i32
    %eq3A = arith.constant 0 : i32
    %eq3A_1 = arith.cmpi eq, %arg1, %eq3A : i32
    %convert_element_type3A = arith.extui %eq3A_1 : i1 to i32
    %cond3A = arith.constant 0 : i32
    %cond3A_2 = arith.cmpi ne, %convert_element_type3A, %cond3A : i32
    scf.if %cond3A_2 {
      "tpu.region"() ({
        %run_scoped3A = tpu.sem_alloc : memref<!tpu.dma_semaphore, #tpu.memory_space<semaphore_mem>>
        tpu.enqueue_dma source(%arg3 : memref<28x128xf32, #tpu.memory_space<hbm>>) target(%arg7 : memref<28x128xf32, #tpu.memory_space<vmem_shared>>) target_semaphore(%run_scoped3A : memref<!tpu.dma_semaphore, #tpu.memory_space<semaphore_mem>>)
        tpu.wait_dma2 semaphore(%run_scoped3A : memref<!tpu.dma_semaphore, #tpu.memory_space<semaphore_mem>>) src(%arg3 : memref<28x128xf32, #tpu.memory_space<hbm>>) dst(%arg7 : memref<28x128xf32, #tpu.memory_space<vmem_shared>>)
        tpu.yield
      }) : () -> ()
    } else {
    }
    %mul3A_3 = arith.constant 25 : i32
    %mul3A_4 = arith.muli %add3A, %mul3A_3 : i32
    %add3A_5 = arith.constant 0 : i32
    %add3A_6 = arith.addi %mul3A_4, %add3A_5 : i32
    %mul3A_7 = arith.constant 128 : i32
    %mul3A_8 = arith.muli %add3A_6, %mul3A_7 : i32
    %min3A = arith.constant 99872 : i32
    %min3A_9 = arith.minsi %mul3A_8, %min3A : i32
    %lt3A = arith.constant 782 : i32
    %lt3A_10 = arith.cmpi slt, %add3A_6, %lt3A : i32
    %convert_element_type3A_11 = arith.extui %lt3A_10 : i1 to i32
    %cond3A_12 = arith.constant 0 : i32
    %cond3A_13 = arith.cmpi ne, %convert_element_type3A_11, %cond3A_12 : i32
    scf.if %cond3A_13 {
      %dma_start3A = arith.constant 0 : i32
      %dma_start3A_1326 = arith.constant 0 : i32
      %dma_start3A_1327 = tpu.memref_slice %arg5[%dma_start3A, %dma_start3A_1326] : memref<25x128xi32, #tpu.memory_space<vmem>> -> memref<1x128xi32, #tpu.memory_space<vmem>>
      %dma_start3A_1328 = tpu.memref_squeeze %dma_start3A_1327 : memref<1x128xi32, #tpu.memory_space<vmem>> -> memref<128xi32, #tpu.memory_space<vmem>>
      %dma_start3A_1329 = tpu.memref_slice %arg2[%min3A_9] : memref<100000xi32, #tpu.memory_space<hbm>> -> memref<128xi32, #tpu.memory_space<hbm>>
      %dma_start3A_1330 = arith.constant 0 : i32
      %dma_start3A_1331 = tpu.memref_slice %arg5[%dma_start3A, %dma_start3A_1330] : memref<25x128xi32, #tpu.memory_space<vmem>> -> memref<1x128xi32, #tpu.memory_space<vmem>>
      %dma_start3A_1332 = tpu.memref_squeeze %dma_start3A_1331 : memref<1x128xi32, #tpu.memory_space<vmem>> -> memref<128xi32, #tpu.memory_space<vmem>>
      %dma_start3A_1333 = tpu.memref_slice %arg2[%min3A_9] : memref<100000xi32, #tpu.memory_space<hbm>> -> memref<128xi32, #tpu.memory_space<hbm>>
      tpu.enqueue_dma source(%dma_start3A_1333 : memref<128xi32, #tpu.memory_space<hbm>>) target(%dma_start3A_1332 : memref<128xi32, #tpu.memory_space<vmem>>) target_semaphore(%arg22 : memref<!tpu.dma_semaphore, #tpu.memory_space<semaphore_mem>>)
    } else {
    }
    %mul3A_14 = arith.constant 25 : i32
    %mul3A_15 = arith.muli %add3A, %mul3A_14 : i32
    %add3A_16 = arith.constant 1 : i32
    %add3A_17 = arith.addi %mul3A_15, %add3A_16 : i32
    %mul3A_18 = arith.constant 128 : i32
    %mul3A_19 = arith.muli %add3A_17, %mul3A_18 : i32
    %min3A_20 = arith.constant 99872 : i32
    %min3A_21 = arith.minsi %mul3A_19, %min3A_20 : i32
    %lt3A_22 = arith.constant 782 : i32
    %lt3A_23 = arith.cmpi slt, %add3A_17, %lt3A_22 : i32
    %convert_element_type3A_24 = arith.extui %lt3A_23 : i1 to i32
    %cond3A_25 = arith.constant 0 : i32
    %cond3A_26 = arith.cmpi ne, %convert_element_type3A_24, %cond3A_25 : i32
    scf.if %cond3A_26 {
      %dma_start3A = arith.constant 1 : i32
      %dma_start3A_1326 = arith.constant 0 : i32
      %dma_start3A_1327 = tpu.memref_slice %arg5[%dma_start3A, %dma_start3A_1326] : memref<25x128xi32, #tpu.memory_space<vmem>> -> memref<1x128xi32, #tpu.memory_space<vmem>>
      %dma_start3A_1328 = tpu.memref_squeeze %dma_start3A_1327 : memref<1x128xi32, #tpu.memory_space<vmem>> -> memref<128xi32, #tpu.memory_space<vmem>>
      %dma_start3A_1329 = tpu.memref_slice %arg2[%min3A_21] : memref<100000xi32, #tpu.memory_space<hbm>> -> memref<128xi32, #tpu.memory_space<hbm>>
      %dma_start3A_1330 = arith.constant 0 : i32
      %dma_start3A_1331 = tpu.memref_slice %arg5[%dma_start3A, %dma_start3A_1330] : memref<25x128xi32, #tpu.memory_space<vmem>> -> memref<1x128xi32, #tpu.memory_space<vmem>>
      %dma_start3A_1332 = tpu.memref_squeeze %dma_start3A_1331 : memref<1x128xi32, #tpu.memory_space<vmem>> -> memref<128xi32, #tpu.memory_space<vmem>>
      %dma_start3A_1333 = tpu.memref_slice %arg2[%min3A_21] : memref<100000xi32, #tpu.memory_space<hbm>> -> memref<128xi32, #tpu.memory_space<hbm>>
      tpu.enqueue_dma source(%dma_start3A_1333 : memref<128xi32, #tpu.memory_space<hbm>>) target(%dma_start3A_1332 : memref<128xi32, #tpu.memory_space<vmem>>) target_semaphore(%arg22 : memref<!tpu.dma_semaphore, #tpu.memory_space<semaphore_mem>>)
    } else {
    }
    %mul3A_27 = arith.constant 25 : i32
    %mul3A_28 = arith.muli %add3A, %mul3A_27 : i32
    %add3A_29 = arith.constant 2 : i32
    %add3A_30 = arith.addi %mul3A_28, %add3A_29 : i32
    %mul3A_31 = arith.constant 128 : i32
    %mul3A_32 = arith.muli %add3A_30, %mul3A_31 : i32
    %min3A_33 = arith.constant 99872 : i32
    %min3A_34 = arith.minsi %mul3A_32, %min3A_33 : i32
    %lt3A_35 = arith.constant 782 : i32
    %lt3A_36 = arith.cmpi slt, %add3A_30, %lt3A_35 : i32
    %convert_element_type3A_37 = arith.extui %lt3A_36 : i1 to i32
    %cond3A_38 = arith.constant 0 : i32
    %cond3A_39 = arith.cmpi ne, %convert_element_type3A_37, %cond3A_38 : i32
    scf.if %cond3A_39 {
      %dma_start3A = arith.constant 2 : i32
      %dma_start3A_1326 = arith.constant 0 : i32
      %dma_start3A_1327 = tpu.memref_slice %arg5[%dma_start3A, %dma_start3A_1326] : memref<25x128xi32, #tpu.memory_space<vmem>> -> memref<1x128xi32, #tpu.memory_space<vmem>>
      %dma_start3A_1328 = tpu.memref_squeeze %dma_start3A_1327 : memref<1x128xi32, #tpu.memory_space<vmem>> -> memref<128xi32, #tpu.memory_space<vmem>>
      %dma_start3A_1329 = tpu.memref_slice %arg2[%min3A_34] : memref<100000xi32, #tpu.memory_space<hbm>> -> memref<128xi32, #tpu.memory_space<hbm>>
      %dma_start3A_1330 = arith.constant 0 : i32
      %dma_start3A_1331 = tpu.memref_slice %arg5[%dma_start3A, %dma_start3A_1330] : memref<25x128xi32, #tpu.memory_space<vmem>> -> memref<1x128xi32, #tpu.memory_space<vmem>>
      %dma_start3A_1332 = tpu.memref_squeeze %dma_start3A_1331 : memref<1x128xi32, #tpu.memory_space<vmem>> -> memref<128xi32, #tpu.memory_space<vmem>>
      %dma_start3A_1333 = tpu.memref_slice %arg2[%min3A_34] : memref<100000xi32, #tpu.memory_space<hbm>> -> memref<128xi32, #tpu.memory_space<hbm>>
      tpu.enqueue_dma source(%dma_start3A_1333 : memref<128xi32, #tpu.memory_space<hbm>>) target(%dma_start3A_1332 : memref<128xi32, #tpu.memory_space<vmem>>) target_semaphore(%arg22 : memref<!tpu.dma_semaphore, #tpu.memory_space<semaphore_mem>>)
    } else {
    }
    %mul3A_40 = arith.constant 25 : i32
    %mul3A_41 = arith.muli %add3A, %mul3A_40 : i32
    %add3A_42 = arith.constant 3 : i32
    %add3A_43 = arith.addi %mul3A_41, %add3A_42 : i32
    %mul3A_44 = arith.constant 128 : i32
    %mul3A_45 = arith.muli %add3A_43, %mul3A_44 : i32
    %min3A_46 = arith.constant 99872 : i32
    %min3A_47 = arith.minsi %mul3A_45, %min3A_46 : i32
    %lt3A_48 = arith.constant 782 : i32
    %lt3A_49 = arith.cmpi slt, %add3A_43, %lt3A_48 : i32
    %convert_element_type3A_50 = arith.extui %lt3A_49 : i1 to i32
    %cond3A_51 = arith.constant 0 : i32
    %cond3A_52 = arith.cmpi ne, %convert_element_type3A_50, %cond3A_51 : i32
    scf.if %cond3A_52 {
      %dma_start3A = arith.constant 3 : i32
      %dma_start3A_1326 = arith.constant 0 : i32
      %dma_start3A_1327 = tpu.memref_slice %arg5[%dma_start3A, %dma_start3A_1326] : memref<25x128xi32, #tpu.memory_space<vmem>> -> memref<1x128xi32, #tpu.memory_space<vmem>>
      %dma_start3A_1328 = tpu.memref_squeeze %dma_start3A_1327 : memref<1x128xi32, #tpu.memory_space<vmem>> -> memref<128xi32, #tpu.memory_space<vmem>>
      %dma_start3A_1329 = tpu.memref_slice %arg2[%min3A_47] : memref<100000xi32, #tpu.memory_space<hbm>> -> memref<128xi32, #tpu.memory_space<hbm>>
      %dma_start3A_1330 = arith.constant 0 : i32
      %dma_start3A_1331 = tpu.memref_slice %arg5[%dma_start3A, %dma_start3A_1330] : memref<25x128xi32, #tpu.memory_space<vmem>> -> memref<1x128xi32, #tpu.memory_space<vmem>>
      %dma_start3A_1332 = tpu.memref_squeeze %dma_start3A_1331 : memref<1x128xi32, #tpu.memory_space<vmem>> -> memref<128xi32, #tpu.memory_space<vmem>>
      %dma_start3A_1333 = tpu.memref_slice %arg2[%min3A_47] : memref<100000xi32, #tpu.memory_space<hbm>> -> memref<128xi32, #tpu.memory_space<hbm>>
      tpu.enqueue_dma source(%dma_start3A_1333 : memref<128xi32, #tpu.memory_space<hbm>>) target(%dma_start3A_1332 : memref<128xi32, #tpu.memory_space<vmem>>) target_semaphore(%arg22 : memref<!tpu.dma_semaphore, #tpu.memory_space<semaphore_mem>>)
    } else {
    }
    %mul3A_53 = arith.constant 25 : i32
    %mul3A_54 = arith.muli %add3A, %mul3A_53 : i32
    %add3A_55 = arith.constant 4 : i32
    %add3A_56 = arith.addi %mul3A_54, %add3A_55 : i32
    %mul3A_57 = arith.constant 128 : i32
    %mul3A_58 = arith.muli %add3A_56, %mul3A_57 : i32
    %min3A_59 = arith.constant 99872 : i32
    %min3A_60 = arith.minsi %mul3A_58, %min3A_59 : i32
    %lt3A_61 = arith.constant 782 : i32
    %lt3A_62 = arith.cmpi slt, %add3A_56, %lt3A_61 : i32
    %convert_element_type3A_63 = arith.extui %lt3A_62 : i1 to i32
    %cond3A_64 = arith.constant 0 : i32
    %cond3A_65 = arith.cmpi ne, %convert_element_type3A_63, %cond3A_64 : i32
    scf.if %cond3A_65 {
      %dma_start3A = arith.constant 4 : i32
      %dma_start3A_1326 = arith.constant 0 : i32
      %dma_start3A_1327 = tpu.memref_slice %arg5[%dma_start3A, %dma_start3A_1326] : memref<25x128xi32, #tpu.memory_space<vmem>> -> memref<1x128xi32, #tpu.memory_space<vmem>>
      %dma_start3A_1328 = tpu.memref_squeeze %dma_start3A_1327 : memref<1x128xi32, #tpu.memory_space<vmem>> -> memref<128xi32, #tpu.memory_space<vmem>>
      %dma_start3A_1329 = tpu.memref_slice %arg2[%min3A_60] : memref<100000xi32, #tpu.memory_space<hbm>> -> memref<128xi32, #tpu.memory_space<hbm>>
      %dma_start3A_1330 = arith.constant 0 : i32
      %dma_start3A_1331 = tpu.memref_slice %arg5[%dma_start3A, %dma_start3A_1330] : memref<25x128xi32, #tpu.memory_space<vmem>> -> memref<1x128xi32, #tpu.memory_space<vmem>>
      %dma_start3A_1332 = tpu.memref_squeeze %dma_start3A_1331 : memref<1x128xi32, #tpu.memory_space<vmem>> -> memref<128xi32, #tpu.memory_space<vmem>>
      %dma_start3A_1333 = tpu.memref_slice %arg2[%min3A_60] : memref<100000xi32, #tpu.memory_space<hbm>> -> memref<128xi32, #tpu.memory_space<hbm>>
      tpu.enqueue_dma source(%dma_start3A_1333 : memref<128xi32, #tpu.memory_space<hbm>>) target(%dma_start3A_1332 : memref<128xi32, #tpu.memory_space<vmem>>) target_semaphore(%arg22 : memref<!tpu.dma_semaphore, #tpu.memory_space<semaphore_mem>>)
    } else {
    }
    %mul3A_66 = arith.constant 25 : i32
    %mul3A_67 = arith.muli %add3A, %mul3A_66 : i32
    %add3A_68 = arith.constant 5 : i32
    %add3A_69 = arith.addi %mul3A_67, %add3A_68 : i32
    %mul3A_70 = arith.constant 128 : i32
    %mul3A_71 = arith.muli %add3A_69, %mul3A_70 : i32
    %min3A_72 = arith.constant 99872 : i32
    %min3A_73 = arith.minsi %mul3A_71, %min3A_72 : i32
    %lt3A_74 = arith.constant 782 : i32
    %lt3A_75 = arith.cmpi slt, %add3A_69, %lt3A_74 : i32
    %convert_element_type3A_76 = arith.extui %lt3A_75 : i1 to i32
    %cond3A_77 = arith.constant 0 : i32
    %cond3A_78 = arith.cmpi ne, %convert_element_type3A_76, %cond3A_77 : i32
    scf.if %cond3A_78 {
      %dma_start3A = arith.constant 5 : i32
      %dma_start3A_1326 = arith.constant 0 : i32
      %dma_start3A_1327 = tpu.memref_slice %arg5[%dma_start3A, %dma_start3A_1326] : memref<25x128xi32, #tpu.memory_space<vmem>> -> memref<1x128xi32, #tpu.memory_space<vmem>>
      %dma_start3A_1328 = tpu.memref_squeeze %dma_start3A_1327 : memref<1x128xi32, #tpu.memory_space<vmem>> -> memref<128xi32, #tpu.memory_space<vmem>>
      %dma_start3A_1329 = tpu.memref_slice %arg2[%min3A_73] : memref<100000xi32, #tpu.memory_space<hbm>> -> memref<128xi32, #tpu.memory_space<hbm>>
      %dma_start3A_1330 = arith.constant 0 : i32
      %dma_start3A_1331 = tpu.memref_slice %arg5[%dma_start3A, %dma_start3A_1330] : memref<25x128xi32, #tpu.memory_space<vmem>> -> memref<1x128xi32, #tpu.memory_space<vmem>>
      %dma_start3A_1332 = tpu.memref_squeeze %dma_start3A_1331 : memref<1x128xi32, #tpu.memory_space<vmem>> -> memref<128xi32, #tpu.memory_space<vmem>>
      %dma_start3A_1333 = tpu.memref_slice %arg2[%min3A_73] : memref<100000xi32, #tpu.memory_space<hbm>> -> memref<128xi32, #tpu.memory_space<hbm>>
      tpu.enqueue_dma source(%dma_start3A_1333 : memref<128xi32, #tpu.memory_space<hbm>>) target(%dma_start3A_1332 : memref<128xi32, #tpu.memory_space<vmem>>) target_semaphore(%arg22 : memref<!tpu.dma_semaphore, #tpu.memory_space<semaphore_mem>>)
    } else {
    }
    %mul3A_79 = arith.constant 25 : i32
    %mul3A_80 = arith.muli %add3A, %mul3A_79 : i32
    %add3A_81 = arith.constant 6 : i32
    %add3A_82 = arith.addi %mul3A_80, %add3A_81 : i32
    %mul3A_83 = arith.constant 128 : i32
    %mul3A_84 = arith.muli %add3A_82, %mul3A_83 : i32
    %min3A_85 = arith.constant 99872 : i32
    %min3A_86 = arith.minsi %mul3A_84, %min3A_85 : i32
    %lt3A_87 = arith.constant 782 : i32
    %lt3A_88 = arith.cmpi slt, %add3A_82, %lt3A_87 : i32
    %convert_element_type3A_89 = arith.extui %lt3A_88 : i1 to i32
    %cond3A_90 = arith.constant 0 : i32
    %cond3A_91 = arith.cmpi ne, %convert_element_type3A_89, %cond3A_90 : i32
    scf.if %cond3A_91 {
      %dma_start3A = arith.constant 6 : i32
      %dma_start3A_1326 = arith.constant 0 : i32
      %dma_start3A_1327 = tpu.memref_slice %arg5[%dma_start3A, %dma_start3A_1326] : memref<25x128xi32, #tpu.memory_space<vmem>> -> memref<1x128xi32, #tpu.memory_space<vmem>>
      %dma_start3A_1328 = tpu.memref_squeeze %dma_start3A_1327 : memref<1x128xi32, #tpu.memory_space<vmem>> -> memref<128xi32, #tpu.memory_space<vmem>>
      %dma_start3A_1329 = tpu.memref_slice %arg2[%min3A_86] : memref<100000xi32, #tpu.memory_space<hbm>> -> memref<128xi32, #tpu.memory_space<hbm>>
      %dma_start3A_1330 = arith.constant 0 : i32
      %dma_start3A_1331 = tpu.memref_slice %arg5[%dma_start3A, %dma_start3A_1330] : memref<25x128xi32, #tpu.memory_space<vmem>> -> memref<1x128xi32, #tpu.memory_space<vmem>>
      %dma_start3A_1332 = tpu.memref_squeeze %dma_start3A_1331 : memref<1x128xi32, #tpu.memory_space<vmem>> -> memref<128xi32, #tpu.memory_space<vmem>>
      %dma_start3A_1333 = tpu.memref_slice %arg2[%min3A_86] : memref<100000xi32, #tpu.memory_space<hbm>> -> memref<128xi32, #tpu.memory_space<hbm>>
      tpu.enqueue_dma source(%dma_start3A_1333 : memref<128xi32, #tpu.memory_space<hbm>>) target(%dma_start3A_1332 : memref<128xi32, #tpu.memory_space<vmem>>) target_semaphore(%arg22 : memref<!tpu.dma_semaphore, #tpu.memory_space<semaphore_mem>>)
    } else {
    }
    %mul3A_92 = arith.constant 25 : i32
    %mul3A_93 = arith.muli %add3A, %mul3A_92 : i32
    %add3A_94 = arith.constant 7 : i32
    %add3A_95 = arith.addi %mul3A_93, %add3A_94 : i32
    %mul3A_96 = arith.constant 128 : i32
    %mul3A_97 = arith.muli %add3A_95, %mul3A_96 : i32
    %min3A_98 = arith.constant 99872 : i32
    %min3A_99 = arith.minsi %mul3A_97, %min3A_98 : i32
    %lt3A_100 = arith.constant 782 : i32
    %lt3A_101 = arith.cmpi slt, %add3A_95, %lt3A_100 : i32
    %convert_element_type3A_102 = arith.extui %lt3A_101 : i1 to i32
    %cond3A_103 = arith.constant 0 : i32
    %cond3A_104 = arith.cmpi ne, %convert_element_type3A_102, %cond3A_103 : i32
    scf.if %cond3A_104 {
      %dma_start3A = arith.constant 7 : i32
      %dma_start3A_1326 = arith.constant 0 : i32
      %dma_start3A_1327 = tpu.memref_slice %arg5[%dma_start3A, %dma_start3A_1326] : memref<25x128xi32, #tpu.memory_space<vmem>> -> memref<1x128xi32, #tpu.memory_space<vmem>>
      %dma_start3A_1328 = tpu.memref_squeeze %dma_start3A_1327 : memref<1x128xi32, #tpu.memory_space<vmem>> -> memref<128xi32, #tpu.memory_space<vmem>>
      %dma_start3A_1329 = tpu.memref_slice %arg2[%min3A_99] : memref<100000xi32, #tpu.memory_space<hbm>> -> memref<128xi32, #tpu.memory_space<hbm>>
      %dma_start3A_1330 = arith.constant 0 : i32
      %dma_start3A_1331 = tpu.memref_slice %arg5[%dma_start3A, %dma_start3A_1330] : memref<25x128xi32, #tpu.memory_space<vmem>> -> memref<1x128xi32, #tpu.memory_space<vmem>>
      %dma_start3A_1332 = tpu.memref_squeeze %dma_start3A_1331 : memref<1x128xi32, #tpu.memory_space<vmem>> -> memref<128xi32, #tpu.memory_space<vmem>>
      %dma_start3A_1333 = tpu.memref_slice %arg2[%min3A_99] : memref<100000xi32, #tpu.memory_space<hbm>> -> memref<128xi32, #tpu.memory_space<hbm>>
      tpu.enqueue_dma source(%dma_start3A_1333 : memref<128xi32, #tpu.memory_space<hbm>>) target(%dma_start3A_1332 : memref<128xi32, #tpu.memory_space<vmem>>) target_semaphore(%arg22 : memref<!tpu.dma_semaphore, #tpu.memory_space<semaphore_mem>>)
    } else {
    }
    %mul3A_105 = arith.constant 25 : i32
    %mul3A_106 = arith.muli %add3A, %mul3A_105 : i32
    %add3A_107 = arith.constant 8 : i32
    %add3A_108 = arith.addi %mul3A_106, %add3A_107 : i32
    %mul3A_109 = arith.constant 128 : i32
    %mul3A_110 = arith.muli %add3A_108, %mul3A_109 : i32
    %min3A_111 = arith.constant 99872 : i32
    %min3A_112 = arith.minsi %mul3A_110, %min3A_111 : i32
    %lt3A_113 = arith.constant 782 : i32
    %lt3A_114 = arith.cmpi slt, %add3A_108, %lt3A_113 : i32
    %convert_element_type3A_115 = arith.extui %lt3A_114 : i1 to i32
    %cond3A_116 = arith.constant 0 : i32
    %cond3A_117 = arith.cmpi ne, %convert_element_type3A_115, %cond3A_116 : i32
    scf.if %cond3A_117 {
      %dma_start3A = arith.constant 8 : i32
      %dma_start3A_1326 = arith.constant 0 : i32
      %dma_start3A_1327 = tpu.memref_slice %arg5[%dma_start3A, %dma_start3A_1326] : memref<25x128xi32, #tpu.memory_space<vmem>> -> memref<1x128xi32, #tpu.memory_space<vmem>>
      %dma_start3A_1328 = tpu.memref_squeeze %dma_start3A_1327 : memref<1x128xi32, #tpu.memory_space<vmem>> -> memref<128xi32, #tpu.memory_space<vmem>>
      %dma_start3A_1329 = tpu.memref_slice %arg2[%min3A_112] : memref<100000xi32, #tpu.memory_space<hbm>> -> memref<128xi32, #tpu.memory_space<hbm>>
      %dma_start3A_1330 = arith.constant 0 : i32
      %dma_start3A_1331 = tpu.memref_slice %arg5[%dma_start3A, %dma_start3A_1330] : memref<25x128xi32, #tpu.memory_space<vmem>> -> memref<1x128xi32, #tpu.memory_space<vmem>>
      %dma_start3A_1332 = tpu.memref_squeeze %dma_start3A_1331 : memref<1x128xi32, #tpu.memory_space<vmem>> -> memref<128xi32, #tpu.memory_space<vmem>>
      %dma_start3A_1333 = tpu.memref_slice %arg2[%min3A_112] : memref<100000xi32, #tpu.memory_space<hbm>> -> memref<128xi32, #tpu.memory_space<hbm>>
      tpu.enqueue_dma source(%dma_start3A_1333 : memref<128xi32, #tpu.memory_space<hbm>>) target(%dma_start3A_1332 : memref<128xi32, #tpu.memory_space<vmem>>) target_semaphore(%arg22 : memref<!tpu.dma_semaphore, #tpu.memory_space<semaphore_mem>>)
    } else {
    }
    %mul3A_118 = arith.constant 25 : i32
    %mul3A_119 = arith.muli %add3A, %mul3A_118 : i32
    %add3A_120 = arith.constant 9 : i32
    %add3A_121 = arith.addi %mul3A_119, %add3A_120 : i32
    %mul3A_122 = arith.constant 128 : i32
    %mul3A_123 = arith.muli %add3A_121, %mul3A_122 : i32
    %min3A_124 = arith.constant 99872 : i32
    %min3A_125 = arith.minsi %mul3A_123, %min3A_124 : i32
    %lt3A_126 = arith.constant 782 : i32
    %lt3A_127 = arith.cmpi slt, %add3A_121, %lt3A_126 : i32
    %convert_element_type3A_128 = arith.extui %lt3A_127 : i1 to i32
    %cond3A_129 = arith.constant 0 : i32
    %cond3A_130 = arith.cmpi ne, %convert_element_type3A_128, %cond3A_129 : i32
    scf.if %cond3A_130 {
      %dma_start3A = arith.constant 9 : i32
      %dma_start3A_1326 = arith.constant 0 : i32
      %dma_start3A_1327 = tpu.memref_slice %arg5[%dma_start3A, %dma_start3A_1326] : memref<25x128xi32, #tpu.memory_space<vmem>> -> memref<1x128xi32, #tpu.memory_space<vmem>>
      %dma_start3A_1328 = tpu.memref_squeeze %dma_start3A_1327 : memref<1x128xi32, #tpu.memory_space<vmem>> -> memref<128xi32, #tpu.memory_space<vmem>>
      %dma_start3A_1329 = tpu.memref_slice %arg2[%min3A_125] : memref<100000xi32, #tpu.memory_space<hbm>> -> memref<128xi32, #tpu.memory_space<hbm>>
      %dma_start3A_1330 = arith.constant 0 : i32
      %dma_start3A_1331 = tpu.memref_slice %arg5[%dma_start3A, %dma_start3A_1330] : memref<25x128xi32, #tpu.memory_space<vmem>> -> memref<1x128xi32, #tpu.memory_space<vmem>>
      %dma_start3A_1332 = tpu.memref_squeeze %dma_start3A_1331 : memref<1x128xi32, #tpu.memory_space<vmem>> -> memref<128xi32, #tpu.memory_space<vmem>>
      %dma_start3A_1333 = tpu.memref_slice %arg2[%min3A_125] : memref<100000xi32, #tpu.memory_space<hbm>> -> memref<128xi32, #tpu.memory_space<hbm>>
      tpu.enqueue_dma source(%dma_start3A_1333 : memref<128xi32, #tpu.memory_space<hbm>>) target(%dma_start3A_1332 : memref<128xi32, #tpu.memory_space<vmem>>) target_semaphore(%arg22 : memref<!tpu.dma_semaphore, #tpu.memory_space<semaphore_mem>>)
    } else {
    }
    %mul3A_131 = arith.constant 25 : i32
    %mul3A_132 = arith.muli %add3A, %mul3A_131 : i32
    %add3A_133 = arith.constant 10 : i32
    %add3A_134 = arith.addi %mul3A_132, %add3A_133 : i32
    %mul3A_135 = arith.constant 128 : i32
    %mul3A_136 = arith.muli %add3A_134, %mul3A_135 : i32
    %min3A_137 = arith.constant 99872 : i32
    %min3A_138 = arith.minsi %mul3A_136, %min3A_137 : i32
    %lt3A_139 = arith.constant 782 : i32
    %lt3A_140 = arith.cmpi slt, %add3A_134, %lt3A_139 : i32
    %convert_element_type3A_141 = arith.extui %lt3A_140 : i1 to i32
    %cond3A_142 = arith.constant 0 : i32
    %cond3A_143 = arith.cmpi ne, %convert_element_type3A_141, %cond3A_142 : i32
    scf.if %cond3A_143 {
      %dma_start3A = arith.constant 10 : i32
      %dma_start3A_1326 = arith.constant 0 : i32
      %dma_start3A_1327 = tpu.memref_slice %arg5[%dma_start3A, %dma_start3A_1326] : memref<25x128xi32, #tpu.memory_space<vmem>> -> memref<1x128xi32, #tpu.memory_space<vmem>>
      %dma_start3A_1328 = tpu.memref_squeeze %dma_start3A_1327 : memref<1x128xi32, #tpu.memory_space<vmem>> -> memref<128xi32, #tpu.memory_space<vmem>>
      %dma_start3A_1329 = tpu.memref_slice %arg2[%min3A_138] : memref<100000xi32, #tpu.memory_space<hbm>> -> memref<128xi32, #tpu.memory_space<hbm>>
      %dma_start3A_1330 = arith.constant 0 : i32
      %dma_start3A_1331 = tpu.memref_slice %arg5[%dma_start3A, %dma_start3A_1330] : memref<25x128xi32, #tpu.memory_space<vmem>> -> memref<1x128xi32, #tpu.memory_space<vmem>>
      %dma_start3A_1332 = tpu.memref_squeeze %dma_start3A_1331 : memref<1x128xi32, #tpu.memory_space<vmem>> -> memref<128xi32, #tpu.memory_space<vmem>>
      %dma_start3A_1333 = tpu.memref_slice %arg2[%min3A_138] : memref<100000xi32, #tpu.memory_space<hbm>> -> memref<128xi32, #tpu.memory_space<hbm>>
      tpu.enqueue_dma source(%dma_start3A_1333 : memref<128xi32, #tpu.memory_space<hbm>>) target(%dma_start3A_1332 : memref<128xi32, #tpu.memory_space<vmem>>) target_semaphore(%arg22 : memref<!tpu.dma_semaphore, #tpu.memory_space<semaphore_mem>>)
    } else {
    }
    %mul3A_144 = arith.constant 25 : i32
    %mul3A_145 = arith.muli %add3A, %mul3A_144 : i32
    %add3A_146 = arith.constant 11 : i32
    %add3A_147 = arith.addi %mul3A_145, %add3A_146 : i32
    %mul3A_148 = arith.constant 128 : i32
    %mul3A_149 = arith.muli %add3A_147, %mul3A_148 : i32
    %min3A_150 = arith.constant 99872 : i32
    %min3A_151 = arith.minsi %mul3A_149, %min3A_150 : i32
    %lt3A_152 = arith.constant 782 : i32
    %lt3A_153 = arith.cmpi slt, %add3A_147, %lt3A_152 : i32
    %convert_element_type3A_154 = arith.extui %lt3A_153 : i1 to i32
    %cond3A_155 = arith.constant 0 : i32
    %cond3A_156 = arith.cmpi ne, %convert_element_type3A_154, %cond3A_155 : i32
    scf.if %cond3A_156 {
      %dma_start3A = arith.constant 11 : i32
      %dma_start3A_1326 = arith.constant 0 : i32
      %dma_start3A_1327 = tpu.memref_slice %arg5[%dma_start3A, %dma_start3A_1326] : memref<25x128xi32, #tpu.memory_space<vmem>> -> memref<1x128xi32, #tpu.memory_space<vmem>>
      %dma_start3A_1328 = tpu.memref_squeeze %dma_start3A_1327 : memref<1x128xi32, #tpu.memory_space<vmem>> -> memref<128xi32, #tpu.memory_space<vmem>>
      %dma_start3A_1329 = tpu.memref_slice %arg2[%min3A_151] : memref<100000xi32, #tpu.memory_space<hbm>> -> memref<128xi32, #tpu.memory_space<hbm>>
      %dma_start3A_1330 = arith.constant 0 : i32
      %dma_start3A_1331 = tpu.memref_slice %arg5[%dma_start3A, %dma_start3A_1330] : memref<25x128xi32, #tpu.memory_space<vmem>> -> memref<1x128xi32, #tpu.memory_space<vmem>>
      %dma_start3A_1332 = tpu.memref_squeeze %dma_start3A_1331 : memref<1x128xi32, #tpu.memory_space<vmem>> -> memref<128xi32, #tpu.memory_space<vmem>>
      %dma_start3A_1333 = tpu.memref_slice %arg2[%min3A_151] : memref<100000xi32, #tpu.memory_space<hbm>> -> memref<128xi32, #tpu.memory_space<hbm>>
      tpu.enqueue_dma source(%dma_start3A_1333 : memref<128xi32, #tpu.memory_space<hbm>>) target(%dma_start3A_1332 : memref<128xi32, #tpu.memory_space<vmem>>) target_semaphore(%arg22 : memref<!tpu.dma_semaphore, #tpu.memory_space<semaphore_mem>>)
    } else {
    }
    %mul3A_157 = arith.constant 25 : i32
    %mul3A_158 = arith.muli %add3A, %mul3A_157 : i32
    %add3A_159 = arith.constant 12 : i32
    %add3A_160 = arith.addi %mul3A_158, %add3A_159 : i32
    %mul3A_161 = arith.constant 128 : i32
    %mul3A_162 = arith.muli %add3A_160, %mul3A_161 : i32
    %min3A_163 = arith.constant 99872 : i32
    %min3A_164 = arith.minsi %mul3A_162, %min3A_163 : i32
    %lt3A_165 = arith.constant 782 : i32
    %lt3A_166 = arith.cmpi slt, %add3A_160, %lt3A_165 : i32
    %convert_element_type3A_167 = arith.extui %lt3A_166 : i1 to i32
    %cond3A_168 = arith.constant 0 : i32
    %cond3A_169 = arith.cmpi ne, %convert_element_type3A_167, %cond3A_168 : i32
    scf.if %cond3A_169 {
      %dma_start3A = arith.constant 12 : i32
      %dma_start3A_1326 = arith.constant 0 : i32
      %dma_start3A_1327 = tpu.memref_slice %arg5[%dma_start3A, %dma_start3A_1326] : memref<25x128xi32, #tpu.memory_space<vmem>> -> memref<1x128xi32, #tpu.memory_space<vmem>>
      %dma_start3A_1328 = tpu.memref_squeeze %dma_start3A_1327 : memref<1x128xi32, #tpu.memory_space<vmem>> -> memref<128xi32, #tpu.memory_space<vmem>>
      %dma_start3A_1329 = tpu.memref_slice %arg2[%min3A_164] : memref<100000xi32, #tpu.memory_space<hbm>> -> memref<128xi32, #tpu.memory_space<hbm>>
      %dma_start3A_1330 = arith.constant 0 : i32
      %dma_start3A_1331 = tpu.memref_slice %arg5[%dma_start3A, %dma_start3A_1330] : memref<25x128xi32, #tpu.memory_space<vmem>> -> memref<1x128xi32, #tpu.memory_space<vmem>>
      %dma_start3A_1332 = tpu.memref_squeeze %dma_start3A_1331 : memref<1x128xi32, #tpu.memory_space<vmem>> -> memref<128xi32, #tpu.memory_space<vmem>>
      %dma_start3A_1333 = tpu.memref_slice %arg2[%min3A_164] : memref<100000xi32, #tpu.memory_space<hbm>> -> memref<128xi32, #tpu.memory_space<hbm>>
      tpu.enqueue_dma source(%dma_start3A_1333 : memref<128xi32, #tpu.memory_space<hbm>>) target(%dma_start3A_1332 : memref<128xi32, #tpu.memory_space<vmem>>) target_semaphore(%arg22 : memref<!tpu.dma_semaphore, #tpu.memory_space<semaphore_mem>>)
    } else {
    }
    %mul3A_170 = arith.constant 25 : i32
    %mul3A_171 = arith.muli %add3A, %mul3A_170 : i32
    %add3A_172 = arith.constant 13 : i32
    %add3A_173 = arith.addi %mul3A_171, %add3A_172 : i32
    %mul3A_174 = arith.constant 128 : i32
    %mul3A_175 = arith.muli %add3A_173, %mul3A_174 : i32
    %min3A_176 = arith.constant 99872 : i32
    %min3A_177 = arith.minsi %mul3A_175, %min3A_176 : i32
    %lt3A_178 = arith.constant 782 : i32
    %lt3A_179 = arith.cmpi slt, %add3A_173, %lt3A_178 : i32
    %convert_element_type3A_180 = arith.extui %lt3A_179 : i1 to i32
    %cond3A_181 = arith.constant 0 : i32
    %cond3A_182 = arith.cmpi ne, %convert_element_type3A_180, %cond3A_181 : i32
    scf.if %cond3A_182 {
      %dma_start3A = arith.constant 13 : i32
      %dma_start3A_1326 = arith.constant 0 : i32
      %dma_start3A_1327 = tpu.memref_slice %arg5[%dma_start3A, %dma_start3A_1326] : memref<25x128xi32, #tpu.memory_space<vmem>> -> memref<1x128xi32, #tpu.memory_space<vmem>>
      %dma_start3A_1328 = tpu.memref_squeeze %dma_start3A_1327 : memref<1x128xi32, #tpu.memory_space<vmem>> -> memref<128xi32, #tpu.memory_space<vmem>>
      %dma_start3A_1329 = tpu.memref_slice %arg2[%min3A_177] : memref<100000xi32, #tpu.memory_space<hbm>> -> memref<128xi32, #tpu.memory_space<hbm>>
      %dma_start3A_1330 = arith.constant 0 : i32
      %dma_start3A_1331 = tpu.memref_slice %arg5[%dma_start3A, %dma_start3A_1330] : memref<25x128xi32, #tpu.memory_space<vmem>> -> memref<1x128xi32, #tpu.memory_space<vmem>>
      %dma_start3A_1332 = tpu.memref_squeeze %dma_start3A_1331 : memref<1x128xi32, #tpu.memory_space<vmem>> -> memref<128xi32, #tpu.memory_space<vmem>>
      %dma_start3A_1333 = tpu.memref_slice %arg2[%min3A_177] : memref<100000xi32, #tpu.memory_space<hbm>> -> memref<128xi32, #tpu.memory_space<hbm>>
      tpu.enqueue_dma source(%dma_start3A_1333 : memref<128xi32, #tpu.memory_space<hbm>>) target(%dma_start3A_1332 : memref<128xi32, #tpu.memory_space<vmem>>) target_semaphore(%arg22 : memref<!tpu.dma_semaphore, #tpu.memory_space<semaphore_mem>>)
    } else {
    }
    %mul3A_183 = arith.constant 25 : i32
    %mul3A_184 = arith.muli %add3A, %mul3A_183 : i32
    %add3A_185 = arith.constant 14 : i32
    %add3A_186 = arith.addi %mul3A_184, %add3A_185 : i32
    %mul3A_187 = arith.constant 128 : i32
    %mul3A_188 = arith.muli %add3A_186, %mul3A_187 : i32
    %min3A_189 = arith.constant 99872 : i32
    %min3A_190 = arith.minsi %mul3A_188, %min3A_189 : i32
    %lt3A_191 = arith.constant 782 : i32
    %lt3A_192 = arith.cmpi slt, %add3A_186, %lt3A_191 : i32
    %convert_element_type3A_193 = arith.extui %lt3A_192 : i1 to i32
    %cond3A_194 = arith.constant 0 : i32
    %cond3A_195 = arith.cmpi ne, %convert_element_type3A_193, %cond3A_194 : i32
    scf.if %cond3A_195 {
      %dma_start3A = arith.constant 14 : i32
      %dma_start3A_1326 = arith.constant 0 : i32
      %dma_start3A_1327 = tpu.memref_slice %arg5[%dma_start3A, %dma_start3A_1326] : memref<25x128xi32, #tpu.memory_space<vmem>> -> memref<1x128xi32, #tpu.memory_space<vmem>>
      %dma_start3A_1328 = tpu.memref_squeeze %dma_start3A_1327 : memref<1x128xi32, #tpu.memory_space<vmem>> -> memref<128xi32, #tpu.memory_space<vmem>>
      %dma_start3A_1329 = tpu.memref_slice %arg2[%min3A_190] : memref<100000xi32, #tpu.memory_space<hbm>> -> memref<128xi32, #tpu.memory_space<hbm>>
      %dma_start3A_1330 = arith.constant 0 : i32
      %dma_start3A_1331 = tpu.memref_slice %arg5[%dma_start3A, %dma_start3A_1330] : memref<25x128xi32, #tpu.memory_space<vmem>> -> memref<1x128xi32, #tpu.memory_space<vmem>>
      %dma_start3A_1332 = tpu.memref_squeeze %dma_start3A_1331 : memref<1x128xi32, #tpu.memory_space<vmem>> -> memref<128xi32, #tpu.memory_space<vmem>>
      %dma_start3A_1333 = tpu.memref_slice %arg2[%min3A_190] : memref<100000xi32, #tpu.memory_space<hbm>> -> memref<128xi32, #tpu.memory_space<hbm>>
      tpu.enqueue_dma source(%dma_start3A_1333 : memref<128xi32, #tpu.memory_space<hbm>>) target(%dma_start3A_1332 : memref<128xi32, #tpu.memory_space<vmem>>) target_semaphore(%arg22 : memref<!tpu.dma_semaphore, #tpu.memory_space<semaphore_mem>>)
    } else {
    }
    %mul3A_196 = arith.constant 25 : i32
    %mul3A_197 = arith.muli %add3A, %mul3A_196 : i32
    %add3A_198 = arith.constant 15 : i32
    %add3A_199 = arith.addi %mul3A_197, %add3A_198 : i32
    %mul3A_200 = arith.constant 128 : i32
    %mul3A_201 = arith.muli %add3A_199, %mul3A_200 : i32
    %min3A_202 = arith.constant 99872 : i32
    %min3A_203 = arith.minsi %mul3A_201, %min3A_202 : i32
    %lt3A_204 = arith.constant 782 : i32
    %lt3A_205 = arith.cmpi slt, %add3A_199, %lt3A_204 : i32
    %convert_element_type3A_206 = arith.extui %lt3A_205 : i1 to i32
    %cond3A_207 = arith.constant 0 : i32
    %cond3A_208 = arith.cmpi ne, %convert_element_type3A_206, %cond3A_207 : i32
    scf.if %cond3A_208 {
      %dma_start3A = arith.constant 15 : i32
      %dma_start3A_1326 = arith.constant 0 : i32
      %dma_start3A_1327 = tpu.memref_slice %arg5[%dma_start3A, %dma_start3A_1326] : memref<25x128xi32, #tpu.memory_space<vmem>> -> memref<1x128xi32, #tpu.memory_space<vmem>>
      %dma_start3A_1328 = tpu.memref_squeeze %dma_start3A_1327 : memref<1x128xi32, #tpu.memory_space<vmem>> -> memref<128xi32, #tpu.memory_space<vmem>>
      %dma_start3A_1329 = tpu.memref_slice %arg2[%min3A_203] : memref<100000xi32, #tpu.memory_space<hbm>> -> memref<128xi32, #tpu.memory_space<hbm>>
      %dma_start3A_1330 = arith.constant 0 : i32
      %dma_start3A_1331 = tpu.memref_slice %arg5[%dma_start3A, %dma_start3A_1330] : memref<25x128xi32, #tpu.memory_space<vmem>> -> memref<1x128xi32, #tpu.memory_space<vmem>>
      %dma_start3A_1332 = tpu.memref_squeeze %dma_start3A_1331 : memref<1x128xi32, #tpu.memory_space<vmem>> -> memref<128xi32, #tpu.memory_space<vmem>>
      %dma_start3A_1333 = tpu.memref_slice %arg2[%min3A_203] : memref<100000xi32, #tpu.memory_space<hbm>> -> memref<128xi32, #tpu.memory_space<hbm>>
      tpu.enqueue_dma source(%dma_start3A_1333 : memref<128xi32, #tpu.memory_space<hbm>>) target(%dma_start3A_1332 : memref<128xi32, #tpu.memory_space<vmem>>) target_semaphore(%arg22 : memref<!tpu.dma_semaphore, #tpu.memory_space<semaphore_mem>>)
    } else {
    }
    %mul3A_209 = arith.constant 25 : i32
    %mul3A_210 = arith.muli %add3A, %mul3A_209 : i32
    %add3A_211 = arith.constant 16 : i32
    %add3A_212 = arith.addi %mul3A_210, %add3A_211 : i32
    %mul3A_213 = arith.constant 128 : i32
    %mul3A_214 = arith.muli %add3A_212, %mul3A_213 : i32
    %min3A_215 = arith.constant 99872 : i32
    %min3A_216 = arith.minsi %mul3A_214, %min3A_215 : i32
    %lt3A_217 = arith.constant 782 : i32
    %lt3A_218 = arith.cmpi slt, %add3A_212, %lt3A_217 : i32
    %convert_element_type3A_219 = arith.extui %lt3A_218 : i1 to i32
    %cond3A_220 = arith.constant 0 : i32
    %cond3A_221 = arith.cmpi ne, %convert_element_type3A_219, %cond3A_220 : i32
    scf.if %cond3A_221 {
      %dma_start3A = arith.constant 16 : i32
      %dma_start3A_1326 = arith.constant 0 : i32
      %dma_start3A_1327 = tpu.memref_slice %arg5[%dma_start3A, %dma_start3A_1326] : memref<25x128xi32, #tpu.memory_space<vmem>> -> memref<1x128xi32, #tpu.memory_space<vmem>>
      %dma_start3A_1328 = tpu.memref_squeeze %dma_start3A_1327 : memref<1x128xi32, #tpu.memory_space<vmem>> -> memref<128xi32, #tpu.memory_space<vmem>>
      %dma_start3A_1329 = tpu.memref_slice %arg2[%min3A_216] : memref<100000xi32, #tpu.memory_space<hbm>> -> memref<128xi32, #tpu.memory_space<hbm>>
      %dma_start3A_1330 = arith.constant 0 : i32
      %dma_start3A_1331 = tpu.memref_slice %arg5[%dma_start3A, %dma_start3A_1330] : memref<25x128xi32, #tpu.memory_space<vmem>> -> memref<1x128xi32, #tpu.memory_space<vmem>>
      %dma_start3A_1332 = tpu.memref_squeeze %dma_start3A_1331 : memref<1x128xi32, #tpu.memory_space<vmem>> -> memref<128xi32, #tpu.memory_space<vmem>>
      %dma_start3A_1333 = tpu.memref_slice %arg2[%min3A_216] : memref<100000xi32, #tpu.memory_space<hbm>> -> memref<128xi32, #tpu.memory_space<hbm>>
      tpu.enqueue_dma source(%dma_start3A_1333 : memref<128xi32, #tpu.memory_space<hbm>>) target(%dma_start3A_1332 : memref<128xi32, #tpu.memory_space<vmem>>) target_semaphore(%arg22 : memref<!tpu.dma_semaphore, #tpu.memory_space<semaphore_mem>>)
    } else {
    }
    %mul3A_222 = arith.constant 25 : i32
    %mul3A_223 = arith.muli %add3A, %mul3A_222 : i32
    %add3A_224 = arith.constant 17 : i32
    %add3A_225 = arith.addi %mul3A_223, %add3A_224 : i32
    %mul3A_226 = arith.constant 128 : i32
    %mul3A_227 = arith.muli %add3A_225, %mul3A_226 : i32
    %min3A_228 = arith.constant 99872 : i32
    %min3A_229 = arith.minsi %mul3A_227, %min3A_228 : i32
    %lt3A_230 = arith.constant 782 : i32
    %lt3A_231 = arith.cmpi slt, %add3A_225, %lt3A_230 : i32
    %convert_element_type3A_232 = arith.extui %lt3A_231 : i1 to i32
    %cond3A_233 = arith.constant 0 : i32
    %cond3A_234 = arith.cmpi ne, %convert_element_type3A_232, %cond3A_233 : i32
    scf.if %cond3A_234 {
      %dma_start3A = arith.constant 17 : i32
      %dma_start3A_1326 = arith.constant 0 : i32
      %dma_start3A_1327 = tpu.memref_slice %arg5[%dma_start3A, %dma_start3A_1326] : memref<25x128xi32, #tpu.memory_space<vmem>> -> memref<1x128xi32, #tpu.memory_space<vmem>>
      %dma_start3A_1328 = tpu.memref_squeeze %dma_start3A_1327 : memref<1x128xi32, #tpu.memory_space<vmem>> -> memref<128xi32, #tpu.memory_space<vmem>>
      %dma_start3A_1329 = tpu.memref_slice %arg2[%min3A_229] : memref<100000xi32, #tpu.memory_space<hbm>> -> memref<128xi32, #tpu.memory_space<hbm>>
      %dma_start3A_1330 = arith.constant 0 : i32
      %dma_start3A_1331 = tpu.memref_slice %arg5[%dma_start3A, %dma_start3A_1330] : memref<25x128xi32, #tpu.memory_space<vmem>> -> memref<1x128xi32, #tpu.memory_space<vmem>>
      %dma_start3A_1332 = tpu.memref_squeeze %dma_start3A_1331 : memref<1x128xi32, #tpu.memory_space<vmem>> -> memref<128xi32, #tpu.memory_space<vmem>>
      %dma_start3A_1333 = tpu.memref_slice %arg2[%min3A_229] : memref<100000xi32, #tpu.memory_space<hbm>> -> memref<128xi32, #tpu.memory_space<hbm>>
      tpu.enqueue_dma source(%dma_start3A_1333 : memref<128xi32, #tpu.memory_space<hbm>>) target(%dma_start3A_1332 : memref<128xi32, #tpu.memory_space<vmem>>) target_semaphore(%arg22 : memref<!tpu.dma_semaphore, #tpu.memory_space<semaphore_mem>>)
    } else {
    }
    %mul3A_235 = arith.constant 25 : i32
    %mul3A_236 = arith.muli %add3A, %mul3A_235 : i32
    %add3A_237 = arith.constant 18 : i32
    %add3A_238 = arith.addi %mul3A_236, %add3A_237 : i32
    %mul3A_239 = arith.constant 128 : i32
    %mul3A_240 = arith.muli %add3A_238, %mul3A_239 : i32
    %min3A_241 = arith.constant 99872 : i32
    %min3A_242 = arith.minsi %mul3A_240, %min3A_241 : i32
    %lt3A_243 = arith.constant 782 : i32
    %lt3A_244 = arith.cmpi slt, %add3A_238, %lt3A_243 : i32
    %convert_element_type3A_245 = arith.extui %lt3A_244 : i1 to i32
    %cond3A_246 = arith.constant 0 : i32
    %cond3A_247 = arith.cmpi ne, %convert_element_type3A_245, %cond3A_246 : i32
    scf.if %cond3A_247 {
      %dma_start3A = arith.constant 18 : i32
      %dma_start3A_1326 = arith.constant 0 : i32
      %dma_start3A_1327 = tpu.memref_slice %arg5[%dma_start3A, %dma_start3A_1326] : memref<25x128xi32, #tpu.memory_space<vmem>> -> memref<1x128xi32, #tpu.memory_space<vmem>>
      %dma_start3A_1328 = tpu.memref_squeeze %dma_start3A_1327 : memref<1x128xi32, #tpu.memory_space<vmem>> -> memref<128xi32, #tpu.memory_space<vmem>>
      %dma_start3A_1329 = tpu.memref_slice %arg2[%min3A_242] : memref<100000xi32, #tpu.memory_space<hbm>> -> memref<128xi32, #tpu.memory_space<hbm>>
      %dma_start3A_1330 = arith.constant 0 : i32
      %dma_start3A_1331 = tpu.memref_slice %arg5[%dma_start3A, %dma_start3A_1330] : memref<25x128xi32, #tpu.memory_space<vmem>> -> memref<1x128xi32, #tpu.memory_space<vmem>>
      %dma_start3A_1332 = tpu.memref_squeeze %dma_start3A_1331 : memref<1x128xi32, #tpu.memory_space<vmem>> -> memref<128xi32, #tpu.memory_space<vmem>>
      %dma_start3A_1333 = tpu.memref_slice %arg2[%min3A_242] : memref<100000xi32, #tpu.memory_space<hbm>> -> memref<128xi32, #tpu.memory_space<hbm>>
      tpu.enqueue_dma source(%dma_start3A_1333 : memref<128xi32, #tpu.memory_space<hbm>>) target(%dma_start3A_1332 : memref<128xi32, #tpu.memory_space<vmem>>) target_semaphore(%arg22 : memref<!tpu.dma_semaphore, #tpu.memory_space<semaphore_mem>>)
    } else {
    }
    %mul3A_248 = arith.constant 25 : i32
    %mul3A_249 = arith.muli %add3A, %mul3A_248 : i32
    %add3A_250 = arith.constant 19 : i32
    %add3A_251 = arith.addi %mul3A_249, %add3A_250 : i32
    %mul3A_252 = arith.constant 128 : i32
    %mul3A_253 = arith.muli %add3A_251, %mul3A_252 : i32
    %min3A_254 = arith.constant 99872 : i32
    %min3A_255 = arith.minsi %mul3A_253, %min3A_254 : i32
    %lt3A_256 = arith.constant 782 : i32
    %lt3A_257 = arith.cmpi slt, %add3A_251, %lt3A_256 : i32
    %convert_element_type3A_258 = arith.extui %lt3A_257 : i1 to i32
    %cond3A_259 = arith.constant 0 : i32
    %cond3A_260 = arith.cmpi ne, %convert_element_type3A_258, %cond3A_259 : i32
    scf.if %cond3A_260 {
      %dma_start3A = arith.constant 19 : i32
      %dma_start3A_1326 = arith.constant 0 : i32
      %dma_start3A_1327 = tpu.memref_slice %arg5[%dma_start3A, %dma_start3A_1326] : memref<25x128xi32, #tpu.memory_space<vmem>> -> memref<1x128xi32, #tpu.memory_space<vmem>>
      %dma_start3A_1328 = tpu.memref_squeeze %dma_start3A_1327 : memref<1x128xi32, #tpu.memory_space<vmem>> -> memref<128xi32, #tpu.memory_space<vmem>>
      %dma_start3A_1329 = tpu.memref_slice %arg2[%min3A_255] : memref<100000xi32, #tpu.memory_space<hbm>> -> memref<128xi32, #tpu.memory_space<hbm>>
      %dma_start3A_1330 = arith.constant 0 : i32
      %dma_start3A_1331 = tpu.memref_slice %arg5[%dma_start3A, %dma_start3A_1330] : memref<25x128xi32, #tpu.memory_space<vmem>> -> memref<1x128xi32, #tpu.memory_space<vmem>>
      %dma_start3A_1332 = tpu.memref_squeeze %dma_start3A_1331 : memref<1x128xi32, #tpu.memory_space<vmem>> -> memref<128xi32, #tpu.memory_space<vmem>>
      %dma_start3A_1333 = tpu.memref_slice %arg2[%min3A_255] : memref<100000xi32, #tpu.memory_space<hbm>> -> memref<128xi32, #tpu.memory_space<hbm>>
      tpu.enqueue_dma source(%dma_start3A_1333 : memref<128xi32, #tpu.memory_space<hbm>>) target(%dma_start3A_1332 : memref<128xi32, #tpu.memory_space<vmem>>) target_semaphore(%arg22 : memref<!tpu.dma_semaphore, #tpu.memory_space<semaphore_mem>>)
    } else {
    }
    %mul3A_261 = arith.constant 25 : i32
    %mul3A_262 = arith.muli %add3A, %mul3A_261 : i32
    %add3A_263 = arith.constant 20 : i32
    %add3A_264 = arith.addi %mul3A_262, %add3A_263 : i32
    %mul3A_265 = arith.constant 128 : i32
    %mul3A_266 = arith.muli %add3A_264, %mul3A_265 : i32
    %min3A_267 = arith.constant 99872 : i32
    %min3A_268 = arith.minsi %mul3A_266, %min3A_267 : i32
    %lt3A_269 = arith.constant 782 : i32
    %lt3A_270 = arith.cmpi slt, %add3A_264, %lt3A_269 : i32
    %convert_element_type3A_271 = arith.extui %lt3A_270 : i1 to i32
    %cond3A_272 = arith.constant 0 : i32
    %cond3A_273 = arith.cmpi ne, %convert_element_type3A_271, %cond3A_272 : i32
    scf.if %cond3A_273 {
      %dma_start3A = arith.constant 20 : i32
      %dma_start3A_1326 = arith.constant 0 : i32
      %dma_start3A_1327 = tpu.memref_slice %arg5[%dma_start3A, %dma_start3A_1326] : memref<25x128xi32, #tpu.memory_space<vmem>> -> memref<1x128xi32, #tpu.memory_space<vmem>>
      %dma_start3A_1328 = tpu.memref_squeeze %dma_start3A_1327 : memref<1x128xi32, #tpu.memory_space<vmem>> -> memref<128xi32, #tpu.memory_space<vmem>>
      %dma_start3A_1329 = tpu.memref_slice %arg2[%min3A_268] : memref<100000xi32, #tpu.memory_space<hbm>> -> memref<128xi32, #tpu.memory_space<hbm>>
      %dma_start3A_1330 = arith.constant 0 : i32
      %dma_start3A_1331 = tpu.memref_slice %arg5[%dma_start3A, %dma_start3A_1330] : memref<25x128xi32, #tpu.memory_space<vmem>> -> memref<1x128xi32, #tpu.memory_space<vmem>>
      %dma_start3A_1332 = tpu.memref_squeeze %dma_start3A_1331 : memref<1x128xi32, #tpu.memory_space<vmem>> -> memref<128xi32, #tpu.memory_space<vmem>>
      %dma_start3A_1333 = tpu.memref_slice %arg2[%min3A_268] : memref<100000xi32, #tpu.memory_space<hbm>> -> memref<128xi32, #tpu.memory_space<hbm>>
      tpu.enqueue_dma source(%dma_start3A_1333 : memref<128xi32, #tpu.memory_space<hbm>>) target(%dma_start3A_1332 : memref<128xi32, #tpu.memory_space<vmem>>) target_semaphore(%arg22 : memref<!tpu.dma_semaphore, #tpu.memory_space<semaphore_mem>>)
    } else {
    }
    %mul3A_274 = arith.constant 25 : i32
    %mul3A_275 = arith.muli %add3A, %mul3A_274 : i32
    %add3A_276 = arith.constant 21 : i32
    %add3A_277 = arith.addi %mul3A_275, %add3A_276 : i32
    %mul3A_278 = arith.constant 128 : i32
    %mul3A_279 = arith.muli %add3A_277, %mul3A_278 : i32
    %min3A_280 = arith.constant 99872 : i32
    %min3A_281 = arith.minsi %mul3A_279, %min3A_280 : i32
    %lt3A_282 = arith.constant 782 : i32
    %lt3A_283 = arith.cmpi slt, %add3A_277, %lt3A_282 : i32
    %convert_element_type3A_284 = arith.extui %lt3A_283 : i1 to i32
    %cond3A_285 = arith.constant 0 : i32
    %cond3A_286 = arith.cmpi ne, %convert_element_type3A_284, %cond3A_285 : i32
    scf.if %cond3A_286 {
      %dma_start3A = arith.constant 21 : i32
      %dma_start3A_1326 = arith.constant 0 : i32
      %dma_start3A_1327 = tpu.memref_slice %arg5[%dma_start3A, %dma_start3A_1326] : memref<25x128xi32, #tpu.memory_space<vmem>> -> memref<1x128xi32, #tpu.memory_space<vmem>>
      %dma_start3A_1328 = tpu.memref_squeeze %dma_start3A_1327 : memref<1x128xi32, #tpu.memory_space<vmem>> -> memref<128xi32, #tpu.memory_space<vmem>>
      %dma_start3A_1329 = tpu.memref_slice %arg2[%min3A_281] : memref<100000xi32, #tpu.memory_space<hbm>> -> memref<128xi32, #tpu.memory_space<hbm>>
      %dma_start3A_1330 = arith.constant 0 : i32
      %dma_start3A_1331 = tpu.memref_slice %arg5[%dma_start3A, %dma_start3A_1330] : memref<25x128xi32, #tpu.memory_space<vmem>> -> memref<1x128xi32, #tpu.memory_space<vmem>>
      %dma_start3A_1332 = tpu.memref_squeeze %dma_start3A_1331 : memref<1x128xi32, #tpu.memory_space<vmem>> -> memref<128xi32, #tpu.memory_space<vmem>>
      %dma_start3A_1333 = tpu.memref_slice %arg2[%min3A_281] : memref<100000xi32, #tpu.memory_space<hbm>> -> memref<128xi32, #tpu.memory_space<hbm>>
      tpu.enqueue_dma source(%dma_start3A_1333 : memref<128xi32, #tpu.memory_space<hbm>>) target(%dma_start3A_1332 : memref<128xi32, #tpu.memory_space<vmem>>) target_semaphore(%arg22 : memref<!tpu.dma_semaphore, #tpu.memory_space<semaphore_mem>>)
    } else {
    }
    %mul3A_287 = arith.constant 25 : i32
    %mul3A_288 = arith.muli %add3A, %mul3A_287 : i32
    %add3A_289 = arith.constant 22 : i32
    %add3A_290 = arith.addi %mul3A_288, %add3A_289 : i32
    %mul3A_291 = arith.constant 128 : i32
    %mul3A_292 = arith.muli %add3A_290, %mul3A_291 : i32
    %min3A_293 = arith.constant 99872 : i32
    %min3A_294 = arith.minsi %mul3A_292, %min3A_293 : i32
    %lt3A_295 = arith.constant 782 : i32
    %lt3A_296 = arith.cmpi slt, %add3A_290, %lt3A_295 : i32
    %convert_element_type3A_297 = arith.extui %lt3A_296 : i1 to i32
    %cond3A_298 = arith.constant 0 : i32
    %cond3A_299 = arith.cmpi ne, %convert_element_type3A_297, %cond3A_298 : i32
    scf.if %cond3A_299 {
      %dma_start3A = arith.constant 22 : i32
      %dma_start3A_1326 = arith.constant 0 : i32
      %dma_start3A_1327 = tpu.memref_slice %arg5[%dma_start3A, %dma_start3A_1326] : memref<25x128xi32, #tpu.memory_space<vmem>> -> memref<1x128xi32, #tpu.memory_space<vmem>>
      %dma_start3A_1328 = tpu.memref_squeeze %dma_start3A_1327 : memref<1x128xi32, #tpu.memory_space<vmem>> -> memref<128xi32, #tpu.memory_space<vmem>>
      %dma_start3A_1329 = tpu.memref_slice %arg2[%min3A_294] : memref<100000xi32, #tpu.memory_space<hbm>> -> memref<128xi32, #tpu.memory_space<hbm>>
      %dma_start3A_1330 = arith.constant 0 : i32
      %dma_start3A_1331 = tpu.memref_slice %arg5[%dma_start3A, %dma_start3A_1330] : memref<25x128xi32, #tpu.memory_space<vmem>> -> memref<1x128xi32, #tpu.memory_space<vmem>>
      %dma_start3A_1332 = tpu.memref_squeeze %dma_start3A_1331 : memref<1x128xi32, #tpu.memory_space<vmem>> -> memref<128xi32, #tpu.memory_space<vmem>>
      %dma_start3A_1333 = tpu.memref_slice %arg2[%min3A_294] : memref<100000xi32, #tpu.memory_space<hbm>> -> memref<128xi32, #tpu.memory_space<hbm>>
      tpu.enqueue_dma source(%dma_start3A_1333 : memref<128xi32, #tpu.memory_space<hbm>>) target(%dma_start3A_1332 : memref<128xi32, #tpu.memory_space<vmem>>) target_semaphore(%arg22 : memref<!tpu.dma_semaphore, #tpu.memory_space<semaphore_mem>>)
    } else {
    }
    %mul3A_300 = arith.constant 25 : i32
    %mul3A_301 = arith.muli %add3A, %mul3A_300 : i32
    %add3A_302 = arith.constant 23 : i32
    %add3A_303 = arith.addi %mul3A_301, %add3A_302 : i32
    %mul3A_304 = arith.constant 128 : i32
    %mul3A_305 = arith.muli %add3A_303, %mul3A_304 : i32
    %min3A_306 = arith.constant 99872 : i32
    %min3A_307 = arith.minsi %mul3A_305, %min3A_306 : i32
    %lt3A_308 = arith.constant 782 : i32
    %lt3A_309 = arith.cmpi slt, %add3A_303, %lt3A_308 : i32
    %convert_element_type3A_310 = arith.extui %lt3A_309 : i1 to i32
    %cond3A_311 = arith.constant 0 : i32
    %cond3A_312 = arith.cmpi ne, %convert_element_type3A_310, %cond3A_311 : i32
    scf.if %cond3A_312 {
      %dma_start3A = arith.constant 23 : i32
      %dma_start3A_1326 = arith.constant 0 : i32
      %dma_start3A_1327 = tpu.memref_slice %arg5[%dma_start3A, %dma_start3A_1326] : memref<25x128xi32, #tpu.memory_space<vmem>> -> memref<1x128xi32, #tpu.memory_space<vmem>>
      %dma_start3A_1328 = tpu.memref_squeeze %dma_start3A_1327 : memref<1x128xi32, #tpu.memory_space<vmem>> -> memref<128xi32, #tpu.memory_space<vmem>>
      %dma_start3A_1329 = tpu.memref_slice %arg2[%min3A_307] : memref<100000xi32, #tpu.memory_space<hbm>> -> memref<128xi32, #tpu.memory_space<hbm>>
      %dma_start3A_1330 = arith.constant 0 : i32
      %dma_start3A_1331 = tpu.memref_slice %arg5[%dma_start3A, %dma_start3A_1330] : memref<25x128xi32, #tpu.memory_space<vmem>> -> memref<1x128xi32, #tpu.memory_space<vmem>>
      %dma_start3A_1332 = tpu.memref_squeeze %dma_start3A_1331 : memref<1x128xi32, #tpu.memory_space<vmem>> -> memref<128xi32, #tpu.memory_space<vmem>>
      %dma_start3A_1333 = tpu.memref_slice %arg2[%min3A_307] : memref<100000xi32, #tpu.memory_space<hbm>> -> memref<128xi32, #tpu.memory_space<hbm>>
      tpu.enqueue_dma source(%dma_start3A_1333 : memref<128xi32, #tpu.memory_space<hbm>>) target(%dma_start3A_1332 : memref<128xi32, #tpu.memory_space<vmem>>) target_semaphore(%arg22 : memref<!tpu.dma_semaphore, #tpu.memory_space<semaphore_mem>>)
    } else {
    }
    %mul3A_313 = arith.constant 25 : i32
    %mul3A_314 = arith.muli %add3A, %mul3A_313 : i32
    %add3A_315 = arith.constant 24 : i32
    %add3A_316 = arith.addi %mul3A_314, %add3A_315 : i32
    %mul3A_317 = arith.constant 128 : i32
    %mul3A_318 = arith.muli %add3A_316, %mul3A_317 : i32
    %min3A_319 = arith.constant 99872 : i32
    %min3A_320 = arith.minsi %mul3A_318, %min3A_319 : i32
    %lt3A_321 = arith.constant 782 : i32
    %lt3A_322 = arith.cmpi slt, %add3A_316, %lt3A_321 : i32
    %convert_element_type3A_323 = arith.extui %lt3A_322 : i1 to i32
    %cond3A_324 = arith.constant 0 : i32
    %cond3A_325 = arith.cmpi ne, %convert_element_type3A_323, %cond3A_324 : i32
    scf.if %cond3A_325 {
      %dma_start3A = arith.constant 24 : i32
      %dma_start3A_1326 = arith.constant 0 : i32
      %dma_start3A_1327 = tpu.memref_slice %arg5[%dma_start3A, %dma_start3A_1326] : memref<25x128xi32, #tpu.memory_space<vmem>> -> memref<1x128xi32, #tpu.memory_space<vmem>>
      %dma_start3A_1328 = tpu.memref_squeeze %dma_start3A_1327 : memref<1x128xi32, #tpu.memory_space<vmem>> -> memref<128xi32, #tpu.memory_space<vmem>>
      %dma_start3A_1329 = tpu.memref_slice %arg2[%min3A_320] : memref<100000xi32, #tpu.memory_space<hbm>> -> memref<128xi32, #tpu.memory_space<hbm>>
      %dma_start3A_1330 = arith.constant 0 : i32
      %dma_start3A_1331 = tpu.memref_slice %arg5[%dma_start3A, %dma_start3A_1330] : memref<25x128xi32, #tpu.memory_space<vmem>> -> memref<1x128xi32, #tpu.memory_space<vmem>>
      %dma_start3A_1332 = tpu.memref_squeeze %dma_start3A_1331 : memref<1x128xi32, #tpu.memory_space<vmem>> -> memref<128xi32, #tpu.memory_space<vmem>>
      %dma_start3A_1333 = tpu.memref_slice %arg2[%min3A_320] : memref<100000xi32, #tpu.memory_space<hbm>> -> memref<128xi32, #tpu.memory_space<hbm>>
      tpu.enqueue_dma source(%dma_start3A_1333 : memref<128xi32, #tpu.memory_space<hbm>>) target(%dma_start3A_1332 : memref<128xi32, #tpu.memory_space<vmem>>) target_semaphore(%arg22 : memref<!tpu.dma_semaphore, #tpu.memory_space<semaphore_mem>>)
    } else {
    }
    %mul3A_326 = arith.constant 25 : i32
    %mul3A_327 = arith.muli %add3A, %mul3A_326 : i32
    %add3A_328 = arith.constant 0 : i32
    %add3A_329 = arith.addi %mul3A_327, %add3A_328 : i32
    %lt3A_330 = arith.constant 782 : i32
    %lt3A_331 = arith.cmpi slt, %add3A_329, %lt3A_330 : i32
    %convert_element_type3A_332 = arith.extui %lt3A_331 : i1 to i32
    %cond3A_333 = arith.constant 0 : i32
    %cond3A_334 = arith.cmpi ne, %convert_element_type3A_332, %cond3A_333 : i32
    scf.if %cond3A_334 {
      %dma_wait3A = arith.constant 0 : i32
      %dma_wait3A_1326 = arith.constant 0 : i32
      %dma_wait3A_1327 = tpu.memref_slice %arg5[%dma_wait3A, %dma_wait3A_1326] : memref<25x128xi32, #tpu.memory_space<vmem>> -> memref<1x128xi32, #tpu.memory_space<vmem>>
      %dma_wait3A_1328 = tpu.memref_squeeze %dma_wait3A_1327 : memref<1x128xi32, #tpu.memory_space<vmem>> -> memref<128xi32, #tpu.memory_space<vmem>>
      %dma_wait3A_1329 = arith.constant 0 : i32
      %dma_wait3A_1330 = tpu.memref_slice %arg2[%dma_wait3A_1329] : memref<100000xi32, #tpu.memory_space<hbm>> -> memref<128xi32, #tpu.memory_space<hbm>>
      %dma_wait3A_1331 = arith.constant 0 : i32
      %dma_wait3A_1332 = tpu.memref_slice %arg5[%dma_wait3A, %dma_wait3A_1331] : memref<25x128xi32, #tpu.memory_space<vmem>> -> memref<1x128xi32, #tpu.memory_space<vmem>>
      %dma_wait3A_1333 = tpu.memref_squeeze %dma_wait3A_1332 : memref<1x128xi32, #tpu.memory_space<vmem>> -> memref<128xi32, #tpu.memory_space<vmem>>
      %dma_wait3A_1334 = arith.constant 0 : i32
      %dma_wait3A_1335 = tpu.memref_slice %arg2[%dma_wait3A_1334] : memref<100000xi32, #tpu.memory_space<hbm>> -> memref<128xi32, #tpu.memory_space<hbm>>
      tpu.wait_dma2 semaphore(%arg22 : memref<!tpu.dma_semaphore, #tpu.memory_space<semaphore_mem>>) src(%dma_wait3A_1335 : memref<128xi32, #tpu.memory_space<hbm>>) dst(%dma_wait3A_1333 : memref<128xi32, #tpu.memory_space<vmem>>)
    } else {
    }
    %mul3A_335 = arith.constant 25 : i32
    %mul3A_336 = arith.muli %add3A, %mul3A_335 : i32
    %add3A_337 = arith.constant 1 : i32
    %add3A_338 = arith.addi %mul3A_336, %add3A_337 : i32
    %lt3A_339 = arith.constant 782 : i32
    %lt3A_340 = arith.cmpi slt, %add3A_338, %lt3A_339 : i32
    %convert_element_type3A_341 = arith.extui %lt3A_340 : i1 to i32
    %cond3A_342 = arith.constant 0 : i32
    %cond3A_343 = arith.cmpi ne, %convert_element_type3A_341, %cond3A_342 : i32
    scf.if %cond3A_343 {
      %dma_wait3A = arith.constant 1 : i32
      %dma_wait3A_1326 = arith.constant 0 : i32
      %dma_wait3A_1327 = tpu.memref_slice %arg5[%dma_wait3A, %dma_wait3A_1326] : memref<25x128xi32, #tpu.memory_space<vmem>> -> memref<1x128xi32, #tpu.memory_space<vmem>>
      %dma_wait3A_1328 = tpu.memref_squeeze %dma_wait3A_1327 : memref<1x128xi32, #tpu.memory_space<vmem>> -> memref<128xi32, #tpu.memory_space<vmem>>
      %dma_wait3A_1329 = arith.constant 0 : i32
      %dma_wait3A_1330 = tpu.memref_slice %arg2[%dma_wait3A_1329] : memref<100000xi32, #tpu.memory_space<hbm>> -> memref<128xi32, #tpu.memory_space<hbm>>
      %dma_wait3A_1331 = arith.constant 0 : i32
      %dma_wait3A_1332 = tpu.memref_slice %arg5[%dma_wait3A, %dma_wait3A_1331] : memref<25x128xi32, #tpu.memory_space<vmem>> -> memref<1x128xi32, #tpu.memory_space<vmem>>
      %dma_wait3A_1333 = tpu.memref_squeeze %dma_wait3A_1332 : memref<1x128xi32, #tpu.memory_space<vmem>> -> memref<128xi32, #tpu.memory_space<vmem>>
      %dma_wait3A_1334 = arith.constant 0 : i32
      %dma_wait3A_1335 = tpu.memref_slice %arg2[%dma_wait3A_1334] : memref<100000xi32, #tpu.memory_space<hbm>> -> memref<128xi32, #tpu.memory_space<hbm>>
      tpu.wait_dma2 semaphore(%arg22 : memref<!tpu.dma_semaphore, #tpu.memory_space<semaphore_mem>>) src(%dma_wait3A_1335 : memref<128xi32, #tpu.memory_space<hbm>>) dst(%dma_wait3A_1333 : memref<128xi32, #tpu.memory_space<vmem>>)
    } else {
    }
    %mul3A_344 = arith.constant 25 : i32
    %mul3A_345 = arith.muli %add3A, %mul3A_344 : i32
    %add3A_346 = arith.constant 2 : i32
    %add3A_347 = arith.addi %mul3A_345, %add3A_346 : i32
    %lt3A_348 = arith.constant 782 : i32
    %lt3A_349 = arith.cmpi slt, %add3A_347, %lt3A_348 : i32
    %convert_element_type3A_350 = arith.extui %lt3A_349 : i1 to i32
    %cond3A_351 = arith.constant 0 : i32
    %cond3A_352 = arith.cmpi ne, %convert_element_type3A_350, %cond3A_351 : i32
    scf.if %cond3A_352 {
      %dma_wait3A = arith.constant 2 : i32
      %dma_wait3A_1326 = arith.constant 0 : i32
      %dma_wait3A_1327 = tpu.memref_slice %arg5[%dma_wait3A, %dma_wait3A_1326] : memref<25x128xi32, #tpu.memory_space<vmem>> -> memref<1x128xi32, #tpu.memory_space<vmem>>
      %dma_wait3A_1328 = tpu.memref_squeeze %dma_wait3A_1327 : memref<1x128xi32, #tpu.memory_space<vmem>> -> memref<128xi32, #tpu.memory_space<vmem>>
      %dma_wait3A_1329 = arith.constant 0 : i32
      %dma_wait3A_1330 = tpu.memref_slice %arg2[%dma_wait3A_1329] : memref<100000xi32, #tpu.memory_space<hbm>> -> memref<128xi32, #tpu.memory_space<hbm>>
      %dma_wait3A_1331 = arith.constant 0 : i32
      %dma_wait3A_1332 = tpu.memref_slice %arg5[%dma_wait3A, %dma_wait3A_1331] : memref<25x128xi32, #tpu.memory_space<vmem>> -> memref<1x128xi32, #tpu.memory_space<vmem>>
      %dma_wait3A_1333 = tpu.memref_squeeze %dma_wait3A_1332 : memref<1x128xi32, #tpu.memory_space<vmem>> -> memref<128xi32, #tpu.memory_space<vmem>>
      %dma_wait3A_1334 = arith.constant 0 : i32
      %dma_wait3A_1335 = tpu.memref_slice %arg2[%dma_wait3A_1334] : memref<100000xi32, #tpu.memory_space<hbm>> -> memref<128xi32, #tpu.memory_space<hbm>>
      tpu.wait_dma2 semaphore(%arg22 : memref<!tpu.dma_semaphore, #tpu.memory_space<semaphore_mem>>) src(%dma_wait3A_1335 : memref<128xi32, #tpu.memory_space<hbm>>) dst(%dma_wait3A_1333 : memref<128xi32, #tpu.memory_space<vmem>>)
    } else {
    }
    %mul3A_353 = arith.constant 25 : i32
    %mul3A_354 = arith.muli %add3A, %mul3A_353 : i32
    %add3A_355 = arith.constant 3 : i32
    %add3A_356 = arith.addi %mul3A_354, %add3A_355 : i32
    %lt3A_357 = arith.constant 782 : i32
    %lt3A_358 = arith.cmpi slt, %add3A_356, %lt3A_357 : i32
    %convert_element_type3A_359 = arith.extui %lt3A_358 : i1 to i32
    %cond3A_360 = arith.constant 0 : i32
    %cond3A_361 = arith.cmpi ne, %convert_element_type3A_359, %cond3A_360 : i32
    scf.if %cond3A_361 {
      %dma_wait3A = arith.constant 3 : i32
      %dma_wait3A_1326 = arith.constant 0 : i32
      %dma_wait3A_1327 = tpu.memref_slice %arg5[%dma_wait3A, %dma_wait3A_1326] : memref<25x128xi32, #tpu.memory_space<vmem>> -> memref<1x128xi32, #tpu.memory_space<vmem>>
      %dma_wait3A_1328 = tpu.memref_squeeze %dma_wait3A_1327 : memref<1x128xi32, #tpu.memory_space<vmem>> -> memref<128xi32, #tpu.memory_space<vmem>>
      %dma_wait3A_1329 = arith.constant 0 : i32
      %dma_wait3A_1330 = tpu.memref_slice %arg2[%dma_wait3A_1329] : memref<100000xi32, #tpu.memory_space<hbm>> -> memref<128xi32, #tpu.memory_space<hbm>>
      %dma_wait3A_1331 = arith.constant 0 : i32
      %dma_wait3A_1332 = tpu.memref_slice %arg5[%dma_wait3A, %dma_wait3A_1331] : memref<25x128xi32, #tpu.memory_space<vmem>> -> memref<1x128xi32, #tpu.memory_space<vmem>>
      %dma_wait3A_1333 = tpu.memref_squeeze %dma_wait3A_1332 : memref<1x128xi32, #tpu.memory_space<vmem>> -> memref<128xi32, #tpu.memory_space<vmem>>
      %dma_wait3A_1334 = arith.constant 0 : i32
      %dma_wait3A_1335 = tpu.memref_slice %arg2[%dma_wait3A_1334] : memref<100000xi32, #tpu.memory_space<hbm>> -> memref<128xi32, #tpu.memory_space<hbm>>
      tpu.wait_dma2 semaphore(%arg22 : memref<!tpu.dma_semaphore, #tpu.memory_space<semaphore_mem>>) src(%dma_wait3A_1335 : memref<128xi32, #tpu.memory_space<hbm>>) dst(%dma_wait3A_1333 : memref<128xi32, #tpu.memory_space<vmem>>)
    } else {
    }
    %mul3A_362 = arith.constant 25 : i32
    %mul3A_363 = arith.muli %add3A, %mul3A_362 : i32
    %add3A_364 = arith.constant 4 : i32
    %add3A_365 = arith.addi %mul3A_363, %add3A_364 : i32
    %lt3A_366 = arith.constant 782 : i32
    %lt3A_367 = arith.cmpi slt, %add3A_365, %lt3A_366 : i32
    %convert_element_type3A_368 = arith.extui %lt3A_367 : i1 to i32
    %cond3A_369 = arith.constant 0 : i32
    %cond3A_370 = arith.cmpi ne, %convert_element_type3A_368, %cond3A_369 : i32
    scf.if %cond3A_370 {
      %dma_wait3A = arith.constant 4 : i32
      %dma_wait3A_1326 = arith.constant 0 : i32
      %dma_wait3A_1327 = tpu.memref_slice %arg5[%dma_wait3A, %dma_wait3A_1326] : memref<25x128xi32, #tpu.memory_space<vmem>> -> memref<1x128xi32, #tpu.memory_space<vmem>>
      %dma_wait3A_1328 = tpu.memref_squeeze %dma_wait3A_1327 : memref<1x128xi32, #tpu.memory_space<vmem>> -> memref<128xi32, #tpu.memory_space<vmem>>
      %dma_wait3A_1329 = arith.constant 0 : i32
      %dma_wait3A_1330 = tpu.memref_slice %arg2[%dma_wait3A_1329] : memref<100000xi32, #tpu.memory_space<hbm>> -> memref<128xi32, #tpu.memory_space<hbm>>
      %dma_wait3A_1331 = arith.constant 0 : i32
      %dma_wait3A_1332 = tpu.memref_slice %arg5[%dma_wait3A, %dma_wait3A_1331] : memref<25x128xi32, #tpu.memory_space<vmem>> -> memref<1x128xi32, #tpu.memory_space<vmem>>
      %dma_wait3A_1333 = tpu.memref_squeeze %dma_wait3A_1332 : memref<1x128xi32, #tpu.memory_space<vmem>> -> memref<128xi32, #tpu.memory_space<vmem>>
      %dma_wait3A_1334 = arith.constant 0 : i32
      %dma_wait3A_1335 = tpu.memref_slice %arg2[%dma_wait3A_1334] : memref<100000xi32, #tpu.memory_space<hbm>> -> memref<128xi32, #tpu.memory_space<hbm>>
      tpu.wait_dma2 semaphore(%arg22 : memref<!tpu.dma_semaphore, #tpu.memory_space<semaphore_mem>>) src(%dma_wait3A_1335 : memref<128xi32, #tpu.memory_space<hbm>>) dst(%dma_wait3A_1333 : memref<128xi32, #tpu.memory_space<vmem>>)
    } else {
    }
    %mul3A_371 = arith.constant 25 : i32
    %mul3A_372 = arith.muli %add3A, %mul3A_371 : i32
    %add3A_373 = arith.constant 5 : i32
    %add3A_374 = arith.addi %mul3A_372, %add3A_373 : i32
    %lt3A_375 = arith.constant 782 : i32
    %lt3A_376 = arith.cmpi slt, %add3A_374, %lt3A_375 : i32
    %convert_element_type3A_377 = arith.extui %lt3A_376 : i1 to i32
    %cond3A_378 = arith.constant 0 : i32
    %cond3A_379 = arith.cmpi ne, %convert_element_type3A_377, %cond3A_378 : i32
    scf.if %cond3A_379 {
      %dma_wait3A = arith.constant 5 : i32
      %dma_wait3A_1326 = arith.constant 0 : i32
      %dma_wait3A_1327 = tpu.memref_slice %arg5[%dma_wait3A, %dma_wait3A_1326] : memref<25x128xi32, #tpu.memory_space<vmem>> -> memref<1x128xi32, #tpu.memory_space<vmem>>
      %dma_wait3A_1328 = tpu.memref_squeeze %dma_wait3A_1327 : memref<1x128xi32, #tpu.memory_space<vmem>> -> memref<128xi32, #tpu.memory_space<vmem>>
      %dma_wait3A_1329 = arith.constant 0 : i32
      %dma_wait3A_1330 = tpu.memref_slice %arg2[%dma_wait3A_1329] : memref<100000xi32, #tpu.memory_space<hbm>> -> memref<128xi32, #tpu.memory_space<hbm>>
      %dma_wait3A_1331 = arith.constant 0 : i32
      %dma_wait3A_1332 = tpu.memref_slice %arg5[%dma_wait3A, %dma_wait3A_1331] : memref<25x128xi32, #tpu.memory_space<vmem>> -> memref<1x128xi32, #tpu.memory_space<vmem>>
      %dma_wait3A_1333 = tpu.memref_squeeze %dma_wait3A_1332 : memref<1x128xi32, #tpu.memory_space<vmem>> -> memref<128xi32, #tpu.memory_space<vmem>>
      %dma_wait3A_1334 = arith.constant 0 : i32
      %dma_wait3A_1335 = tpu.memref_slice %arg2[%dma_wait3A_1334] : memref<100000xi32, #tpu.memory_space<hbm>> -> memref<128xi32, #tpu.memory_space<hbm>>
      tpu.wait_dma2 semaphore(%arg22 : memref<!tpu.dma_semaphore, #tpu.memory_space<semaphore_mem>>) src(%dma_wait3A_1335 : memref<128xi32, #tpu.memory_space<hbm>>) dst(%dma_wait3A_1333 : memref<128xi32, #tpu.memory_space<vmem>>)
    } else {
    }
    %mul3A_380 = arith.constant 25 : i32
    %mul3A_381 = arith.muli %add3A, %mul3A_380 : i32
    %add3A_382 = arith.constant 6 : i32
    %add3A_383 = arith.addi %mul3A_381, %add3A_382 : i32
    %lt3A_384 = arith.constant 782 : i32
    %lt3A_385 = arith.cmpi slt, %add3A_383, %lt3A_384 : i32
    %convert_element_type3A_386 = arith.extui %lt3A_385 : i1 to i32
    %cond3A_387 = arith.constant 0 : i32
    %cond3A_388 = arith.cmpi ne, %convert_element_type3A_386, %cond3A_387 : i32
    scf.if %cond3A_388 {
      %dma_wait3A = arith.constant 6 : i32
      %dma_wait3A_1326 = arith.constant 0 : i32
      %dma_wait3A_1327 = tpu.memref_slice %arg5[%dma_wait3A, %dma_wait3A_1326] : memref<25x128xi32, #tpu.memory_space<vmem>> -> memref<1x128xi32, #tpu.memory_space<vmem>>
      %dma_wait3A_1328 = tpu.memref_squeeze %dma_wait3A_1327 : memref<1x128xi32, #tpu.memory_space<vmem>> -> memref<128xi32, #tpu.memory_space<vmem>>
      %dma_wait3A_1329 = arith.constant 0 : i32
      %dma_wait3A_1330 = tpu.memref_slice %arg2[%dma_wait3A_1329] : memref<100000xi32, #tpu.memory_space<hbm>> -> memref<128xi32, #tpu.memory_space<hbm>>
      %dma_wait3A_1331 = arith.constant 0 : i32
      %dma_wait3A_1332 = tpu.memref_slice %arg5[%dma_wait3A, %dma_wait3A_1331] : memref<25x128xi32, #tpu.memory_space<vmem>> -> memref<1x128xi32, #tpu.memory_space<vmem>>
      %dma_wait3A_1333 = tpu.memref_squeeze %dma_wait3A_1332 : memref<1x128xi32, #tpu.memory_space<vmem>> -> memref<128xi32, #tpu.memory_space<vmem>>
      %dma_wait3A_1334 = arith.constant 0 : i32
      %dma_wait3A_1335 = tpu.memref_slice %arg2[%dma_wait3A_1334] : memref<100000xi32, #tpu.memory_space<hbm>> -> memref<128xi32, #tpu.memory_space<hbm>>
      tpu.wait_dma2 semaphore(%arg22 : memref<!tpu.dma_semaphore, #tpu.memory_space<semaphore_mem>>) src(%dma_wait3A_1335 : memref<128xi32, #tpu.memory_space<hbm>>) dst(%dma_wait3A_1333 : memref<128xi32, #tpu.memory_space<vmem>>)
    } else {
    }
    %mul3A_389 = arith.constant 25 : i32
    %mul3A_390 = arith.muli %add3A, %mul3A_389 : i32
    %add3A_391 = arith.constant 7 : i32
    %add3A_392 = arith.addi %mul3A_390, %add3A_391 : i32
    %lt3A_393 = arith.constant 782 : i32
    %lt3A_394 = arith.cmpi slt, %add3A_392, %lt3A_393 : i32
    %convert_element_type3A_395 = arith.extui %lt3A_394 : i1 to i32
    %cond3A_396 = arith.constant 0 : i32
    %cond3A_397 = arith.cmpi ne, %convert_element_type3A_395, %cond3A_396 : i32
    scf.if %cond3A_397 {
      %dma_wait3A = arith.constant 7 : i32
      %dma_wait3A_1326 = arith.constant 0 : i32
      %dma_wait3A_1327 = tpu.memref_slice %arg5[%dma_wait3A, %dma_wait3A_1326] : memref<25x128xi32, #tpu.memory_space<vmem>> -> memref<1x128xi32, #tpu.memory_space<vmem>>
      %dma_wait3A_1328 = tpu.memref_squeeze %dma_wait3A_1327 : memref<1x128xi32, #tpu.memory_space<vmem>> -> memref<128xi32, #tpu.memory_space<vmem>>
      %dma_wait3A_1329 = arith.constant 0 : i32
      %dma_wait3A_1330 = tpu.memref_slice %arg2[%dma_wait3A_1329] : memref<100000xi32, #tpu.memory_space<hbm>> -> memref<128xi32, #tpu.memory_space<hbm>>
      %dma_wait3A_1331 = arith.constant 0 : i32
      %dma_wait3A_1332 = tpu.memref_slice %arg5[%dma_wait3A, %dma_wait3A_1331] : memref<25x128xi32, #tpu.memory_space<vmem>> -> memref<1x128xi32, #tpu.memory_space<vmem>>
      %dma_wait3A_1333 = tpu.memref_squeeze %dma_wait3A_1332 : memref<1x128xi32, #tpu.memory_space<vmem>> -> memref<128xi32, #tpu.memory_space<vmem>>
      %dma_wait3A_1334 = arith.constant 0 : i32
      %dma_wait3A_1335 = tpu.memref_slice %arg2[%dma_wait3A_1334] : memref<100000xi32, #tpu.memory_space<hbm>> -> memref<128xi32, #tpu.memory_space<hbm>>
      tpu.wait_dma2 semaphore(%arg22 : memref<!tpu.dma_semaphore, #tpu.memory_space<semaphore_mem>>) src(%dma_wait3A_1335 : memref<128xi32, #tpu.memory_space<hbm>>) dst(%dma_wait3A_1333 : memref<128xi32, #tpu.memory_space<vmem>>)
    } else {
    }
    %mul3A_398 = arith.constant 25 : i32
    %mul3A_399 = arith.muli %add3A, %mul3A_398 : i32
    %add3A_400 = arith.constant 8 : i32
    %add3A_401 = arith.addi %mul3A_399, %add3A_400 : i32
    %lt3A_402 = arith.constant 782 : i32
    %lt3A_403 = arith.cmpi slt, %add3A_401, %lt3A_402 : i32
    %convert_element_type3A_404 = arith.extui %lt3A_403 : i1 to i32
    %cond3A_405 = arith.constant 0 : i32
    %cond3A_406 = arith.cmpi ne, %convert_element_type3A_404, %cond3A_405 : i32
    scf.if %cond3A_406 {
      %dma_wait3A = arith.constant 8 : i32
      %dma_wait3A_1326 = arith.constant 0 : i32
      %dma_wait3A_1327 = tpu.memref_slice %arg5[%dma_wait3A, %dma_wait3A_1326] : memref<25x128xi32, #tpu.memory_space<vmem>> -> memref<1x128xi32, #tpu.memory_space<vmem>>
      %dma_wait3A_1328 = tpu.memref_squeeze %dma_wait3A_1327 : memref<1x128xi32, #tpu.memory_space<vmem>> -> memref<128xi32, #tpu.memory_space<vmem>>
      %dma_wait3A_1329 = arith.constant 0 : i32
      %dma_wait3A_1330 = tpu.memref_slice %arg2[%dma_wait3A_1329] : memref<100000xi32, #tpu.memory_space<hbm>> -> memref<128xi32, #tpu.memory_space<hbm>>
      %dma_wait3A_1331 = arith.constant 0 : i32
      %dma_wait3A_1332 = tpu.memref_slice %arg5[%dma_wait3A, %dma_wait3A_1331] : memref<25x128xi32, #tpu.memory_space<vmem>> -> memref<1x128xi32, #tpu.memory_space<vmem>>
      %dma_wait3A_1333 = tpu.memref_squeeze %dma_wait3A_1332 : memref<1x128xi32, #tpu.memory_space<vmem>> -> memref<128xi32, #tpu.memory_space<vmem>>
      %dma_wait3A_1334 = arith.constant 0 : i32
      %dma_wait3A_1335 = tpu.memref_slice %arg2[%dma_wait3A_1334] : memref<100000xi32, #tpu.memory_space<hbm>> -> memref<128xi32, #tpu.memory_space<hbm>>
      tpu.wait_dma2 semaphore(%arg22 : memref<!tpu.dma_semaphore, #tpu.memory_space<semaphore_mem>>) src(%dma_wait3A_1335 : memref<128xi32, #tpu.memory_space<hbm>>) dst(%dma_wait3A_1333 : memref<128xi32, #tpu.memory_space<vmem>>)
    } else {
    }
    %mul3A_407 = arith.constant 25 : i32
    %mul3A_408 = arith.muli %add3A, %mul3A_407 : i32
    %add3A_409 = arith.constant 9 : i32
    %add3A_410 = arith.addi %mul3A_408, %add3A_409 : i32
    %lt3A_411 = arith.constant 782 : i32
    %lt3A_412 = arith.cmpi slt, %add3A_410, %lt3A_411 : i32
    %convert_element_type3A_413 = arith.extui %lt3A_412 : i1 to i32
    %cond3A_414 = arith.constant 0 : i32
    %cond3A_415 = arith.cmpi ne, %convert_element_type3A_413, %cond3A_414 : i32
    scf.if %cond3A_415 {
      %dma_wait3A = arith.constant 9 : i32
      %dma_wait3A_1326 = arith.constant 0 : i32
      %dma_wait3A_1327 = tpu.memref_slice %arg5[%dma_wait3A, %dma_wait3A_1326] : memref<25x128xi32, #tpu.memory_space<vmem>> -> memref<1x128xi32, #tpu.memory_space<vmem>>
      %dma_wait3A_1328 = tpu.memref_squeeze %dma_wait3A_1327 : memref<1x128xi32, #tpu.memory_space<vmem>> -> memref<128xi32, #tpu.memory_space<vmem>>
      %dma_wait3A_1329 = arith.constant 0 : i32
      %dma_wait3A_1330 = tpu.memref_slice %arg2[%dma_wait3A_1329] : memref<100000xi32, #tpu.memory_space<hbm>> -> memref<128xi32, #tpu.memory_space<hbm>>
      %dma_wait3A_1331 = arith.constant 0 : i32
      %dma_wait3A_1332 = tpu.memref_slice %arg5[%dma_wait3A, %dma_wait3A_1331] : memref<25x128xi32, #tpu.memory_space<vmem>> -> memref<1x128xi32, #tpu.memory_space<vmem>>
      %dma_wait3A_1333 = tpu.memref_squeeze %dma_wait3A_1332 : memref<1x128xi32, #tpu.memory_space<vmem>> -> memref<128xi32, #tpu.memory_space<vmem>>
      %dma_wait3A_1334 = arith.constant 0 : i32
      %dma_wait3A_1335 = tpu.memref_slice %arg2[%dma_wait3A_1334] : memref<100000xi32, #tpu.memory_space<hbm>> -> memref<128xi32, #tpu.memory_space<hbm>>
      tpu.wait_dma2 semaphore(%arg22 : memref<!tpu.dma_semaphore, #tpu.memory_space<semaphore_mem>>) src(%dma_wait3A_1335 : memref<128xi32, #tpu.memory_space<hbm>>) dst(%dma_wait3A_1333 : memref<128xi32, #tpu.memory_space<vmem>>)
    } else {
    }
    %mul3A_416 = arith.constant 25 : i32
    %mul3A_417 = arith.muli %add3A, %mul3A_416 : i32
    %add3A_418 = arith.constant 10 : i32
    %add3A_419 = arith.addi %mul3A_417, %add3A_418 : i32
    %lt3A_420 = arith.constant 782 : i32
    %lt3A_421 = arith.cmpi slt, %add3A_419, %lt3A_420 : i32
    %convert_element_type3A_422 = arith.extui %lt3A_421 : i1 to i32
    %cond3A_423 = arith.constant 0 : i32
    %cond3A_424 = arith.cmpi ne, %convert_element_type3A_422, %cond3A_423 : i32
    scf.if %cond3A_424 {
      %dma_wait3A = arith.constant 10 : i32
      %dma_wait3A_1326 = arith.constant 0 : i32
      %dma_wait3A_1327 = tpu.memref_slice %arg5[%dma_wait3A, %dma_wait3A_1326] : memref<25x128xi32, #tpu.memory_space<vmem>> -> memref<1x128xi32, #tpu.memory_space<vmem>>
      %dma_wait3A_1328 = tpu.memref_squeeze %dma_wait3A_1327 : memref<1x128xi32, #tpu.memory_space<vmem>> -> memref<128xi32, #tpu.memory_space<vmem>>
      %dma_wait3A_1329 = arith.constant 0 : i32
      %dma_wait3A_1330 = tpu.memref_slice %arg2[%dma_wait3A_1329] : memref<100000xi32, #tpu.memory_space<hbm>> -> memref<128xi32, #tpu.memory_space<hbm>>
      %dma_wait3A_1331 = arith.constant 0 : i32
      %dma_wait3A_1332 = tpu.memref_slice %arg5[%dma_wait3A, %dma_wait3A_1331] : memref<25x128xi32, #tpu.memory_space<vmem>> -> memref<1x128xi32, #tpu.memory_space<vmem>>
      %dma_wait3A_1333 = tpu.memref_squeeze %dma_wait3A_1332 : memref<1x128xi32, #tpu.memory_space<vmem>> -> memref<128xi32, #tpu.memory_space<vmem>>
      %dma_wait3A_1334 = arith.constant 0 : i32
      %dma_wait3A_1335 = tpu.memref_slice %arg2[%dma_wait3A_1334] : memref<100000xi32, #tpu.memory_space<hbm>> -> memref<128xi32, #tpu.memory_space<hbm>>
      tpu.wait_dma2 semaphore(%arg22 : memref<!tpu.dma_semaphore, #tpu.memory_space<semaphore_mem>>) src(%dma_wait3A_1335 : memref<128xi32, #tpu.memory_space<hbm>>) dst(%dma_wait3A_1333 : memref<128xi32, #tpu.memory_space<vmem>>)
    } else {
    }
    %mul3A_425 = arith.constant 25 : i32
    %mul3A_426 = arith.muli %add3A, %mul3A_425 : i32
    %add3A_427 = arith.constant 11 : i32
    %add3A_428 = arith.addi %mul3A_426, %add3A_427 : i32
    %lt3A_429 = arith.constant 782 : i32
    %lt3A_430 = arith.cmpi slt, %add3A_428, %lt3A_429 : i32
    %convert_element_type3A_431 = arith.extui %lt3A_430 : i1 to i32
    %cond3A_432 = arith.constant 0 : i32
    %cond3A_433 = arith.cmpi ne, %convert_element_type3A_431, %cond3A_432 : i32
    scf.if %cond3A_433 {
      %dma_wait3A = arith.constant 11 : i32
      %dma_wait3A_1326 = arith.constant 0 : i32
      %dma_wait3A_1327 = tpu.memref_slice %arg5[%dma_wait3A, %dma_wait3A_1326] : memref<25x128xi32, #tpu.memory_space<vmem>> -> memref<1x128xi32, #tpu.memory_space<vmem>>
      %dma_wait3A_1328 = tpu.memref_squeeze %dma_wait3A_1327 : memref<1x128xi32, #tpu.memory_space<vmem>> -> memref<128xi32, #tpu.memory_space<vmem>>
      %dma_wait3A_1329 = arith.constant 0 : i32
      %dma_wait3A_1330 = tpu.memref_slice %arg2[%dma_wait3A_1329] : memref<100000xi32, #tpu.memory_space<hbm>> -> memref<128xi32, #tpu.memory_space<hbm>>
      %dma_wait3A_1331 = arith.constant 0 : i32
      %dma_wait3A_1332 = tpu.memref_slice %arg5[%dma_wait3A, %dma_wait3A_1331] : memref<25x128xi32, #tpu.memory_space<vmem>> -> memref<1x128xi32, #tpu.memory_space<vmem>>
      %dma_wait3A_1333 = tpu.memref_squeeze %dma_wait3A_1332 : memref<1x128xi32, #tpu.memory_space<vmem>> -> memref<128xi32, #tpu.memory_space<vmem>>
      %dma_wait3A_1334 = arith.constant 0 : i32
      %dma_wait3A_1335 = tpu.memref_slice %arg2[%dma_wait3A_1334] : memref<100000xi32, #tpu.memory_space<hbm>> -> memref<128xi32, #tpu.memory_space<hbm>>
      tpu.wait_dma2 semaphore(%arg22 : memref<!tpu.dma_semaphore, #tpu.memory_space<semaphore_mem>>) src(%dma_wait3A_1335 : memref<128xi32, #tpu.memory_space<hbm>>) dst(%dma_wait3A_1333 : memref<128xi32, #tpu.memory_space<vmem>>)
    } else {
    }
    %mul3A_434 = arith.constant 25 : i32
    %mul3A_435 = arith.muli %add3A, %mul3A_434 : i32
    %add3A_436 = arith.constant 12 : i32
    %add3A_437 = arith.addi %mul3A_435, %add3A_436 : i32
    %lt3A_438 = arith.constant 782 : i32
    %lt3A_439 = arith.cmpi slt, %add3A_437, %lt3A_438 : i32
    %convert_element_type3A_440 = arith.extui %lt3A_439 : i1 to i32
    %cond3A_441 = arith.constant 0 : i32
    %cond3A_442 = arith.cmpi ne, %convert_element_type3A_440, %cond3A_441 : i32
    scf.if %cond3A_442 {
      %dma_wait3A = arith.constant 12 : i32
      %dma_wait3A_1326 = arith.constant 0 : i32
      %dma_wait3A_1327 = tpu.memref_slice %arg5[%dma_wait3A, %dma_wait3A_1326] : memref<25x128xi32, #tpu.memory_space<vmem>> -> memref<1x128xi32, #tpu.memory_space<vmem>>
      %dma_wait3A_1328 = tpu.memref_squeeze %dma_wait3A_1327 : memref<1x128xi32, #tpu.memory_space<vmem>> -> memref<128xi32, #tpu.memory_space<vmem>>
      %dma_wait3A_1329 = arith.constant 0 : i32
      %dma_wait3A_1330 = tpu.memref_slice %arg2[%dma_wait3A_1329] : memref<100000xi32, #tpu.memory_space<hbm>> -> memref<128xi32, #tpu.memory_space<hbm>>
      %dma_wait3A_1331 = arith.constant 0 : i32
      %dma_wait3A_1332 = tpu.memref_slice %arg5[%dma_wait3A, %dma_wait3A_1331] : memref<25x128xi32, #tpu.memory_space<vmem>> -> memref<1x128xi32, #tpu.memory_space<vmem>>
      %dma_wait3A_1333 = tpu.memref_squeeze %dma_wait3A_1332 : memref<1x128xi32, #tpu.memory_space<vmem>> -> memref<128xi32, #tpu.memory_space<vmem>>
      %dma_wait3A_1334 = arith.constant 0 : i32
      %dma_wait3A_1335 = tpu.memref_slice %arg2[%dma_wait3A_1334] : memref<100000xi32, #tpu.memory_space<hbm>> -> memref<128xi32, #tpu.memory_space<hbm>>
      tpu.wait_dma2 semaphore(%arg22 : memref<!tpu.dma_semaphore, #tpu.memory_space<semaphore_mem>>) src(%dma_wait3A_1335 : memref<128xi32, #tpu.memory_space<hbm>>) dst(%dma_wait3A_1333 : memref<128xi32, #tpu.memory_space<vmem>>)
    } else {
    }
    %mul3A_443 = arith.constant 25 : i32
    %mul3A_444 = arith.muli %add3A, %mul3A_443 : i32
    %add3A_445 = arith.constant 13 : i32
    %add3A_446 = arith.addi %mul3A_444, %add3A_445 : i32
    %lt3A_447 = arith.constant 782 : i32
    %lt3A_448 = arith.cmpi slt, %add3A_446, %lt3A_447 : i32
    %convert_element_type3A_449 = arith.extui %lt3A_448 : i1 to i32
    %cond3A_450 = arith.constant 0 : i32
    %cond3A_451 = arith.cmpi ne, %convert_element_type3A_449, %cond3A_450 : i32
    scf.if %cond3A_451 {
      %dma_wait3A = arith.constant 13 : i32
      %dma_wait3A_1326 = arith.constant 0 : i32
      %dma_wait3A_1327 = tpu.memref_slice %arg5[%dma_wait3A, %dma_wait3A_1326] : memref<25x128xi32, #tpu.memory_space<vmem>> -> memref<1x128xi32, #tpu.memory_space<vmem>>
      %dma_wait3A_1328 = tpu.memref_squeeze %dma_wait3A_1327 : memref<1x128xi32, #tpu.memory_space<vmem>> -> memref<128xi32, #tpu.memory_space<vmem>>
      %dma_wait3A_1329 = arith.constant 0 : i32
      %dma_wait3A_1330 = tpu.memref_slice %arg2[%dma_wait3A_1329] : memref<100000xi32, #tpu.memory_space<hbm>> -> memref<128xi32, #tpu.memory_space<hbm>>
      %dma_wait3A_1331 = arith.constant 0 : i32
      %dma_wait3A_1332 = tpu.memref_slice %arg5[%dma_wait3A, %dma_wait3A_1331] : memref<25x128xi32, #tpu.memory_space<vmem>> -> memref<1x128xi32, #tpu.memory_space<vmem>>
      %dma_wait3A_1333 = tpu.memref_squeeze %dma_wait3A_1332 : memref<1x128xi32, #tpu.memory_space<vmem>> -> memref<128xi32, #tpu.memory_space<vmem>>
      %dma_wait3A_1334 = arith.constant 0 : i32
      %dma_wait3A_1335 = tpu.memref_slice %arg2[%dma_wait3A_1334] : memref<100000xi32, #tpu.memory_space<hbm>> -> memref<128xi32, #tpu.memory_space<hbm>>
      tpu.wait_dma2 semaphore(%arg22 : memref<!tpu.dma_semaphore, #tpu.memory_space<semaphore_mem>>) src(%dma_wait3A_1335 : memref<128xi32, #tpu.memory_space<hbm>>) dst(%dma_wait3A_1333 : memref<128xi32, #tpu.memory_space<vmem>>)
    } else {
    }
    %mul3A_452 = arith.constant 25 : i32
    %mul3A_453 = arith.muli %add3A, %mul3A_452 : i32
    %add3A_454 = arith.constant 14 : i32
    %add3A_455 = arith.addi %mul3A_453, %add3A_454 : i32
    %lt3A_456 = arith.constant 782 : i32
    %lt3A_457 = arith.cmpi slt, %add3A_455, %lt3A_456 : i32
    %convert_element_type3A_458 = arith.extui %lt3A_457 : i1 to i32
    %cond3A_459 = arith.constant 0 : i32
    %cond3A_460 = arith.cmpi ne, %convert_element_type3A_458, %cond3A_459 : i32
    scf.if %cond3A_460 {
      %dma_wait3A = arith.constant 14 : i32
      %dma_wait3A_1326 = arith.constant 0 : i32
      %dma_wait3A_1327 = tpu.memref_slice %arg5[%dma_wait3A, %dma_wait3A_1326] : memref<25x128xi32, #tpu.memory_space<vmem>> -> memref<1x128xi32, #tpu.memory_space<vmem>>
      %dma_wait3A_1328 = tpu.memref_squeeze %dma_wait3A_1327 : memref<1x128xi32, #tpu.memory_space<vmem>> -> memref<128xi32, #tpu.memory_space<vmem>>
      %dma_wait3A_1329 = arith.constant 0 : i32
      %dma_wait3A_1330 = tpu.memref_slice %arg2[%dma_wait3A_1329] : memref<100000xi32, #tpu.memory_space<hbm>> -> memref<128xi32, #tpu.memory_space<hbm>>
      %dma_wait3A_1331 = arith.constant 0 : i32
      %dma_wait3A_1332 = tpu.memref_slice %arg5[%dma_wait3A, %dma_wait3A_1331] : memref<25x128xi32, #tpu.memory_space<vmem>> -> memref<1x128xi32, #tpu.memory_space<vmem>>
      %dma_wait3A_1333 = tpu.memref_squeeze %dma_wait3A_1332 : memref<1x128xi32, #tpu.memory_space<vmem>> -> memref<128xi32, #tpu.memory_space<vmem>>
      %dma_wait3A_1334 = arith.constant 0 : i32
      %dma_wait3A_1335 = tpu.memref_slice %arg2[%dma_wait3A_1334] : memref<100000xi32, #tpu.memory_space<hbm>> -> memref<128xi32, #tpu.memory_space<hbm>>
      tpu.wait_dma2 semaphore(%arg22 : memref<!tpu.dma_semaphore, #tpu.memory_space<semaphore_mem>>) src(%dma_wait3A_1335 : memref<128xi32, #tpu.memory_space<hbm>>) dst(%dma_wait3A_1333 : memref<128xi32, #tpu.memory_space<vmem>>)
    } else {
    }
    %mul3A_461 = arith.constant 25 : i32
    %mul3A_462 = arith.muli %add3A, %mul3A_461 : i32
    %add3A_463 = arith.constant 15 : i32
    %add3A_464 = arith.addi %mul3A_462, %add3A_463 : i32
    %lt3A_465 = arith.constant 782 : i32
    %lt3A_466 = arith.cmpi slt, %add3A_464, %lt3A_465 : i32
    %convert_element_type3A_467 = arith.extui %lt3A_466 : i1 to i32
    %cond3A_468 = arith.constant 0 : i32
    %cond3A_469 = arith.cmpi ne, %convert_element_type3A_467, %cond3A_468 : i32
    scf.if %cond3A_469 {
      %dma_wait3A = arith.constant 15 : i32
      %dma_wait3A_1326 = arith.constant 0 : i32
      %dma_wait3A_1327 = tpu.memref_slice %arg5[%dma_wait3A, %dma_wait3A_1326] : memref<25x128xi32, #tpu.memory_space<vmem>> -> memref<1x128xi32, #tpu.memory_space<vmem>>
      %dma_wait3A_1328 = tpu.memref_squeeze %dma_wait3A_1327 : memref<1x128xi32, #tpu.memory_space<vmem>> -> memref<128xi32, #tpu.memory_space<vmem>>
      %dma_wait3A_1329 = arith.constant 0 : i32
      %dma_wait3A_1330 = tpu.memref_slice %arg2[%dma_wait3A_1329] : memref<100000xi32, #tpu.memory_space<hbm>> -> memref<128xi32, #tpu.memory_space<hbm>>
      %dma_wait3A_1331 = arith.constant 0 : i32
      %dma_wait3A_1332 = tpu.memref_slice %arg5[%dma_wait3A, %dma_wait3A_1331] : memref<25x128xi32, #tpu.memory_space<vmem>> -> memref<1x128xi32, #tpu.memory_space<vmem>>
      %dma_wait3A_1333 = tpu.memref_squeeze %dma_wait3A_1332 : memref<1x128xi32, #tpu.memory_space<vmem>> -> memref<128xi32, #tpu.memory_space<vmem>>
      %dma_wait3A_1334 = arith.constant 0 : i32
      %dma_wait3A_1335 = tpu.memref_slice %arg2[%dma_wait3A_1334] : memref<100000xi32, #tpu.memory_space<hbm>> -> memref<128xi32, #tpu.memory_space<hbm>>
      tpu.wait_dma2 semaphore(%arg22 : memref<!tpu.dma_semaphore, #tpu.memory_space<semaphore_mem>>) src(%dma_wait3A_1335 : memref<128xi32, #tpu.memory_space<hbm>>) dst(%dma_wait3A_1333 : memref<128xi32, #tpu.memory_space<vmem>>)
    } else {
    }
    %mul3A_470 = arith.constant 25 : i32
    %mul3A_471 = arith.muli %add3A, %mul3A_470 : i32
    %add3A_472 = arith.constant 16 : i32
    %add3A_473 = arith.addi %mul3A_471, %add3A_472 : i32
    %lt3A_474 = arith.constant 782 : i32
    %lt3A_475 = arith.cmpi slt, %add3A_473, %lt3A_474 : i32
    %convert_element_type3A_476 = arith.extui %lt3A_475 : i1 to i32
    %cond3A_477 = arith.constant 0 : i32
    %cond3A_478 = arith.cmpi ne, %convert_element_type3A_476, %cond3A_477 : i32
    scf.if %cond3A_478 {
      %dma_wait3A = arith.constant 16 : i32
      %dma_wait3A_1326 = arith.constant 0 : i32
      %dma_wait3A_1327 = tpu.memref_slice %arg5[%dma_wait3A, %dma_wait3A_1326] : memref<25x128xi32, #tpu.memory_space<vmem>> -> memref<1x128xi32, #tpu.memory_space<vmem>>
      %dma_wait3A_1328 = tpu.memref_squeeze %dma_wait3A_1327 : memref<1x128xi32, #tpu.memory_space<vmem>> -> memref<128xi32, #tpu.memory_space<vmem>>
      %dma_wait3A_1329 = arith.constant 0 : i32
      %dma_wait3A_1330 = tpu.memref_slice %arg2[%dma_wait3A_1329] : memref<100000xi32, #tpu.memory_space<hbm>> -> memref<128xi32, #tpu.memory_space<hbm>>
      %dma_wait3A_1331 = arith.constant 0 : i32
      %dma_wait3A_1332 = tpu.memref_slice %arg5[%dma_wait3A, %dma_wait3A_1331] : memref<25x128xi32, #tpu.memory_space<vmem>> -> memref<1x128xi32, #tpu.memory_space<vmem>>
      %dma_wait3A_1333 = tpu.memref_squeeze %dma_wait3A_1332 : memref<1x128xi32, #tpu.memory_space<vmem>> -> memref<128xi32, #tpu.memory_space<vmem>>
      %dma_wait3A_1334 = arith.constant 0 : i32
      %dma_wait3A_1335 = tpu.memref_slice %arg2[%dma_wait3A_1334] : memref<100000xi32, #tpu.memory_space<hbm>> -> memref<128xi32, #tpu.memory_space<hbm>>
      tpu.wait_dma2 semaphore(%arg22 : memref<!tpu.dma_semaphore, #tpu.memory_space<semaphore_mem>>) src(%dma_wait3A_1335 : memref<128xi32, #tpu.memory_space<hbm>>) dst(%dma_wait3A_1333 : memref<128xi32, #tpu.memory_space<vmem>>)
    } else {
    }
    %mul3A_479 = arith.constant 25 : i32
    %mul3A_480 = arith.muli %add3A, %mul3A_479 : i32
    %add3A_481 = arith.constant 17 : i32
    %add3A_482 = arith.addi %mul3A_480, %add3A_481 : i32
    %lt3A_483 = arith.constant 782 : i32
    %lt3A_484 = arith.cmpi slt, %add3A_482, %lt3A_483 : i32
    %convert_element_type3A_485 = arith.extui %lt3A_484 : i1 to i32
    %cond3A_486 = arith.constant 0 : i32
    %cond3A_487 = arith.cmpi ne, %convert_element_type3A_485, %cond3A_486 : i32
    scf.if %cond3A_487 {
      %dma_wait3A = arith.constant 17 : i32
      %dma_wait3A_1326 = arith.constant 0 : i32
      %dma_wait3A_1327 = tpu.memref_slice %arg5[%dma_wait3A, %dma_wait3A_1326] : memref<25x128xi32, #tpu.memory_space<vmem>> -> memref<1x128xi32, #tpu.memory_space<vmem>>
      %dma_wait3A_1328 = tpu.memref_squeeze %dma_wait3A_1327 : memref<1x128xi32, #tpu.memory_space<vmem>> -> memref<128xi32, #tpu.memory_space<vmem>>
      %dma_wait3A_1329 = arith.constant 0 : i32
      %dma_wait3A_1330 = tpu.memref_slice %arg2[%dma_wait3A_1329] : memref<100000xi32, #tpu.memory_space<hbm>> -> memref<128xi32, #tpu.memory_space<hbm>>
      %dma_wait3A_1331 = arith.constant 0 : i32
      %dma_wait3A_1332 = tpu.memref_slice %arg5[%dma_wait3A, %dma_wait3A_1331] : memref<25x128xi32, #tpu.memory_space<vmem>> -> memref<1x128xi32, #tpu.memory_space<vmem>>
      %dma_wait3A_1333 = tpu.memref_squeeze %dma_wait3A_1332 : memref<1x128xi32, #tpu.memory_space<vmem>> -> memref<128xi32, #tpu.memory_space<vmem>>
      %dma_wait3A_1334 = arith.constant 0 : i32
      %dma_wait3A_1335 = tpu.memref_slice %arg2[%dma_wait3A_1334] : memref<100000xi32, #tpu.memory_space<hbm>> -> memref<128xi32, #tpu.memory_space<hbm>>
      tpu.wait_dma2 semaphore(%arg22 : memref<!tpu.dma_semaphore, #tpu.memory_space<semaphore_mem>>) src(%dma_wait3A_1335 : memref<128xi32, #tpu.memory_space<hbm>>) dst(%dma_wait3A_1333 : memref<128xi32, #tpu.memory_space<vmem>>)
    } else {
    }
    %mul3A_488 = arith.constant 25 : i32
    %mul3A_489 = arith.muli %add3A, %mul3A_488 : i32
    %add3A_490 = arith.constant 18 : i32
    %add3A_491 = arith.addi %mul3A_489, %add3A_490 : i32
    %lt3A_492 = arith.constant 782 : i32
    %lt3A_493 = arith.cmpi slt, %add3A_491, %lt3A_492 : i32
    %convert_element_type3A_494 = arith.extui %lt3A_493 : i1 to i32
    %cond3A_495 = arith.constant 0 : i32
    %cond3A_496 = arith.cmpi ne, %convert_element_type3A_494, %cond3A_495 : i32
    scf.if %cond3A_496 {
      %dma_wait3A = arith.constant 18 : i32
      %dma_wait3A_1326 = arith.constant 0 : i32
      %dma_wait3A_1327 = tpu.memref_slice %arg5[%dma_wait3A, %dma_wait3A_1326] : memref<25x128xi32, #tpu.memory_space<vmem>> -> memref<1x128xi32, #tpu.memory_space<vmem>>
      %dma_wait3A_1328 = tpu.memref_squeeze %dma_wait3A_1327 : memref<1x128xi32, #tpu.memory_space<vmem>> -> memref<128xi32, #tpu.memory_space<vmem>>
      %dma_wait3A_1329 = arith.constant 0 : i32
      %dma_wait3A_1330 = tpu.memref_slice %arg2[%dma_wait3A_1329] : memref<100000xi32, #tpu.memory_space<hbm>> -> memref<128xi32, #tpu.memory_space<hbm>>
      %dma_wait3A_1331 = arith.constant 0 : i32
      %dma_wait3A_1332 = tpu.memref_slice %arg5[%dma_wait3A, %dma_wait3A_1331] : memref<25x128xi32, #tpu.memory_space<vmem>> -> memref<1x128xi32, #tpu.memory_space<vmem>>
      %dma_wait3A_1333 = tpu.memref_squeeze %dma_wait3A_1332 : memref<1x128xi32, #tpu.memory_space<vmem>> -> memref<128xi32, #tpu.memory_space<vmem>>
      %dma_wait3A_1334 = arith.constant 0 : i32
      %dma_wait3A_1335 = tpu.memref_slice %arg2[%dma_wait3A_1334] : memref<100000xi32, #tpu.memory_space<hbm>> -> memref<128xi32, #tpu.memory_space<hbm>>
      tpu.wait_dma2 semaphore(%arg22 : memref<!tpu.dma_semaphore, #tpu.memory_space<semaphore_mem>>) src(%dma_wait3A_1335 : memref<128xi32, #tpu.memory_space<hbm>>) dst(%dma_wait3A_1333 : memref<128xi32, #tpu.memory_space<vmem>>)
    } else {
    }
    %mul3A_497 = arith.constant 25 : i32
    %mul3A_498 = arith.muli %add3A, %mul3A_497 : i32
    %add3A_499 = arith.constant 19 : i32
    %add3A_500 = arith.addi %mul3A_498, %add3A_499 : i32
    %lt3A_501 = arith.constant 782 : i32
    %lt3A_502 = arith.cmpi slt, %add3A_500, %lt3A_501 : i32
    %convert_element_type3A_503 = arith.extui %lt3A_502 : i1 to i32
    %cond3A_504 = arith.constant 0 : i32
    %cond3A_505 = arith.cmpi ne, %convert_element_type3A_503, %cond3A_504 : i32
    scf.if %cond3A_505 {
      %dma_wait3A = arith.constant 19 : i32
      %dma_wait3A_1326 = arith.constant 0 : i32
      %dma_wait3A_1327 = tpu.memref_slice %arg5[%dma_wait3A, %dma_wait3A_1326] : memref<25x128xi32, #tpu.memory_space<vmem>> -> memref<1x128xi32, #tpu.memory_space<vmem>>
      %dma_wait3A_1328 = tpu.memref_squeeze %dma_wait3A_1327 : memref<1x128xi32, #tpu.memory_space<vmem>> -> memref<128xi32, #tpu.memory_space<vmem>>
      %dma_wait3A_1329 = arith.constant 0 : i32
      %dma_wait3A_1330 = tpu.memref_slice %arg2[%dma_wait3A_1329] : memref<100000xi32, #tpu.memory_space<hbm>> -> memref<128xi32, #tpu.memory_space<hbm>>
      %dma_wait3A_1331 = arith.constant 0 : i32
      %dma_wait3A_1332 = tpu.memref_slice %arg5[%dma_wait3A, %dma_wait3A_1331] : memref<25x128xi32, #tpu.memory_space<vmem>> -> memref<1x128xi32, #tpu.memory_space<vmem>>
      %dma_wait3A_1333 = tpu.memref_squeeze %dma_wait3A_1332 : memref<1x128xi32, #tpu.memory_space<vmem>> -> memref<128xi32, #tpu.memory_space<vmem>>
      %dma_wait3A_1334 = arith.constant 0 : i32
      %dma_wait3A_1335 = tpu.memref_slice %arg2[%dma_wait3A_1334] : memref<100000xi32, #tpu.memory_space<hbm>> -> memref<128xi32, #tpu.memory_space<hbm>>
      tpu.wait_dma2 semaphore(%arg22 : memref<!tpu.dma_semaphore, #tpu.memory_space<semaphore_mem>>) src(%dma_wait3A_1335 : memref<128xi32, #tpu.memory_space<hbm>>) dst(%dma_wait3A_1333 : memref<128xi32, #tpu.memory_space<vmem>>)
    } else {
    }
    %mul3A_506 = arith.constant 25 : i32
    %mul3A_507 = arith.muli %add3A, %mul3A_506 : i32
    %add3A_508 = arith.constant 20 : i32
    %add3A_509 = arith.addi %mul3A_507, %add3A_508 : i32
    %lt3A_510 = arith.constant 782 : i32
    %lt3A_511 = arith.cmpi slt, %add3A_509, %lt3A_510 : i32
    %convert_element_type3A_512 = arith.extui %lt3A_511 : i1 to i32
    %cond3A_513 = arith.constant 0 : i32
    %cond3A_514 = arith.cmpi ne, %convert_element_type3A_512, %cond3A_513 : i32
    scf.if %cond3A_514 {
      %dma_wait3A = arith.constant 20 : i32
      %dma_wait3A_1326 = arith.constant 0 : i32
      %dma_wait3A_1327 = tpu.memref_slice %arg5[%dma_wait3A, %dma_wait3A_1326] : memref<25x128xi32, #tpu.memory_space<vmem>> -> memref<1x128xi32, #tpu.memory_space<vmem>>
      %dma_wait3A_1328 = tpu.memref_squeeze %dma_wait3A_1327 : memref<1x128xi32, #tpu.memory_space<vmem>> -> memref<128xi32, #tpu.memory_space<vmem>>
      %dma_wait3A_1329 = arith.constant 0 : i32
      %dma_wait3A_1330 = tpu.memref_slice %arg2[%dma_wait3A_1329] : memref<100000xi32, #tpu.memory_space<hbm>> -> memref<128xi32, #tpu.memory_space<hbm>>
      %dma_wait3A_1331 = arith.constant 0 : i32
      %dma_wait3A_1332 = tpu.memref_slice %arg5[%dma_wait3A, %dma_wait3A_1331] : memref<25x128xi32, #tpu.memory_space<vmem>> -> memref<1x128xi32, #tpu.memory_space<vmem>>
      %dma_wait3A_1333 = tpu.memref_squeeze %dma_wait3A_1332 : memref<1x128xi32, #tpu.memory_space<vmem>> -> memref<128xi32, #tpu.memory_space<vmem>>
      %dma_wait3A_1334 = arith.constant 0 : i32
      %dma_wait3A_1335 = tpu.memref_slice %arg2[%dma_wait3A_1334] : memref<100000xi32, #tpu.memory_space<hbm>> -> memref<128xi32, #tpu.memory_space<hbm>>
      tpu.wait_dma2 semaphore(%arg22 : memref<!tpu.dma_semaphore, #tpu.memory_space<semaphore_mem>>) src(%dma_wait3A_1335 : memref<128xi32, #tpu.memory_space<hbm>>) dst(%dma_wait3A_1333 : memref<128xi32, #tpu.memory_space<vmem>>)
    } else {
    }
    %mul3A_515 = arith.constant 25 : i32
    %mul3A_516 = arith.muli %add3A, %mul3A_515 : i32
    %add3A_517 = arith.constant 21 : i32
    %add3A_518 = arith.addi %mul3A_516, %add3A_517 : i32
    %lt3A_519 = arith.constant 782 : i32
    %lt3A_520 = arith.cmpi slt, %add3A_518, %lt3A_519 : i32
    %convert_element_type3A_521 = arith.extui %lt3A_520 : i1 to i32
    %cond3A_522 = arith.constant 0 : i32
    %cond3A_523 = arith.cmpi ne, %convert_element_type3A_521, %cond3A_522 : i32
    scf.if %cond3A_523 {
      %dma_wait3A = arith.constant 21 : i32
      %dma_wait3A_1326 = arith.constant 0 : i32
      %dma_wait3A_1327 = tpu.memref_slice %arg5[%dma_wait3A, %dma_wait3A_1326] : memref<25x128xi32, #tpu.memory_space<vmem>> -> memref<1x128xi32, #tpu.memory_space<vmem>>
      %dma_wait3A_1328 = tpu.memref_squeeze %dma_wait3A_1327 : memref<1x128xi32, #tpu.memory_space<vmem>> -> memref<128xi32, #tpu.memory_space<vmem>>
      %dma_wait3A_1329 = arith.constant 0 : i32
      %dma_wait3A_1330 = tpu.memref_slice %arg2[%dma_wait3A_1329] : memref<100000xi32, #tpu.memory_space<hbm>> -> memref<128xi32, #tpu.memory_space<hbm>>
      %dma_wait3A_1331 = arith.constant 0 : i32
      %dma_wait3A_1332 = tpu.memref_slice %arg5[%dma_wait3A, %dma_wait3A_1331] : memref<25x128xi32, #tpu.memory_space<vmem>> -> memref<1x128xi32, #tpu.memory_space<vmem>>
      %dma_wait3A_1333 = tpu.memref_squeeze %dma_wait3A_1332 : memref<1x128xi32, #tpu.memory_space<vmem>> -> memref<128xi32, #tpu.memory_space<vmem>>
      %dma_wait3A_1334 = arith.constant 0 : i32
      %dma_wait3A_1335 = tpu.memref_slice %arg2[%dma_wait3A_1334] : memref<100000xi32, #tpu.memory_space<hbm>> -> memref<128xi32, #tpu.memory_space<hbm>>
      tpu.wait_dma2 semaphore(%arg22 : memref<!tpu.dma_semaphore, #tpu.memory_space<semaphore_mem>>) src(%dma_wait3A_1335 : memref<128xi32, #tpu.memory_space<hbm>>) dst(%dma_wait3A_1333 : memref<128xi32, #tpu.memory_space<vmem>>)
    } else {
    }
    %mul3A_524 = arith.constant 25 : i32
    %mul3A_525 = arith.muli %add3A, %mul3A_524 : i32
    %add3A_526 = arith.constant 22 : i32
    %add3A_527 = arith.addi %mul3A_525, %add3A_526 : i32
    %lt3A_528 = arith.constant 782 : i32
    %lt3A_529 = arith.cmpi slt, %add3A_527, %lt3A_528 : i32
    %convert_element_type3A_530 = arith.extui %lt3A_529 : i1 to i32
    %cond3A_531 = arith.constant 0 : i32
    %cond3A_532 = arith.cmpi ne, %convert_element_type3A_530, %cond3A_531 : i32
    scf.if %cond3A_532 {
      %dma_wait3A = arith.constant 22 : i32
      %dma_wait3A_1326 = arith.constant 0 : i32
      %dma_wait3A_1327 = tpu.memref_slice %arg5[%dma_wait3A, %dma_wait3A_1326] : memref<25x128xi32, #tpu.memory_space<vmem>> -> memref<1x128xi32, #tpu.memory_space<vmem>>
      %dma_wait3A_1328 = tpu.memref_squeeze %dma_wait3A_1327 : memref<1x128xi32, #tpu.memory_space<vmem>> -> memref<128xi32, #tpu.memory_space<vmem>>
      %dma_wait3A_1329 = arith.constant 0 : i32
      %dma_wait3A_1330 = tpu.memref_slice %arg2[%dma_wait3A_1329] : memref<100000xi32, #tpu.memory_space<hbm>> -> memref<128xi32, #tpu.memory_space<hbm>>
      %dma_wait3A_1331 = arith.constant 0 : i32
      %dma_wait3A_1332 = tpu.memref_slice %arg5[%dma_wait3A, %dma_wait3A_1331] : memref<25x128xi32, #tpu.memory_space<vmem>> -> memref<1x128xi32, #tpu.memory_space<vmem>>
      %dma_wait3A_1333 = tpu.memref_squeeze %dma_wait3A_1332 : memref<1x128xi32, #tpu.memory_space<vmem>> -> memref<128xi32, #tpu.memory_space<vmem>>
      %dma_wait3A_1334 = arith.constant 0 : i32
      %dma_wait3A_1335 = tpu.memref_slice %arg2[%dma_wait3A_1334] : memref<100000xi32, #tpu.memory_space<hbm>> -> memref<128xi32, #tpu.memory_space<hbm>>
      tpu.wait_dma2 semaphore(%arg22 : memref<!tpu.dma_semaphore, #tpu.memory_space<semaphore_mem>>) src(%dma_wait3A_1335 : memref<128xi32, #tpu.memory_space<hbm>>) dst(%dma_wait3A_1333 : memref<128xi32, #tpu.memory_space<vmem>>)
    } else {
    }
    %mul3A_533 = arith.constant 25 : i32
    %mul3A_534 = arith.muli %add3A, %mul3A_533 : i32
    %add3A_535 = arith.constant 23 : i32
    %add3A_536 = arith.addi %mul3A_534, %add3A_535 : i32
    %lt3A_537 = arith.constant 782 : i32
    %lt3A_538 = arith.cmpi slt, %add3A_536, %lt3A_537 : i32
    %convert_element_type3A_539 = arith.extui %lt3A_538 : i1 to i32
    %cond3A_540 = arith.constant 0 : i32
    %cond3A_541 = arith.cmpi ne, %convert_element_type3A_539, %cond3A_540 : i32
    scf.if %cond3A_541 {
      %dma_wait3A = arith.constant 23 : i32
      %dma_wait3A_1326 = arith.constant 0 : i32
      %dma_wait3A_1327 = tpu.memref_slice %arg5[%dma_wait3A, %dma_wait3A_1326] : memref<25x128xi32, #tpu.memory_space<vmem>> -> memref<1x128xi32, #tpu.memory_space<vmem>>
      %dma_wait3A_1328 = tpu.memref_squeeze %dma_wait3A_1327 : memref<1x128xi32, #tpu.memory_space<vmem>> -> memref<128xi32, #tpu.memory_space<vmem>>
      %dma_wait3A_1329 = arith.constant 0 : i32
      %dma_wait3A_1330 = tpu.memref_slice %arg2[%dma_wait3A_1329] : memref<100000xi32, #tpu.memory_space<hbm>> -> memref<128xi32, #tpu.memory_space<hbm>>
      %dma_wait3A_1331 = arith.constant 0 : i32
      %dma_wait3A_1332 = tpu.memref_slice %arg5[%dma_wait3A, %dma_wait3A_1331] : memref<25x128xi32, #tpu.memory_space<vmem>> -> memref<1x128xi32, #tpu.memory_space<vmem>>
      %dma_wait3A_1333 = tpu.memref_squeeze %dma_wait3A_1332 : memref<1x128xi32, #tpu.memory_space<vmem>> -> memref<128xi32, #tpu.memory_space<vmem>>
      %dma_wait3A_1334 = arith.constant 0 : i32
      %dma_wait3A_1335 = tpu.memref_slice %arg2[%dma_wait3A_1334] : memref<100000xi32, #tpu.memory_space<hbm>> -> memref<128xi32, #tpu.memory_space<hbm>>
      tpu.wait_dma2 semaphore(%arg22 : memref<!tpu.dma_semaphore, #tpu.memory_space<semaphore_mem>>) src(%dma_wait3A_1335 : memref<128xi32, #tpu.memory_space<hbm>>) dst(%dma_wait3A_1333 : memref<128xi32, #tpu.memory_space<vmem>>)
    } else {
    }
    %mul3A_542 = arith.constant 25 : i32
    %mul3A_543 = arith.muli %add3A, %mul3A_542 : i32
    %add3A_544 = arith.constant 24 : i32
    %add3A_545 = arith.addi %mul3A_543, %add3A_544 : i32
    %lt3A_546 = arith.constant 782 : i32
    %lt3A_547 = arith.cmpi slt, %add3A_545, %lt3A_546 : i32
    %convert_element_type3A_548 = arith.extui %lt3A_547 : i1 to i32
    %cond3A_549 = arith.constant 0 : i32
    %cond3A_550 = arith.cmpi ne, %convert_element_type3A_548, %cond3A_549 : i32
    scf.if %cond3A_550 {
      %dma_wait3A = arith.constant 24 : i32
      %dma_wait3A_1326 = arith.constant 0 : i32
      %dma_wait3A_1327 = tpu.memref_slice %arg5[%dma_wait3A, %dma_wait3A_1326] : memref<25x128xi32, #tpu.memory_space<vmem>> -> memref<1x128xi32, #tpu.memory_space<vmem>>
      %dma_wait3A_1328 = tpu.memref_squeeze %dma_wait3A_1327 : memref<1x128xi32, #tpu.memory_space<vmem>> -> memref<128xi32, #tpu.memory_space<vmem>>
      %dma_wait3A_1329 = arith.constant 0 : i32
      %dma_wait3A_1330 = tpu.memref_slice %arg2[%dma_wait3A_1329] : memref<100000xi32, #tpu.memory_space<hbm>> -> memref<128xi32, #tpu.memory_space<hbm>>
      %dma_wait3A_1331 = arith.constant 0 : i32
      %dma_wait3A_1332 = tpu.memref_slice %arg5[%dma_wait3A, %dma_wait3A_1331] : memref<25x128xi32, #tpu.memory_space<vmem>> -> memref<1x128xi32, #tpu.memory_space<vmem>>
      %dma_wait3A_1333 = tpu.memref_squeeze %dma_wait3A_1332 : memref<1x128xi32, #tpu.memory_space<vmem>> -> memref<128xi32, #tpu.memory_space<vmem>>
      %dma_wait3A_1334 = arith.constant 0 : i32
      %dma_wait3A_1335 = tpu.memref_slice %arg2[%dma_wait3A_1334] : memref<100000xi32, #tpu.memory_space<hbm>> -> memref<128xi32, #tpu.memory_space<hbm>>
      tpu.wait_dma2 semaphore(%arg22 : memref<!tpu.dma_semaphore, #tpu.memory_space<semaphore_mem>>) src(%dma_wait3A_1335 : memref<128xi32, #tpu.memory_space<hbm>>) dst(%dma_wait3A_1333 : memref<128xi32, #tpu.memory_space<vmem>>)
    } else {
    }
    %barrier3A = arith.constant 0 : index
    tpu.barrier barrier_id(%barrier3A)
    %mul3A_551 = arith.constant 25 : i32
    %mul3A_552 = arith.muli %add3A, %mul3A_551 : i32
    %add3A_553 = arith.constant 0 : i32
    %add3A_554 = arith.addi %mul3A_552, %add3A_553 : i32
    %lt3A_555 = arith.constant 782 : i32
    %lt3A_556 = arith.cmpi slt, %add3A_554, %lt3A_555 : i32
    %convert_element_type3A_557 = arith.extui %lt3A_556 : i1 to i32
    %cond3A_558 = arith.constant 0 : i32
    %cond3A_559 = arith.cmpi ne, %convert_element_type3A_557, %cond3A_558 : i32
    scf.if %cond3A_559 {
      %dma_start3A = arith.constant 0 : i32
      %dma_start3A_1326 = arith.constant 0 : i32
      %dma_start3A_1327 = arith.constant 0 : i32
      %dma_start3A_1328 = arith.constant 0 : i32
      %dma_start3A_1329 = tpu.memref_slice %arg6[%dma_start3A_1326, %dma_start3A_1327, %dma_start3A_1328] : memref<7x128x128xf32, #tpu.memory_space<vmem>> -> memref<1x128x128xf32, #tpu.memory_space<vmem>>
      %dma_start3A_1330 = tpu.memref_squeeze %dma_start3A_1329 : memref<1x128x128xf32, #tpu.memory_space<vmem>> -> memref<128x128xf32, #tpu.memory_space<vmem>>
      %dma_start3A_1331 = arith.constant 0 : i32
      %dma_start3A_1332 = tpu.memref_slice %arg5[%dma_start3A, %dma_start3A_1331] : memref<25x128xi32, #tpu.memory_space<vmem>> -> memref<1x128xi32, #tpu.memory_space<vmem>>
      %dma_start3A_1333 = tpu.memref_squeeze %dma_start3A_1332 : memref<1x128xi32, #tpu.memory_space<vmem>> -> memref<128xi32, #tpu.memory_space<vmem>>
      %dma_start3A_1334 = arith.constant 0 : i32
      %dma_start3A_1335 = arith.constant 0 : i32
      %dma_start3A_1336 = tpu.memref_slice %arg7[%dma_start3A_1334, %dma_start3A_1335] : memref<28x128xf32, #tpu.memory_space<vmem_shared>> -> memref<28x128xf32, #tpu.memory_space<vmem_shared>>
      tpu.enqueue_indirect_dma source(%dma_start3A_1336 : memref<28x128xf32, #tpu.memory_space<vmem_shared>>) target(%dma_start3A_1330 : memref<128x128xf32, #tpu.memory_space<vmem>>) offsets(%dma_start3A_1333 : memref<128xi32, #tpu.memory_space<vmem>>) semaphore(%arg8 : memref<!tpu.dma_semaphore, #tpu.memory_space<semaphore_mem>>)
    } else {
    }
    %mul3A_560 = arith.constant 25 : i32
    %mul3A_561 = arith.muli %add3A, %mul3A_560 : i32
    %add3A_562 = arith.constant 1 : i32
    %add3A_563 = arith.addi %mul3A_561, %add3A_562 : i32
    %lt3A_564 = arith.constant 782 : i32
    %lt3A_565 = arith.cmpi slt, %add3A_563, %lt3A_564 : i32
    %convert_element_type3A_566 = arith.extui %lt3A_565 : i1 to i32
    %cond3A_567 = arith.constant 0 : i32
    %cond3A_568 = arith.cmpi ne, %convert_element_type3A_566, %cond3A_567 : i32
    scf.if %cond3A_568 {
      %dma_start3A = arith.constant 1 : i32
      %dma_start3A_1326 = arith.constant 1 : i32
      %dma_start3A_1327 = arith.constant 0 : i32
      %dma_start3A_1328 = arith.constant 0 : i32
      %dma_start3A_1329 = tpu.memref_slice %arg6[%dma_start3A_1326, %dma_start3A_1327, %dma_start3A_1328] : memref<7x128x128xf32, #tpu.memory_space<vmem>> -> memref<1x128x128xf32, #tpu.memory_space<vmem>>
      %dma_start3A_1330 = tpu.memref_squeeze %dma_start3A_1329 : memref<1x128x128xf32, #tpu.memory_space<vmem>> -> memref<128x128xf32, #tpu.memory_space<vmem>>
      %dma_start3A_1331 = arith.constant 0 : i32
      %dma_start3A_1332 = tpu.memref_slice %arg5[%dma_start3A, %dma_start3A_1331] : memref<25x128xi32, #tpu.memory_space<vmem>> -> memref<1x128xi32, #tpu.memory_space<vmem>>
      %dma_start3A_1333 = tpu.memref_squeeze %dma_start3A_1332 : memref<1x128xi32, #tpu.memory_space<vmem>> -> memref<128xi32, #tpu.memory_space<vmem>>
      %dma_start3A_1334 = arith.constant 0 : i32
      %dma_start3A_1335 = arith.constant 0 : i32
      %dma_start3A_1336 = tpu.memref_slice %arg7[%dma_start3A_1334, %dma_start3A_1335] : memref<28x128xf32, #tpu.memory_space<vmem_shared>> -> memref<28x128xf32, #tpu.memory_space<vmem_shared>>
      tpu.enqueue_indirect_dma source(%dma_start3A_1336 : memref<28x128xf32, #tpu.memory_space<vmem_shared>>) target(%dma_start3A_1330 : memref<128x128xf32, #tpu.memory_space<vmem>>) offsets(%dma_start3A_1333 : memref<128xi32, #tpu.memory_space<vmem>>) semaphore(%arg9 : memref<!tpu.dma_semaphore, #tpu.memory_space<semaphore_mem>>)
    } else {
    }
    %mul3A_569 = arith.constant 25 : i32
    %mul3A_570 = arith.muli %add3A, %mul3A_569 : i32
    %add3A_571 = arith.constant 2 : i32
    %add3A_572 = arith.addi %mul3A_570, %add3A_571 : i32
    %lt3A_573 = arith.constant 782 : i32
    %lt3A_574 = arith.cmpi slt, %add3A_572, %lt3A_573 : i32
    %convert_element_type3A_575 = arith.extui %lt3A_574 : i1 to i32
    %cond3A_576 = arith.constant 0 : i32
    %cond3A_577 = arith.cmpi ne, %convert_element_type3A_575, %cond3A_576 : i32
    scf.if %cond3A_577 {
      %dma_start3A = arith.constant 2 : i32
      %dma_start3A_1326 = arith.constant 2 : i32
      %dma_start3A_1327 = arith.constant 0 : i32
      %dma_start3A_1328 = arith.constant 0 : i32
      %dma_start3A_1329 = tpu.memref_slice %arg6[%dma_start3A_1326, %dma_start3A_1327, %dma_start3A_1328] : memref<7x128x128xf32, #tpu.memory_space<vmem>> -> memref<1x128x128xf32, #tpu.memory_space<vmem>>
      %dma_start3A_1330 = tpu.memref_squeeze %dma_start3A_1329 : memref<1x128x128xf32, #tpu.memory_space<vmem>> -> memref<128x128xf32, #tpu.memory_space<vmem>>
      %dma_start3A_1331 = arith.constant 0 : i32
      %dma_start3A_1332 = tpu.memref_slice %arg5[%dma_start3A, %dma_start3A_1331] : memref<25x128xi32, #tpu.memory_space<vmem>> -> memref<1x128xi32, #tpu.memory_space<vmem>>
      %dma_start3A_1333 = tpu.memref_squeeze %dma_start3A_1332 : memref<1x128xi32, #tpu.memory_space<vmem>> -> memref<128xi32, #tpu.memory_space<vmem>>
      %dma_start3A_1334 = arith.constant 0 : i32
      %dma_start3A_1335 = arith.constant 0 : i32
      %dma_start3A_1336 = tpu.memref_slice %arg7[%dma_start3A_1334, %dma_start3A_1335] : memref<28x128xf32, #tpu.memory_space<vmem_shared>> -> memref<28x128xf32, #tpu.memory_space<vmem_shared>>
      tpu.enqueue_indirect_dma source(%dma_start3A_1336 : memref<28x128xf32, #tpu.memory_space<vmem_shared>>) target(%dma_start3A_1330 : memref<128x128xf32, #tpu.memory_space<vmem>>) offsets(%dma_start3A_1333 : memref<128xi32, #tpu.memory_space<vmem>>) semaphore(%arg10 : memref<!tpu.dma_semaphore, #tpu.memory_space<semaphore_mem>>)
    } else {
    }
    %mul3A_578 = arith.constant 25 : i32
    %mul3A_579 = arith.muli %add3A, %mul3A_578 : i32
    %add3A_580 = arith.constant 0 : i32
    %add3A_581 = arith.addi %mul3A_579, %add3A_580 : i32
    %mul3A_582 = arith.constant 128 : i32
    %mul3A_583 = arith.muli %add3A_581, %mul3A_582 : i32
    %min3A_584 = arith.constant 99872 : i32
    %min3A_585 = arith.minsi %mul3A_583, %min3A_584 : i32
    %lt3A_586 = arith.constant 782 : i32
    %lt3A_587 = arith.cmpi slt, %add3A_581, %lt3A_586 : i32
    %convert_element_type3A_588 = arith.extui %lt3A_587 : i1 to i32
    %cond3A_589 = arith.constant 0 : i32
    %cond3A_590 = arith.cmpi ne, %convert_element_type3A_588, %cond3A_589 : i32
    scf.if %cond3A_590 {
      %dma_wait3A = arith.constant 0 : i32
      %dma_wait3A_1326 = arith.constant 0 : i32
      %dma_wait3A_1327 = arith.constant 0 : i32
      %dma_wait3A_1328 = arith.constant 0 : i32
      %dma_wait3A_1329 = tpu.memref_slice %arg6[%dma_wait3A_1326, %dma_wait3A_1327, %dma_wait3A_1328] : memref<7x128x128xf32, #tpu.memory_space<vmem>> -> memref<1x128x128xf32, #tpu.memory_space<vmem>>
      %dma_wait3A_1330 = tpu.memref_squeeze %dma_wait3A_1329 : memref<1x128x128xf32, #tpu.memory_space<vmem>> -> memref<128x128xf32, #tpu.memory_space<vmem>>
      %dma_wait3A_1331 = arith.constant 0 : i32
      %dma_wait3A_1332 = tpu.memref_slice %arg5[%dma_wait3A, %dma_wait3A_1331] : memref<25x128xi32, #tpu.memory_space<vmem>> -> memref<1x128xi32, #tpu.memory_space<vmem>>
      %dma_wait3A_1333 = tpu.memref_squeeze %dma_wait3A_1332 : memref<1x128xi32, #tpu.memory_space<vmem>> -> memref<128xi32, #tpu.memory_space<vmem>>
      %dma_wait3A_1334 = arith.constant 0 : i32
      %dma_wait3A_1335 = arith.constant 0 : i32
      %dma_wait3A_1336 = tpu.memref_slice %arg7[%dma_wait3A_1334, %dma_wait3A_1335] : memref<28x128xf32, #tpu.memory_space<vmem_shared>> -> memref<28x128xf32, #tpu.memory_space<vmem_shared>>
      tpu.wait_indirect_dma semaphore(%arg8 : memref<!tpu.dma_semaphore, #tpu.memory_space<semaphore_mem>>) src(%dma_wait3A_1336 : memref<28x128xf32, #tpu.memory_space<vmem_shared>>) dst(%dma_wait3A_1330 : memref<128x128xf32, #tpu.memory_space<vmem>>)
      %dma_start3A = arith.constant 0 : i32
      %dma_start3A_1337 = arith.constant 0 : i32
      %dma_start3A_1338 = arith.constant 0 : i32
      %dma_start3A_1339 = tpu.memref_slice %arg6[%dma_start3A, %dma_start3A_1337, %dma_start3A_1338] : memref<7x128x128xf32, #tpu.memory_space<vmem>> -> memref<1x128x128xf32, #tpu.memory_space<vmem>>
      %dma_start3A_1340 = tpu.memref_squeeze %dma_start3A_1339 : memref<1x128x128xf32, #tpu.memory_space<vmem>> -> memref<128x128xf32, #tpu.memory_space<vmem>>
      %dma_start3A_1341 = arith.constant 0 : i32
      %dma_start3A_1342 = tpu.memref_slice %arg4[%min3A_585, %dma_start3A_1341] : memref<100000x128xf32, #tpu.memory_space<hbm>> -> memref<128x128xf32, #tpu.memory_space<hbm>>
      %dma_start3A_1343 = arith.constant 0 : i32
      %dma_start3A_1344 = tpu.memref_slice %arg4[%min3A_585, %dma_start3A_1343] : memref<100000x128xf32, #tpu.memory_space<hbm>> -> memref<128x128xf32, #tpu.memory_space<hbm>>
      %dma_start3A_1345 = arith.constant 0 : i32
      %dma_start3A_1346 = arith.constant 0 : i32
      %dma_start3A_1347 = tpu.memref_slice %arg6[%dma_start3A, %dma_start3A_1345, %dma_start3A_1346] : memref<7x128x128xf32, #tpu.memory_space<vmem>> -> memref<1x128x128xf32, #tpu.memory_space<vmem>>
      %dma_start3A_1348 = tpu.memref_squeeze %dma_start3A_1347 : memref<1x128x128xf32, #tpu.memory_space<vmem>> -> memref<128x128xf32, #tpu.memory_space<vmem>>
      tpu.enqueue_dma source(%dma_start3A_1348 : memref<128x128xf32, #tpu.memory_space<vmem>>) target(%dma_start3A_1344 : memref<128x128xf32, #tpu.memory_space<hbm>>) target_semaphore(%arg15 : memref<!tpu.dma_semaphore, #tpu.memory_space<semaphore_mem>>)
    } else {
    }
    %mul3A_591 = arith.constant 25 : i32
    %mul3A_592 = arith.muli %add3A, %mul3A_591 : i32
    %add3A_593 = arith.constant 3 : i32
    %add3A_594 = arith.addi %mul3A_592, %add3A_593 : i32
    %lt3A_595 = arith.constant 782 : i32
    %lt3A_596 = arith.cmpi slt, %add3A_594, %lt3A_595 : i32
    %convert_element_type3A_597 = arith.extui %lt3A_596 : i1 to i32
    %cond3A_598 = arith.constant 0 : i32
    %cond3A_599 = arith.cmpi ne, %convert_element_type3A_597, %cond3A_598 : i32
    scf.if %cond3A_599 {
      %dma_start3A = arith.constant 3 : i32
      %dma_start3A_1326 = arith.constant 3 : i32
      %dma_start3A_1327 = arith.constant 0 : i32
      %dma_start3A_1328 = arith.constant 0 : i32
      %dma_start3A_1329 = tpu.memref_slice %arg6[%dma_start3A_1326, %dma_start3A_1327, %dma_start3A_1328] : memref<7x128x128xf32, #tpu.memory_space<vmem>> -> memref<1x128x128xf32, #tpu.memory_space<vmem>>
      %dma_start3A_1330 = tpu.memref_squeeze %dma_start3A_1329 : memref<1x128x128xf32, #tpu.memory_space<vmem>> -> memref<128x128xf32, #tpu.memory_space<vmem>>
      %dma_start3A_1331 = arith.constant 0 : i32
      %dma_start3A_1332 = tpu.memref_slice %arg5[%dma_start3A, %dma_start3A_1331] : memref<25x128xi32, #tpu.memory_space<vmem>> -> memref<1x128xi32, #tpu.memory_space<vmem>>
      %dma_start3A_1333 = tpu.memref_squeeze %dma_start3A_1332 : memref<1x128xi32, #tpu.memory_space<vmem>> -> memref<128xi32, #tpu.memory_space<vmem>>
      %dma_start3A_1334 = arith.constant 0 : i32
      %dma_start3A_1335 = arith.constant 0 : i32
      %dma_start3A_1336 = tpu.memref_slice %arg7[%dma_start3A_1334, %dma_start3A_1335] : memref<28x128xf32, #tpu.memory_space<vmem_shared>> -> memref<28x128xf32, #tpu.memory_space<vmem_shared>>
      tpu.enqueue_indirect_dma source(%dma_start3A_1336 : memref<28x128xf32, #tpu.memory_space<vmem_shared>>) target(%dma_start3A_1330 : memref<128x128xf32, #tpu.memory_space<vmem>>) offsets(%dma_start3A_1333 : memref<128xi32, #tpu.memory_space<vmem>>) semaphore(%arg11 : memref<!tpu.dma_semaphore, #tpu.memory_space<semaphore_mem>>)
    } else {
    }
    %mul3A_600 = arith.constant 25 : i32
    %mul3A_601 = arith.muli %add3A, %mul3A_600 : i32
    %add3A_602 = arith.constant 1 : i32
    %add3A_603 = arith.addi %mul3A_601, %add3A_602 : i32
    %mul3A_604 = arith.constant 128 : i32
    %mul3A_605 = arith.muli %add3A_603, %mul3A_604 : i32
    %min3A_606 = arith.constant 99872 : i32
    %min3A_607 = arith.minsi %mul3A_605, %min3A_606 : i32
    %lt3A_608 = arith.constant 782 : i32
    %lt3A_609 = arith.cmpi slt, %add3A_603, %lt3A_608 : i32
    %convert_element_type3A_610 = arith.extui %lt3A_609 : i1 to i32
    %cond3A_611 = arith.constant 0 : i32
    %cond3A_612 = arith.cmpi ne, %convert_element_type3A_610, %cond3A_611 : i32
    scf.if %cond3A_612 {
      %dma_wait3A = arith.constant 1 : i32
      %dma_wait3A_1326 = arith.constant 1 : i32
      %dma_wait3A_1327 = arith.constant 0 : i32
      %dma_wait3A_1328 = arith.constant 0 : i32
      %dma_wait3A_1329 = tpu.memref_slice %arg6[%dma_wait3A_1326, %dma_wait3A_1327, %dma_wait3A_1328] : memref<7x128x128xf32, #tpu.memory_space<vmem>> -> memref<1x128x128xf32, #tpu.memory_space<vmem>>
      %dma_wait3A_1330 = tpu.memref_squeeze %dma_wait3A_1329 : memref<1x128x128xf32, #tpu.memory_space<vmem>> -> memref<128x128xf32, #tpu.memory_space<vmem>>
      %dma_wait3A_1331 = arith.constant 0 : i32
      %dma_wait3A_1332 = tpu.memref_slice %arg5[%dma_wait3A, %dma_wait3A_1331] : memref<25x128xi32, #tpu.memory_space<vmem>> -> memref<1x128xi32, #tpu.memory_space<vmem>>
      %dma_wait3A_1333 = tpu.memref_squeeze %dma_wait3A_1332 : memref<1x128xi32, #tpu.memory_space<vmem>> -> memref<128xi32, #tpu.memory_space<vmem>>
      %dma_wait3A_1334 = arith.constant 0 : i32
      %dma_wait3A_1335 = arith.constant 0 : i32
      %dma_wait3A_1336 = tpu.memref_slice %arg7[%dma_wait3A_1334, %dma_wait3A_1335] : memref<28x128xf32, #tpu.memory_space<vmem_shared>> -> memref<28x128xf32, #tpu.memory_space<vmem_shared>>
      tpu.wait_indirect_dma semaphore(%arg9 : memref<!tpu.dma_semaphore, #tpu.memory_space<semaphore_mem>>) src(%dma_wait3A_1336 : memref<28x128xf32, #tpu.memory_space<vmem_shared>>) dst(%dma_wait3A_1330 : memref<128x128xf32, #tpu.memory_space<vmem>>)
      %dma_start3A = arith.constant 1 : i32
      %dma_start3A_1337 = arith.constant 0 : i32
      %dma_start3A_1338 = arith.constant 0 : i32
      %dma_start3A_1339 = tpu.memref_slice %arg6[%dma_start3A, %dma_start3A_1337, %dma_start3A_1338] : memref<7x128x128xf32, #tpu.memory_space<vmem>> -> memref<1x128x128xf32, #tpu.memory_space<vmem>>
      %dma_start3A_1340 = tpu.memref_squeeze %dma_start3A_1339 : memref<1x128x128xf32, #tpu.memory_space<vmem>> -> memref<128x128xf32, #tpu.memory_space<vmem>>
      %dma_start3A_1341 = arith.constant 0 : i32
      %dma_start3A_1342 = tpu.memref_slice %arg4[%min3A_607, %dma_start3A_1341] : memref<100000x128xf32, #tpu.memory_space<hbm>> -> memref<128x128xf32, #tpu.memory_space<hbm>>
      %dma_start3A_1343 = arith.constant 0 : i32
      %dma_start3A_1344 = tpu.memref_slice %arg4[%min3A_607, %dma_start3A_1343] : memref<100000x128xf32, #tpu.memory_space<hbm>> -> memref<128x128xf32, #tpu.memory_space<hbm>>
      %dma_start3A_1345 = arith.constant 0 : i32
      %dma_start3A_1346 = arith.constant 0 : i32
      %dma_start3A_1347 = tpu.memref_slice %arg6[%dma_start3A, %dma_start3A_1345, %dma_start3A_1346] : memref<7x128x128xf32, #tpu.memory_space<vmem>> -> memref<1x128x128xf32, #tpu.memory_space<vmem>>
      %dma_start3A_1348 = tpu.memref_squeeze %dma_start3A_1347 : memref<1x128x128xf32, #tpu.memory_space<vmem>> -> memref<128x128xf32, #tpu.memory_space<vmem>>
      tpu.enqueue_dma source(%dma_start3A_1348 : memref<128x128xf32, #tpu.memory_space<vmem>>) target(%dma_start3A_1344 : memref<128x128xf32, #tpu.memory_space<hbm>>) target_semaphore(%arg16 : memref<!tpu.dma_semaphore, #tpu.memory_space<semaphore_mem>>)
    } else {
    }
    %mul3A_613 = arith.constant 25 : i32
    %mul3A_614 = arith.muli %add3A, %mul3A_613 : i32
    %add3A_615 = arith.constant 4 : i32
    %add3A_616 = arith.addi %mul3A_614, %add3A_615 : i32
    %lt3A_617 = arith.constant 782 : i32
    %lt3A_618 = arith.cmpi slt, %add3A_616, %lt3A_617 : i32
    %convert_element_type3A_619 = arith.extui %lt3A_618 : i1 to i32
    %cond3A_620 = arith.constant 0 : i32
    %cond3A_621 = arith.cmpi ne, %convert_element_type3A_619, %cond3A_620 : i32
    scf.if %cond3A_621 {
      %dma_start3A = arith.constant 4 : i32
      %dma_start3A_1326 = arith.constant 4 : i32
      %dma_start3A_1327 = arith.constant 0 : i32
      %dma_start3A_1328 = arith.constant 0 : i32
      %dma_start3A_1329 = tpu.memref_slice %arg6[%dma_start3A_1326, %dma_start3A_1327, %dma_start3A_1328] : memref<7x128x128xf32, #tpu.memory_space<vmem>> -> memref<1x128x128xf32, #tpu.memory_space<vmem>>
      %dma_start3A_1330 = tpu.memref_squeeze %dma_start3A_1329 : memref<1x128x128xf32, #tpu.memory_space<vmem>> -> memref<128x128xf32, #tpu.memory_space<vmem>>
      %dma_start3A_1331 = arith.constant 0 : i32
      %dma_start3A_1332 = tpu.memref_slice %arg5[%dma_start3A, %dma_start3A_1331] : memref<25x128xi32, #tpu.memory_space<vmem>> -> memref<1x128xi32, #tpu.memory_space<vmem>>
      %dma_start3A_1333 = tpu.memref_squeeze %dma_start3A_1332 : memref<1x128xi32, #tpu.memory_space<vmem>> -> memref<128xi32, #tpu.memory_space<vmem>>
      %dma_start3A_1334 = arith.constant 0 : i32
      %dma_start3A_1335 = arith.constant 0 : i32
      %dma_start3A_1336 = tpu.memref_slice %arg7[%dma_start3A_1334, %dma_start3A_1335] : memref<28x128xf32, #tpu.memory_space<vmem_shared>> -> memref<28x128xf32, #tpu.memory_space<vmem_shared>>
      tpu.enqueue_indirect_dma source(%dma_start3A_1336 : memref<28x128xf32, #tpu.memory_space<vmem_shared>>) target(%dma_start3A_1330 : memref<128x128xf32, #tpu.memory_space<vmem>>) offsets(%dma_start3A_1333 : memref<128xi32, #tpu.memory_space<vmem>>) semaphore(%arg12 : memref<!tpu.dma_semaphore, #tpu.memory_space<semaphore_mem>>)
    } else {
    }
    %mul3A_622 = arith.constant 25 : i32
    %mul3A_623 = arith.muli %add3A, %mul3A_622 : i32
    %add3A_624 = arith.constant 2 : i32
    %add3A_625 = arith.addi %mul3A_623, %add3A_624 : i32
    %mul3A_626 = arith.constant 128 : i32
    %mul3A_627 = arith.muli %add3A_625, %mul3A_626 : i32
    %min3A_628 = arith.constant 99872 : i32
    %min3A_629 = arith.minsi %mul3A_627, %min3A_628 : i32
    %lt3A_630 = arith.constant 782 : i32
    %lt3A_631 = arith.cmpi slt, %add3A_625, %lt3A_630 : i32
    %convert_element_type3A_632 = arith.extui %lt3A_631 : i1 to i32
    %cond3A_633 = arith.constant 0 : i32
    %cond3A_634 = arith.cmpi ne, %convert_element_type3A_632, %cond3A_633 : i32
    scf.if %cond3A_634 {
      %dma_wait3A = arith.constant 2 : i32
      %dma_wait3A_1326 = arith.constant 2 : i32
      %dma_wait3A_1327 = arith.constant 0 : i32
      %dma_wait3A_1328 = arith.constant 0 : i32
      %dma_wait3A_1329 = tpu.memref_slice %arg6[%dma_wait3A_1326, %dma_wait3A_1327, %dma_wait3A_1328] : memref<7x128x128xf32, #tpu.memory_space<vmem>> -> memref<1x128x128xf32, #tpu.memory_space<vmem>>
      %dma_wait3A_1330 = tpu.memref_squeeze %dma_wait3A_1329 : memref<1x128x128xf32, #tpu.memory_space<vmem>> -> memref<128x128xf32, #tpu.memory_space<vmem>>
      %dma_wait3A_1331 = arith.constant 0 : i32
      %dma_wait3A_1332 = tpu.memref_slice %arg5[%dma_wait3A, %dma_wait3A_1331] : memref<25x128xi32, #tpu.memory_space<vmem>> -> memref<1x128xi32, #tpu.memory_space<vmem>>
      %dma_wait3A_1333 = tpu.memref_squeeze %dma_wait3A_1332 : memref<1x128xi32, #tpu.memory_space<vmem>> -> memref<128xi32, #tpu.memory_space<vmem>>
      %dma_wait3A_1334 = arith.constant 0 : i32
      %dma_wait3A_1335 = arith.constant 0 : i32
      %dma_wait3A_1336 = tpu.memref_slice %arg7[%dma_wait3A_1334, %dma_wait3A_1335] : memref<28x128xf32, #tpu.memory_space<vmem_shared>> -> memref<28x128xf32, #tpu.memory_space<vmem_shared>>
      tpu.wait_indirect_dma semaphore(%arg10 : memref<!tpu.dma_semaphore, #tpu.memory_space<semaphore_mem>>) src(%dma_wait3A_1336 : memref<28x128xf32, #tpu.memory_space<vmem_shared>>) dst(%dma_wait3A_1330 : memref<128x128xf32, #tpu.memory_space<vmem>>)
      %dma_start3A = arith.constant 2 : i32
      %dma_start3A_1337 = arith.constant 0 : i32
      %dma_start3A_1338 = arith.constant 0 : i32
      %dma_start3A_1339 = tpu.memref_slice %arg6[%dma_start3A, %dma_start3A_1337, %dma_start3A_1338] : memref<7x128x128xf32, #tpu.memory_space<vmem>> -> memref<1x128x128xf32, #tpu.memory_space<vmem>>
      %dma_start3A_1340 = tpu.memref_squeeze %dma_start3A_1339 : memref<1x128x128xf32, #tpu.memory_space<vmem>> -> memref<128x128xf32, #tpu.memory_space<vmem>>
      %dma_start3A_1341 = arith.constant 0 : i32
      %dma_start3A_1342 = tpu.memref_slice %arg4[%min3A_629, %dma_start3A_1341] : memref<100000x128xf32, #tpu.memory_space<hbm>> -> memref<128x128xf32, #tpu.memory_space<hbm>>
      %dma_start3A_1343 = arith.constant 0 : i32
      %dma_start3A_1344 = tpu.memref_slice %arg4[%min3A_629, %dma_start3A_1343] : memref<100000x128xf32, #tpu.memory_space<hbm>> -> memref<128x128xf32, #tpu.memory_space<hbm>>
      %dma_start3A_1345 = arith.constant 0 : i32
      %dma_start3A_1346 = arith.constant 0 : i32
      %dma_start3A_1347 = tpu.memref_slice %arg6[%dma_start3A, %dma_start3A_1345, %dma_start3A_1346] : memref<7x128x128xf32, #tpu.memory_space<vmem>> -> memref<1x128x128xf32, #tpu.memory_space<vmem>>
      %dma_start3A_1348 = tpu.memref_squeeze %dma_start3A_1347 : memref<1x128x128xf32, #tpu.memory_space<vmem>> -> memref<128x128xf32, #tpu.memory_space<vmem>>
      tpu.enqueue_dma source(%dma_start3A_1348 : memref<128x128xf32, #tpu.memory_space<vmem>>) target(%dma_start3A_1344 : memref<128x128xf32, #tpu.memory_space<hbm>>) target_semaphore(%arg17 : memref<!tpu.dma_semaphore, #tpu.memory_space<semaphore_mem>>)
    } else {
    }
    %mul3A_635 = arith.constant 25 : i32
    %mul3A_636 = arith.muli %add3A, %mul3A_635 : i32
    %add3A_637 = arith.constant 5 : i32
    %add3A_638 = arith.addi %mul3A_636, %add3A_637 : i32
    %lt3A_639 = arith.constant 782 : i32
    %lt3A_640 = arith.cmpi slt, %add3A_638, %lt3A_639 : i32
    %convert_element_type3A_641 = arith.extui %lt3A_640 : i1 to i32
    %cond3A_642 = arith.constant 0 : i32
    %cond3A_643 = arith.cmpi ne, %convert_element_type3A_641, %cond3A_642 : i32
    scf.if %cond3A_643 {
      %dma_start3A = arith.constant 5 : i32
      %dma_start3A_1326 = arith.constant 5 : i32
      %dma_start3A_1327 = arith.constant 0 : i32
      %dma_start3A_1328 = arith.constant 0 : i32
      %dma_start3A_1329 = tpu.memref_slice %arg6[%dma_start3A_1326, %dma_start3A_1327, %dma_start3A_1328] : memref<7x128x128xf32, #tpu.memory_space<vmem>> -> memref<1x128x128xf32, #tpu.memory_space<vmem>>
      %dma_start3A_1330 = tpu.memref_squeeze %dma_start3A_1329 : memref<1x128x128xf32, #tpu.memory_space<vmem>> -> memref<128x128xf32, #tpu.memory_space<vmem>>
      %dma_start3A_1331 = arith.constant 0 : i32
      %dma_start3A_1332 = tpu.memref_slice %arg5[%dma_start3A, %dma_start3A_1331] : memref<25x128xi32, #tpu.memory_space<vmem>> -> memref<1x128xi32, #tpu.memory_space<vmem>>
      %dma_start3A_1333 = tpu.memref_squeeze %dma_start3A_1332 : memref<1x128xi32, #tpu.memory_space<vmem>> -> memref<128xi32, #tpu.memory_space<vmem>>
      %dma_start3A_1334 = arith.constant 0 : i32
      %dma_start3A_1335 = arith.constant 0 : i32
      %dma_start3A_1336 = tpu.memref_slice %arg7[%dma_start3A_1334, %dma_start3A_1335] : memref<28x128xf32, #tpu.memory_space<vmem_shared>> -> memref<28x128xf32, #tpu.memory_space<vmem_shared>>
      tpu.enqueue_indirect_dma source(%dma_start3A_1336 : memref<28x128xf32, #tpu.memory_space<vmem_shared>>) target(%dma_start3A_1330 : memref<128x128xf32, #tpu.memory_space<vmem>>) offsets(%dma_start3A_1333 : memref<128xi32, #tpu.memory_space<vmem>>) semaphore(%arg13 : memref<!tpu.dma_semaphore, #tpu.memory_space<semaphore_mem>>)
    } else {
    }
    %mul3A_644 = arith.constant 25 : i32
    %mul3A_645 = arith.muli %add3A, %mul3A_644 : i32
    %add3A_646 = arith.constant 3 : i32
    %add3A_647 = arith.addi %mul3A_645, %add3A_646 : i32
    %mul3A_648 = arith.constant 128 : i32
    %mul3A_649 = arith.muli %add3A_647, %mul3A_648 : i32
    %min3A_650 = arith.constant 99872 : i32
    %min3A_651 = arith.minsi %mul3A_649, %min3A_650 : i32
    %lt3A_652 = arith.constant 782 : i32
    %lt3A_653 = arith.cmpi slt, %add3A_647, %lt3A_652 : i32
    %convert_element_type3A_654 = arith.extui %lt3A_653 : i1 to i32
    %cond3A_655 = arith.constant 0 : i32
    %cond3A_656 = arith.cmpi ne, %convert_element_type3A_654, %cond3A_655 : i32
    scf.if %cond3A_656 {
      %dma_wait3A = arith.constant 3 : i32
      %dma_wait3A_1326 = arith.constant 3 : i32
      %dma_wait3A_1327 = arith.constant 0 : i32
      %dma_wait3A_1328 = arith.constant 0 : i32
      %dma_wait3A_1329 = tpu.memref_slice %arg6[%dma_wait3A_1326, %dma_wait3A_1327, %dma_wait3A_1328] : memref<7x128x128xf32, #tpu.memory_space<vmem>> -> memref<1x128x128xf32, #tpu.memory_space<vmem>>
      %dma_wait3A_1330 = tpu.memref_squeeze %dma_wait3A_1329 : memref<1x128x128xf32, #tpu.memory_space<vmem>> -> memref<128x128xf32, #tpu.memory_space<vmem>>
      %dma_wait3A_1331 = arith.constant 0 : i32
      %dma_wait3A_1332 = tpu.memref_slice %arg5[%dma_wait3A, %dma_wait3A_1331] : memref<25x128xi32, #tpu.memory_space<vmem>> -> memref<1x128xi32, #tpu.memory_space<vmem>>
      %dma_wait3A_1333 = tpu.memref_squeeze %dma_wait3A_1332 : memref<1x128xi32, #tpu.memory_space<vmem>> -> memref<128xi32, #tpu.memory_space<vmem>>
      %dma_wait3A_1334 = arith.constant 0 : i32
      %dma_wait3A_1335 = arith.constant 0 : i32
      %dma_wait3A_1336 = tpu.memref_slice %arg7[%dma_wait3A_1334, %dma_wait3A_1335] : memref<28x128xf32, #tpu.memory_space<vmem_shared>> -> memref<28x128xf32, #tpu.memory_space<vmem_shared>>
      tpu.wait_indirect_dma semaphore(%arg11 : memref<!tpu.dma_semaphore, #tpu.memory_space<semaphore_mem>>) src(%dma_wait3A_1336 : memref<28x128xf32, #tpu.memory_space<vmem_shared>>) dst(%dma_wait3A_1330 : memref<128x128xf32, #tpu.memory_space<vmem>>)
      %dma_start3A = arith.constant 3 : i32
      %dma_start3A_1337 = arith.constant 0 : i32
      %dma_start3A_1338 = arith.constant 0 : i32
      %dma_start3A_1339 = tpu.memref_slice %arg6[%dma_start3A, %dma_start3A_1337, %dma_start3A_1338] : memref<7x128x128xf32, #tpu.memory_space<vmem>> -> memref<1x128x128xf32, #tpu.memory_space<vmem>>
      %dma_start3A_1340 = tpu.memref_squeeze %dma_start3A_1339 : memref<1x128x128xf32, #tpu.memory_space<vmem>> -> memref<128x128xf32, #tpu.memory_space<vmem>>
      %dma_start3A_1341 = arith.constant 0 : i32
      %dma_start3A_1342 = tpu.memref_slice %arg4[%min3A_651, %dma_start3A_1341] : memref<100000x128xf32, #tpu.memory_space<hbm>> -> memref<128x128xf32, #tpu.memory_space<hbm>>
      %dma_start3A_1343 = arith.constant 0 : i32
      %dma_start3A_1344 = tpu.memref_slice %arg4[%min3A_651, %dma_start3A_1343] : memref<100000x128xf32, #tpu.memory_space<hbm>> -> memref<128x128xf32, #tpu.memory_space<hbm>>
      %dma_start3A_1345 = arith.constant 0 : i32
      %dma_start3A_1346 = arith.constant 0 : i32
      %dma_start3A_1347 = tpu.memref_slice %arg6[%dma_start3A, %dma_start3A_1345, %dma_start3A_1346] : memref<7x128x128xf32, #tpu.memory_space<vmem>> -> memref<1x128x128xf32, #tpu.memory_space<vmem>>
      %dma_start3A_1348 = tpu.memref_squeeze %dma_start3A_1347 : memref<1x128x128xf32, #tpu.memory_space<vmem>> -> memref<128x128xf32, #tpu.memory_space<vmem>>
      tpu.enqueue_dma source(%dma_start3A_1348 : memref<128x128xf32, #tpu.memory_space<vmem>>) target(%dma_start3A_1344 : memref<128x128xf32, #tpu.memory_space<hbm>>) target_semaphore(%arg18 : memref<!tpu.dma_semaphore, #tpu.memory_space<semaphore_mem>>)
    } else {
    }
    %mul3A_657 = arith.constant 25 : i32
    %mul3A_658 = arith.muli %add3A, %mul3A_657 : i32
    %add3A_659 = arith.constant 6 : i32
    %add3A_660 = arith.addi %mul3A_658, %add3A_659 : i32
    %lt3A_661 = arith.constant 782 : i32
    %lt3A_662 = arith.cmpi slt, %add3A_660, %lt3A_661 : i32
    %convert_element_type3A_663 = arith.extui %lt3A_662 : i1 to i32
    %cond3A_664 = arith.constant 0 : i32
    %cond3A_665 = arith.cmpi ne, %convert_element_type3A_663, %cond3A_664 : i32
    scf.if %cond3A_665 {
      %dma_start3A = arith.constant 6 : i32
      %dma_start3A_1326 = arith.constant 6 : i32
      %dma_start3A_1327 = arith.constant 0 : i32
      %dma_start3A_1328 = arith.constant 0 : i32
      %dma_start3A_1329 = tpu.memref_slice %arg6[%dma_start3A_1326, %dma_start3A_1327, %dma_start3A_1328] : memref<7x128x128xf32, #tpu.memory_space<vmem>> -> memref<1x128x128xf32, #tpu.memory_space<vmem>>
      %dma_start3A_1330 = tpu.memref_squeeze %dma_start3A_1329 : memref<1x128x128xf32, #tpu.memory_space<vmem>> -> memref<128x128xf32, #tpu.memory_space<vmem>>
      %dma_start3A_1331 = arith.constant 0 : i32
      %dma_start3A_1332 = tpu.memref_slice %arg5[%dma_start3A, %dma_start3A_1331] : memref<25x128xi32, #tpu.memory_space<vmem>> -> memref<1x128xi32, #tpu.memory_space<vmem>>
      %dma_start3A_1333 = tpu.memref_squeeze %dma_start3A_1332 : memref<1x128xi32, #tpu.memory_space<vmem>> -> memref<128xi32, #tpu.memory_space<vmem>>
      %dma_start3A_1334 = arith.constant 0 : i32
      %dma_start3A_1335 = arith.constant 0 : i32
      %dma_start3A_1336 = tpu.memref_slice %arg7[%dma_start3A_1334, %dma_start3A_1335] : memref<28x128xf32, #tpu.memory_space<vmem_shared>> -> memref<28x128xf32, #tpu.memory_space<vmem_shared>>
      tpu.enqueue_indirect_dma source(%dma_start3A_1336 : memref<28x128xf32, #tpu.memory_space<vmem_shared>>) target(%dma_start3A_1330 : memref<128x128xf32, #tpu.memory_space<vmem>>) offsets(%dma_start3A_1333 : memref<128xi32, #tpu.memory_space<vmem>>) semaphore(%arg14 : memref<!tpu.dma_semaphore, #tpu.memory_space<semaphore_mem>>)
    } else {
    }
    %mul3A_666 = arith.constant 25 : i32
    %mul3A_667 = arith.muli %add3A, %mul3A_666 : i32
    %add3A_668 = arith.constant 4 : i32
    %add3A_669 = arith.addi %mul3A_667, %add3A_668 : i32
    %mul3A_670 = arith.constant 128 : i32
    %mul3A_671 = arith.muli %add3A_669, %mul3A_670 : i32
    %min3A_672 = arith.constant 99872 : i32
    %min3A_673 = arith.minsi %mul3A_671, %min3A_672 : i32
    %lt3A_674 = arith.constant 782 : i32
    %lt3A_675 = arith.cmpi slt, %add3A_669, %lt3A_674 : i32
    %convert_element_type3A_676 = arith.extui %lt3A_675 : i1 to i32
    %cond3A_677 = arith.constant 0 : i32
    %cond3A_678 = arith.cmpi ne, %convert_element_type3A_676, %cond3A_677 : i32
    scf.if %cond3A_678 {
      %dma_wait3A = arith.constant 4 : i32
      %dma_wait3A_1326 = arith.constant 4 : i32
      %dma_wait3A_1327 = arith.constant 0 : i32
      %dma_wait3A_1328 = arith.constant 0 : i32
      %dma_wait3A_1329 = tpu.memref_slice %arg6[%dma_wait3A_1326, %dma_wait3A_1327, %dma_wait3A_1328] : memref<7x128x128xf32, #tpu.memory_space<vmem>> -> memref<1x128x128xf32, #tpu.memory_space<vmem>>
      %dma_wait3A_1330 = tpu.memref_squeeze %dma_wait3A_1329 : memref<1x128x128xf32, #tpu.memory_space<vmem>> -> memref<128x128xf32, #tpu.memory_space<vmem>>
      %dma_wait3A_1331 = arith.constant 0 : i32
      %dma_wait3A_1332 = tpu.memref_slice %arg5[%dma_wait3A, %dma_wait3A_1331] : memref<25x128xi32, #tpu.memory_space<vmem>> -> memref<1x128xi32, #tpu.memory_space<vmem>>
      %dma_wait3A_1333 = tpu.memref_squeeze %dma_wait3A_1332 : memref<1x128xi32, #tpu.memory_space<vmem>> -> memref<128xi32, #tpu.memory_space<vmem>>
      %dma_wait3A_1334 = arith.constant 0 : i32
      %dma_wait3A_1335 = arith.constant 0 : i32
      %dma_wait3A_1336 = tpu.memref_slice %arg7[%dma_wait3A_1334, %dma_wait3A_1335] : memref<28x128xf32, #tpu.memory_space<vmem_shared>> -> memref<28x128xf32, #tpu.memory_space<vmem_shared>>
      tpu.wait_indirect_dma semaphore(%arg12 : memref<!tpu.dma_semaphore, #tpu.memory_space<semaphore_mem>>) src(%dma_wait3A_1336 : memref<28x128xf32, #tpu.memory_space<vmem_shared>>) dst(%dma_wait3A_1330 : memref<128x128xf32, #tpu.memory_space<vmem>>)
      %dma_start3A = arith.constant 4 : i32
      %dma_start3A_1337 = arith.constant 0 : i32
      %dma_start3A_1338 = arith.constant 0 : i32
      %dma_start3A_1339 = tpu.memref_slice %arg6[%dma_start3A, %dma_start3A_1337, %dma_start3A_1338] : memref<7x128x128xf32, #tpu.memory_space<vmem>> -> memref<1x128x128xf32, #tpu.memory_space<vmem>>
      %dma_start3A_1340 = tpu.memref_squeeze %dma_start3A_1339 : memref<1x128x128xf32, #tpu.memory_space<vmem>> -> memref<128x128xf32, #tpu.memory_space<vmem>>
      %dma_start3A_1341 = arith.constant 0 : i32
      %dma_start3A_1342 = tpu.memref_slice %arg4[%min3A_673, %dma_start3A_1341] : memref<100000x128xf32, #tpu.memory_space<hbm>> -> memref<128x128xf32, #tpu.memory_space<hbm>>
      %dma_start3A_1343 = arith.constant 0 : i32
      %dma_start3A_1344 = tpu.memref_slice %arg4[%min3A_673, %dma_start3A_1343] : memref<100000x128xf32, #tpu.memory_space<hbm>> -> memref<128x128xf32, #tpu.memory_space<hbm>>
      %dma_start3A_1345 = arith.constant 0 : i32
      %dma_start3A_1346 = arith.constant 0 : i32
      %dma_start3A_1347 = tpu.memref_slice %arg6[%dma_start3A, %dma_start3A_1345, %dma_start3A_1346] : memref<7x128x128xf32, #tpu.memory_space<vmem>> -> memref<1x128x128xf32, #tpu.memory_space<vmem>>
      %dma_start3A_1348 = tpu.memref_squeeze %dma_start3A_1347 : memref<1x128x128xf32, #tpu.memory_space<vmem>> -> memref<128x128xf32, #tpu.memory_space<vmem>>
      tpu.enqueue_dma source(%dma_start3A_1348 : memref<128x128xf32, #tpu.memory_space<vmem>>) target(%dma_start3A_1344 : memref<128x128xf32, #tpu.memory_space<hbm>>) target_semaphore(%arg19 : memref<!tpu.dma_semaphore, #tpu.memory_space<semaphore_mem>>)
    } else {
    }
    %mul3A_679 = arith.constant 25 : i32
    %mul3A_680 = arith.muli %add3A, %mul3A_679 : i32
    %add3A_681 = arith.constant 7 : i32
    %add3A_682 = arith.addi %mul3A_680, %add3A_681 : i32
    %mul3A_683 = arith.constant 25 : i32
    %mul3A_684 = arith.muli %add3A, %mul3A_683 : i32
    %add3A_685 = arith.constant 0 : i32
    %add3A_686 = arith.addi %mul3A_684, %add3A_685 : i32
    %lt3A_687 = arith.constant 782 : i32
    %lt3A_688 = arith.cmpi slt, %add3A_686, %lt3A_687 : i32
    %convert_element_type3A_689 = arith.extui %lt3A_688 : i1 to i32
    %cond3A_690 = arith.constant 0 : i32
    %cond3A_691 = arith.cmpi ne, %convert_element_type3A_689, %cond3A_690 : i32
    scf.if %cond3A_691 {
      %dma_wait3A = arith.constant 0 : i32
      %dma_wait3A_1326 = arith.constant 0 : i32
      %dma_wait3A_1327 = arith.constant 0 : i32
      %dma_wait3A_1328 = tpu.memref_slice %arg6[%dma_wait3A, %dma_wait3A_1326, %dma_wait3A_1327] : memref<7x128x128xf32, #tpu.memory_space<vmem>> -> memref<1x128x128xf32, #tpu.memory_space<vmem>>
      %dma_wait3A_1329 = tpu.memref_squeeze %dma_wait3A_1328 : memref<1x128x128xf32, #tpu.memory_space<vmem>> -> memref<128x128xf32, #tpu.memory_space<vmem>>
      %dma_wait3A_1330 = arith.constant 0 : i32
      %dma_wait3A_1331 = arith.constant 0 : i32
      %dma_wait3A_1332 = tpu.memref_slice %arg4[%dma_wait3A_1330, %dma_wait3A_1331] : memref<100000x128xf32, #tpu.memory_space<hbm>> -> memref<128x128xf32, #tpu.memory_space<hbm>>
      %dma_wait3A_1333 = arith.constant 0 : i32
      %dma_wait3A_1334 = arith.constant 0 : i32
      %dma_wait3A_1335 = tpu.memref_slice %arg4[%dma_wait3A_1333, %dma_wait3A_1334] : memref<100000x128xf32, #tpu.memory_space<hbm>> -> memref<128x128xf32, #tpu.memory_space<hbm>>
      %dma_wait3A_1336 = arith.constant 0 : i32
      %dma_wait3A_1337 = arith.constant 0 : i32
      %dma_wait3A_1338 = tpu.memref_slice %arg6[%dma_wait3A, %dma_wait3A_1336, %dma_wait3A_1337] : memref<7x128x128xf32, #tpu.memory_space<vmem>> -> memref<1x128x128xf32, #tpu.memory_space<vmem>>
      %dma_wait3A_1339 = tpu.memref_squeeze %dma_wait3A_1338 : memref<1x128x128xf32, #tpu.memory_space<vmem>> -> memref<128x128xf32, #tpu.memory_space<vmem>>
      tpu.wait_dma2 semaphore(%arg15 : memref<!tpu.dma_semaphore, #tpu.memory_space<semaphore_mem>>) src(%dma_wait3A_1339 : memref<128x128xf32, #tpu.memory_space<vmem>>) dst(%dma_wait3A_1335 : memref<128x128xf32, #tpu.memory_space<hbm>>)
    } else {
    }
    %lt3A_692 = arith.constant 782 : i32
    %lt3A_693 = arith.cmpi slt, %add3A_682, %lt3A_692 : i32
    %convert_element_type3A_694 = arith.extui %lt3A_693 : i1 to i32
    %cond3A_695 = arith.constant 0 : i32
    %cond3A_696 = arith.cmpi ne, %convert_element_type3A_694, %cond3A_695 : i32
    scf.if %cond3A_696 {
      %dma_start3A = arith.constant 7 : i32
      %dma_start3A_1326 = arith.constant 0 : i32
      %dma_start3A_1327 = arith.constant 0 : i32
      %dma_start3A_1328 = arith.constant 0 : i32
      %dma_start3A_1329 = tpu.memref_slice %arg6[%dma_start3A_1326, %dma_start3A_1327, %dma_start3A_1328] : memref<7x128x128xf32, #tpu.memory_space<vmem>> -> memref<1x128x128xf32, #tpu.memory_space<vmem>>
      %dma_start3A_1330 = tpu.memref_squeeze %dma_start3A_1329 : memref<1x128x128xf32, #tpu.memory_space<vmem>> -> memref<128x128xf32, #tpu.memory_space<vmem>>
      %dma_start3A_1331 = arith.constant 0 : i32
      %dma_start3A_1332 = tpu.memref_slice %arg5[%dma_start3A, %dma_start3A_1331] : memref<25x128xi32, #tpu.memory_space<vmem>> -> memref<1x128xi32, #tpu.memory_space<vmem>>
      %dma_start3A_1333 = tpu.memref_squeeze %dma_start3A_1332 : memref<1x128xi32, #tpu.memory_space<vmem>> -> memref<128xi32, #tpu.memory_space<vmem>>
      %dma_start3A_1334 = arith.constant 0 : i32
      %dma_start3A_1335 = arith.constant 0 : i32
      %dma_start3A_1336 = tpu.memref_slice %arg7[%dma_start3A_1334, %dma_start3A_1335] : memref<28x128xf32, #tpu.memory_space<vmem_shared>> -> memref<28x128xf32, #tpu.memory_space<vmem_shared>>
      tpu.enqueue_indirect_dma source(%dma_start3A_1336 : memref<28x128xf32, #tpu.memory_space<vmem_shared>>) target(%dma_start3A_1330 : memref<128x128xf32, #tpu.memory_space<vmem>>) offsets(%dma_start3A_1333 : memref<128xi32, #tpu.memory_space<vmem>>) semaphore(%arg8 : memref<!tpu.dma_semaphore, #tpu.memory_space<semaphore_mem>>)
    } else {
    }
    %mul3A_697 = arith.constant 25 : i32
    %mul3A_698 = arith.muli %add3A, %mul3A_697 : i32
    %add3A_699 = arith.constant 5 : i32
    %add3A_700 = arith.addi %mul3A_698, %add3A_699 : i32
    %mul3A_701 = arith.constant 128 : i32
    %mul3A_702 = arith.muli %add3A_700, %mul3A_701 : i32
    %min3A_703 = arith.constant 99872 : i32
    %min3A_704 = arith.minsi %mul3A_702, %min3A_703 : i32
    %lt3A_705 = arith.constant 782 : i32
    %lt3A_706 = arith.cmpi slt, %add3A_700, %lt3A_705 : i32
    %convert_element_type3A_707 = arith.extui %lt3A_706 : i1 to i32
    %cond3A_708 = arith.constant 0 : i32
    %cond3A_709 = arith.cmpi ne, %convert_element_type3A_707, %cond3A_708 : i32
    scf.if %cond3A_709 {
      %dma_wait3A = arith.constant 5 : i32
      %dma_wait3A_1326 = arith.constant 5 : i32
      %dma_wait3A_1327 = arith.constant 0 : i32
      %dma_wait3A_1328 = arith.constant 0 : i32
      %dma_wait3A_1329 = tpu.memref_slice %arg6[%dma_wait3A_1326, %dma_wait3A_1327, %dma_wait3A_1328] : memref<7x128x128xf32, #tpu.memory_space<vmem>> -> memref<1x128x128xf32, #tpu.memory_space<vmem>>
      %dma_wait3A_1330 = tpu.memref_squeeze %dma_wait3A_1329 : memref<1x128x128xf32, #tpu.memory_space<vmem>> -> memref<128x128xf32, #tpu.memory_space<vmem>>
      %dma_wait3A_1331 = arith.constant 0 : i32
      %dma_wait3A_1332 = tpu.memref_slice %arg5[%dma_wait3A, %dma_wait3A_1331] : memref<25x128xi32, #tpu.memory_space<vmem>> -> memref<1x128xi32, #tpu.memory_space<vmem>>
      %dma_wait3A_1333 = tpu.memref_squeeze %dma_wait3A_1332 : memref<1x128xi32, #tpu.memory_space<vmem>> -> memref<128xi32, #tpu.memory_space<vmem>>
      %dma_wait3A_1334 = arith.constant 0 : i32
      %dma_wait3A_1335 = arith.constant 0 : i32
      %dma_wait3A_1336 = tpu.memref_slice %arg7[%dma_wait3A_1334, %dma_wait3A_1335] : memref<28x128xf32, #tpu.memory_space<vmem_shared>> -> memref<28x128xf32, #tpu.memory_space<vmem_shared>>
      tpu.wait_indirect_dma semaphore(%arg13 : memref<!tpu.dma_semaphore, #tpu.memory_space<semaphore_mem>>) src(%dma_wait3A_1336 : memref<28x128xf32, #tpu.memory_space<vmem_shared>>) dst(%dma_wait3A_1330 : memref<128x128xf32, #tpu.memory_space<vmem>>)
      %dma_start3A = arith.constant 5 : i32
      %dma_start3A_1337 = arith.constant 0 : i32
      %dma_start3A_1338 = arith.constant 0 : i32
      %dma_start3A_1339 = tpu.memref_slice %arg6[%dma_start3A, %dma_start3A_1337, %dma_start3A_1338] : memref<7x128x128xf32, #tpu.memory_space<vmem>> -> memref<1x128x128xf32, #tpu.memory_space<vmem>>
      %dma_start3A_1340 = tpu.memref_squeeze %dma_start3A_1339 : memref<1x128x128xf32, #tpu.memory_space<vmem>> -> memref<128x128xf32, #tpu.memory_space<vmem>>
      %dma_start3A_1341 = arith.constant 0 : i32
      %dma_start3A_1342 = tpu.memref_slice %arg4[%min3A_704, %dma_start3A_1341] : memref<100000x128xf32, #tpu.memory_space<hbm>> -> memref<128x128xf32, #tpu.memory_space<hbm>>
      %dma_start3A_1343 = arith.constant 0 : i32
      %dma_start3A_1344 = tpu.memref_slice %arg4[%min3A_704, %dma_start3A_1343] : memref<100000x128xf32, #tpu.memory_space<hbm>> -> memref<128x128xf32, #tpu.memory_space<hbm>>
      %dma_start3A_1345 = arith.constant 0 : i32
      %dma_start3A_1346 = arith.constant 0 : i32
      %dma_start3A_1347 = tpu.memref_slice %arg6[%dma_start3A, %dma_start3A_1345, %dma_start3A_1346] : memref<7x128x128xf32, #tpu.memory_space<vmem>> -> memref<1x128x128xf32, #tpu.memory_space<vmem>>
      %dma_start3A_1348 = tpu.memref_squeeze %dma_start3A_1347 : memref<1x128x128xf32, #tpu.memory_space<vmem>> -> memref<128x128xf32, #tpu.memory_space<vmem>>
      tpu.enqueue_dma source(%dma_start3A_1348 : memref<128x128xf32, #tpu.memory_space<vmem>>) target(%dma_start3A_1344 : memref<128x128xf32, #tpu.memory_space<hbm>>) target_semaphore(%arg20 : memref<!tpu.dma_semaphore, #tpu.memory_space<semaphore_mem>>)
    } else {
    }
    %mul3A_710 = arith.constant 25 : i32
    %mul3A_711 = arith.muli %add3A, %mul3A_710 : i32
    %add3A_712 = arith.constant 8 : i32
    %add3A_713 = arith.addi %mul3A_711, %add3A_712 : i32
    %mul3A_714 = arith.constant 25 : i32
    %mul3A_715 = arith.muli %add3A, %mul3A_714 : i32
    %add3A_716 = arith.constant 1 : i32
    %add3A_717 = arith.addi %mul3A_715, %add3A_716 : i32
    %lt3A_718 = arith.constant 782 : i32
    %lt3A_719 = arith.cmpi slt, %add3A_717, %lt3A_718 : i32
    %convert_element_type3A_720 = arith.extui %lt3A_719 : i1 to i32
    %cond3A_721 = arith.constant 0 : i32
    %cond3A_722 = arith.cmpi ne, %convert_element_type3A_720, %cond3A_721 : i32
    scf.if %cond3A_722 {
      %dma_wait3A = arith.constant 1 : i32
      %dma_wait3A_1326 = arith.constant 0 : i32
      %dma_wait3A_1327 = arith.constant 0 : i32
      %dma_wait3A_1328 = tpu.memref_slice %arg6[%dma_wait3A, %dma_wait3A_1326, %dma_wait3A_1327] : memref<7x128x128xf32, #tpu.memory_space<vmem>> -> memref<1x128x128xf32, #tpu.memory_space<vmem>>
      %dma_wait3A_1329 = tpu.memref_squeeze %dma_wait3A_1328 : memref<1x128x128xf32, #tpu.memory_space<vmem>> -> memref<128x128xf32, #tpu.memory_space<vmem>>
      %dma_wait3A_1330 = arith.constant 0 : i32
      %dma_wait3A_1331 = arith.constant 0 : i32
      %dma_wait3A_1332 = tpu.memref_slice %arg4[%dma_wait3A_1330, %dma_wait3A_1331] : memref<100000x128xf32, #tpu.memory_space<hbm>> -> memref<128x128xf32, #tpu.memory_space<hbm>>
      %dma_wait3A_1333 = arith.constant 0 : i32
      %dma_wait3A_1334 = arith.constant 0 : i32
      %dma_wait3A_1335 = tpu.memref_slice %arg4[%dma_wait3A_1333, %dma_wait3A_1334] : memref<100000x128xf32, #tpu.memory_space<hbm>> -> memref<128x128xf32, #tpu.memory_space<hbm>>
      %dma_wait3A_1336 = arith.constant 0 : i32
      %dma_wait3A_1337 = arith.constant 0 : i32
      %dma_wait3A_1338 = tpu.memref_slice %arg6[%dma_wait3A, %dma_wait3A_1336, %dma_wait3A_1337] : memref<7x128x128xf32, #tpu.memory_space<vmem>> -> memref<1x128x128xf32, #tpu.memory_space<vmem>>
      %dma_wait3A_1339 = tpu.memref_squeeze %dma_wait3A_1338 : memref<1x128x128xf32, #tpu.memory_space<vmem>> -> memref<128x128xf32, #tpu.memory_space<vmem>>
      tpu.wait_dma2 semaphore(%arg16 : memref<!tpu.dma_semaphore, #tpu.memory_space<semaphore_mem>>) src(%dma_wait3A_1339 : memref<128x128xf32, #tpu.memory_space<vmem>>) dst(%dma_wait3A_1335 : memref<128x128xf32, #tpu.memory_space<hbm>>)
    } else {
    }
    %lt3A_723 = arith.constant 782 : i32
    %lt3A_724 = arith.cmpi slt, %add3A_713, %lt3A_723 : i32
    %convert_element_type3A_725 = arith.extui %lt3A_724 : i1 to i32
    %cond3A_726 = arith.constant 0 : i32
    %cond3A_727 = arith.cmpi ne, %convert_element_type3A_725, %cond3A_726 : i32
    scf.if %cond3A_727 {
      %dma_start3A = arith.constant 8 : i32
      %dma_start3A_1326 = arith.constant 1 : i32
      %dma_start3A_1327 = arith.constant 0 : i32
      %dma_start3A_1328 = arith.constant 0 : i32
      %dma_start3A_1329 = tpu.memref_slice %arg6[%dma_start3A_1326, %dma_start3A_1327, %dma_start3A_1328] : memref<7x128x128xf32, #tpu.memory_space<vmem>> -> memref<1x128x128xf32, #tpu.memory_space<vmem>>
      %dma_start3A_1330 = tpu.memref_squeeze %dma_start3A_1329 : memref<1x128x128xf32, #tpu.memory_space<vmem>> -> memref<128x128xf32, #tpu.memory_space<vmem>>
      %dma_start3A_1331 = arith.constant 0 : i32
      %dma_start3A_1332 = tpu.memref_slice %arg5[%dma_start3A, %dma_start3A_1331] : memref<25x128xi32, #tpu.memory_space<vmem>> -> memref<1x128xi32, #tpu.memory_space<vmem>>
      %dma_start3A_1333 = tpu.memref_squeeze %dma_start3A_1332 : memref<1x128xi32, #tpu.memory_space<vmem>> -> memref<128xi32, #tpu.memory_space<vmem>>
      %dma_start3A_1334 = arith.constant 0 : i32
      %dma_start3A_1335 = arith.constant 0 : i32
      %dma_start3A_1336 = tpu.memref_slice %arg7[%dma_start3A_1334, %dma_start3A_1335] : memref<28x128xf32, #tpu.memory_space<vmem_shared>> -> memref<28x128xf32, #tpu.memory_space<vmem_shared>>
      tpu.enqueue_indirect_dma source(%dma_start3A_1336 : memref<28x128xf32, #tpu.memory_space<vmem_shared>>) target(%dma_start3A_1330 : memref<128x128xf32, #tpu.memory_space<vmem>>) offsets(%dma_start3A_1333 : memref<128xi32, #tpu.memory_space<vmem>>) semaphore(%arg9 : memref<!tpu.dma_semaphore, #tpu.memory_space<semaphore_mem>>)
    } else {
    }
    %mul3A_728 = arith.constant 25 : i32
    %mul3A_729 = arith.muli %add3A, %mul3A_728 : i32
    %add3A_730 = arith.constant 6 : i32
    %add3A_731 = arith.addi %mul3A_729, %add3A_730 : i32
    %mul3A_732 = arith.constant 128 : i32
    %mul3A_733 = arith.muli %add3A_731, %mul3A_732 : i32
    %min3A_734 = arith.constant 99872 : i32
    %min3A_735 = arith.minsi %mul3A_733, %min3A_734 : i32
    %lt3A_736 = arith.constant 782 : i32
    %lt3A_737 = arith.cmpi slt, %add3A_731, %lt3A_736 : i32
    %convert_element_type3A_738 = arith.extui %lt3A_737 : i1 to i32
    %cond3A_739 = arith.constant 0 : i32
    %cond3A_740 = arith.cmpi ne, %convert_element_type3A_738, %cond3A_739 : i32
    scf.if %cond3A_740 {
      %dma_wait3A = arith.constant 6 : i32
      %dma_wait3A_1326 = arith.constant 6 : i32
      %dma_wait3A_1327 = arith.constant 0 : i32
      %dma_wait3A_1328 = arith.constant 0 : i32
      %dma_wait3A_1329 = tpu.memref_slice %arg6[%dma_wait3A_1326, %dma_wait3A_1327, %dma_wait3A_1328] : memref<7x128x128xf32, #tpu.memory_space<vmem>> -> memref<1x128x128xf32, #tpu.memory_space<vmem>>
      %dma_wait3A_1330 = tpu.memref_squeeze %dma_wait3A_1329 : memref<1x128x128xf32, #tpu.memory_space<vmem>> -> memref<128x128xf32, #tpu.memory_space<vmem>>
      %dma_wait3A_1331 = arith.constant 0 : i32
      %dma_wait3A_1332 = tpu.memref_slice %arg5[%dma_wait3A, %dma_wait3A_1331] : memref<25x128xi32, #tpu.memory_space<vmem>> -> memref<1x128xi32, #tpu.memory_space<vmem>>
      %dma_wait3A_1333 = tpu.memref_squeeze %dma_wait3A_1332 : memref<1x128xi32, #tpu.memory_space<vmem>> -> memref<128xi32, #tpu.memory_space<vmem>>
      %dma_wait3A_1334 = arith.constant 0 : i32
      %dma_wait3A_1335 = arith.constant 0 : i32
      %dma_wait3A_1336 = tpu.memref_slice %arg7[%dma_wait3A_1334, %dma_wait3A_1335] : memref<28x128xf32, #tpu.memory_space<vmem_shared>> -> memref<28x128xf32, #tpu.memory_space<vmem_shared>>
      tpu.wait_indirect_dma semaphore(%arg14 : memref<!tpu.dma_semaphore, #tpu.memory_space<semaphore_mem>>) src(%dma_wait3A_1336 : memref<28x128xf32, #tpu.memory_space<vmem_shared>>) dst(%dma_wait3A_1330 : memref<128x128xf32, #tpu.memory_space<vmem>>)
      %dma_start3A = arith.constant 6 : i32
      %dma_start3A_1337 = arith.constant 0 : i32
      %dma_start3A_1338 = arith.constant 0 : i32
      %dma_start3A_1339 = tpu.memref_slice %arg6[%dma_start3A, %dma_start3A_1337, %dma_start3A_1338] : memref<7x128x128xf32, #tpu.memory_space<vmem>> -> memref<1x128x128xf32, #tpu.memory_space<vmem>>
      %dma_start3A_1340 = tpu.memref_squeeze %dma_start3A_1339 : memref<1x128x128xf32, #tpu.memory_space<vmem>> -> memref<128x128xf32, #tpu.memory_space<vmem>>
      %dma_start3A_1341 = arith.constant 0 : i32
      %dma_start3A_1342 = tpu.memref_slice %arg4[%min3A_735, %dma_start3A_1341] : memref<100000x128xf32, #tpu.memory_space<hbm>> -> memref<128x128xf32, #tpu.memory_space<hbm>>
      %dma_start3A_1343 = arith.constant 0 : i32
      %dma_start3A_1344 = tpu.memref_slice %arg4[%min3A_735, %dma_start3A_1343] : memref<100000x128xf32, #tpu.memory_space<hbm>> -> memref<128x128xf32, #tpu.memory_space<hbm>>
      %dma_start3A_1345 = arith.constant 0 : i32
      %dma_start3A_1346 = arith.constant 0 : i32
      %dma_start3A_1347 = tpu.memref_slice %arg6[%dma_start3A, %dma_start3A_1345, %dma_start3A_1346] : memref<7x128x128xf32, #tpu.memory_space<vmem>> -> memref<1x128x128xf32, #tpu.memory_space<vmem>>
      %dma_start3A_1348 = tpu.memref_squeeze %dma_start3A_1347 : memref<1x128x128xf32, #tpu.memory_space<vmem>> -> memref<128x128xf32, #tpu.memory_space<vmem>>
      tpu.enqueue_dma source(%dma_start3A_1348 : memref<128x128xf32, #tpu.memory_space<vmem>>) target(%dma_start3A_1344 : memref<128x128xf32, #tpu.memory_space<hbm>>) target_semaphore(%arg21 : memref<!tpu.dma_semaphore, #tpu.memory_space<semaphore_mem>>)
    } else {
    }
    %mul3A_741 = arith.constant 25 : i32
    %mul3A_742 = arith.muli %add3A, %mul3A_741 : i32
    %add3A_743 = arith.constant 9 : i32
    %add3A_744 = arith.addi %mul3A_742, %add3A_743 : i32
    %mul3A_745 = arith.constant 25 : i32
    %mul3A_746 = arith.muli %add3A, %mul3A_745 : i32
    %add3A_747 = arith.constant 2 : i32
    %add3A_748 = arith.addi %mul3A_746, %add3A_747 : i32
    %lt3A_749 = arith.constant 782 : i32
    %lt3A_750 = arith.cmpi slt, %add3A_748, %lt3A_749 : i32
    %convert_element_type3A_751 = arith.extui %lt3A_750 : i1 to i32
    %cond3A_752 = arith.constant 0 : i32
    %cond3A_753 = arith.cmpi ne, %convert_element_type3A_751, %cond3A_752 : i32
    scf.if %cond3A_753 {
      %dma_wait3A = arith.constant 2 : i32
      %dma_wait3A_1326 = arith.constant 0 : i32
      %dma_wait3A_1327 = arith.constant 0 : i32
      %dma_wait3A_1328 = tpu.memref_slice %arg6[%dma_wait3A, %dma_wait3A_1326, %dma_wait3A_1327] : memref<7x128x128xf32, #tpu.memory_space<vmem>> -> memref<1x128x128xf32, #tpu.memory_space<vmem>>
      %dma_wait3A_1329 = tpu.memref_squeeze %dma_wait3A_1328 : memref<1x128x128xf32, #tpu.memory_space<vmem>> -> memref<128x128xf32, #tpu.memory_space<vmem>>
      %dma_wait3A_1330 = arith.constant 0 : i32
      %dma_wait3A_1331 = arith.constant 0 : i32
      %dma_wait3A_1332 = tpu.memref_slice %arg4[%dma_wait3A_1330, %dma_wait3A_1331] : memref<100000x128xf32, #tpu.memory_space<hbm>> -> memref<128x128xf32, #tpu.memory_space<hbm>>
      %dma_wait3A_1333 = arith.constant 0 : i32
      %dma_wait3A_1334 = arith.constant 0 : i32
      %dma_wait3A_1335 = tpu.memref_slice %arg4[%dma_wait3A_1333, %dma_wait3A_1334] : memref<100000x128xf32, #tpu.memory_space<hbm>> -> memref<128x128xf32, #tpu.memory_space<hbm>>
      %dma_wait3A_1336 = arith.constant 0 : i32
      %dma_wait3A_1337 = arith.constant 0 : i32
      %dma_wait3A_1338 = tpu.memref_slice %arg6[%dma_wait3A, %dma_wait3A_1336, %dma_wait3A_1337] : memref<7x128x128xf32, #tpu.memory_space<vmem>> -> memref<1x128x128xf32, #tpu.memory_space<vmem>>
      %dma_wait3A_1339 = tpu.memref_squeeze %dma_wait3A_1338 : memref<1x128x128xf32, #tpu.memory_space<vmem>> -> memref<128x128xf32, #tpu.memory_space<vmem>>
      tpu.wait_dma2 semaphore(%arg17 : memref<!tpu.dma_semaphore, #tpu.memory_space<semaphore_mem>>) src(%dma_wait3A_1339 : memref<128x128xf32, #tpu.memory_space<vmem>>) dst(%dma_wait3A_1335 : memref<128x128xf32, #tpu.memory_space<hbm>>)
    } else {
    }
    %lt3A_754 = arith.constant 782 : i32
    %lt3A_755 = arith.cmpi slt, %add3A_744, %lt3A_754 : i32
    %convert_element_type3A_756 = arith.extui %lt3A_755 : i1 to i32
    %cond3A_757 = arith.constant 0 : i32
    %cond3A_758 = arith.cmpi ne, %convert_element_type3A_756, %cond3A_757 : i32
    scf.if %cond3A_758 {
      %dma_start3A = arith.constant 9 : i32
      %dma_start3A_1326 = arith.constant 2 : i32
      %dma_start3A_1327 = arith.constant 0 : i32
      %dma_start3A_1328 = arith.constant 0 : i32
      %dma_start3A_1329 = tpu.memref_slice %arg6[%dma_start3A_1326, %dma_start3A_1327, %dma_start3A_1328] : memref<7x128x128xf32, #tpu.memory_space<vmem>> -> memref<1x128x128xf32, #tpu.memory_space<vmem>>
      %dma_start3A_1330 = tpu.memref_squeeze %dma_start3A_1329 : memref<1x128x128xf32, #tpu.memory_space<vmem>> -> memref<128x128xf32, #tpu.memory_space<vmem>>
      %dma_start3A_1331 = arith.constant 0 : i32
      %dma_start3A_1332 = tpu.memref_slice %arg5[%dma_start3A, %dma_start3A_1331] : memref<25x128xi32, #tpu.memory_space<vmem>> -> memref<1x128xi32, #tpu.memory_space<vmem>>
      %dma_start3A_1333 = tpu.memref_squeeze %dma_start3A_1332 : memref<1x128xi32, #tpu.memory_space<vmem>> -> memref<128xi32, #tpu.memory_space<vmem>>
      %dma_start3A_1334 = arith.constant 0 : i32
      %dma_start3A_1335 = arith.constant 0 : i32
      %dma_start3A_1336 = tpu.memref_slice %arg7[%dma_start3A_1334, %dma_start3A_1335] : memref<28x128xf32, #tpu.memory_space<vmem_shared>> -> memref<28x128xf32, #tpu.memory_space<vmem_shared>>
      tpu.enqueue_indirect_dma source(%dma_start3A_1336 : memref<28x128xf32, #tpu.memory_space<vmem_shared>>) target(%dma_start3A_1330 : memref<128x128xf32, #tpu.memory_space<vmem>>) offsets(%dma_start3A_1333 : memref<128xi32, #tpu.memory_space<vmem>>) semaphore(%arg10 : memref<!tpu.dma_semaphore, #tpu.memory_space<semaphore_mem>>)
    } else {
    }
    %mul3A_759 = arith.constant 25 : i32
    %mul3A_760 = arith.muli %add3A, %mul3A_759 : i32
    %add3A_761 = arith.constant 7 : i32
    %add3A_762 = arith.addi %mul3A_760, %add3A_761 : i32
    %mul3A_763 = arith.constant 128 : i32
    %mul3A_764 = arith.muli %add3A_762, %mul3A_763 : i32
    %min3A_765 = arith.constant 99872 : i32
    %min3A_766 = arith.minsi %mul3A_764, %min3A_765 : i32
    %lt3A_767 = arith.constant 782 : i32
    %lt3A_768 = arith.cmpi slt, %add3A_762, %lt3A_767 : i32
    %convert_element_type3A_769 = arith.extui %lt3A_768 : i1 to i32
    %cond3A_770 = arith.constant 0 : i32
    %cond3A_771 = arith.cmpi ne, %convert_element_type3A_769, %cond3A_770 : i32
    scf.if %cond3A_771 {
      %dma_wait3A = arith.constant 7 : i32
      %dma_wait3A_1326 = arith.constant 0 : i32
      %dma_wait3A_1327 = arith.constant 0 : i32
      %dma_wait3A_1328 = arith.constant 0 : i32
      %dma_wait3A_1329 = tpu.memref_slice %arg6[%dma_wait3A_1326, %dma_wait3A_1327, %dma_wait3A_1328] : memref<7x128x128xf32, #tpu.memory_space<vmem>> -> memref<1x128x128xf32, #tpu.memory_space<vmem>>
      %dma_wait3A_1330 = tpu.memref_squeeze %dma_wait3A_1329 : memref<1x128x128xf32, #tpu.memory_space<vmem>> -> memref<128x128xf32, #tpu.memory_space<vmem>>
      %dma_wait3A_1331 = arith.constant 0 : i32
      %dma_wait3A_1332 = tpu.memref_slice %arg5[%dma_wait3A, %dma_wait3A_1331] : memref<25x128xi32, #tpu.memory_space<vmem>> -> memref<1x128xi32, #tpu.memory_space<vmem>>
      %dma_wait3A_1333 = tpu.memref_squeeze %dma_wait3A_1332 : memref<1x128xi32, #tpu.memory_space<vmem>> -> memref<128xi32, #tpu.memory_space<vmem>>
      %dma_wait3A_1334 = arith.constant 0 : i32
      %dma_wait3A_1335 = arith.constant 0 : i32
      %dma_wait3A_1336 = tpu.memref_slice %arg7[%dma_wait3A_1334, %dma_wait3A_1335] : memref<28x128xf32, #tpu.memory_space<vmem_shared>> -> memref<28x128xf32, #tpu.memory_space<vmem_shared>>
      tpu.wait_indirect_dma semaphore(%arg8 : memref<!tpu.dma_semaphore, #tpu.memory_space<semaphore_mem>>) src(%dma_wait3A_1336 : memref<28x128xf32, #tpu.memory_space<vmem_shared>>) dst(%dma_wait3A_1330 : memref<128x128xf32, #tpu.memory_space<vmem>>)
      %dma_start3A = arith.constant 0 : i32
      %dma_start3A_1337 = arith.constant 0 : i32
      %dma_start3A_1338 = arith.constant 0 : i32
      %dma_start3A_1339 = tpu.memref_slice %arg6[%dma_start3A, %dma_start3A_1337, %dma_start3A_1338] : memref<7x128x128xf32, #tpu.memory_space<vmem>> -> memref<1x128x128xf32, #tpu.memory_space<vmem>>
      %dma_start3A_1340 = tpu.memref_squeeze %dma_start3A_1339 : memref<1x128x128xf32, #tpu.memory_space<vmem>> -> memref<128x128xf32, #tpu.memory_space<vmem>>
      %dma_start3A_1341 = arith.constant 0 : i32
      %dma_start3A_1342 = tpu.memref_slice %arg4[%min3A_766, %dma_start3A_1341] : memref<100000x128xf32, #tpu.memory_space<hbm>> -> memref<128x128xf32, #tpu.memory_space<hbm>>
      %dma_start3A_1343 = arith.constant 0 : i32
      %dma_start3A_1344 = tpu.memref_slice %arg4[%min3A_766, %dma_start3A_1343] : memref<100000x128xf32, #tpu.memory_space<hbm>> -> memref<128x128xf32, #tpu.memory_space<hbm>>
      %dma_start3A_1345 = arith.constant 0 : i32
      %dma_start3A_1346 = arith.constant 0 : i32
      %dma_start3A_1347 = tpu.memref_slice %arg6[%dma_start3A, %dma_start3A_1345, %dma_start3A_1346] : memref<7x128x128xf32, #tpu.memory_space<vmem>> -> memref<1x128x128xf32, #tpu.memory_space<vmem>>
      %dma_start3A_1348 = tpu.memref_squeeze %dma_start3A_1347 : memref<1x128x128xf32, #tpu.memory_space<vmem>> -> memref<128x128xf32, #tpu.memory_space<vmem>>
      tpu.enqueue_dma source(%dma_start3A_1348 : memref<128x128xf32, #tpu.memory_space<vmem>>) target(%dma_start3A_1344 : memref<128x128xf32, #tpu.memory_space<hbm>>) target_semaphore(%arg15 : memref<!tpu.dma_semaphore, #tpu.memory_space<semaphore_mem>>)
    } else {
    }
    %mul3A_772 = arith.constant 25 : i32
    %mul3A_773 = arith.muli %add3A, %mul3A_772 : i32
    %add3A_774 = arith.constant 10 : i32
    %add3A_775 = arith.addi %mul3A_773, %add3A_774 : i32
    %mul3A_776 = arith.constant 25 : i32
    %mul3A_777 = arith.muli %add3A, %mul3A_776 : i32
    %add3A_778 = arith.constant 3 : i32
    %add3A_779 = arith.addi %mul3A_777, %add3A_778 : i32
    %lt3A_780 = arith.constant 782 : i32
    %lt3A_781 = arith.cmpi slt, %add3A_779, %lt3A_780 : i32
    %convert_element_type3A_782 = arith.extui %lt3A_781 : i1 to i32
    %cond3A_783 = arith.constant 0 : i32
    %cond3A_784 = arith.cmpi ne, %convert_element_type3A_782, %cond3A_783 : i32
    scf.if %cond3A_784 {
      %dma_wait3A = arith.constant 3 : i32
      %dma_wait3A_1326 = arith.constant 0 : i32
      %dma_wait3A_1327 = arith.constant 0 : i32
      %dma_wait3A_1328 = tpu.memref_slice %arg6[%dma_wait3A, %dma_wait3A_1326, %dma_wait3A_1327] : memref<7x128x128xf32, #tpu.memory_space<vmem>> -> memref<1x128x128xf32, #tpu.memory_space<vmem>>
      %dma_wait3A_1329 = tpu.memref_squeeze %dma_wait3A_1328 : memref<1x128x128xf32, #tpu.memory_space<vmem>> -> memref<128x128xf32, #tpu.memory_space<vmem>>
      %dma_wait3A_1330 = arith.constant 0 : i32
      %dma_wait3A_1331 = arith.constant 0 : i32
      %dma_wait3A_1332 = tpu.memref_slice %arg4[%dma_wait3A_1330, %dma_wait3A_1331] : memref<100000x128xf32, #tpu.memory_space<hbm>> -> memref<128x128xf32, #tpu.memory_space<hbm>>
      %dma_wait3A_1333 = arith.constant 0 : i32
      %dma_wait3A_1334 = arith.constant 0 : i32
      %dma_wait3A_1335 = tpu.memref_slice %arg4[%dma_wait3A_1333, %dma_wait3A_1334] : memref<100000x128xf32, #tpu.memory_space<hbm>> -> memref<128x128xf32, #tpu.memory_space<hbm>>
      %dma_wait3A_1336 = arith.constant 0 : i32
      %dma_wait3A_1337 = arith.constant 0 : i32
      %dma_wait3A_1338 = tpu.memref_slice %arg6[%dma_wait3A, %dma_wait3A_1336, %dma_wait3A_1337] : memref<7x128x128xf32, #tpu.memory_space<vmem>> -> memref<1x128x128xf32, #tpu.memory_space<vmem>>
      %dma_wait3A_1339 = tpu.memref_squeeze %dma_wait3A_1338 : memref<1x128x128xf32, #tpu.memory_space<vmem>> -> memref<128x128xf32, #tpu.memory_space<vmem>>
      tpu.wait_dma2 semaphore(%arg18 : memref<!tpu.dma_semaphore, #tpu.memory_space<semaphore_mem>>) src(%dma_wait3A_1339 : memref<128x128xf32, #tpu.memory_space<vmem>>) dst(%dma_wait3A_1335 : memref<128x128xf32, #tpu.memory_space<hbm>>)
    } else {
    }
    %lt3A_785 = arith.constant 782 : i32
    %lt3A_786 = arith.cmpi slt, %add3A_775, %lt3A_785 : i32
    %convert_element_type3A_787 = arith.extui %lt3A_786 : i1 to i32
    %cond3A_788 = arith.constant 0 : i32
    %cond3A_789 = arith.cmpi ne, %convert_element_type3A_787, %cond3A_788 : i32
    scf.if %cond3A_789 {
      %dma_start3A = arith.constant 10 : i32
      %dma_start3A_1326 = arith.constant 3 : i32
      %dma_start3A_1327 = arith.constant 0 : i32
      %dma_start3A_1328 = arith.constant 0 : i32
      %dma_start3A_1329 = tpu.memref_slice %arg6[%dma_start3A_1326, %dma_start3A_1327, %dma_start3A_1328] : memref<7x128x128xf32, #tpu.memory_space<vmem>> -> memref<1x128x128xf32, #tpu.memory_space<vmem>>
      %dma_start3A_1330 = tpu.memref_squeeze %dma_start3A_1329 : memref<1x128x128xf32, #tpu.memory_space<vmem>> -> memref<128x128xf32, #tpu.memory_space<vmem>>
      %dma_start3A_1331 = arith.constant 0 : i32
      %dma_start3A_1332 = tpu.memref_slice %arg5[%dma_start3A, %dma_start3A_1331] : memref<25x128xi32, #tpu.memory_space<vmem>> -> memref<1x128xi32, #tpu.memory_space<vmem>>
      %dma_start3A_1333 = tpu.memref_squeeze %dma_start3A_1332 : memref<1x128xi32, #tpu.memory_space<vmem>> -> memref<128xi32, #tpu.memory_space<vmem>>
      %dma_start3A_1334 = arith.constant 0 : i32
      %dma_start3A_1335 = arith.constant 0 : i32
      %dma_start3A_1336 = tpu.memref_slice %arg7[%dma_start3A_1334, %dma_start3A_1335] : memref<28x128xf32, #tpu.memory_space<vmem_shared>> -> memref<28x128xf32, #tpu.memory_space<vmem_shared>>
      tpu.enqueue_indirect_dma source(%dma_start3A_1336 : memref<28x128xf32, #tpu.memory_space<vmem_shared>>) target(%dma_start3A_1330 : memref<128x128xf32, #tpu.memory_space<vmem>>) offsets(%dma_start3A_1333 : memref<128xi32, #tpu.memory_space<vmem>>) semaphore(%arg11 : memref<!tpu.dma_semaphore, #tpu.memory_space<semaphore_mem>>)
    } else {
    }
    %mul3A_790 = arith.constant 25 : i32
    %mul3A_791 = arith.muli %add3A, %mul3A_790 : i32
    %add3A_792 = arith.constant 8 : i32
    %add3A_793 = arith.addi %mul3A_791, %add3A_792 : i32
    %mul3A_794 = arith.constant 128 : i32
    %mul3A_795 = arith.muli %add3A_793, %mul3A_794 : i32
    %min3A_796 = arith.constant 99872 : i32
    %min3A_797 = arith.minsi %mul3A_795, %min3A_796 : i32
    %lt3A_798 = arith.constant 782 : i32
    %lt3A_799 = arith.cmpi slt, %add3A_793, %lt3A_798 : i32
    %convert_element_type3A_800 = arith.extui %lt3A_799 : i1 to i32
    %cond3A_801 = arith.constant 0 : i32
    %cond3A_802 = arith.cmpi ne, %convert_element_type3A_800, %cond3A_801 : i32
    scf.if %cond3A_802 {
      %dma_wait3A = arith.constant 8 : i32
      %dma_wait3A_1326 = arith.constant 1 : i32
      %dma_wait3A_1327 = arith.constant 0 : i32
      %dma_wait3A_1328 = arith.constant 0 : i32
      %dma_wait3A_1329 = tpu.memref_slice %arg6[%dma_wait3A_1326, %dma_wait3A_1327, %dma_wait3A_1328] : memref<7x128x128xf32, #tpu.memory_space<vmem>> -> memref<1x128x128xf32, #tpu.memory_space<vmem>>
      %dma_wait3A_1330 = tpu.memref_squeeze %dma_wait3A_1329 : memref<1x128x128xf32, #tpu.memory_space<vmem>> -> memref<128x128xf32, #tpu.memory_space<vmem>>
      %dma_wait3A_1331 = arith.constant 0 : i32
      %dma_wait3A_1332 = tpu.memref_slice %arg5[%dma_wait3A, %dma_wait3A_1331] : memref<25x128xi32, #tpu.memory_space<vmem>> -> memref<1x128xi32, #tpu.memory_space<vmem>>
      %dma_wait3A_1333 = tpu.memref_squeeze %dma_wait3A_1332 : memref<1x128xi32, #tpu.memory_space<vmem>> -> memref<128xi32, #tpu.memory_space<vmem>>
      %dma_wait3A_1334 = arith.constant 0 : i32
      %dma_wait3A_1335 = arith.constant 0 : i32
      %dma_wait3A_1336 = tpu.memref_slice %arg7[%dma_wait3A_1334, %dma_wait3A_1335] : memref<28x128xf32, #tpu.memory_space<vmem_shared>> -> memref<28x128xf32, #tpu.memory_space<vmem_shared>>
      tpu.wait_indirect_dma semaphore(%arg9 : memref<!tpu.dma_semaphore, #tpu.memory_space<semaphore_mem>>) src(%dma_wait3A_1336 : memref<28x128xf32, #tpu.memory_space<vmem_shared>>) dst(%dma_wait3A_1330 : memref<128x128xf32, #tpu.memory_space<vmem>>)
      %dma_start3A = arith.constant 1 : i32
      %dma_start3A_1337 = arith.constant 0 : i32
      %dma_start3A_1338 = arith.constant 0 : i32
      %dma_start3A_1339 = tpu.memref_slice %arg6[%dma_start3A, %dma_start3A_1337, %dma_start3A_1338] : memref<7x128x128xf32, #tpu.memory_space<vmem>> -> memref<1x128x128xf32, #tpu.memory_space<vmem>>
      %dma_start3A_1340 = tpu.memref_squeeze %dma_start3A_1339 : memref<1x128x128xf32, #tpu.memory_space<vmem>> -> memref<128x128xf32, #tpu.memory_space<vmem>>
      %dma_start3A_1341 = arith.constant 0 : i32
      %dma_start3A_1342 = tpu.memref_slice %arg4[%min3A_797, %dma_start3A_1341] : memref<100000x128xf32, #tpu.memory_space<hbm>> -> memref<128x128xf32, #tpu.memory_space<hbm>>
      %dma_start3A_1343 = arith.constant 0 : i32
      %dma_start3A_1344 = tpu.memref_slice %arg4[%min3A_797, %dma_start3A_1343] : memref<100000x128xf32, #tpu.memory_space<hbm>> -> memref<128x128xf32, #tpu.memory_space<hbm>>
      %dma_start3A_1345 = arith.constant 0 : i32
      %dma_start3A_1346 = arith.constant 0 : i32
      %dma_start3A_1347 = tpu.memref_slice %arg6[%dma_start3A, %dma_start3A_1345, %dma_start3A_1346] : memref<7x128x128xf32, #tpu.memory_space<vmem>> -> memref<1x128x128xf32, #tpu.memory_space<vmem>>
      %dma_start3A_1348 = tpu.memref_squeeze %dma_start3A_1347 : memref<1x128x128xf32, #tpu.memory_space<vmem>> -> memref<128x128xf32, #tpu.memory_space<vmem>>
      tpu.enqueue_dma source(%dma_start3A_1348 : memref<128x128xf32, #tpu.memory_space<vmem>>) target(%dma_start3A_1344 : memref<128x128xf32, #tpu.memory_space<hbm>>) target_semaphore(%arg16 : memref<!tpu.dma_semaphore, #tpu.memory_space<semaphore_mem>>)
    } else {
    }
    %mul3A_803 = arith.constant 25 : i32
    %mul3A_804 = arith.muli %add3A, %mul3A_803 : i32
    %add3A_805 = arith.constant 11 : i32
    %add3A_806 = arith.addi %mul3A_804, %add3A_805 : i32
    %mul3A_807 = arith.constant 25 : i32
    %mul3A_808 = arith.muli %add3A, %mul3A_807 : i32
    %add3A_809 = arith.constant 4 : i32
    %add3A_810 = arith.addi %mul3A_808, %add3A_809 : i32
    %lt3A_811 = arith.constant 782 : i32
    %lt3A_812 = arith.cmpi slt, %add3A_810, %lt3A_811 : i32
    %convert_element_type3A_813 = arith.extui %lt3A_812 : i1 to i32
    %cond3A_814 = arith.constant 0 : i32
    %cond3A_815 = arith.cmpi ne, %convert_element_type3A_813, %cond3A_814 : i32
    scf.if %cond3A_815 {
      %dma_wait3A = arith.constant 4 : i32
      %dma_wait3A_1326 = arith.constant 0 : i32
      %dma_wait3A_1327 = arith.constant 0 : i32
      %dma_wait3A_1328 = tpu.memref_slice %arg6[%dma_wait3A, %dma_wait3A_1326, %dma_wait3A_1327] : memref<7x128x128xf32, #tpu.memory_space<vmem>> -> memref<1x128x128xf32, #tpu.memory_space<vmem>>
      %dma_wait3A_1329 = tpu.memref_squeeze %dma_wait3A_1328 : memref<1x128x128xf32, #tpu.memory_space<vmem>> -> memref<128x128xf32, #tpu.memory_space<vmem>>
      %dma_wait3A_1330 = arith.constant 0 : i32
      %dma_wait3A_1331 = arith.constant 0 : i32
      %dma_wait3A_1332 = tpu.memref_slice %arg4[%dma_wait3A_1330, %dma_wait3A_1331] : memref<100000x128xf32, #tpu.memory_space<hbm>> -> memref<128x128xf32, #tpu.memory_space<hbm>>
      %dma_wait3A_1333 = arith.constant 0 : i32
      %dma_wait3A_1334 = arith.constant 0 : i32
      %dma_wait3A_1335 = tpu.memref_slice %arg4[%dma_wait3A_1333, %dma_wait3A_1334] : memref<100000x128xf32, #tpu.memory_space<hbm>> -> memref<128x128xf32, #tpu.memory_space<hbm>>
      %dma_wait3A_1336 = arith.constant 0 : i32
      %dma_wait3A_1337 = arith.constant 0 : i32
      %dma_wait3A_1338 = tpu.memref_slice %arg6[%dma_wait3A, %dma_wait3A_1336, %dma_wait3A_1337] : memref<7x128x128xf32, #tpu.memory_space<vmem>> -> memref<1x128x128xf32, #tpu.memory_space<vmem>>
      %dma_wait3A_1339 = tpu.memref_squeeze %dma_wait3A_1338 : memref<1x128x128xf32, #tpu.memory_space<vmem>> -> memref<128x128xf32, #tpu.memory_space<vmem>>
      tpu.wait_dma2 semaphore(%arg19 : memref<!tpu.dma_semaphore, #tpu.memory_space<semaphore_mem>>) src(%dma_wait3A_1339 : memref<128x128xf32, #tpu.memory_space<vmem>>) dst(%dma_wait3A_1335 : memref<128x128xf32, #tpu.memory_space<hbm>>)
    } else {
    }
    %lt3A_816 = arith.constant 782 : i32
    %lt3A_817 = arith.cmpi slt, %add3A_806, %lt3A_816 : i32
    %convert_element_type3A_818 = arith.extui %lt3A_817 : i1 to i32
    %cond3A_819 = arith.constant 0 : i32
    %cond3A_820 = arith.cmpi ne, %convert_element_type3A_818, %cond3A_819 : i32
    scf.if %cond3A_820 {
      %dma_start3A = arith.constant 11 : i32
      %dma_start3A_1326 = arith.constant 4 : i32
      %dma_start3A_1327 = arith.constant 0 : i32
      %dma_start3A_1328 = arith.constant 0 : i32
      %dma_start3A_1329 = tpu.memref_slice %arg6[%dma_start3A_1326, %dma_start3A_1327, %dma_start3A_1328] : memref<7x128x128xf32, #tpu.memory_space<vmem>> -> memref<1x128x128xf32, #tpu.memory_space<vmem>>
      %dma_start3A_1330 = tpu.memref_squeeze %dma_start3A_1329 : memref<1x128x128xf32, #tpu.memory_space<vmem>> -> memref<128x128xf32, #tpu.memory_space<vmem>>
      %dma_start3A_1331 = arith.constant 0 : i32
      %dma_start3A_1332 = tpu.memref_slice %arg5[%dma_start3A, %dma_start3A_1331] : memref<25x128xi32, #tpu.memory_space<vmem>> -> memref<1x128xi32, #tpu.memory_space<vmem>>
      %dma_start3A_1333 = tpu.memref_squeeze %dma_start3A_1332 : memref<1x128xi32, #tpu.memory_space<vmem>> -> memref<128xi32, #tpu.memory_space<vmem>>
      %dma_start3A_1334 = arith.constant 0 : i32
      %dma_start3A_1335 = arith.constant 0 : i32
      %dma_start3A_1336 = tpu.memref_slice %arg7[%dma_start3A_1334, %dma_start3A_1335] : memref<28x128xf32, #tpu.memory_space<vmem_shared>> -> memref<28x128xf32, #tpu.memory_space<vmem_shared>>
      tpu.enqueue_indirect_dma source(%dma_start3A_1336 : memref<28x128xf32, #tpu.memory_space<vmem_shared>>) target(%dma_start3A_1330 : memref<128x128xf32, #tpu.memory_space<vmem>>) offsets(%dma_start3A_1333 : memref<128xi32, #tpu.memory_space<vmem>>) semaphore(%arg12 : memref<!tpu.dma_semaphore, #tpu.memory_space<semaphore_mem>>)
    } else {
    }
    %mul3A_821 = arith.constant 25 : i32
    %mul3A_822 = arith.muli %add3A, %mul3A_821 : i32
    %add3A_823 = arith.constant 9 : i32
    %add3A_824 = arith.addi %mul3A_822, %add3A_823 : i32
    %mul3A_825 = arith.constant 128 : i32
    %mul3A_826 = arith.muli %add3A_824, %mul3A_825 : i32
    %min3A_827 = arith.constant 99872 : i32
    %min3A_828 = arith.minsi %mul3A_826, %min3A_827 : i32
    %lt3A_829 = arith.constant 782 : i32
    %lt3A_830 = arith.cmpi slt, %add3A_824, %lt3A_829 : i32
    %convert_element_type3A_831 = arith.extui %lt3A_830 : i1 to i32
    %cond3A_832 = arith.constant 0 : i32
    %cond3A_833 = arith.cmpi ne, %convert_element_type3A_831, %cond3A_832 : i32
    scf.if %cond3A_833 {
      %dma_wait3A = arith.constant 9 : i32
      %dma_wait3A_1326 = arith.constant 2 : i32
      %dma_wait3A_1327 = arith.constant 0 : i32
      %dma_wait3A_1328 = arith.constant 0 : i32
      %dma_wait3A_1329 = tpu.memref_slice %arg6[%dma_wait3A_1326, %dma_wait3A_1327, %dma_wait3A_1328] : memref<7x128x128xf32, #tpu.memory_space<vmem>> -> memref<1x128x128xf32, #tpu.memory_space<vmem>>
      %dma_wait3A_1330 = tpu.memref_squeeze %dma_wait3A_1329 : memref<1x128x128xf32, #tpu.memory_space<vmem>> -> memref<128x128xf32, #tpu.memory_space<vmem>>
      %dma_wait3A_1331 = arith.constant 0 : i32
      %dma_wait3A_1332 = tpu.memref_slice %arg5[%dma_wait3A, %dma_wait3A_1331] : memref<25x128xi32, #tpu.memory_space<vmem>> -> memref<1x128xi32, #tpu.memory_space<vmem>>
      %dma_wait3A_1333 = tpu.memref_squeeze %dma_wait3A_1332 : memref<1x128xi32, #tpu.memory_space<vmem>> -> memref<128xi32, #tpu.memory_space<vmem>>
      %dma_wait3A_1334 = arith.constant 0 : i32
      %dma_wait3A_1335 = arith.constant 0 : i32
      %dma_wait3A_1336 = tpu.memref_slice %arg7[%dma_wait3A_1334, %dma_wait3A_1335] : memref<28x128xf32, #tpu.memory_space<vmem_shared>> -> memref<28x128xf32, #tpu.memory_space<vmem_shared>>
      tpu.wait_indirect_dma semaphore(%arg10 : memref<!tpu.dma_semaphore, #tpu.memory_space<semaphore_mem>>) src(%dma_wait3A_1336 : memref<28x128xf32, #tpu.memory_space<vmem_shared>>) dst(%dma_wait3A_1330 : memref<128x128xf32, #tpu.memory_space<vmem>>)
      %dma_start3A = arith.constant 2 : i32
      %dma_start3A_1337 = arith.constant 0 : i32
      %dma_start3A_1338 = arith.constant 0 : i32
      %dma_start3A_1339 = tpu.memref_slice %arg6[%dma_start3A, %dma_start3A_1337, %dma_start3A_1338] : memref<7x128x128xf32, #tpu.memory_space<vmem>> -> memref<1x128x128xf32, #tpu.memory_space<vmem>>
      %dma_start3A_1340 = tpu.memref_squeeze %dma_start3A_1339 : memref<1x128x128xf32, #tpu.memory_space<vmem>> -> memref<128x128xf32, #tpu.memory_space<vmem>>
      %dma_start3A_1341 = arith.constant 0 : i32
      %dma_start3A_1342 = tpu.memref_slice %arg4[%min3A_828, %dma_start3A_1341] : memref<100000x128xf32, #tpu.memory_space<hbm>> -> memref<128x128xf32, #tpu.memory_space<hbm>>
      %dma_start3A_1343 = arith.constant 0 : i32
      %dma_start3A_1344 = tpu.memref_slice %arg4[%min3A_828, %dma_start3A_1343] : memref<100000x128xf32, #tpu.memory_space<hbm>> -> memref<128x128xf32, #tpu.memory_space<hbm>>
      %dma_start3A_1345 = arith.constant 0 : i32
      %dma_start3A_1346 = arith.constant 0 : i32
      %dma_start3A_1347 = tpu.memref_slice %arg6[%dma_start3A, %dma_start3A_1345, %dma_start3A_1346] : memref<7x128x128xf32, #tpu.memory_space<vmem>> -> memref<1x128x128xf32, #tpu.memory_space<vmem>>
      %dma_start3A_1348 = tpu.memref_squeeze %dma_start3A_1347 : memref<1x128x128xf32, #tpu.memory_space<vmem>> -> memref<128x128xf32, #tpu.memory_space<vmem>>
      tpu.enqueue_dma source(%dma_start3A_1348 : memref<128x128xf32, #tpu.memory_space<vmem>>) target(%dma_start3A_1344 : memref<128x128xf32, #tpu.memory_space<hbm>>) target_semaphore(%arg17 : memref<!tpu.dma_semaphore, #tpu.memory_space<semaphore_mem>>)
    } else {
    }
    %mul3A_834 = arith.constant 25 : i32
    %mul3A_835 = arith.muli %add3A, %mul3A_834 : i32
    %add3A_836 = arith.constant 12 : i32
    %add3A_837 = arith.addi %mul3A_835, %add3A_836 : i32
    %mul3A_838 = arith.constant 25 : i32
    %mul3A_839 = arith.muli %add3A, %mul3A_838 : i32
    %add3A_840 = arith.constant 5 : i32
    %add3A_841 = arith.addi %mul3A_839, %add3A_840 : i32
    %lt3A_842 = arith.constant 782 : i32
    %lt3A_843 = arith.cmpi slt, %add3A_841, %lt3A_842 : i32
    %convert_element_type3A_844 = arith.extui %lt3A_843 : i1 to i32
    %cond3A_845 = arith.constant 0 : i32
    %cond3A_846 = arith.cmpi ne, %convert_element_type3A_844, %cond3A_845 : i32
    scf.if %cond3A_846 {
      %dma_wait3A = arith.constant 5 : i32
      %dma_wait3A_1326 = arith.constant 0 : i32
      %dma_wait3A_1327 = arith.constant 0 : i32
      %dma_wait3A_1328 = tpu.memref_slice %arg6[%dma_wait3A, %dma_wait3A_1326, %dma_wait3A_1327] : memref<7x128x128xf32, #tpu.memory_space<vmem>> -> memref<1x128x128xf32, #tpu.memory_space<vmem>>
      %dma_wait3A_1329 = tpu.memref_squeeze %dma_wait3A_1328 : memref<1x128x128xf32, #tpu.memory_space<vmem>> -> memref<128x128xf32, #tpu.memory_space<vmem>>
      %dma_wait3A_1330 = arith.constant 0 : i32
      %dma_wait3A_1331 = arith.constant 0 : i32
      %dma_wait3A_1332 = tpu.memref_slice %arg4[%dma_wait3A_1330, %dma_wait3A_1331] : memref<100000x128xf32, #tpu.memory_space<hbm>> -> memref<128x128xf32, #tpu.memory_space<hbm>>
      %dma_wait3A_1333 = arith.constant 0 : i32
      %dma_wait3A_1334 = arith.constant 0 : i32
      %dma_wait3A_1335 = tpu.memref_slice %arg4[%dma_wait3A_1333, %dma_wait3A_1334] : memref<100000x128xf32, #tpu.memory_space<hbm>> -> memref<128x128xf32, #tpu.memory_space<hbm>>
      %dma_wait3A_1336 = arith.constant 0 : i32
      %dma_wait3A_1337 = arith.constant 0 : i32
      %dma_wait3A_1338 = tpu.memref_slice %arg6[%dma_wait3A, %dma_wait3A_1336, %dma_wait3A_1337] : memref<7x128x128xf32, #tpu.memory_space<vmem>> -> memref<1x128x128xf32, #tpu.memory_space<vmem>>
      %dma_wait3A_1339 = tpu.memref_squeeze %dma_wait3A_1338 : memref<1x128x128xf32, #tpu.memory_space<vmem>> -> memref<128x128xf32, #tpu.memory_space<vmem>>
      tpu.wait_dma2 semaphore(%arg20 : memref<!tpu.dma_semaphore, #tpu.memory_space<semaphore_mem>>) src(%dma_wait3A_1339 : memref<128x128xf32, #tpu.memory_space<vmem>>) dst(%dma_wait3A_1335 : memref<128x128xf32, #tpu.memory_space<hbm>>)
    } else {
    }
    %lt3A_847 = arith.constant 782 : i32
    %lt3A_848 = arith.cmpi slt, %add3A_837, %lt3A_847 : i32
    %convert_element_type3A_849 = arith.extui %lt3A_848 : i1 to i32
    %cond3A_850 = arith.constant 0 : i32
    %cond3A_851 = arith.cmpi ne, %convert_element_type3A_849, %cond3A_850 : i32
    scf.if %cond3A_851 {
      %dma_start3A = arith.constant 12 : i32
      %dma_start3A_1326 = arith.constant 5 : i32
      %dma_start3A_1327 = arith.constant 0 : i32
      %dma_start3A_1328 = arith.constant 0 : i32
      %dma_start3A_1329 = tpu.memref_slice %arg6[%dma_start3A_1326, %dma_start3A_1327, %dma_start3A_1328] : memref<7x128x128xf32, #tpu.memory_space<vmem>> -> memref<1x128x128xf32, #tpu.memory_space<vmem>>
      %dma_start3A_1330 = tpu.memref_squeeze %dma_start3A_1329 : memref<1x128x128xf32, #tpu.memory_space<vmem>> -> memref<128x128xf32, #tpu.memory_space<vmem>>
      %dma_start3A_1331 = arith.constant 0 : i32
      %dma_start3A_1332 = tpu.memref_slice %arg5[%dma_start3A, %dma_start3A_1331] : memref<25x128xi32, #tpu.memory_space<vmem>> -> memref<1x128xi32, #tpu.memory_space<vmem>>
      %dma_start3A_1333 = tpu.memref_squeeze %dma_start3A_1332 : memref<1x128xi32, #tpu.memory_space<vmem>> -> memref<128xi32, #tpu.memory_space<vmem>>
      %dma_start3A_1334 = arith.constant 0 : i32
      %dma_start3A_1335 = arith.constant 0 : i32
      %dma_start3A_1336 = tpu.memref_slice %arg7[%dma_start3A_1334, %dma_start3A_1335] : memref<28x128xf32, #tpu.memory_space<vmem_shared>> -> memref<28x128xf32, #tpu.memory_space<vmem_shared>>
      tpu.enqueue_indirect_dma source(%dma_start3A_1336 : memref<28x128xf32, #tpu.memory_space<vmem_shared>>) target(%dma_start3A_1330 : memref<128x128xf32, #tpu.memory_space<vmem>>) offsets(%dma_start3A_1333 : memref<128xi32, #tpu.memory_space<vmem>>) semaphore(%arg13 : memref<!tpu.dma_semaphore, #tpu.memory_space<semaphore_mem>>)
    } else {
    }
    %mul3A_852 = arith.constant 25 : i32
    %mul3A_853 = arith.muli %add3A, %mul3A_852 : i32
    %add3A_854 = arith.constant 10 : i32
    %add3A_855 = arith.addi %mul3A_853, %add3A_854 : i32
    %mul3A_856 = arith.constant 128 : i32
    %mul3A_857 = arith.muli %add3A_855, %mul3A_856 : i32
    %min3A_858 = arith.constant 99872 : i32
    %min3A_859 = arith.minsi %mul3A_857, %min3A_858 : i32
    %lt3A_860 = arith.constant 782 : i32
    %lt3A_861 = arith.cmpi slt, %add3A_855, %lt3A_860 : i32
    %convert_element_type3A_862 = arith.extui %lt3A_861 : i1 to i32
    %cond3A_863 = arith.constant 0 : i32
    %cond3A_864 = arith.cmpi ne, %convert_element_type3A_862, %cond3A_863 : i32
    scf.if %cond3A_864 {
      %dma_wait3A = arith.constant 10 : i32
      %dma_wait3A_1326 = arith.constant 3 : i32
      %dma_wait3A_1327 = arith.constant 0 : i32
      %dma_wait3A_1328 = arith.constant 0 : i32
      %dma_wait3A_1329 = tpu.memref_slice %arg6[%dma_wait3A_1326, %dma_wait3A_1327, %dma_wait3A_1328] : memref<7x128x128xf32, #tpu.memory_space<vmem>> -> memref<1x128x128xf32, #tpu.memory_space<vmem>>
      %dma_wait3A_1330 = tpu.memref_squeeze %dma_wait3A_1329 : memref<1x128x128xf32, #tpu.memory_space<vmem>> -> memref<128x128xf32, #tpu.memory_space<vmem>>
      %dma_wait3A_1331 = arith.constant 0 : i32
      %dma_wait3A_1332 = tpu.memref_slice %arg5[%dma_wait3A, %dma_wait3A_1331] : memref<25x128xi32, #tpu.memory_space<vmem>> -> memref<1x128xi32, #tpu.memory_space<vmem>>
      %dma_wait3A_1333 = tpu.memref_squeeze %dma_wait3A_1332 : memref<1x128xi32, #tpu.memory_space<vmem>> -> memref<128xi32, #tpu.memory_space<vmem>>
      %dma_wait3A_1334 = arith.constant 0 : i32
      %dma_wait3A_1335 = arith.constant 0 : i32
      %dma_wait3A_1336 = tpu.memref_slice %arg7[%dma_wait3A_1334, %dma_wait3A_1335] : memref<28x128xf32, #tpu.memory_space<vmem_shared>> -> memref<28x128xf32, #tpu.memory_space<vmem_shared>>
      tpu.wait_indirect_dma semaphore(%arg11 : memref<!tpu.dma_semaphore, #tpu.memory_space<semaphore_mem>>) src(%dma_wait3A_1336 : memref<28x128xf32, #tpu.memory_space<vmem_shared>>) dst(%dma_wait3A_1330 : memref<128x128xf32, #tpu.memory_space<vmem>>)
      %dma_start3A = arith.constant 3 : i32
      %dma_start3A_1337 = arith.constant 0 : i32
      %dma_start3A_1338 = arith.constant 0 : i32
      %dma_start3A_1339 = tpu.memref_slice %arg6[%dma_start3A, %dma_start3A_1337, %dma_start3A_1338] : memref<7x128x128xf32, #tpu.memory_space<vmem>> -> memref<1x128x128xf32, #tpu.memory_space<vmem>>
      %dma_start3A_1340 = tpu.memref_squeeze %dma_start3A_1339 : memref<1x128x128xf32, #tpu.memory_space<vmem>> -> memref<128x128xf32, #tpu.memory_space<vmem>>
      %dma_start3A_1341 = arith.constant 0 : i32
      %dma_start3A_1342 = tpu.memref_slice %arg4[%min3A_859, %dma_start3A_1341] : memref<100000x128xf32, #tpu.memory_space<hbm>> -> memref<128x128xf32, #tpu.memory_space<hbm>>
      %dma_start3A_1343 = arith.constant 0 : i32
      %dma_start3A_1344 = tpu.memref_slice %arg4[%min3A_859, %dma_start3A_1343] : memref<100000x128xf32, #tpu.memory_space<hbm>> -> memref<128x128xf32, #tpu.memory_space<hbm>>
      %dma_start3A_1345 = arith.constant 0 : i32
      %dma_start3A_1346 = arith.constant 0 : i32
      %dma_start3A_1347 = tpu.memref_slice %arg6[%dma_start3A, %dma_start3A_1345, %dma_start3A_1346] : memref<7x128x128xf32, #tpu.memory_space<vmem>> -> memref<1x128x128xf32, #tpu.memory_space<vmem>>
      %dma_start3A_1348 = tpu.memref_squeeze %dma_start3A_1347 : memref<1x128x128xf32, #tpu.memory_space<vmem>> -> memref<128x128xf32, #tpu.memory_space<vmem>>
      tpu.enqueue_dma source(%dma_start3A_1348 : memref<128x128xf32, #tpu.memory_space<vmem>>) target(%dma_start3A_1344 : memref<128x128xf32, #tpu.memory_space<hbm>>) target_semaphore(%arg18 : memref<!tpu.dma_semaphore, #tpu.memory_space<semaphore_mem>>)
    } else {
    }
    %mul3A_865 = arith.constant 25 : i32
    %mul3A_866 = arith.muli %add3A, %mul3A_865 : i32
    %add3A_867 = arith.constant 13 : i32
    %add3A_868 = arith.addi %mul3A_866, %add3A_867 : i32
    %mul3A_869 = arith.constant 25 : i32
    %mul3A_870 = arith.muli %add3A, %mul3A_869 : i32
    %add3A_871 = arith.constant 6 : i32
    %add3A_872 = arith.addi %mul3A_870, %add3A_871 : i32
    %lt3A_873 = arith.constant 782 : i32
    %lt3A_874 = arith.cmpi slt, %add3A_872, %lt3A_873 : i32
    %convert_element_type3A_875 = arith.extui %lt3A_874 : i1 to i32
    %cond3A_876 = arith.constant 0 : i32
    %cond3A_877 = arith.cmpi ne, %convert_element_type3A_875, %cond3A_876 : i32
    scf.if %cond3A_877 {
      %dma_wait3A = arith.constant 6 : i32
      %dma_wait3A_1326 = arith.constant 0 : i32
      %dma_wait3A_1327 = arith.constant 0 : i32
      %dma_wait3A_1328 = tpu.memref_slice %arg6[%dma_wait3A, %dma_wait3A_1326, %dma_wait3A_1327] : memref<7x128x128xf32, #tpu.memory_space<vmem>> -> memref<1x128x128xf32, #tpu.memory_space<vmem>>
      %dma_wait3A_1329 = tpu.memref_squeeze %dma_wait3A_1328 : memref<1x128x128xf32, #tpu.memory_space<vmem>> -> memref<128x128xf32, #tpu.memory_space<vmem>>
      %dma_wait3A_1330 = arith.constant 0 : i32
      %dma_wait3A_1331 = arith.constant 0 : i32
      %dma_wait3A_1332 = tpu.memref_slice %arg4[%dma_wait3A_1330, %dma_wait3A_1331] : memref<100000x128xf32, #tpu.memory_space<hbm>> -> memref<128x128xf32, #tpu.memory_space<hbm>>
      %dma_wait3A_1333 = arith.constant 0 : i32
      %dma_wait3A_1334 = arith.constant 0 : i32
      %dma_wait3A_1335 = tpu.memref_slice %arg4[%dma_wait3A_1333, %dma_wait3A_1334] : memref<100000x128xf32, #tpu.memory_space<hbm>> -> memref<128x128xf32, #tpu.memory_space<hbm>>
      %dma_wait3A_1336 = arith.constant 0 : i32
      %dma_wait3A_1337 = arith.constant 0 : i32
      %dma_wait3A_1338 = tpu.memref_slice %arg6[%dma_wait3A, %dma_wait3A_1336, %dma_wait3A_1337] : memref<7x128x128xf32, #tpu.memory_space<vmem>> -> memref<1x128x128xf32, #tpu.memory_space<vmem>>
      %dma_wait3A_1339 = tpu.memref_squeeze %dma_wait3A_1338 : memref<1x128x128xf32, #tpu.memory_space<vmem>> -> memref<128x128xf32, #tpu.memory_space<vmem>>
      tpu.wait_dma2 semaphore(%arg21 : memref<!tpu.dma_semaphore, #tpu.memory_space<semaphore_mem>>) src(%dma_wait3A_1339 : memref<128x128xf32, #tpu.memory_space<vmem>>) dst(%dma_wait3A_1335 : memref<128x128xf32, #tpu.memory_space<hbm>>)
    } else {
    }
    %lt3A_878 = arith.constant 782 : i32
    %lt3A_879 = arith.cmpi slt, %add3A_868, %lt3A_878 : i32
    %convert_element_type3A_880 = arith.extui %lt3A_879 : i1 to i32
    %cond3A_881 = arith.constant 0 : i32
    %cond3A_882 = arith.cmpi ne, %convert_element_type3A_880, %cond3A_881 : i32
    scf.if %cond3A_882 {
      %dma_start3A = arith.constant 13 : i32
      %dma_start3A_1326 = arith.constant 6 : i32
      %dma_start3A_1327 = arith.constant 0 : i32
      %dma_start3A_1328 = arith.constant 0 : i32
      %dma_start3A_1329 = tpu.memref_slice %arg6[%dma_start3A_1326, %dma_start3A_1327, %dma_start3A_1328] : memref<7x128x128xf32, #tpu.memory_space<vmem>> -> memref<1x128x128xf32, #tpu.memory_space<vmem>>
      %dma_start3A_1330 = tpu.memref_squeeze %dma_start3A_1329 : memref<1x128x128xf32, #tpu.memory_space<vmem>> -> memref<128x128xf32, #tpu.memory_space<vmem>>
      %dma_start3A_1331 = arith.constant 0 : i32
      %dma_start3A_1332 = tpu.memref_slice %arg5[%dma_start3A, %dma_start3A_1331] : memref<25x128xi32, #tpu.memory_space<vmem>> -> memref<1x128xi32, #tpu.memory_space<vmem>>
      %dma_start3A_1333 = tpu.memref_squeeze %dma_start3A_1332 : memref<1x128xi32, #tpu.memory_space<vmem>> -> memref<128xi32, #tpu.memory_space<vmem>>
      %dma_start3A_1334 = arith.constant 0 : i32
      %dma_start3A_1335 = arith.constant 0 : i32
      %dma_start3A_1336 = tpu.memref_slice %arg7[%dma_start3A_1334, %dma_start3A_1335] : memref<28x128xf32, #tpu.memory_space<vmem_shared>> -> memref<28x128xf32, #tpu.memory_space<vmem_shared>>
      tpu.enqueue_indirect_dma source(%dma_start3A_1336 : memref<28x128xf32, #tpu.memory_space<vmem_shared>>) target(%dma_start3A_1330 : memref<128x128xf32, #tpu.memory_space<vmem>>) offsets(%dma_start3A_1333 : memref<128xi32, #tpu.memory_space<vmem>>) semaphore(%arg14 : memref<!tpu.dma_semaphore, #tpu.memory_space<semaphore_mem>>)
    } else {
    }
    %mul3A_883 = arith.constant 25 : i32
    %mul3A_884 = arith.muli %add3A, %mul3A_883 : i32
    %add3A_885 = arith.constant 11 : i32
    %add3A_886 = arith.addi %mul3A_884, %add3A_885 : i32
    %mul3A_887 = arith.constant 128 : i32
    %mul3A_888 = arith.muli %add3A_886, %mul3A_887 : i32
    %min3A_889 = arith.constant 99872 : i32
    %min3A_890 = arith.minsi %mul3A_888, %min3A_889 : i32
    %lt3A_891 = arith.constant 782 : i32
    %lt3A_892 = arith.cmpi slt, %add3A_886, %lt3A_891 : i32
    %convert_element_type3A_893 = arith.extui %lt3A_892 : i1 to i32
    %cond3A_894 = arith.constant 0 : i32
    %cond3A_895 = arith.cmpi ne, %convert_element_type3A_893, %cond3A_894 : i32
    scf.if %cond3A_895 {
      %dma_wait3A = arith.constant 11 : i32
      %dma_wait3A_1326 = arith.constant 4 : i32
      %dma_wait3A_1327 = arith.constant 0 : i32
      %dma_wait3A_1328 = arith.constant 0 : i32
      %dma_wait3A_1329 = tpu.memref_slice %arg6[%dma_wait3A_1326, %dma_wait3A_1327, %dma_wait3A_1328] : memref<7x128x128xf32, #tpu.memory_space<vmem>> -> memref<1x128x128xf32, #tpu.memory_space<vmem>>
      %dma_wait3A_1330 = tpu.memref_squeeze %dma_wait3A_1329 : memref<1x128x128xf32, #tpu.memory_space<vmem>> -> memref<128x128xf32, #tpu.memory_space<vmem>>
      %dma_wait3A_1331 = arith.constant 0 : i32
      %dma_wait3A_1332 = tpu.memref_slice %arg5[%dma_wait3A, %dma_wait3A_1331] : memref<25x128xi32, #tpu.memory_space<vmem>> -> memref<1x128xi32, #tpu.memory_space<vmem>>
      %dma_wait3A_1333 = tpu.memref_squeeze %dma_wait3A_1332 : memref<1x128xi32, #tpu.memory_space<vmem>> -> memref<128xi32, #tpu.memory_space<vmem>>
      %dma_wait3A_1334 = arith.constant 0 : i32
      %dma_wait3A_1335 = arith.constant 0 : i32
      %dma_wait3A_1336 = tpu.memref_slice %arg7[%dma_wait3A_1334, %dma_wait3A_1335] : memref<28x128xf32, #tpu.memory_space<vmem_shared>> -> memref<28x128xf32, #tpu.memory_space<vmem_shared>>
      tpu.wait_indirect_dma semaphore(%arg12 : memref<!tpu.dma_semaphore, #tpu.memory_space<semaphore_mem>>) src(%dma_wait3A_1336 : memref<28x128xf32, #tpu.memory_space<vmem_shared>>) dst(%dma_wait3A_1330 : memref<128x128xf32, #tpu.memory_space<vmem>>)
      %dma_start3A = arith.constant 4 : i32
      %dma_start3A_1337 = arith.constant 0 : i32
      %dma_start3A_1338 = arith.constant 0 : i32
      %dma_start3A_1339 = tpu.memref_slice %arg6[%dma_start3A, %dma_start3A_1337, %dma_start3A_1338] : memref<7x128x128xf32, #tpu.memory_space<vmem>> -> memref<1x128x128xf32, #tpu.memory_space<vmem>>
      %dma_start3A_1340 = tpu.memref_squeeze %dma_start3A_1339 : memref<1x128x128xf32, #tpu.memory_space<vmem>> -> memref<128x128xf32, #tpu.memory_space<vmem>>
      %dma_start3A_1341 = arith.constant 0 : i32
      %dma_start3A_1342 = tpu.memref_slice %arg4[%min3A_890, %dma_start3A_1341] : memref<100000x128xf32, #tpu.memory_space<hbm>> -> memref<128x128xf32, #tpu.memory_space<hbm>>
      %dma_start3A_1343 = arith.constant 0 : i32
      %dma_start3A_1344 = tpu.memref_slice %arg4[%min3A_890, %dma_start3A_1343] : memref<100000x128xf32, #tpu.memory_space<hbm>> -> memref<128x128xf32, #tpu.memory_space<hbm>>
      %dma_start3A_1345 = arith.constant 0 : i32
      %dma_start3A_1346 = arith.constant 0 : i32
      %dma_start3A_1347 = tpu.memref_slice %arg6[%dma_start3A, %dma_start3A_1345, %dma_start3A_1346] : memref<7x128x128xf32, #tpu.memory_space<vmem>> -> memref<1x128x128xf32, #tpu.memory_space<vmem>>
      %dma_start3A_1348 = tpu.memref_squeeze %dma_start3A_1347 : memref<1x128x128xf32, #tpu.memory_space<vmem>> -> memref<128x128xf32, #tpu.memory_space<vmem>>
      tpu.enqueue_dma source(%dma_start3A_1348 : memref<128x128xf32, #tpu.memory_space<vmem>>) target(%dma_start3A_1344 : memref<128x128xf32, #tpu.memory_space<hbm>>) target_semaphore(%arg19 : memref<!tpu.dma_semaphore, #tpu.memory_space<semaphore_mem>>)
    } else {
    }
    %mul3A_896 = arith.constant 25 : i32
    %mul3A_897 = arith.muli %add3A, %mul3A_896 : i32
    %add3A_898 = arith.constant 14 : i32
    %add3A_899 = arith.addi %mul3A_897, %add3A_898 : i32
    %mul3A_900 = arith.constant 25 : i32
    %mul3A_901 = arith.muli %add3A, %mul3A_900 : i32
    %add3A_902 = arith.constant 7 : i32
    %add3A_903 = arith.addi %mul3A_901, %add3A_902 : i32
    %lt3A_904 = arith.constant 782 : i32
    %lt3A_905 = arith.cmpi slt, %add3A_903, %lt3A_904 : i32
    %convert_element_type3A_906 = arith.extui %lt3A_905 : i1 to i32
    %cond3A_907 = arith.constant 0 : i32
    %cond3A_908 = arith.cmpi ne, %convert_element_type3A_906, %cond3A_907 : i32
    scf.if %cond3A_908 {
      %dma_wait3A = arith.constant 0 : i32
      %dma_wait3A_1326 = arith.constant 0 : i32
      %dma_wait3A_1327 = arith.constant 0 : i32
      %dma_wait3A_1328 = tpu.memref_slice %arg6[%dma_wait3A, %dma_wait3A_1326, %dma_wait3A_1327] : memref<7x128x128xf32, #tpu.memory_space<vmem>> -> memref<1x128x128xf32, #tpu.memory_space<vmem>>
      %dma_wait3A_1329 = tpu.memref_squeeze %dma_wait3A_1328 : memref<1x128x128xf32, #tpu.memory_space<vmem>> -> memref<128x128xf32, #tpu.memory_space<vmem>>
      %dma_wait3A_1330 = arith.constant 0 : i32
      %dma_wait3A_1331 = arith.constant 0 : i32
      %dma_wait3A_1332 = tpu.memref_slice %arg4[%dma_wait3A_1330, %dma_wait3A_1331] : memref<100000x128xf32, #tpu.memory_space<hbm>> -> memref<128x128xf32, #tpu.memory_space<hbm>>
      %dma_wait3A_1333 = arith.constant 0 : i32
      %dma_wait3A_1334 = arith.constant 0 : i32
      %dma_wait3A_1335 = tpu.memref_slice %arg4[%dma_wait3A_1333, %dma_wait3A_1334] : memref<100000x128xf32, #tpu.memory_space<hbm>> -> memref<128x128xf32, #tpu.memory_space<hbm>>
      %dma_wait3A_1336 = arith.constant 0 : i32
      %dma_wait3A_1337 = arith.constant 0 : i32
      %dma_wait3A_1338 = tpu.memref_slice %arg6[%dma_wait3A, %dma_wait3A_1336, %dma_wait3A_1337] : memref<7x128x128xf32, #tpu.memory_space<vmem>> -> memref<1x128x128xf32, #tpu.memory_space<vmem>>
      %dma_wait3A_1339 = tpu.memref_squeeze %dma_wait3A_1338 : memref<1x128x128xf32, #tpu.memory_space<vmem>> -> memref<128x128xf32, #tpu.memory_space<vmem>>
      tpu.wait_dma2 semaphore(%arg15 : memref<!tpu.dma_semaphore, #tpu.memory_space<semaphore_mem>>) src(%dma_wait3A_1339 : memref<128x128xf32, #tpu.memory_space<vmem>>) dst(%dma_wait3A_1335 : memref<128x128xf32, #tpu.memory_space<hbm>>)
    } else {
    }
    %lt3A_909 = arith.constant 782 : i32
    %lt3A_910 = arith.cmpi slt, %add3A_899, %lt3A_909 : i32
    %convert_element_type3A_911 = arith.extui %lt3A_910 : i1 to i32
    %cond3A_912 = arith.constant 0 : i32
    %cond3A_913 = arith.cmpi ne, %convert_element_type3A_911, %cond3A_912 : i32
    scf.if %cond3A_913 {
      %dma_start3A = arith.constant 14 : i32
      %dma_start3A_1326 = arith.constant 0 : i32
      %dma_start3A_1327 = arith.constant 0 : i32
      %dma_start3A_1328 = arith.constant 0 : i32
      %dma_start3A_1329 = tpu.memref_slice %arg6[%dma_start3A_1326, %dma_start3A_1327, %dma_start3A_1328] : memref<7x128x128xf32, #tpu.memory_space<vmem>> -> memref<1x128x128xf32, #tpu.memory_space<vmem>>
      %dma_start3A_1330 = tpu.memref_squeeze %dma_start3A_1329 : memref<1x128x128xf32, #tpu.memory_space<vmem>> -> memref<128x128xf32, #tpu.memory_space<vmem>>
      %dma_start3A_1331 = arith.constant 0 : i32
      %dma_start3A_1332 = tpu.memref_slice %arg5[%dma_start3A, %dma_start3A_1331] : memref<25x128xi32, #tpu.memory_space<vmem>> -> memref<1x128xi32, #tpu.memory_space<vmem>>
      %dma_start3A_1333 = tpu.memref_squeeze %dma_start3A_1332 : memref<1x128xi32, #tpu.memory_space<vmem>> -> memref<128xi32, #tpu.memory_space<vmem>>
      %dma_start3A_1334 = arith.constant 0 : i32
      %dma_start3A_1335 = arith.constant 0 : i32
      %dma_start3A_1336 = tpu.memref_slice %arg7[%dma_start3A_1334, %dma_start3A_1335] : memref<28x128xf32, #tpu.memory_space<vmem_shared>> -> memref<28x128xf32, #tpu.memory_space<vmem_shared>>
      tpu.enqueue_indirect_dma source(%dma_start3A_1336 : memref<28x128xf32, #tpu.memory_space<vmem_shared>>) target(%dma_start3A_1330 : memref<128x128xf32, #tpu.memory_space<vmem>>) offsets(%dma_start3A_1333 : memref<128xi32, #tpu.memory_space<vmem>>) semaphore(%arg8 : memref<!tpu.dma_semaphore, #tpu.memory_space<semaphore_mem>>)
    } else {
    }
    %mul3A_914 = arith.constant 25 : i32
    %mul3A_915 = arith.muli %add3A, %mul3A_914 : i32
    %add3A_916 = arith.constant 12 : i32
    %add3A_917 = arith.addi %mul3A_915, %add3A_916 : i32
    %mul3A_918 = arith.constant 128 : i32
    %mul3A_919 = arith.muli %add3A_917, %mul3A_918 : i32
    %min3A_920 = arith.constant 99872 : i32
    %min3A_921 = arith.minsi %mul3A_919, %min3A_920 : i32
    %lt3A_922 = arith.constant 782 : i32
    %lt3A_923 = arith.cmpi slt, %add3A_917, %lt3A_922 : i32
    %convert_element_type3A_924 = arith.extui %lt3A_923 : i1 to i32
    %cond3A_925 = arith.constant 0 : i32
    %cond3A_926 = arith.cmpi ne, %convert_element_type3A_924, %cond3A_925 : i32
    scf.if %cond3A_926 {
      %dma_wait3A = arith.constant 12 : i32
      %dma_wait3A_1326 = arith.constant 5 : i32
      %dma_wait3A_1327 = arith.constant 0 : i32
      %dma_wait3A_1328 = arith.constant 0 : i32
      %dma_wait3A_1329 = tpu.memref_slice %arg6[%dma_wait3A_1326, %dma_wait3A_1327, %dma_wait3A_1328] : memref<7x128x128xf32, #tpu.memory_space<vmem>> -> memref<1x128x128xf32, #tpu.memory_space<vmem>>
      %dma_wait3A_1330 = tpu.memref_squeeze %dma_wait3A_1329 : memref<1x128x128xf32, #tpu.memory_space<vmem>> -> memref<128x128xf32, #tpu.memory_space<vmem>>
      %dma_wait3A_1331 = arith.constant 0 : i32
      %dma_wait3A_1332 = tpu.memref_slice %arg5[%dma_wait3A, %dma_wait3A_1331] : memref<25x128xi32, #tpu.memory_space<vmem>> -> memref<1x128xi32, #tpu.memory_space<vmem>>
      %dma_wait3A_1333 = tpu.memref_squeeze %dma_wait3A_1332 : memref<1x128xi32, #tpu.memory_space<vmem>> -> memref<128xi32, #tpu.memory_space<vmem>>
      %dma_wait3A_1334 = arith.constant 0 : i32
      %dma_wait3A_1335 = arith.constant 0 : i32
      %dma_wait3A_1336 = tpu.memref_slice %arg7[%dma_wait3A_1334, %dma_wait3A_1335] : memref<28x128xf32, #tpu.memory_space<vmem_shared>> -> memref<28x128xf32, #tpu.memory_space<vmem_shared>>
      tpu.wait_indirect_dma semaphore(%arg13 : memref<!tpu.dma_semaphore, #tpu.memory_space<semaphore_mem>>) src(%dma_wait3A_1336 : memref<28x128xf32, #tpu.memory_space<vmem_shared>>) dst(%dma_wait3A_1330 : memref<128x128xf32, #tpu.memory_space<vmem>>)
      %dma_start3A = arith.constant 5 : i32
      %dma_start3A_1337 = arith.constant 0 : i32
      %dma_start3A_1338 = arith.constant 0 : i32
      %dma_start3A_1339 = tpu.memref_slice %arg6[%dma_start3A, %dma_start3A_1337, %dma_start3A_1338] : memref<7x128x128xf32, #tpu.memory_space<vmem>> -> memref<1x128x128xf32, #tpu.memory_space<vmem>>
      %dma_start3A_1340 = tpu.memref_squeeze %dma_start3A_1339 : memref<1x128x128xf32, #tpu.memory_space<vmem>> -> memref<128x128xf32, #tpu.memory_space<vmem>>
      %dma_start3A_1341 = arith.constant 0 : i32
      %dma_start3A_1342 = tpu.memref_slice %arg4[%min3A_921, %dma_start3A_1341] : memref<100000x128xf32, #tpu.memory_space<hbm>> -> memref<128x128xf32, #tpu.memory_space<hbm>>
      %dma_start3A_1343 = arith.constant 0 : i32
      %dma_start3A_1344 = tpu.memref_slice %arg4[%min3A_921, %dma_start3A_1343] : memref<100000x128xf32, #tpu.memory_space<hbm>> -> memref<128x128xf32, #tpu.memory_space<hbm>>
      %dma_start3A_1345 = arith.constant 0 : i32
      %dma_start3A_1346 = arith.constant 0 : i32
      %dma_start3A_1347 = tpu.memref_slice %arg6[%dma_start3A, %dma_start3A_1345, %dma_start3A_1346] : memref<7x128x128xf32, #tpu.memory_space<vmem>> -> memref<1x128x128xf32, #tpu.memory_space<vmem>>
      %dma_start3A_1348 = tpu.memref_squeeze %dma_start3A_1347 : memref<1x128x128xf32, #tpu.memory_space<vmem>> -> memref<128x128xf32, #tpu.memory_space<vmem>>
      tpu.enqueue_dma source(%dma_start3A_1348 : memref<128x128xf32, #tpu.memory_space<vmem>>) target(%dma_start3A_1344 : memref<128x128xf32, #tpu.memory_space<hbm>>) target_semaphore(%arg20 : memref<!tpu.dma_semaphore, #tpu.memory_space<semaphore_mem>>)
    } else {
    }
    %mul3A_927 = arith.constant 25 : i32
    %mul3A_928 = arith.muli %add3A, %mul3A_927 : i32
    %add3A_929 = arith.constant 15 : i32
    %add3A_930 = arith.addi %mul3A_928, %add3A_929 : i32
    %mul3A_931 = arith.constant 25 : i32
    %mul3A_932 = arith.muli %add3A, %mul3A_931 : i32
    %add3A_933 = arith.constant 8 : i32
    %add3A_934 = arith.addi %mul3A_932, %add3A_933 : i32
    %lt3A_935 = arith.constant 782 : i32
    %lt3A_936 = arith.cmpi slt, %add3A_934, %lt3A_935 : i32
    %convert_element_type3A_937 = arith.extui %lt3A_936 : i1 to i32
    %cond3A_938 = arith.constant 0 : i32
    %cond3A_939 = arith.cmpi ne, %convert_element_type3A_937, %cond3A_938 : i32
    scf.if %cond3A_939 {
      %dma_wait3A = arith.constant 1 : i32
      %dma_wait3A_1326 = arith.constant 0 : i32
      %dma_wait3A_1327 = arith.constant 0 : i32
      %dma_wait3A_1328 = tpu.memref_slice %arg6[%dma_wait3A, %dma_wait3A_1326, %dma_wait3A_1327] : memref<7x128x128xf32, #tpu.memory_space<vmem>> -> memref<1x128x128xf32, #tpu.memory_space<vmem>>
      %dma_wait3A_1329 = tpu.memref_squeeze %dma_wait3A_1328 : memref<1x128x128xf32, #tpu.memory_space<vmem>> -> memref<128x128xf32, #tpu.memory_space<vmem>>
      %dma_wait3A_1330 = arith.constant 0 : i32
      %dma_wait3A_1331 = arith.constant 0 : i32
      %dma_wait3A_1332 = tpu.memref_slice %arg4[%dma_wait3A_1330, %dma_wait3A_1331] : memref<100000x128xf32, #tpu.memory_space<hbm>> -> memref<128x128xf32, #tpu.memory_space<hbm>>
      %dma_wait3A_1333 = arith.constant 0 : i32
      %dma_wait3A_1334 = arith.constant 0 : i32
      %dma_wait3A_1335 = tpu.memref_slice %arg4[%dma_wait3A_1333, %dma_wait3A_1334] : memref<100000x128xf32, #tpu.memory_space<hbm>> -> memref<128x128xf32, #tpu.memory_space<hbm>>
      %dma_wait3A_1336 = arith.constant 0 : i32
      %dma_wait3A_1337 = arith.constant 0 : i32
      %dma_wait3A_1338 = tpu.memref_slice %arg6[%dma_wait3A, %dma_wait3A_1336, %dma_wait3A_1337] : memref<7x128x128xf32, #tpu.memory_space<vmem>> -> memref<1x128x128xf32, #tpu.memory_space<vmem>>
      %dma_wait3A_1339 = tpu.memref_squeeze %dma_wait3A_1338 : memref<1x128x128xf32, #tpu.memory_space<vmem>> -> memref<128x128xf32, #tpu.memory_space<vmem>>
      tpu.wait_dma2 semaphore(%arg16 : memref<!tpu.dma_semaphore, #tpu.memory_space<semaphore_mem>>) src(%dma_wait3A_1339 : memref<128x128xf32, #tpu.memory_space<vmem>>) dst(%dma_wait3A_1335 : memref<128x128xf32, #tpu.memory_space<hbm>>)
    } else {
    }
    %lt3A_940 = arith.constant 782 : i32
    %lt3A_941 = arith.cmpi slt, %add3A_930, %lt3A_940 : i32
    %convert_element_type3A_942 = arith.extui %lt3A_941 : i1 to i32
    %cond3A_943 = arith.constant 0 : i32
    %cond3A_944 = arith.cmpi ne, %convert_element_type3A_942, %cond3A_943 : i32
    scf.if %cond3A_944 {
      %dma_start3A = arith.constant 15 : i32
      %dma_start3A_1326 = arith.constant 1 : i32
      %dma_start3A_1327 = arith.constant 0 : i32
      %dma_start3A_1328 = arith.constant 0 : i32
      %dma_start3A_1329 = tpu.memref_slice %arg6[%dma_start3A_1326, %dma_start3A_1327, %dma_start3A_1328] : memref<7x128x128xf32, #tpu.memory_space<vmem>> -> memref<1x128x128xf32, #tpu.memory_space<vmem>>
      %dma_start3A_1330 = tpu.memref_squeeze %dma_start3A_1329 : memref<1x128x128xf32, #tpu.memory_space<vmem>> -> memref<128x128xf32, #tpu.memory_space<vmem>>
      %dma_start3A_1331 = arith.constant 0 : i32
      %dma_start3A_1332 = tpu.memref_slice %arg5[%dma_start3A, %dma_start3A_1331] : memref<25x128xi32, #tpu.memory_space<vmem>> -> memref<1x128xi32, #tpu.memory_space<vmem>>
      %dma_start3A_1333 = tpu.memref_squeeze %dma_start3A_1332 : memref<1x128xi32, #tpu.memory_space<vmem>> -> memref<128xi32, #tpu.memory_space<vmem>>
      %dma_start3A_1334 = arith.constant 0 : i32
      %dma_start3A_1335 = arith.constant 0 : i32
      %dma_start3A_1336 = tpu.memref_slice %arg7[%dma_start3A_1334, %dma_start3A_1335] : memref<28x128xf32, #tpu.memory_space<vmem_shared>> -> memref<28x128xf32, #tpu.memory_space<vmem_shared>>
      tpu.enqueue_indirect_dma source(%dma_start3A_1336 : memref<28x128xf32, #tpu.memory_space<vmem_shared>>) target(%dma_start3A_1330 : memref<128x128xf32, #tpu.memory_space<vmem>>) offsets(%dma_start3A_1333 : memref<128xi32, #tpu.memory_space<vmem>>) semaphore(%arg9 : memref<!tpu.dma_semaphore, #tpu.memory_space<semaphore_mem>>)
    } else {
    }
    %mul3A_945 = arith.constant 25 : i32
    %mul3A_946 = arith.muli %add3A, %mul3A_945 : i32
    %add3A_947 = arith.constant 13 : i32
    %add3A_948 = arith.addi %mul3A_946, %add3A_947 : i32
    %mul3A_949 = arith.constant 128 : i32
    %mul3A_950 = arith.muli %add3A_948, %mul3A_949 : i32
    %min3A_951 = arith.constant 99872 : i32
    %min3A_952 = arith.minsi %mul3A_950, %min3A_951 : i32
    %lt3A_953 = arith.constant 782 : i32
    %lt3A_954 = arith.cmpi slt, %add3A_948, %lt3A_953 : i32
    %convert_element_type3A_955 = arith.extui %lt3A_954 : i1 to i32
    %cond3A_956 = arith.constant 0 : i32
    %cond3A_957 = arith.cmpi ne, %convert_element_type3A_955, %cond3A_956 : i32
    scf.if %cond3A_957 {
      %dma_wait3A = arith.constant 13 : i32
      %dma_wait3A_1326 = arith.constant 6 : i32
      %dma_wait3A_1327 = arith.constant 0 : i32
      %dma_wait3A_1328 = arith.constant 0 : i32
      %dma_wait3A_1329 = tpu.memref_slice %arg6[%dma_wait3A_1326, %dma_wait3A_1327, %dma_wait3A_1328] : memref<7x128x128xf32, #tpu.memory_space<vmem>> -> memref<1x128x128xf32, #tpu.memory_space<vmem>>
      %dma_wait3A_1330 = tpu.memref_squeeze %dma_wait3A_1329 : memref<1x128x128xf32, #tpu.memory_space<vmem>> -> memref<128x128xf32, #tpu.memory_space<vmem>>
      %dma_wait3A_1331 = arith.constant 0 : i32
      %dma_wait3A_1332 = tpu.memref_slice %arg5[%dma_wait3A, %dma_wait3A_1331] : memref<25x128xi32, #tpu.memory_space<vmem>> -> memref<1x128xi32, #tpu.memory_space<vmem>>
      %dma_wait3A_1333 = tpu.memref_squeeze %dma_wait3A_1332 : memref<1x128xi32, #tpu.memory_space<vmem>> -> memref<128xi32, #tpu.memory_space<vmem>>
      %dma_wait3A_1334 = arith.constant 0 : i32
      %dma_wait3A_1335 = arith.constant 0 : i32
      %dma_wait3A_1336 = tpu.memref_slice %arg7[%dma_wait3A_1334, %dma_wait3A_1335] : memref<28x128xf32, #tpu.memory_space<vmem_shared>> -> memref<28x128xf32, #tpu.memory_space<vmem_shared>>
      tpu.wait_indirect_dma semaphore(%arg14 : memref<!tpu.dma_semaphore, #tpu.memory_space<semaphore_mem>>) src(%dma_wait3A_1336 : memref<28x128xf32, #tpu.memory_space<vmem_shared>>) dst(%dma_wait3A_1330 : memref<128x128xf32, #tpu.memory_space<vmem>>)
      %dma_start3A = arith.constant 6 : i32
      %dma_start3A_1337 = arith.constant 0 : i32
      %dma_start3A_1338 = arith.constant 0 : i32
      %dma_start3A_1339 = tpu.memref_slice %arg6[%dma_start3A, %dma_start3A_1337, %dma_start3A_1338] : memref<7x128x128xf32, #tpu.memory_space<vmem>> -> memref<1x128x128xf32, #tpu.memory_space<vmem>>
      %dma_start3A_1340 = tpu.memref_squeeze %dma_start3A_1339 : memref<1x128x128xf32, #tpu.memory_space<vmem>> -> memref<128x128xf32, #tpu.memory_space<vmem>>
      %dma_start3A_1341 = arith.constant 0 : i32
      %dma_start3A_1342 = tpu.memref_slice %arg4[%min3A_952, %dma_start3A_1341] : memref<100000x128xf32, #tpu.memory_space<hbm>> -> memref<128x128xf32, #tpu.memory_space<hbm>>
      %dma_start3A_1343 = arith.constant 0 : i32
      %dma_start3A_1344 = tpu.memref_slice %arg4[%min3A_952, %dma_start3A_1343] : memref<100000x128xf32, #tpu.memory_space<hbm>> -> memref<128x128xf32, #tpu.memory_space<hbm>>
      %dma_start3A_1345 = arith.constant 0 : i32
      %dma_start3A_1346 = arith.constant 0 : i32
      %dma_start3A_1347 = tpu.memref_slice %arg6[%dma_start3A, %dma_start3A_1345, %dma_start3A_1346] : memref<7x128x128xf32, #tpu.memory_space<vmem>> -> memref<1x128x128xf32, #tpu.memory_space<vmem>>
      %dma_start3A_1348 = tpu.memref_squeeze %dma_start3A_1347 : memref<1x128x128xf32, #tpu.memory_space<vmem>> -> memref<128x128xf32, #tpu.memory_space<vmem>>
      tpu.enqueue_dma source(%dma_start3A_1348 : memref<128x128xf32, #tpu.memory_space<vmem>>) target(%dma_start3A_1344 : memref<128x128xf32, #tpu.memory_space<hbm>>) target_semaphore(%arg21 : memref<!tpu.dma_semaphore, #tpu.memory_space<semaphore_mem>>)
    } else {
    }
    %mul3A_958 = arith.constant 25 : i32
    %mul3A_959 = arith.muli %add3A, %mul3A_958 : i32
    %add3A_960 = arith.constant 16 : i32
    %add3A_961 = arith.addi %mul3A_959, %add3A_960 : i32
    %mul3A_962 = arith.constant 25 : i32
    %mul3A_963 = arith.muli %add3A, %mul3A_962 : i32
    %add3A_964 = arith.constant 9 : i32
    %add3A_965 = arith.addi %mul3A_963, %add3A_964 : i32
    %lt3A_966 = arith.constant 782 : i32
    %lt3A_967 = arith.cmpi slt, %add3A_965, %lt3A_966 : i32
    %convert_element_type3A_968 = arith.extui %lt3A_967 : i1 to i32
    %cond3A_969 = arith.constant 0 : i32
    %cond3A_970 = arith.cmpi ne, %convert_element_type3A_968, %cond3A_969 : i32
    scf.if %cond3A_970 {
      %dma_wait3A = arith.constant 2 : i32
      %dma_wait3A_1326 = arith.constant 0 : i32
      %dma_wait3A_1327 = arith.constant 0 : i32
      %dma_wait3A_1328 = tpu.memref_slice %arg6[%dma_wait3A, %dma_wait3A_1326, %dma_wait3A_1327] : memref<7x128x128xf32, #tpu.memory_space<vmem>> -> memref<1x128x128xf32, #tpu.memory_space<vmem>>
      %dma_wait3A_1329 = tpu.memref_squeeze %dma_wait3A_1328 : memref<1x128x128xf32, #tpu.memory_space<vmem>> -> memref<128x128xf32, #tpu.memory_space<vmem>>
      %dma_wait3A_1330 = arith.constant 0 : i32
      %dma_wait3A_1331 = arith.constant 0 : i32
      %dma_wait3A_1332 = tpu.memref_slice %arg4[%dma_wait3A_1330, %dma_wait3A_1331] : memref<100000x128xf32, #tpu.memory_space<hbm>> -> memref<128x128xf32, #tpu.memory_space<hbm>>
      %dma_wait3A_1333 = arith.constant 0 : i32
      %dma_wait3A_1334 = arith.constant 0 : i32
      %dma_wait3A_1335 = tpu.memref_slice %arg4[%dma_wait3A_1333, %dma_wait3A_1334] : memref<100000x128xf32, #tpu.memory_space<hbm>> -> memref<128x128xf32, #tpu.memory_space<hbm>>
      %dma_wait3A_1336 = arith.constant 0 : i32
      %dma_wait3A_1337 = arith.constant 0 : i32
      %dma_wait3A_1338 = tpu.memref_slice %arg6[%dma_wait3A, %dma_wait3A_1336, %dma_wait3A_1337] : memref<7x128x128xf32, #tpu.memory_space<vmem>> -> memref<1x128x128xf32, #tpu.memory_space<vmem>>
      %dma_wait3A_1339 = tpu.memref_squeeze %dma_wait3A_1338 : memref<1x128x128xf32, #tpu.memory_space<vmem>> -> memref<128x128xf32, #tpu.memory_space<vmem>>
      tpu.wait_dma2 semaphore(%arg17 : memref<!tpu.dma_semaphore, #tpu.memory_space<semaphore_mem>>) src(%dma_wait3A_1339 : memref<128x128xf32, #tpu.memory_space<vmem>>) dst(%dma_wait3A_1335 : memref<128x128xf32, #tpu.memory_space<hbm>>)
    } else {
    }
    %lt3A_971 = arith.constant 782 : i32
    %lt3A_972 = arith.cmpi slt, %add3A_961, %lt3A_971 : i32
    %convert_element_type3A_973 = arith.extui %lt3A_972 : i1 to i32
    %cond3A_974 = arith.constant 0 : i32
    %cond3A_975 = arith.cmpi ne, %convert_element_type3A_973, %cond3A_974 : i32
    scf.if %cond3A_975 {
      %dma_start3A = arith.constant 16 : i32
      %dma_start3A_1326 = arith.constant 2 : i32
      %dma_start3A_1327 = arith.constant 0 : i32
      %dma_start3A_1328 = arith.constant 0 : i32
      %dma_start3A_1329 = tpu.memref_slice %arg6[%dma_start3A_1326, %dma_start3A_1327, %dma_start3A_1328] : memref<7x128x128xf32, #tpu.memory_space<vmem>> -> memref<1x128x128xf32, #tpu.memory_space<vmem>>
      %dma_start3A_1330 = tpu.memref_squeeze %dma_start3A_1329 : memref<1x128x128xf32, #tpu.memory_space<vmem>> -> memref<128x128xf32, #tpu.memory_space<vmem>>
      %dma_start3A_1331 = arith.constant 0 : i32
      %dma_start3A_1332 = tpu.memref_slice %arg5[%dma_start3A, %dma_start3A_1331] : memref<25x128xi32, #tpu.memory_space<vmem>> -> memref<1x128xi32, #tpu.memory_space<vmem>>
      %dma_start3A_1333 = tpu.memref_squeeze %dma_start3A_1332 : memref<1x128xi32, #tpu.memory_space<vmem>> -> memref<128xi32, #tpu.memory_space<vmem>>
      %dma_start3A_1334 = arith.constant 0 : i32
      %dma_start3A_1335 = arith.constant 0 : i32
      %dma_start3A_1336 = tpu.memref_slice %arg7[%dma_start3A_1334, %dma_start3A_1335] : memref<28x128xf32, #tpu.memory_space<vmem_shared>> -> memref<28x128xf32, #tpu.memory_space<vmem_shared>>
      tpu.enqueue_indirect_dma source(%dma_start3A_1336 : memref<28x128xf32, #tpu.memory_space<vmem_shared>>) target(%dma_start3A_1330 : memref<128x128xf32, #tpu.memory_space<vmem>>) offsets(%dma_start3A_1333 : memref<128xi32, #tpu.memory_space<vmem>>) semaphore(%arg10 : memref<!tpu.dma_semaphore, #tpu.memory_space<semaphore_mem>>)
    } else {
    }
    %mul3A_976 = arith.constant 25 : i32
    %mul3A_977 = arith.muli %add3A, %mul3A_976 : i32
    %add3A_978 = arith.constant 14 : i32
    %add3A_979 = arith.addi %mul3A_977, %add3A_978 : i32
    %mul3A_980 = arith.constant 128 : i32
    %mul3A_981 = arith.muli %add3A_979, %mul3A_980 : i32
    %min3A_982 = arith.constant 99872 : i32
    %min3A_983 = arith.minsi %mul3A_981, %min3A_982 : i32
    %lt3A_984 = arith.constant 782 : i32
    %lt3A_985 = arith.cmpi slt, %add3A_979, %lt3A_984 : i32
    %convert_element_type3A_986 = arith.extui %lt3A_985 : i1 to i32
    %cond3A_987 = arith.constant 0 : i32
    %cond3A_988 = arith.cmpi ne, %convert_element_type3A_986, %cond3A_987 : i32
    scf.if %cond3A_988 {
      %dma_wait3A = arith.constant 14 : i32
      %dma_wait3A_1326 = arith.constant 0 : i32
      %dma_wait3A_1327 = arith.constant 0 : i32
      %dma_wait3A_1328 = arith.constant 0 : i32
      %dma_wait3A_1329 = tpu.memref_slice %arg6[%dma_wait3A_1326, %dma_wait3A_1327, %dma_wait3A_1328] : memref<7x128x128xf32, #tpu.memory_space<vmem>> -> memref<1x128x128xf32, #tpu.memory_space<vmem>>
      %dma_wait3A_1330 = tpu.memref_squeeze %dma_wait3A_1329 : memref<1x128x128xf32, #tpu.memory_space<vmem>> -> memref<128x128xf32, #tpu.memory_space<vmem>>
      %dma_wait3A_1331 = arith.constant 0 : i32
      %dma_wait3A_1332 = tpu.memref_slice %arg5[%dma_wait3A, %dma_wait3A_1331] : memref<25x128xi32, #tpu.memory_space<vmem>> -> memref<1x128xi32, #tpu.memory_space<vmem>>
      %dma_wait3A_1333 = tpu.memref_squeeze %dma_wait3A_1332 : memref<1x128xi32, #tpu.memory_space<vmem>> -> memref<128xi32, #tpu.memory_space<vmem>>
      %dma_wait3A_1334 = arith.constant 0 : i32
      %dma_wait3A_1335 = arith.constant 0 : i32
      %dma_wait3A_1336 = tpu.memref_slice %arg7[%dma_wait3A_1334, %dma_wait3A_1335] : memref<28x128xf32, #tpu.memory_space<vmem_shared>> -> memref<28x128xf32, #tpu.memory_space<vmem_shared>>
      tpu.wait_indirect_dma semaphore(%arg8 : memref<!tpu.dma_semaphore, #tpu.memory_space<semaphore_mem>>) src(%dma_wait3A_1336 : memref<28x128xf32, #tpu.memory_space<vmem_shared>>) dst(%dma_wait3A_1330 : memref<128x128xf32, #tpu.memory_space<vmem>>)
      %dma_start3A = arith.constant 0 : i32
      %dma_start3A_1337 = arith.constant 0 : i32
      %dma_start3A_1338 = arith.constant 0 : i32
      %dma_start3A_1339 = tpu.memref_slice %arg6[%dma_start3A, %dma_start3A_1337, %dma_start3A_1338] : memref<7x128x128xf32, #tpu.memory_space<vmem>> -> memref<1x128x128xf32, #tpu.memory_space<vmem>>
      %dma_start3A_1340 = tpu.memref_squeeze %dma_start3A_1339 : memref<1x128x128xf32, #tpu.memory_space<vmem>> -> memref<128x128xf32, #tpu.memory_space<vmem>>
      %dma_start3A_1341 = arith.constant 0 : i32
      %dma_start3A_1342 = tpu.memref_slice %arg4[%min3A_983, %dma_start3A_1341] : memref<100000x128xf32, #tpu.memory_space<hbm>> -> memref<128x128xf32, #tpu.memory_space<hbm>>
      %dma_start3A_1343 = arith.constant 0 : i32
      %dma_start3A_1344 = tpu.memref_slice %arg4[%min3A_983, %dma_start3A_1343] : memref<100000x128xf32, #tpu.memory_space<hbm>> -> memref<128x128xf32, #tpu.memory_space<hbm>>
      %dma_start3A_1345 = arith.constant 0 : i32
      %dma_start3A_1346 = arith.constant 0 : i32
      %dma_start3A_1347 = tpu.memref_slice %arg6[%dma_start3A, %dma_start3A_1345, %dma_start3A_1346] : memref<7x128x128xf32, #tpu.memory_space<vmem>> -> memref<1x128x128xf32, #tpu.memory_space<vmem>>
      %dma_start3A_1348 = tpu.memref_squeeze %dma_start3A_1347 : memref<1x128x128xf32, #tpu.memory_space<vmem>> -> memref<128x128xf32, #tpu.memory_space<vmem>>
      tpu.enqueue_dma source(%dma_start3A_1348 : memref<128x128xf32, #tpu.memory_space<vmem>>) target(%dma_start3A_1344 : memref<128x128xf32, #tpu.memory_space<hbm>>) target_semaphore(%arg15 : memref<!tpu.dma_semaphore, #tpu.memory_space<semaphore_mem>>)
    } else {
    }
    %mul3A_989 = arith.constant 25 : i32
    %mul3A_990 = arith.muli %add3A, %mul3A_989 : i32
    %add3A_991 = arith.constant 17 : i32
    %add3A_992 = arith.addi %mul3A_990, %add3A_991 : i32
    %mul3A_993 = arith.constant 25 : i32
    %mul3A_994 = arith.muli %add3A, %mul3A_993 : i32
    %add3A_995 = arith.constant 10 : i32
    %add3A_996 = arith.addi %mul3A_994, %add3A_995 : i32
    %lt3A_997 = arith.constant 782 : i32
    %lt3A_998 = arith.cmpi slt, %add3A_996, %lt3A_997 : i32
    %convert_element_type3A_999 = arith.extui %lt3A_998 : i1 to i32
    %cond3A_1000 = arith.constant 0 : i32
    %cond3A_1001 = arith.cmpi ne, %convert_element_type3A_999, %cond3A_1000 : i32
    scf.if %cond3A_1001 {
      %dma_wait3A = arith.constant 3 : i32
      %dma_wait3A_1326 = arith.constant 0 : i32
      %dma_wait3A_1327 = arith.constant 0 : i32
      %dma_wait3A_1328 = tpu.memref_slice %arg6[%dma_wait3A, %dma_wait3A_1326, %dma_wait3A_1327] : memref<7x128x128xf32, #tpu.memory_space<vmem>> -> memref<1x128x128xf32, #tpu.memory_space<vmem>>
      %dma_wait3A_1329 = tpu.memref_squeeze %dma_wait3A_1328 : memref<1x128x128xf32, #tpu.memory_space<vmem>> -> memref<128x128xf32, #tpu.memory_space<vmem>>
      %dma_wait3A_1330 = arith.constant 0 : i32
      %dma_wait3A_1331 = arith.constant 0 : i32
      %dma_wait3A_1332 = tpu.memref_slice %arg4[%dma_wait3A_1330, %dma_wait3A_1331] : memref<100000x128xf32, #tpu.memory_space<hbm>> -> memref<128x128xf32, #tpu.memory_space<hbm>>
      %dma_wait3A_1333 = arith.constant 0 : i32
      %dma_wait3A_1334 = arith.constant 0 : i32
      %dma_wait3A_1335 = tpu.memref_slice %arg4[%dma_wait3A_1333, %dma_wait3A_1334] : memref<100000x128xf32, #tpu.memory_space<hbm>> -> memref<128x128xf32, #tpu.memory_space<hbm>>
      %dma_wait3A_1336 = arith.constant 0 : i32
      %dma_wait3A_1337 = arith.constant 0 : i32
      %dma_wait3A_1338 = tpu.memref_slice %arg6[%dma_wait3A, %dma_wait3A_1336, %dma_wait3A_1337] : memref<7x128x128xf32, #tpu.memory_space<vmem>> -> memref<1x128x128xf32, #tpu.memory_space<vmem>>
      %dma_wait3A_1339 = tpu.memref_squeeze %dma_wait3A_1338 : memref<1x128x128xf32, #tpu.memory_space<vmem>> -> memref<128x128xf32, #tpu.memory_space<vmem>>
      tpu.wait_dma2 semaphore(%arg18 : memref<!tpu.dma_semaphore, #tpu.memory_space<semaphore_mem>>) src(%dma_wait3A_1339 : memref<128x128xf32, #tpu.memory_space<vmem>>) dst(%dma_wait3A_1335 : memref<128x128xf32, #tpu.memory_space<hbm>>)
    } else {
    }
    %lt3A_1002 = arith.constant 782 : i32
    %lt3A_1003 = arith.cmpi slt, %add3A_992, %lt3A_1002 : i32
    %convert_element_type3A_1004 = arith.extui %lt3A_1003 : i1 to i32
    %cond3A_1005 = arith.constant 0 : i32
    %cond3A_1006 = arith.cmpi ne, %convert_element_type3A_1004, %cond3A_1005 : i32
    scf.if %cond3A_1006 {
      %dma_start3A = arith.constant 17 : i32
      %dma_start3A_1326 = arith.constant 3 : i32
      %dma_start3A_1327 = arith.constant 0 : i32
      %dma_start3A_1328 = arith.constant 0 : i32
      %dma_start3A_1329 = tpu.memref_slice %arg6[%dma_start3A_1326, %dma_start3A_1327, %dma_start3A_1328] : memref<7x128x128xf32, #tpu.memory_space<vmem>> -> memref<1x128x128xf32, #tpu.memory_space<vmem>>
      %dma_start3A_1330 = tpu.memref_squeeze %dma_start3A_1329 : memref<1x128x128xf32, #tpu.memory_space<vmem>> -> memref<128x128xf32, #tpu.memory_space<vmem>>
      %dma_start3A_1331 = arith.constant 0 : i32
      %dma_start3A_1332 = tpu.memref_slice %arg5[%dma_start3A, %dma_start3A_1331] : memref<25x128xi32, #tpu.memory_space<vmem>> -> memref<1x128xi32, #tpu.memory_space<vmem>>
      %dma_start3A_1333 = tpu.memref_squeeze %dma_start3A_1332 : memref<1x128xi32, #tpu.memory_space<vmem>> -> memref<128xi32, #tpu.memory_space<vmem>>
      %dma_start3A_1334 = arith.constant 0 : i32
      %dma_start3A_1335 = arith.constant 0 : i32
      %dma_start3A_1336 = tpu.memref_slice %arg7[%dma_start3A_1334, %dma_start3A_1335] : memref<28x128xf32, #tpu.memory_space<vmem_shared>> -> memref<28x128xf32, #tpu.memory_space<vmem_shared>>
      tpu.enqueue_indirect_dma source(%dma_start3A_1336 : memref<28x128xf32, #tpu.memory_space<vmem_shared>>) target(%dma_start3A_1330 : memref<128x128xf32, #tpu.memory_space<vmem>>) offsets(%dma_start3A_1333 : memref<128xi32, #tpu.memory_space<vmem>>) semaphore(%arg11 : memref<!tpu.dma_semaphore, #tpu.memory_space<semaphore_mem>>)
    } else {
    }
    %mul3A_1007 = arith.constant 25 : i32
    %mul3A_1008 = arith.muli %add3A, %mul3A_1007 : i32
    %add3A_1009 = arith.constant 15 : i32
    %add3A_1010 = arith.addi %mul3A_1008, %add3A_1009 : i32
    %mul3A_1011 = arith.constant 128 : i32
    %mul3A_1012 = arith.muli %add3A_1010, %mul3A_1011 : i32
    %min3A_1013 = arith.constant 99872 : i32
    %min3A_1014 = arith.minsi %mul3A_1012, %min3A_1013 : i32
    %lt3A_1015 = arith.constant 782 : i32
    %lt3A_1016 = arith.cmpi slt, %add3A_1010, %lt3A_1015 : i32
    %convert_element_type3A_1017 = arith.extui %lt3A_1016 : i1 to i32
    %cond3A_1018 = arith.constant 0 : i32
    %cond3A_1019 = arith.cmpi ne, %convert_element_type3A_1017, %cond3A_1018 : i32
    scf.if %cond3A_1019 {
      %dma_wait3A = arith.constant 15 : i32
      %dma_wait3A_1326 = arith.constant 1 : i32
      %dma_wait3A_1327 = arith.constant 0 : i32
      %dma_wait3A_1328 = arith.constant 0 : i32
      %dma_wait3A_1329 = tpu.memref_slice %arg6[%dma_wait3A_1326, %dma_wait3A_1327, %dma_wait3A_1328] : memref<7x128x128xf32, #tpu.memory_space<vmem>> -> memref<1x128x128xf32, #tpu.memory_space<vmem>>
      %dma_wait3A_1330 = tpu.memref_squeeze %dma_wait3A_1329 : memref<1x128x128xf32, #tpu.memory_space<vmem>> -> memref<128x128xf32, #tpu.memory_space<vmem>>
      %dma_wait3A_1331 = arith.constant 0 : i32
      %dma_wait3A_1332 = tpu.memref_slice %arg5[%dma_wait3A, %dma_wait3A_1331] : memref<25x128xi32, #tpu.memory_space<vmem>> -> memref<1x128xi32, #tpu.memory_space<vmem>>
      %dma_wait3A_1333 = tpu.memref_squeeze %dma_wait3A_1332 : memref<1x128xi32, #tpu.memory_space<vmem>> -> memref<128xi32, #tpu.memory_space<vmem>>
      %dma_wait3A_1334 = arith.constant 0 : i32
      %dma_wait3A_1335 = arith.constant 0 : i32
      %dma_wait3A_1336 = tpu.memref_slice %arg7[%dma_wait3A_1334, %dma_wait3A_1335] : memref<28x128xf32, #tpu.memory_space<vmem_shared>> -> memref<28x128xf32, #tpu.memory_space<vmem_shared>>
      tpu.wait_indirect_dma semaphore(%arg9 : memref<!tpu.dma_semaphore, #tpu.memory_space<semaphore_mem>>) src(%dma_wait3A_1336 : memref<28x128xf32, #tpu.memory_space<vmem_shared>>) dst(%dma_wait3A_1330 : memref<128x128xf32, #tpu.memory_space<vmem>>)
      %dma_start3A = arith.constant 1 : i32
      %dma_start3A_1337 = arith.constant 0 : i32
      %dma_start3A_1338 = arith.constant 0 : i32
      %dma_start3A_1339 = tpu.memref_slice %arg6[%dma_start3A, %dma_start3A_1337, %dma_start3A_1338] : memref<7x128x128xf32, #tpu.memory_space<vmem>> -> memref<1x128x128xf32, #tpu.memory_space<vmem>>
      %dma_start3A_1340 = tpu.memref_squeeze %dma_start3A_1339 : memref<1x128x128xf32, #tpu.memory_space<vmem>> -> memref<128x128xf32, #tpu.memory_space<vmem>>
      %dma_start3A_1341 = arith.constant 0 : i32
      %dma_start3A_1342 = tpu.memref_slice %arg4[%min3A_1014, %dma_start3A_1341] : memref<100000x128xf32, #tpu.memory_space<hbm>> -> memref<128x128xf32, #tpu.memory_space<hbm>>
      %dma_start3A_1343 = arith.constant 0 : i32
      %dma_start3A_1344 = tpu.memref_slice %arg4[%min3A_1014, %dma_start3A_1343] : memref<100000x128xf32, #tpu.memory_space<hbm>> -> memref<128x128xf32, #tpu.memory_space<hbm>>
      %dma_start3A_1345 = arith.constant 0 : i32
      %dma_start3A_1346 = arith.constant 0 : i32
      %dma_start3A_1347 = tpu.memref_slice %arg6[%dma_start3A, %dma_start3A_1345, %dma_start3A_1346] : memref<7x128x128xf32, #tpu.memory_space<vmem>> -> memref<1x128x128xf32, #tpu.memory_space<vmem>>
      %dma_start3A_1348 = tpu.memref_squeeze %dma_start3A_1347 : memref<1x128x128xf32, #tpu.memory_space<vmem>> -> memref<128x128xf32, #tpu.memory_space<vmem>>
      tpu.enqueue_dma source(%dma_start3A_1348 : memref<128x128xf32, #tpu.memory_space<vmem>>) target(%dma_start3A_1344 : memref<128x128xf32, #tpu.memory_space<hbm>>) target_semaphore(%arg16 : memref<!tpu.dma_semaphore, #tpu.memory_space<semaphore_mem>>)
    } else {
    }
    %mul3A_1020 = arith.constant 25 : i32
    %mul3A_1021 = arith.muli %add3A, %mul3A_1020 : i32
    %add3A_1022 = arith.constant 18 : i32
    %add3A_1023 = arith.addi %mul3A_1021, %add3A_1022 : i32
    %mul3A_1024 = arith.constant 25 : i32
    %mul3A_1025 = arith.muli %add3A, %mul3A_1024 : i32
    %add3A_1026 = arith.constant 11 : i32
    %add3A_1027 = arith.addi %mul3A_1025, %add3A_1026 : i32
    %lt3A_1028 = arith.constant 782 : i32
    %lt3A_1029 = arith.cmpi slt, %add3A_1027, %lt3A_1028 : i32
    %convert_element_type3A_1030 = arith.extui %lt3A_1029 : i1 to i32
    %cond3A_1031 = arith.constant 0 : i32
    %cond3A_1032 = arith.cmpi ne, %convert_element_type3A_1030, %cond3A_1031 : i32
    scf.if %cond3A_1032 {
      %dma_wait3A = arith.constant 4 : i32
      %dma_wait3A_1326 = arith.constant 0 : i32
      %dma_wait3A_1327 = arith.constant 0 : i32
      %dma_wait3A_1328 = tpu.memref_slice %arg6[%dma_wait3A, %dma_wait3A_1326, %dma_wait3A_1327] : memref<7x128x128xf32, #tpu.memory_space<vmem>> -> memref<1x128x128xf32, #tpu.memory_space<vmem>>
      %dma_wait3A_1329 = tpu.memref_squeeze %dma_wait3A_1328 : memref<1x128x128xf32, #tpu.memory_space<vmem>> -> memref<128x128xf32, #tpu.memory_space<vmem>>
      %dma_wait3A_1330 = arith.constant 0 : i32
      %dma_wait3A_1331 = arith.constant 0 : i32
      %dma_wait3A_1332 = tpu.memref_slice %arg4[%dma_wait3A_1330, %dma_wait3A_1331] : memref<100000x128xf32, #tpu.memory_space<hbm>> -> memref<128x128xf32, #tpu.memory_space<hbm>>
      %dma_wait3A_1333 = arith.constant 0 : i32
      %dma_wait3A_1334 = arith.constant 0 : i32
      %dma_wait3A_1335 = tpu.memref_slice %arg4[%dma_wait3A_1333, %dma_wait3A_1334] : memref<100000x128xf32, #tpu.memory_space<hbm>> -> memref<128x128xf32, #tpu.memory_space<hbm>>
      %dma_wait3A_1336 = arith.constant 0 : i32
      %dma_wait3A_1337 = arith.constant 0 : i32
      %dma_wait3A_1338 = tpu.memref_slice %arg6[%dma_wait3A, %dma_wait3A_1336, %dma_wait3A_1337] : memref<7x128x128xf32, #tpu.memory_space<vmem>> -> memref<1x128x128xf32, #tpu.memory_space<vmem>>
      %dma_wait3A_1339 = tpu.memref_squeeze %dma_wait3A_1338 : memref<1x128x128xf32, #tpu.memory_space<vmem>> -> memref<128x128xf32, #tpu.memory_space<vmem>>
      tpu.wait_dma2 semaphore(%arg19 : memref<!tpu.dma_semaphore, #tpu.memory_space<semaphore_mem>>) src(%dma_wait3A_1339 : memref<128x128xf32, #tpu.memory_space<vmem>>) dst(%dma_wait3A_1335 : memref<128x128xf32, #tpu.memory_space<hbm>>)
    } else {
    }
    %lt3A_1033 = arith.constant 782 : i32
    %lt3A_1034 = arith.cmpi slt, %add3A_1023, %lt3A_1033 : i32
    %convert_element_type3A_1035 = arith.extui %lt3A_1034 : i1 to i32
    %cond3A_1036 = arith.constant 0 : i32
    %cond3A_1037 = arith.cmpi ne, %convert_element_type3A_1035, %cond3A_1036 : i32
    scf.if %cond3A_1037 {
      %dma_start3A = arith.constant 18 : i32
      %dma_start3A_1326 = arith.constant 4 : i32
      %dma_start3A_1327 = arith.constant 0 : i32
      %dma_start3A_1328 = arith.constant 0 : i32
      %dma_start3A_1329 = tpu.memref_slice %arg6[%dma_start3A_1326, %dma_start3A_1327, %dma_start3A_1328] : memref<7x128x128xf32, #tpu.memory_space<vmem>> -> memref<1x128x128xf32, #tpu.memory_space<vmem>>
      %dma_start3A_1330 = tpu.memref_squeeze %dma_start3A_1329 : memref<1x128x128xf32, #tpu.memory_space<vmem>> -> memref<128x128xf32, #tpu.memory_space<vmem>>
      %dma_start3A_1331 = arith.constant 0 : i32
      %dma_start3A_1332 = tpu.memref_slice %arg5[%dma_start3A, %dma_start3A_1331] : memref<25x128xi32, #tpu.memory_space<vmem>> -> memref<1x128xi32, #tpu.memory_space<vmem>>
      %dma_start3A_1333 = tpu.memref_squeeze %dma_start3A_1332 : memref<1x128xi32, #tpu.memory_space<vmem>> -> memref<128xi32, #tpu.memory_space<vmem>>
      %dma_start3A_1334 = arith.constant 0 : i32
      %dma_start3A_1335 = arith.constant 0 : i32
      %dma_start3A_1336 = tpu.memref_slice %arg7[%dma_start3A_1334, %dma_start3A_1335] : memref<28x128xf32, #tpu.memory_space<vmem_shared>> -> memref<28x128xf32, #tpu.memory_space<vmem_shared>>
      tpu.enqueue_indirect_dma source(%dma_start3A_1336 : memref<28x128xf32, #tpu.memory_space<vmem_shared>>) target(%dma_start3A_1330 : memref<128x128xf32, #tpu.memory_space<vmem>>) offsets(%dma_start3A_1333 : memref<128xi32, #tpu.memory_space<vmem>>) semaphore(%arg12 : memref<!tpu.dma_semaphore, #tpu.memory_space<semaphore_mem>>)
    } else {
    }
    %mul3A_1038 = arith.constant 25 : i32
    %mul3A_1039 = arith.muli %add3A, %mul3A_1038 : i32
    %add3A_1040 = arith.constant 16 : i32
    %add3A_1041 = arith.addi %mul3A_1039, %add3A_1040 : i32
    %mul3A_1042 = arith.constant 128 : i32
    %mul3A_1043 = arith.muli %add3A_1041, %mul3A_1042 : i32
    %min3A_1044 = arith.constant 99872 : i32
    %min3A_1045 = arith.minsi %mul3A_1043, %min3A_1044 : i32
    %lt3A_1046 = arith.constant 782 : i32
    %lt3A_1047 = arith.cmpi slt, %add3A_1041, %lt3A_1046 : i32
    %convert_element_type3A_1048 = arith.extui %lt3A_1047 : i1 to i32
    %cond3A_1049 = arith.constant 0 : i32
    %cond3A_1050 = arith.cmpi ne, %convert_element_type3A_1048, %cond3A_1049 : i32
    scf.if %cond3A_1050 {
      %dma_wait3A = arith.constant 16 : i32
      %dma_wait3A_1326 = arith.constant 2 : i32
      %dma_wait3A_1327 = arith.constant 0 : i32
      %dma_wait3A_1328 = arith.constant 0 : i32
      %dma_wait3A_1329 = tpu.memref_slice %arg6[%dma_wait3A_1326, %dma_wait3A_1327, %dma_wait3A_1328] : memref<7x128x128xf32, #tpu.memory_space<vmem>> -> memref<1x128x128xf32, #tpu.memory_space<vmem>>
      %dma_wait3A_1330 = tpu.memref_squeeze %dma_wait3A_1329 : memref<1x128x128xf32, #tpu.memory_space<vmem>> -> memref<128x128xf32, #tpu.memory_space<vmem>>
      %dma_wait3A_1331 = arith.constant 0 : i32
      %dma_wait3A_1332 = tpu.memref_slice %arg5[%dma_wait3A, %dma_wait3A_1331] : memref<25x128xi32, #tpu.memory_space<vmem>> -> memref<1x128xi32, #tpu.memory_space<vmem>>
      %dma_wait3A_1333 = tpu.memref_squeeze %dma_wait3A_1332 : memref<1x128xi32, #tpu.memory_space<vmem>> -> memref<128xi32, #tpu.memory_space<vmem>>
      %dma_wait3A_1334 = arith.constant 0 : i32
      %dma_wait3A_1335 = arith.constant 0 : i32
      %dma_wait3A_1336 = tpu.memref_slice %arg7[%dma_wait3A_1334, %dma_wait3A_1335] : memref<28x128xf32, #tpu.memory_space<vmem_shared>> -> memref<28x128xf32, #tpu.memory_space<vmem_shared>>
      tpu.wait_indirect_dma semaphore(%arg10 : memref<!tpu.dma_semaphore, #tpu.memory_space<semaphore_mem>>) src(%dma_wait3A_1336 : memref<28x128xf32, #tpu.memory_space<vmem_shared>>) dst(%dma_wait3A_1330 : memref<128x128xf32, #tpu.memory_space<vmem>>)
      %dma_start3A = arith.constant 2 : i32
      %dma_start3A_1337 = arith.constant 0 : i32
      %dma_start3A_1338 = arith.constant 0 : i32
      %dma_start3A_1339 = tpu.memref_slice %arg6[%dma_start3A, %dma_start3A_1337, %dma_start3A_1338] : memref<7x128x128xf32, #tpu.memory_space<vmem>> -> memref<1x128x128xf32, #tpu.memory_space<vmem>>
      %dma_start3A_1340 = tpu.memref_squeeze %dma_start3A_1339 : memref<1x128x128xf32, #tpu.memory_space<vmem>> -> memref<128x128xf32, #tpu.memory_space<vmem>>
      %dma_start3A_1341 = arith.constant 0 : i32
      %dma_start3A_1342 = tpu.memref_slice %arg4[%min3A_1045, %dma_start3A_1341] : memref<100000x128xf32, #tpu.memory_space<hbm>> -> memref<128x128xf32, #tpu.memory_space<hbm>>
      %dma_start3A_1343 = arith.constant 0 : i32
      %dma_start3A_1344 = tpu.memref_slice %arg4[%min3A_1045, %dma_start3A_1343] : memref<100000x128xf32, #tpu.memory_space<hbm>> -> memref<128x128xf32, #tpu.memory_space<hbm>>
      %dma_start3A_1345 = arith.constant 0 : i32
      %dma_start3A_1346 = arith.constant 0 : i32
      %dma_start3A_1347 = tpu.memref_slice %arg6[%dma_start3A, %dma_start3A_1345, %dma_start3A_1346] : memref<7x128x128xf32, #tpu.memory_space<vmem>> -> memref<1x128x128xf32, #tpu.memory_space<vmem>>
      %dma_start3A_1348 = tpu.memref_squeeze %dma_start3A_1347 : memref<1x128x128xf32, #tpu.memory_space<vmem>> -> memref<128x128xf32, #tpu.memory_space<vmem>>
      tpu.enqueue_dma source(%dma_start3A_1348 : memref<128x128xf32, #tpu.memory_space<vmem>>) target(%dma_start3A_1344 : memref<128x128xf32, #tpu.memory_space<hbm>>) target_semaphore(%arg17 : memref<!tpu.dma_semaphore, #tpu.memory_space<semaphore_mem>>)
    } else {
    }
    %mul3A_1051 = arith.constant 25 : i32
    %mul3A_1052 = arith.muli %add3A, %mul3A_1051 : i32
    %add3A_1053 = arith.constant 19 : i32
    %add3A_1054 = arith.addi %mul3A_1052, %add3A_1053 : i32
    %mul3A_1055 = arith.constant 25 : i32
    %mul3A_1056 = arith.muli %add3A, %mul3A_1055 : i32
    %add3A_1057 = arith.constant 12 : i32
    %add3A_1058 = arith.addi %mul3A_1056, %add3A_1057 : i32
    %lt3A_1059 = arith.constant 782 : i32
    %lt3A_1060 = arith.cmpi slt, %add3A_1058, %lt3A_1059 : i32
    %convert_element_type3A_1061 = arith.extui %lt3A_1060 : i1 to i32
    %cond3A_1062 = arith.constant 0 : i32
    %cond3A_1063 = arith.cmpi ne, %convert_element_type3A_1061, %cond3A_1062 : i32
    scf.if %cond3A_1063 {
      %dma_wait3A = arith.constant 5 : i32
      %dma_wait3A_1326 = arith.constant 0 : i32
      %dma_wait3A_1327 = arith.constant 0 : i32
      %dma_wait3A_1328 = tpu.memref_slice %arg6[%dma_wait3A, %dma_wait3A_1326, %dma_wait3A_1327] : memref<7x128x128xf32, #tpu.memory_space<vmem>> -> memref<1x128x128xf32, #tpu.memory_space<vmem>>
      %dma_wait3A_1329 = tpu.memref_squeeze %dma_wait3A_1328 : memref<1x128x128xf32, #tpu.memory_space<vmem>> -> memref<128x128xf32, #tpu.memory_space<vmem>>
      %dma_wait3A_1330 = arith.constant 0 : i32
      %dma_wait3A_1331 = arith.constant 0 : i32
      %dma_wait3A_1332 = tpu.memref_slice %arg4[%dma_wait3A_1330, %dma_wait3A_1331] : memref<100000x128xf32, #tpu.memory_space<hbm>> -> memref<128x128xf32, #tpu.memory_space<hbm>>
      %dma_wait3A_1333 = arith.constant 0 : i32
      %dma_wait3A_1334 = arith.constant 0 : i32
      %dma_wait3A_1335 = tpu.memref_slice %arg4[%dma_wait3A_1333, %dma_wait3A_1334] : memref<100000x128xf32, #tpu.memory_space<hbm>> -> memref<128x128xf32, #tpu.memory_space<hbm>>
      %dma_wait3A_1336 = arith.constant 0 : i32
      %dma_wait3A_1337 = arith.constant 0 : i32
      %dma_wait3A_1338 = tpu.memref_slice %arg6[%dma_wait3A, %dma_wait3A_1336, %dma_wait3A_1337] : memref<7x128x128xf32, #tpu.memory_space<vmem>> -> memref<1x128x128xf32, #tpu.memory_space<vmem>>
      %dma_wait3A_1339 = tpu.memref_squeeze %dma_wait3A_1338 : memref<1x128x128xf32, #tpu.memory_space<vmem>> -> memref<128x128xf32, #tpu.memory_space<vmem>>
      tpu.wait_dma2 semaphore(%arg20 : memref<!tpu.dma_semaphore, #tpu.memory_space<semaphore_mem>>) src(%dma_wait3A_1339 : memref<128x128xf32, #tpu.memory_space<vmem>>) dst(%dma_wait3A_1335 : memref<128x128xf32, #tpu.memory_space<hbm>>)
    } else {
    }
    %lt3A_1064 = arith.constant 782 : i32
    %lt3A_1065 = arith.cmpi slt, %add3A_1054, %lt3A_1064 : i32
    %convert_element_type3A_1066 = arith.extui %lt3A_1065 : i1 to i32
    %cond3A_1067 = arith.constant 0 : i32
    %cond3A_1068 = arith.cmpi ne, %convert_element_type3A_1066, %cond3A_1067 : i32
    scf.if %cond3A_1068 {
      %dma_start3A = arith.constant 19 : i32
      %dma_start3A_1326 = arith.constant 5 : i32
      %dma_start3A_1327 = arith.constant 0 : i32
      %dma_start3A_1328 = arith.constant 0 : i32
      %dma_start3A_1329 = tpu.memref_slice %arg6[%dma_start3A_1326, %dma_start3A_1327, %dma_start3A_1328] : memref<7x128x128xf32, #tpu.memory_space<vmem>> -> memref<1x128x128xf32, #tpu.memory_space<vmem>>
      %dma_start3A_1330 = tpu.memref_squeeze %dma_start3A_1329 : memref<1x128x128xf32, #tpu.memory_space<vmem>> -> memref<128x128xf32, #tpu.memory_space<vmem>>
      %dma_start3A_1331 = arith.constant 0 : i32
      %dma_start3A_1332 = tpu.memref_slice %arg5[%dma_start3A, %dma_start3A_1331] : memref<25x128xi32, #tpu.memory_space<vmem>> -> memref<1x128xi32, #tpu.memory_space<vmem>>
      %dma_start3A_1333 = tpu.memref_squeeze %dma_start3A_1332 : memref<1x128xi32, #tpu.memory_space<vmem>> -> memref<128xi32, #tpu.memory_space<vmem>>
      %dma_start3A_1334 = arith.constant 0 : i32
      %dma_start3A_1335 = arith.constant 0 : i32
      %dma_start3A_1336 = tpu.memref_slice %arg7[%dma_start3A_1334, %dma_start3A_1335] : memref<28x128xf32, #tpu.memory_space<vmem_shared>> -> memref<28x128xf32, #tpu.memory_space<vmem_shared>>
      tpu.enqueue_indirect_dma source(%dma_start3A_1336 : memref<28x128xf32, #tpu.memory_space<vmem_shared>>) target(%dma_start3A_1330 : memref<128x128xf32, #tpu.memory_space<vmem>>) offsets(%dma_start3A_1333 : memref<128xi32, #tpu.memory_space<vmem>>) semaphore(%arg13 : memref<!tpu.dma_semaphore, #tpu.memory_space<semaphore_mem>>)
    } else {
    }
    %mul3A_1069 = arith.constant 25 : i32
    %mul3A_1070 = arith.muli %add3A, %mul3A_1069 : i32
    %add3A_1071 = arith.constant 17 : i32
    %add3A_1072 = arith.addi %mul3A_1070, %add3A_1071 : i32
    %mul3A_1073 = arith.constant 128 : i32
    %mul3A_1074 = arith.muli %add3A_1072, %mul3A_1073 : i32
    %min3A_1075 = arith.constant 99872 : i32
    %min3A_1076 = arith.minsi %mul3A_1074, %min3A_1075 : i32
    %lt3A_1077 = arith.constant 782 : i32
    %lt3A_1078 = arith.cmpi slt, %add3A_1072, %lt3A_1077 : i32
    %convert_element_type3A_1079 = arith.extui %lt3A_1078 : i1 to i32
    %cond3A_1080 = arith.constant 0 : i32
    %cond3A_1081 = arith.cmpi ne, %convert_element_type3A_1079, %cond3A_1080 : i32
    scf.if %cond3A_1081 {
      %dma_wait3A = arith.constant 17 : i32
      %dma_wait3A_1326 = arith.constant 3 : i32
      %dma_wait3A_1327 = arith.constant 0 : i32
      %dma_wait3A_1328 = arith.constant 0 : i32
      %dma_wait3A_1329 = tpu.memref_slice %arg6[%dma_wait3A_1326, %dma_wait3A_1327, %dma_wait3A_1328] : memref<7x128x128xf32, #tpu.memory_space<vmem>> -> memref<1x128x128xf32, #tpu.memory_space<vmem>>
      %dma_wait3A_1330 = tpu.memref_squeeze %dma_wait3A_1329 : memref<1x128x128xf32, #tpu.memory_space<vmem>> -> memref<128x128xf32, #tpu.memory_space<vmem>>
      %dma_wait3A_1331 = arith.constant 0 : i32
      %dma_wait3A_1332 = tpu.memref_slice %arg5[%dma_wait3A, %dma_wait3A_1331] : memref<25x128xi32, #tpu.memory_space<vmem>> -> memref<1x128xi32, #tpu.memory_space<vmem>>
      %dma_wait3A_1333 = tpu.memref_squeeze %dma_wait3A_1332 : memref<1x128xi32, #tpu.memory_space<vmem>> -> memref<128xi32, #tpu.memory_space<vmem>>
      %dma_wait3A_1334 = arith.constant 0 : i32
      %dma_wait3A_1335 = arith.constant 0 : i32
      %dma_wait3A_1336 = tpu.memref_slice %arg7[%dma_wait3A_1334, %dma_wait3A_1335] : memref<28x128xf32, #tpu.memory_space<vmem_shared>> -> memref<28x128xf32, #tpu.memory_space<vmem_shared>>
      tpu.wait_indirect_dma semaphore(%arg11 : memref<!tpu.dma_semaphore, #tpu.memory_space<semaphore_mem>>) src(%dma_wait3A_1336 : memref<28x128xf32, #tpu.memory_space<vmem_shared>>) dst(%dma_wait3A_1330 : memref<128x128xf32, #tpu.memory_space<vmem>>)
      %dma_start3A = arith.constant 3 : i32
      %dma_start3A_1337 = arith.constant 0 : i32
      %dma_start3A_1338 = arith.constant 0 : i32
      %dma_start3A_1339 = tpu.memref_slice %arg6[%dma_start3A, %dma_start3A_1337, %dma_start3A_1338] : memref<7x128x128xf32, #tpu.memory_space<vmem>> -> memref<1x128x128xf32, #tpu.memory_space<vmem>>
      %dma_start3A_1340 = tpu.memref_squeeze %dma_start3A_1339 : memref<1x128x128xf32, #tpu.memory_space<vmem>> -> memref<128x128xf32, #tpu.memory_space<vmem>>
      %dma_start3A_1341 = arith.constant 0 : i32
      %dma_start3A_1342 = tpu.memref_slice %arg4[%min3A_1076, %dma_start3A_1341] : memref<100000x128xf32, #tpu.memory_space<hbm>> -> memref<128x128xf32, #tpu.memory_space<hbm>>
      %dma_start3A_1343 = arith.constant 0 : i32
      %dma_start3A_1344 = tpu.memref_slice %arg4[%min3A_1076, %dma_start3A_1343] : memref<100000x128xf32, #tpu.memory_space<hbm>> -> memref<128x128xf32, #tpu.memory_space<hbm>>
      %dma_start3A_1345 = arith.constant 0 : i32
      %dma_start3A_1346 = arith.constant 0 : i32
      %dma_start3A_1347 = tpu.memref_slice %arg6[%dma_start3A, %dma_start3A_1345, %dma_start3A_1346] : memref<7x128x128xf32, #tpu.memory_space<vmem>> -> memref<1x128x128xf32, #tpu.memory_space<vmem>>
      %dma_start3A_1348 = tpu.memref_squeeze %dma_start3A_1347 : memref<1x128x128xf32, #tpu.memory_space<vmem>> -> memref<128x128xf32, #tpu.memory_space<vmem>>
      tpu.enqueue_dma source(%dma_start3A_1348 : memref<128x128xf32, #tpu.memory_space<vmem>>) target(%dma_start3A_1344 : memref<128x128xf32, #tpu.memory_space<hbm>>) target_semaphore(%arg18 : memref<!tpu.dma_semaphore, #tpu.memory_space<semaphore_mem>>)
    } else {
    }
    %mul3A_1082 = arith.constant 25 : i32
    %mul3A_1083 = arith.muli %add3A, %mul3A_1082 : i32
    %add3A_1084 = arith.constant 20 : i32
    %add3A_1085 = arith.addi %mul3A_1083, %add3A_1084 : i32
    %mul3A_1086 = arith.constant 25 : i32
    %mul3A_1087 = arith.muli %add3A, %mul3A_1086 : i32
    %add3A_1088 = arith.constant 13 : i32
    %add3A_1089 = arith.addi %mul3A_1087, %add3A_1088 : i32
    %lt3A_1090 = arith.constant 782 : i32
    %lt3A_1091 = arith.cmpi slt, %add3A_1089, %lt3A_1090 : i32
    %convert_element_type3A_1092 = arith.extui %lt3A_1091 : i1 to i32
    %cond3A_1093 = arith.constant 0 : i32
    %cond3A_1094 = arith.cmpi ne, %convert_element_type3A_1092, %cond3A_1093 : i32
    scf.if %cond3A_1094 {
      %dma_wait3A = arith.constant 6 : i32
      %dma_wait3A_1326 = arith.constant 0 : i32
      %dma_wait3A_1327 = arith.constant 0 : i32
      %dma_wait3A_1328 = tpu.memref_slice %arg6[%dma_wait3A, %dma_wait3A_1326, %dma_wait3A_1327] : memref<7x128x128xf32, #tpu.memory_space<vmem>> -> memref<1x128x128xf32, #tpu.memory_space<vmem>>
      %dma_wait3A_1329 = tpu.memref_squeeze %dma_wait3A_1328 : memref<1x128x128xf32, #tpu.memory_space<vmem>> -> memref<128x128xf32, #tpu.memory_space<vmem>>
      %dma_wait3A_1330 = arith.constant 0 : i32
      %dma_wait3A_1331 = arith.constant 0 : i32
      %dma_wait3A_1332 = tpu.memref_slice %arg4[%dma_wait3A_1330, %dma_wait3A_1331] : memref<100000x128xf32, #tpu.memory_space<hbm>> -> memref<128x128xf32, #tpu.memory_space<hbm>>
      %dma_wait3A_1333 = arith.constant 0 : i32
      %dma_wait3A_1334 = arith.constant 0 : i32
      %dma_wait3A_1335 = tpu.memref_slice %arg4[%dma_wait3A_1333, %dma_wait3A_1334] : memref<100000x128xf32, #tpu.memory_space<hbm>> -> memref<128x128xf32, #tpu.memory_space<hbm>>
      %dma_wait3A_1336 = arith.constant 0 : i32
      %dma_wait3A_1337 = arith.constant 0 : i32
      %dma_wait3A_1338 = tpu.memref_slice %arg6[%dma_wait3A, %dma_wait3A_1336, %dma_wait3A_1337] : memref<7x128x128xf32, #tpu.memory_space<vmem>> -> memref<1x128x128xf32, #tpu.memory_space<vmem>>
      %dma_wait3A_1339 = tpu.memref_squeeze %dma_wait3A_1338 : memref<1x128x128xf32, #tpu.memory_space<vmem>> -> memref<128x128xf32, #tpu.memory_space<vmem>>
      tpu.wait_dma2 semaphore(%arg21 : memref<!tpu.dma_semaphore, #tpu.memory_space<semaphore_mem>>) src(%dma_wait3A_1339 : memref<128x128xf32, #tpu.memory_space<vmem>>) dst(%dma_wait3A_1335 : memref<128x128xf32, #tpu.memory_space<hbm>>)
    } else {
    }
    %lt3A_1095 = arith.constant 782 : i32
    %lt3A_1096 = arith.cmpi slt, %add3A_1085, %lt3A_1095 : i32
    %convert_element_type3A_1097 = arith.extui %lt3A_1096 : i1 to i32
    %cond3A_1098 = arith.constant 0 : i32
    %cond3A_1099 = arith.cmpi ne, %convert_element_type3A_1097, %cond3A_1098 : i32
    scf.if %cond3A_1099 {
      %dma_start3A = arith.constant 20 : i32
      %dma_start3A_1326 = arith.constant 6 : i32
      %dma_start3A_1327 = arith.constant 0 : i32
      %dma_start3A_1328 = arith.constant 0 : i32
      %dma_start3A_1329 = tpu.memref_slice %arg6[%dma_start3A_1326, %dma_start3A_1327, %dma_start3A_1328] : memref<7x128x128xf32, #tpu.memory_space<vmem>> -> memref<1x128x128xf32, #tpu.memory_space<vmem>>
      %dma_start3A_1330 = tpu.memref_squeeze %dma_start3A_1329 : memref<1x128x128xf32, #tpu.memory_space<vmem>> -> memref<128x128xf32, #tpu.memory_space<vmem>>
      %dma_start3A_1331 = arith.constant 0 : i32
      %dma_start3A_1332 = tpu.memref_slice %arg5[%dma_start3A, %dma_start3A_1331] : memref<25x128xi32, #tpu.memory_space<vmem>> -> memref<1x128xi32, #tpu.memory_space<vmem>>
      %dma_start3A_1333 = tpu.memref_squeeze %dma_start3A_1332 : memref<1x128xi32, #tpu.memory_space<vmem>> -> memref<128xi32, #tpu.memory_space<vmem>>
      %dma_start3A_1334 = arith.constant 0 : i32
      %dma_start3A_1335 = arith.constant 0 : i32
      %dma_start3A_1336 = tpu.memref_slice %arg7[%dma_start3A_1334, %dma_start3A_1335] : memref<28x128xf32, #tpu.memory_space<vmem_shared>> -> memref<28x128xf32, #tpu.memory_space<vmem_shared>>
      tpu.enqueue_indirect_dma source(%dma_start3A_1336 : memref<28x128xf32, #tpu.memory_space<vmem_shared>>) target(%dma_start3A_1330 : memref<128x128xf32, #tpu.memory_space<vmem>>) offsets(%dma_start3A_1333 : memref<128xi32, #tpu.memory_space<vmem>>) semaphore(%arg14 : memref<!tpu.dma_semaphore, #tpu.memory_space<semaphore_mem>>)
    } else {
    }
    %mul3A_1100 = arith.constant 25 : i32
    %mul3A_1101 = arith.muli %add3A, %mul3A_1100 : i32
    %add3A_1102 = arith.constant 18 : i32
    %add3A_1103 = arith.addi %mul3A_1101, %add3A_1102 : i32
    %mul3A_1104 = arith.constant 128 : i32
    %mul3A_1105 = arith.muli %add3A_1103, %mul3A_1104 : i32
    %min3A_1106 = arith.constant 99872 : i32
    %min3A_1107 = arith.minsi %mul3A_1105, %min3A_1106 : i32
    %lt3A_1108 = arith.constant 782 : i32
    %lt3A_1109 = arith.cmpi slt, %add3A_1103, %lt3A_1108 : i32
    %convert_element_type3A_1110 = arith.extui %lt3A_1109 : i1 to i32
    %cond3A_1111 = arith.constant 0 : i32
    %cond3A_1112 = arith.cmpi ne, %convert_element_type3A_1110, %cond3A_1111 : i32
    scf.if %cond3A_1112 {
      %dma_wait3A = arith.constant 18 : i32
      %dma_wait3A_1326 = arith.constant 4 : i32
      %dma_wait3A_1327 = arith.constant 0 : i32
      %dma_wait3A_1328 = arith.constant 0 : i32
      %dma_wait3A_1329 = tpu.memref_slice %arg6[%dma_wait3A_1326, %dma_wait3A_1327, %dma_wait3A_1328] : memref<7x128x128xf32, #tpu.memory_space<vmem>> -> memref<1x128x128xf32, #tpu.memory_space<vmem>>
      %dma_wait3A_1330 = tpu.memref_squeeze %dma_wait3A_1329 : memref<1x128x128xf32, #tpu.memory_space<vmem>> -> memref<128x128xf32, #tpu.memory_space<vmem>>
      %dma_wait3A_1331 = arith.constant 0 : i32
      %dma_wait3A_1332 = tpu.memref_slice %arg5[%dma_wait3A, %dma_wait3A_1331] : memref<25x128xi32, #tpu.memory_space<vmem>> -> memref<1x128xi32, #tpu.memory_space<vmem>>
      %dma_wait3A_1333 = tpu.memref_squeeze %dma_wait3A_1332 : memref<1x128xi32, #tpu.memory_space<vmem>> -> memref<128xi32, #tpu.memory_space<vmem>>
      %dma_wait3A_1334 = arith.constant 0 : i32
      %dma_wait3A_1335 = arith.constant 0 : i32
      %dma_wait3A_1336 = tpu.memref_slice %arg7[%dma_wait3A_1334, %dma_wait3A_1335] : memref<28x128xf32, #tpu.memory_space<vmem_shared>> -> memref<28x128xf32, #tpu.memory_space<vmem_shared>>
      tpu.wait_indirect_dma semaphore(%arg12 : memref<!tpu.dma_semaphore, #tpu.memory_space<semaphore_mem>>) src(%dma_wait3A_1336 : memref<28x128xf32, #tpu.memory_space<vmem_shared>>) dst(%dma_wait3A_1330 : memref<128x128xf32, #tpu.memory_space<vmem>>)
      %dma_start3A = arith.constant 4 : i32
      %dma_start3A_1337 = arith.constant 0 : i32
      %dma_start3A_1338 = arith.constant 0 : i32
      %dma_start3A_1339 = tpu.memref_slice %arg6[%dma_start3A, %dma_start3A_1337, %dma_start3A_1338] : memref<7x128x128xf32, #tpu.memory_space<vmem>> -> memref<1x128x128xf32, #tpu.memory_space<vmem>>
      %dma_start3A_1340 = tpu.memref_squeeze %dma_start3A_1339 : memref<1x128x128xf32, #tpu.memory_space<vmem>> -> memref<128x128xf32, #tpu.memory_space<vmem>>
      %dma_start3A_1341 = arith.constant 0 : i32
      %dma_start3A_1342 = tpu.memref_slice %arg4[%min3A_1107, %dma_start3A_1341] : memref<100000x128xf32, #tpu.memory_space<hbm>> -> memref<128x128xf32, #tpu.memory_space<hbm>>
      %dma_start3A_1343 = arith.constant 0 : i32
      %dma_start3A_1344 = tpu.memref_slice %arg4[%min3A_1107, %dma_start3A_1343] : memref<100000x128xf32, #tpu.memory_space<hbm>> -> memref<128x128xf32, #tpu.memory_space<hbm>>
      %dma_start3A_1345 = arith.constant 0 : i32
      %dma_start3A_1346 = arith.constant 0 : i32
      %dma_start3A_1347 = tpu.memref_slice %arg6[%dma_start3A, %dma_start3A_1345, %dma_start3A_1346] : memref<7x128x128xf32, #tpu.memory_space<vmem>> -> memref<1x128x128xf32, #tpu.memory_space<vmem>>
      %dma_start3A_1348 = tpu.memref_squeeze %dma_start3A_1347 : memref<1x128x128xf32, #tpu.memory_space<vmem>> -> memref<128x128xf32, #tpu.memory_space<vmem>>
      tpu.enqueue_dma source(%dma_start3A_1348 : memref<128x128xf32, #tpu.memory_space<vmem>>) target(%dma_start3A_1344 : memref<128x128xf32, #tpu.memory_space<hbm>>) target_semaphore(%arg19 : memref<!tpu.dma_semaphore, #tpu.memory_space<semaphore_mem>>)
    } else {
    }
    %mul3A_1113 = arith.constant 25 : i32
    %mul3A_1114 = arith.muli %add3A, %mul3A_1113 : i32
    %add3A_1115 = arith.constant 21 : i32
    %add3A_1116 = arith.addi %mul3A_1114, %add3A_1115 : i32
    %mul3A_1117 = arith.constant 25 : i32
    %mul3A_1118 = arith.muli %add3A, %mul3A_1117 : i32
    %add3A_1119 = arith.constant 14 : i32
    %add3A_1120 = arith.addi %mul3A_1118, %add3A_1119 : i32
    %lt3A_1121 = arith.constant 782 : i32
    %lt3A_1122 = arith.cmpi slt, %add3A_1120, %lt3A_1121 : i32
    %convert_element_type3A_1123 = arith.extui %lt3A_1122 : i1 to i32
    %cond3A_1124 = arith.constant 0 : i32
    %cond3A_1125 = arith.cmpi ne, %convert_element_type3A_1123, %cond3A_1124 : i32
    scf.if %cond3A_1125 {
      %dma_wait3A = arith.constant 0 : i32
      %dma_wait3A_1326 = arith.constant 0 : i32
      %dma_wait3A_1327 = arith.constant 0 : i32
      %dma_wait3A_1328 = tpu.memref_slice %arg6[%dma_wait3A, %dma_wait3A_1326, %dma_wait3A_1327] : memref<7x128x128xf32, #tpu.memory_space<vmem>> -> memref<1x128x128xf32, #tpu.memory_space<vmem>>
      %dma_wait3A_1329 = tpu.memref_squeeze %dma_wait3A_1328 : memref<1x128x128xf32, #tpu.memory_space<vmem>> -> memref<128x128xf32, #tpu.memory_space<vmem>>
      %dma_wait3A_1330 = arith.constant 0 : i32
      %dma_wait3A_1331 = arith.constant 0 : i32
      %dma_wait3A_1332 = tpu.memref_slice %arg4[%dma_wait3A_1330, %dma_wait3A_1331] : memref<100000x128xf32, #tpu.memory_space<hbm>> -> memref<128x128xf32, #tpu.memory_space<hbm>>
      %dma_wait3A_1333 = arith.constant 0 : i32
      %dma_wait3A_1334 = arith.constant 0 : i32
      %dma_wait3A_1335 = tpu.memref_slice %arg4[%dma_wait3A_1333, %dma_wait3A_1334] : memref<100000x128xf32, #tpu.memory_space<hbm>> -> memref<128x128xf32, #tpu.memory_space<hbm>>
      %dma_wait3A_1336 = arith.constant 0 : i32
      %dma_wait3A_1337 = arith.constant 0 : i32
      %dma_wait3A_1338 = tpu.memref_slice %arg6[%dma_wait3A, %dma_wait3A_1336, %dma_wait3A_1337] : memref<7x128x128xf32, #tpu.memory_space<vmem>> -> memref<1x128x128xf32, #tpu.memory_space<vmem>>
      %dma_wait3A_1339 = tpu.memref_squeeze %dma_wait3A_1338 : memref<1x128x128xf32, #tpu.memory_space<vmem>> -> memref<128x128xf32, #tpu.memory_space<vmem>>
      tpu.wait_dma2 semaphore(%arg15 : memref<!tpu.dma_semaphore, #tpu.memory_space<semaphore_mem>>) src(%dma_wait3A_1339 : memref<128x128xf32, #tpu.memory_space<vmem>>) dst(%dma_wait3A_1335 : memref<128x128xf32, #tpu.memory_space<hbm>>)
    } else {
    }
    %lt3A_1126 = arith.constant 782 : i32
    %lt3A_1127 = arith.cmpi slt, %add3A_1116, %lt3A_1126 : i32
    %convert_element_type3A_1128 = arith.extui %lt3A_1127 : i1 to i32
    %cond3A_1129 = arith.constant 0 : i32
    %cond3A_1130 = arith.cmpi ne, %convert_element_type3A_1128, %cond3A_1129 : i32
    scf.if %cond3A_1130 {
      %dma_start3A = arith.constant 21 : i32
      %dma_start3A_1326 = arith.constant 0 : i32
      %dma_start3A_1327 = arith.constant 0 : i32
      %dma_start3A_1328 = arith.constant 0 : i32
      %dma_start3A_1329 = tpu.memref_slice %arg6[%dma_start3A_1326, %dma_start3A_1327, %dma_start3A_1328] : memref<7x128x128xf32, #tpu.memory_space<vmem>> -> memref<1x128x128xf32, #tpu.memory_space<vmem>>
      %dma_start3A_1330 = tpu.memref_squeeze %dma_start3A_1329 : memref<1x128x128xf32, #tpu.memory_space<vmem>> -> memref<128x128xf32, #tpu.memory_space<vmem>>
      %dma_start3A_1331 = arith.constant 0 : i32
      %dma_start3A_1332 = tpu.memref_slice %arg5[%dma_start3A, %dma_start3A_1331] : memref<25x128xi32, #tpu.memory_space<vmem>> -> memref<1x128xi32, #tpu.memory_space<vmem>>
      %dma_start3A_1333 = tpu.memref_squeeze %dma_start3A_1332 : memref<1x128xi32, #tpu.memory_space<vmem>> -> memref<128xi32, #tpu.memory_space<vmem>>
      %dma_start3A_1334 = arith.constant 0 : i32
      %dma_start3A_1335 = arith.constant 0 : i32
      %dma_start3A_1336 = tpu.memref_slice %arg7[%dma_start3A_1334, %dma_start3A_1335] : memref<28x128xf32, #tpu.memory_space<vmem_shared>> -> memref<28x128xf32, #tpu.memory_space<vmem_shared>>
      tpu.enqueue_indirect_dma source(%dma_start3A_1336 : memref<28x128xf32, #tpu.memory_space<vmem_shared>>) target(%dma_start3A_1330 : memref<128x128xf32, #tpu.memory_space<vmem>>) offsets(%dma_start3A_1333 : memref<128xi32, #tpu.memory_space<vmem>>) semaphore(%arg8 : memref<!tpu.dma_semaphore, #tpu.memory_space<semaphore_mem>>)
    } else {
    }
    %mul3A_1131 = arith.constant 25 : i32
    %mul3A_1132 = arith.muli %add3A, %mul3A_1131 : i32
    %add3A_1133 = arith.constant 19 : i32
    %add3A_1134 = arith.addi %mul3A_1132, %add3A_1133 : i32
    %mul3A_1135 = arith.constant 128 : i32
    %mul3A_1136 = arith.muli %add3A_1134, %mul3A_1135 : i32
    %min3A_1137 = arith.constant 99872 : i32
    %min3A_1138 = arith.minsi %mul3A_1136, %min3A_1137 : i32
    %lt3A_1139 = arith.constant 782 : i32
    %lt3A_1140 = arith.cmpi slt, %add3A_1134, %lt3A_1139 : i32
    %convert_element_type3A_1141 = arith.extui %lt3A_1140 : i1 to i32
    %cond3A_1142 = arith.constant 0 : i32
    %cond3A_1143 = arith.cmpi ne, %convert_element_type3A_1141, %cond3A_1142 : i32
    scf.if %cond3A_1143 {
      %dma_wait3A = arith.constant 19 : i32
      %dma_wait3A_1326 = arith.constant 5 : i32
      %dma_wait3A_1327 = arith.constant 0 : i32
      %dma_wait3A_1328 = arith.constant 0 : i32
      %dma_wait3A_1329 = tpu.memref_slice %arg6[%dma_wait3A_1326, %dma_wait3A_1327, %dma_wait3A_1328] : memref<7x128x128xf32, #tpu.memory_space<vmem>> -> memref<1x128x128xf32, #tpu.memory_space<vmem>>
      %dma_wait3A_1330 = tpu.memref_squeeze %dma_wait3A_1329 : memref<1x128x128xf32, #tpu.memory_space<vmem>> -> memref<128x128xf32, #tpu.memory_space<vmem>>
      %dma_wait3A_1331 = arith.constant 0 : i32
      %dma_wait3A_1332 = tpu.memref_slice %arg5[%dma_wait3A, %dma_wait3A_1331] : memref<25x128xi32, #tpu.memory_space<vmem>> -> memref<1x128xi32, #tpu.memory_space<vmem>>
      %dma_wait3A_1333 = tpu.memref_squeeze %dma_wait3A_1332 : memref<1x128xi32, #tpu.memory_space<vmem>> -> memref<128xi32, #tpu.memory_space<vmem>>
      %dma_wait3A_1334 = arith.constant 0 : i32
      %dma_wait3A_1335 = arith.constant 0 : i32
      %dma_wait3A_1336 = tpu.memref_slice %arg7[%dma_wait3A_1334, %dma_wait3A_1335] : memref<28x128xf32, #tpu.memory_space<vmem_shared>> -> memref<28x128xf32, #tpu.memory_space<vmem_shared>>
      tpu.wait_indirect_dma semaphore(%arg13 : memref<!tpu.dma_semaphore, #tpu.memory_space<semaphore_mem>>) src(%dma_wait3A_1336 : memref<28x128xf32, #tpu.memory_space<vmem_shared>>) dst(%dma_wait3A_1330 : memref<128x128xf32, #tpu.memory_space<vmem>>)
      %dma_start3A = arith.constant 5 : i32
      %dma_start3A_1337 = arith.constant 0 : i32
      %dma_start3A_1338 = arith.constant 0 : i32
      %dma_start3A_1339 = tpu.memref_slice %arg6[%dma_start3A, %dma_start3A_1337, %dma_start3A_1338] : memref<7x128x128xf32, #tpu.memory_space<vmem>> -> memref<1x128x128xf32, #tpu.memory_space<vmem>>
      %dma_start3A_1340 = tpu.memref_squeeze %dma_start3A_1339 : memref<1x128x128xf32, #tpu.memory_space<vmem>> -> memref<128x128xf32, #tpu.memory_space<vmem>>
      %dma_start3A_1341 = arith.constant 0 : i32
      %dma_start3A_1342 = tpu.memref_slice %arg4[%min3A_1138, %dma_start3A_1341] : memref<100000x128xf32, #tpu.memory_space<hbm>> -> memref<128x128xf32, #tpu.memory_space<hbm>>
      %dma_start3A_1343 = arith.constant 0 : i32
      %dma_start3A_1344 = tpu.memref_slice %arg4[%min3A_1138, %dma_start3A_1343] : memref<100000x128xf32, #tpu.memory_space<hbm>> -> memref<128x128xf32, #tpu.memory_space<hbm>>
      %dma_start3A_1345 = arith.constant 0 : i32
      %dma_start3A_1346 = arith.constant 0 : i32
      %dma_start3A_1347 = tpu.memref_slice %arg6[%dma_start3A, %dma_start3A_1345, %dma_start3A_1346] : memref<7x128x128xf32, #tpu.memory_space<vmem>> -> memref<1x128x128xf32, #tpu.memory_space<vmem>>
      %dma_start3A_1348 = tpu.memref_squeeze %dma_start3A_1347 : memref<1x128x128xf32, #tpu.memory_space<vmem>> -> memref<128x128xf32, #tpu.memory_space<vmem>>
      tpu.enqueue_dma source(%dma_start3A_1348 : memref<128x128xf32, #tpu.memory_space<vmem>>) target(%dma_start3A_1344 : memref<128x128xf32, #tpu.memory_space<hbm>>) target_semaphore(%arg20 : memref<!tpu.dma_semaphore, #tpu.memory_space<semaphore_mem>>)
    } else {
    }
    %mul3A_1144 = arith.constant 25 : i32
    %mul3A_1145 = arith.muli %add3A, %mul3A_1144 : i32
    %add3A_1146 = arith.constant 22 : i32
    %add3A_1147 = arith.addi %mul3A_1145, %add3A_1146 : i32
    %mul3A_1148 = arith.constant 25 : i32
    %mul3A_1149 = arith.muli %add3A, %mul3A_1148 : i32
    %add3A_1150 = arith.constant 15 : i32
    %add3A_1151 = arith.addi %mul3A_1149, %add3A_1150 : i32
    %lt3A_1152 = arith.constant 782 : i32
    %lt3A_1153 = arith.cmpi slt, %add3A_1151, %lt3A_1152 : i32
    %convert_element_type3A_1154 = arith.extui %lt3A_1153 : i1 to i32
    %cond3A_1155 = arith.constant 0 : i32
    %cond3A_1156 = arith.cmpi ne, %convert_element_type3A_1154, %cond3A_1155 : i32
    scf.if %cond3A_1156 {
      %dma_wait3A = arith.constant 1 : i32
      %dma_wait3A_1326 = arith.constant 0 : i32
      %dma_wait3A_1327 = arith.constant 0 : i32
      %dma_wait3A_1328 = tpu.memref_slice %arg6[%dma_wait3A, %dma_wait3A_1326, %dma_wait3A_1327] : memref<7x128x128xf32, #tpu.memory_space<vmem>> -> memref<1x128x128xf32, #tpu.memory_space<vmem>>
      %dma_wait3A_1329 = tpu.memref_squeeze %dma_wait3A_1328 : memref<1x128x128xf32, #tpu.memory_space<vmem>> -> memref<128x128xf32, #tpu.memory_space<vmem>>
      %dma_wait3A_1330 = arith.constant 0 : i32
      %dma_wait3A_1331 = arith.constant 0 : i32
      %dma_wait3A_1332 = tpu.memref_slice %arg4[%dma_wait3A_1330, %dma_wait3A_1331] : memref<100000x128xf32, #tpu.memory_space<hbm>> -> memref<128x128xf32, #tpu.memory_space<hbm>>
      %dma_wait3A_1333 = arith.constant 0 : i32
      %dma_wait3A_1334 = arith.constant 0 : i32
      %dma_wait3A_1335 = tpu.memref_slice %arg4[%dma_wait3A_1333, %dma_wait3A_1334] : memref<100000x128xf32, #tpu.memory_space<hbm>> -> memref<128x128xf32, #tpu.memory_space<hbm>>
      %dma_wait3A_1336 = arith.constant 0 : i32
      %dma_wait3A_1337 = arith.constant 0 : i32
      %dma_wait3A_1338 = tpu.memref_slice %arg6[%dma_wait3A, %dma_wait3A_1336, %dma_wait3A_1337] : memref<7x128x128xf32, #tpu.memory_space<vmem>> -> memref<1x128x128xf32, #tpu.memory_space<vmem>>
      %dma_wait3A_1339 = tpu.memref_squeeze %dma_wait3A_1338 : memref<1x128x128xf32, #tpu.memory_space<vmem>> -> memref<128x128xf32, #tpu.memory_space<vmem>>
      tpu.wait_dma2 semaphore(%arg16 : memref<!tpu.dma_semaphore, #tpu.memory_space<semaphore_mem>>) src(%dma_wait3A_1339 : memref<128x128xf32, #tpu.memory_space<vmem>>) dst(%dma_wait3A_1335 : memref<128x128xf32, #tpu.memory_space<hbm>>)
    } else {
    }
    %lt3A_1157 = arith.constant 782 : i32
    %lt3A_1158 = arith.cmpi slt, %add3A_1147, %lt3A_1157 : i32
    %convert_element_type3A_1159 = arith.extui %lt3A_1158 : i1 to i32
    %cond3A_1160 = arith.constant 0 : i32
    %cond3A_1161 = arith.cmpi ne, %convert_element_type3A_1159, %cond3A_1160 : i32
    scf.if %cond3A_1161 {
      %dma_start3A = arith.constant 22 : i32
      %dma_start3A_1326 = arith.constant 1 : i32
      %dma_start3A_1327 = arith.constant 0 : i32
      %dma_start3A_1328 = arith.constant 0 : i32
      %dma_start3A_1329 = tpu.memref_slice %arg6[%dma_start3A_1326, %dma_start3A_1327, %dma_start3A_1328] : memref<7x128x128xf32, #tpu.memory_space<vmem>> -> memref<1x128x128xf32, #tpu.memory_space<vmem>>
      %dma_start3A_1330 = tpu.memref_squeeze %dma_start3A_1329 : memref<1x128x128xf32, #tpu.memory_space<vmem>> -> memref<128x128xf32, #tpu.memory_space<vmem>>
      %dma_start3A_1331 = arith.constant 0 : i32
      %dma_start3A_1332 = tpu.memref_slice %arg5[%dma_start3A, %dma_start3A_1331] : memref<25x128xi32, #tpu.memory_space<vmem>> -> memref<1x128xi32, #tpu.memory_space<vmem>>
      %dma_start3A_1333 = tpu.memref_squeeze %dma_start3A_1332 : memref<1x128xi32, #tpu.memory_space<vmem>> -> memref<128xi32, #tpu.memory_space<vmem>>
      %dma_start3A_1334 = arith.constant 0 : i32
      %dma_start3A_1335 = arith.constant 0 : i32
      %dma_start3A_1336 = tpu.memref_slice %arg7[%dma_start3A_1334, %dma_start3A_1335] : memref<28x128xf32, #tpu.memory_space<vmem_shared>> -> memref<28x128xf32, #tpu.memory_space<vmem_shared>>
      tpu.enqueue_indirect_dma source(%dma_start3A_1336 : memref<28x128xf32, #tpu.memory_space<vmem_shared>>) target(%dma_start3A_1330 : memref<128x128xf32, #tpu.memory_space<vmem>>) offsets(%dma_start3A_1333 : memref<128xi32, #tpu.memory_space<vmem>>) semaphore(%arg9 : memref<!tpu.dma_semaphore, #tpu.memory_space<semaphore_mem>>)
    } else {
    }
    %mul3A_1162 = arith.constant 25 : i32
    %mul3A_1163 = arith.muli %add3A, %mul3A_1162 : i32
    %add3A_1164 = arith.constant 20 : i32
    %add3A_1165 = arith.addi %mul3A_1163, %add3A_1164 : i32
    %mul3A_1166 = arith.constant 128 : i32
    %mul3A_1167 = arith.muli %add3A_1165, %mul3A_1166 : i32
    %min3A_1168 = arith.constant 99872 : i32
    %min3A_1169 = arith.minsi %mul3A_1167, %min3A_1168 : i32
    %lt3A_1170 = arith.constant 782 : i32
    %lt3A_1171 = arith.cmpi slt, %add3A_1165, %lt3A_1170 : i32
    %convert_element_type3A_1172 = arith.extui %lt3A_1171 : i1 to i32
    %cond3A_1173 = arith.constant 0 : i32
    %cond3A_1174 = arith.cmpi ne, %convert_element_type3A_1172, %cond3A_1173 : i32
    scf.if %cond3A_1174 {
      %dma_wait3A = arith.constant 20 : i32
      %dma_wait3A_1326 = arith.constant 6 : i32
      %dma_wait3A_1327 = arith.constant 0 : i32
      %dma_wait3A_1328 = arith.constant 0 : i32
      %dma_wait3A_1329 = tpu.memref_slice %arg6[%dma_wait3A_1326, %dma_wait3A_1327, %dma_wait3A_1328] : memref<7x128x128xf32, #tpu.memory_space<vmem>> -> memref<1x128x128xf32, #tpu.memory_space<vmem>>
      %dma_wait3A_1330 = tpu.memref_squeeze %dma_wait3A_1329 : memref<1x128x128xf32, #tpu.memory_space<vmem>> -> memref<128x128xf32, #tpu.memory_space<vmem>>
      %dma_wait3A_1331 = arith.constant 0 : i32
      %dma_wait3A_1332 = tpu.memref_slice %arg5[%dma_wait3A, %dma_wait3A_1331] : memref<25x128xi32, #tpu.memory_space<vmem>> -> memref<1x128xi32, #tpu.memory_space<vmem>>
      %dma_wait3A_1333 = tpu.memref_squeeze %dma_wait3A_1332 : memref<1x128xi32, #tpu.memory_space<vmem>> -> memref<128xi32, #tpu.memory_space<vmem>>
      %dma_wait3A_1334 = arith.constant 0 : i32
      %dma_wait3A_1335 = arith.constant 0 : i32
      %dma_wait3A_1336 = tpu.memref_slice %arg7[%dma_wait3A_1334, %dma_wait3A_1335] : memref<28x128xf32, #tpu.memory_space<vmem_shared>> -> memref<28x128xf32, #tpu.memory_space<vmem_shared>>
      tpu.wait_indirect_dma semaphore(%arg14 : memref<!tpu.dma_semaphore, #tpu.memory_space<semaphore_mem>>) src(%dma_wait3A_1336 : memref<28x128xf32, #tpu.memory_space<vmem_shared>>) dst(%dma_wait3A_1330 : memref<128x128xf32, #tpu.memory_space<vmem>>)
      %dma_start3A = arith.constant 6 : i32
      %dma_start3A_1337 = arith.constant 0 : i32
      %dma_start3A_1338 = arith.constant 0 : i32
      %dma_start3A_1339 = tpu.memref_slice %arg6[%dma_start3A, %dma_start3A_1337, %dma_start3A_1338] : memref<7x128x128xf32, #tpu.memory_space<vmem>> -> memref<1x128x128xf32, #tpu.memory_space<vmem>>
      %dma_start3A_1340 = tpu.memref_squeeze %dma_start3A_1339 : memref<1x128x128xf32, #tpu.memory_space<vmem>> -> memref<128x128xf32, #tpu.memory_space<vmem>>
      %dma_start3A_1341 = arith.constant 0 : i32
      %dma_start3A_1342 = tpu.memref_slice %arg4[%min3A_1169, %dma_start3A_1341] : memref<100000x128xf32, #tpu.memory_space<hbm>> -> memref<128x128xf32, #tpu.memory_space<hbm>>
      %dma_start3A_1343 = arith.constant 0 : i32
      %dma_start3A_1344 = tpu.memref_slice %arg4[%min3A_1169, %dma_start3A_1343] : memref<100000x128xf32, #tpu.memory_space<hbm>> -> memref<128x128xf32, #tpu.memory_space<hbm>>
      %dma_start3A_1345 = arith.constant 0 : i32
      %dma_start3A_1346 = arith.constant 0 : i32
      %dma_start3A_1347 = tpu.memref_slice %arg6[%dma_start3A, %dma_start3A_1345, %dma_start3A_1346] : memref<7x128x128xf32, #tpu.memory_space<vmem>> -> memref<1x128x128xf32, #tpu.memory_space<vmem>>
      %dma_start3A_1348 = tpu.memref_squeeze %dma_start3A_1347 : memref<1x128x128xf32, #tpu.memory_space<vmem>> -> memref<128x128xf32, #tpu.memory_space<vmem>>
      tpu.enqueue_dma source(%dma_start3A_1348 : memref<128x128xf32, #tpu.memory_space<vmem>>) target(%dma_start3A_1344 : memref<128x128xf32, #tpu.memory_space<hbm>>) target_semaphore(%arg21 : memref<!tpu.dma_semaphore, #tpu.memory_space<semaphore_mem>>)
    } else {
    }
    %mul3A_1175 = arith.constant 25 : i32
    %mul3A_1176 = arith.muli %add3A, %mul3A_1175 : i32
    %add3A_1177 = arith.constant 23 : i32
    %add3A_1178 = arith.addi %mul3A_1176, %add3A_1177 : i32
    %mul3A_1179 = arith.constant 25 : i32
    %mul3A_1180 = arith.muli %add3A, %mul3A_1179 : i32
    %add3A_1181 = arith.constant 16 : i32
    %add3A_1182 = arith.addi %mul3A_1180, %add3A_1181 : i32
    %lt3A_1183 = arith.constant 782 : i32
    %lt3A_1184 = arith.cmpi slt, %add3A_1182, %lt3A_1183 : i32
    %convert_element_type3A_1185 = arith.extui %lt3A_1184 : i1 to i32
    %cond3A_1186 = arith.constant 0 : i32
    %cond3A_1187 = arith.cmpi ne, %convert_element_type3A_1185, %cond3A_1186 : i32
    scf.if %cond3A_1187 {
      %dma_wait3A = arith.constant 2 : i32
      %dma_wait3A_1326 = arith.constant 0 : i32
      %dma_wait3A_1327 = arith.constant 0 : i32
      %dma_wait3A_1328 = tpu.memref_slice %arg6[%dma_wait3A, %dma_wait3A_1326, %dma_wait3A_1327] : memref<7x128x128xf32, #tpu.memory_space<vmem>> -> memref<1x128x128xf32, #tpu.memory_space<vmem>>
      %dma_wait3A_1329 = tpu.memref_squeeze %dma_wait3A_1328 : memref<1x128x128xf32, #tpu.memory_space<vmem>> -> memref<128x128xf32, #tpu.memory_space<vmem>>
      %dma_wait3A_1330 = arith.constant 0 : i32
      %dma_wait3A_1331 = arith.constant 0 : i32
      %dma_wait3A_1332 = tpu.memref_slice %arg4[%dma_wait3A_1330, %dma_wait3A_1331] : memref<100000x128xf32, #tpu.memory_space<hbm>> -> memref<128x128xf32, #tpu.memory_space<hbm>>
      %dma_wait3A_1333 = arith.constant 0 : i32
      %dma_wait3A_1334 = arith.constant 0 : i32
      %dma_wait3A_1335 = tpu.memref_slice %arg4[%dma_wait3A_1333, %dma_wait3A_1334] : memref<100000x128xf32, #tpu.memory_space<hbm>> -> memref<128x128xf32, #tpu.memory_space<hbm>>
      %dma_wait3A_1336 = arith.constant 0 : i32
      %dma_wait3A_1337 = arith.constant 0 : i32
      %dma_wait3A_1338 = tpu.memref_slice %arg6[%dma_wait3A, %dma_wait3A_1336, %dma_wait3A_1337] : memref<7x128x128xf32, #tpu.memory_space<vmem>> -> memref<1x128x128xf32, #tpu.memory_space<vmem>>
      %dma_wait3A_1339 = tpu.memref_squeeze %dma_wait3A_1338 : memref<1x128x128xf32, #tpu.memory_space<vmem>> -> memref<128x128xf32, #tpu.memory_space<vmem>>
      tpu.wait_dma2 semaphore(%arg17 : memref<!tpu.dma_semaphore, #tpu.memory_space<semaphore_mem>>) src(%dma_wait3A_1339 : memref<128x128xf32, #tpu.memory_space<vmem>>) dst(%dma_wait3A_1335 : memref<128x128xf32, #tpu.memory_space<hbm>>)
    } else {
    }
    %lt3A_1188 = arith.constant 782 : i32
    %lt3A_1189 = arith.cmpi slt, %add3A_1178, %lt3A_1188 : i32
    %convert_element_type3A_1190 = arith.extui %lt3A_1189 : i1 to i32
    %cond3A_1191 = arith.constant 0 : i32
    %cond3A_1192 = arith.cmpi ne, %convert_element_type3A_1190, %cond3A_1191 : i32
    scf.if %cond3A_1192 {
      %dma_start3A = arith.constant 23 : i32
      %dma_start3A_1326 = arith.constant 2 : i32
      %dma_start3A_1327 = arith.constant 0 : i32
      %dma_start3A_1328 = arith.constant 0 : i32
      %dma_start3A_1329 = tpu.memref_slice %arg6[%dma_start3A_1326, %dma_start3A_1327, %dma_start3A_1328] : memref<7x128x128xf32, #tpu.memory_space<vmem>> -> memref<1x128x128xf32, #tpu.memory_space<vmem>>
      %dma_start3A_1330 = tpu.memref_squeeze %dma_start3A_1329 : memref<1x128x128xf32, #tpu.memory_space<vmem>> -> memref<128x128xf32, #tpu.memory_space<vmem>>
      %dma_start3A_1331 = arith.constant 0 : i32
      %dma_start3A_1332 = tpu.memref_slice %arg5[%dma_start3A, %dma_start3A_1331] : memref<25x128xi32, #tpu.memory_space<vmem>> -> memref<1x128xi32, #tpu.memory_space<vmem>>
      %dma_start3A_1333 = tpu.memref_squeeze %dma_start3A_1332 : memref<1x128xi32, #tpu.memory_space<vmem>> -> memref<128xi32, #tpu.memory_space<vmem>>
      %dma_start3A_1334 = arith.constant 0 : i32
      %dma_start3A_1335 = arith.constant 0 : i32
      %dma_start3A_1336 = tpu.memref_slice %arg7[%dma_start3A_1334, %dma_start3A_1335] : memref<28x128xf32, #tpu.memory_space<vmem_shared>> -> memref<28x128xf32, #tpu.memory_space<vmem_shared>>
      tpu.enqueue_indirect_dma source(%dma_start3A_1336 : memref<28x128xf32, #tpu.memory_space<vmem_shared>>) target(%dma_start3A_1330 : memref<128x128xf32, #tpu.memory_space<vmem>>) offsets(%dma_start3A_1333 : memref<128xi32, #tpu.memory_space<vmem>>) semaphore(%arg10 : memref<!tpu.dma_semaphore, #tpu.memory_space<semaphore_mem>>)
    } else {
    }
    %mul3A_1193 = arith.constant 25 : i32
    %mul3A_1194 = arith.muli %add3A, %mul3A_1193 : i32
    %add3A_1195 = arith.constant 21 : i32
    %add3A_1196 = arith.addi %mul3A_1194, %add3A_1195 : i32
    %mul3A_1197 = arith.constant 128 : i32
    %mul3A_1198 = arith.muli %add3A_1196, %mul3A_1197 : i32
    %min3A_1199 = arith.constant 99872 : i32
    %min3A_1200 = arith.minsi %mul3A_1198, %min3A_1199 : i32
    %lt3A_1201 = arith.constant 782 : i32
    %lt3A_1202 = arith.cmpi slt, %add3A_1196, %lt3A_1201 : i32
    %convert_element_type3A_1203 = arith.extui %lt3A_1202 : i1 to i32
    %cond3A_1204 = arith.constant 0 : i32
    %cond3A_1205 = arith.cmpi ne, %convert_element_type3A_1203, %cond3A_1204 : i32
    scf.if %cond3A_1205 {
      %dma_wait3A = arith.constant 21 : i32
      %dma_wait3A_1326 = arith.constant 0 : i32
      %dma_wait3A_1327 = arith.constant 0 : i32
      %dma_wait3A_1328 = arith.constant 0 : i32
      %dma_wait3A_1329 = tpu.memref_slice %arg6[%dma_wait3A_1326, %dma_wait3A_1327, %dma_wait3A_1328] : memref<7x128x128xf32, #tpu.memory_space<vmem>> -> memref<1x128x128xf32, #tpu.memory_space<vmem>>
      %dma_wait3A_1330 = tpu.memref_squeeze %dma_wait3A_1329 : memref<1x128x128xf32, #tpu.memory_space<vmem>> -> memref<128x128xf32, #tpu.memory_space<vmem>>
      %dma_wait3A_1331 = arith.constant 0 : i32
      %dma_wait3A_1332 = tpu.memref_slice %arg5[%dma_wait3A, %dma_wait3A_1331] : memref<25x128xi32, #tpu.memory_space<vmem>> -> memref<1x128xi32, #tpu.memory_space<vmem>>
      %dma_wait3A_1333 = tpu.memref_squeeze %dma_wait3A_1332 : memref<1x128xi32, #tpu.memory_space<vmem>> -> memref<128xi32, #tpu.memory_space<vmem>>
      %dma_wait3A_1334 = arith.constant 0 : i32
      %dma_wait3A_1335 = arith.constant 0 : i32
      %dma_wait3A_1336 = tpu.memref_slice %arg7[%dma_wait3A_1334, %dma_wait3A_1335] : memref<28x128xf32, #tpu.memory_space<vmem_shared>> -> memref<28x128xf32, #tpu.memory_space<vmem_shared>>
      tpu.wait_indirect_dma semaphore(%arg8 : memref<!tpu.dma_semaphore, #tpu.memory_space<semaphore_mem>>) src(%dma_wait3A_1336 : memref<28x128xf32, #tpu.memory_space<vmem_shared>>) dst(%dma_wait3A_1330 : memref<128x128xf32, #tpu.memory_space<vmem>>)
      %dma_start3A = arith.constant 0 : i32
      %dma_start3A_1337 = arith.constant 0 : i32
      %dma_start3A_1338 = arith.constant 0 : i32
      %dma_start3A_1339 = tpu.memref_slice %arg6[%dma_start3A, %dma_start3A_1337, %dma_start3A_1338] : memref<7x128x128xf32, #tpu.memory_space<vmem>> -> memref<1x128x128xf32, #tpu.memory_space<vmem>>
      %dma_start3A_1340 = tpu.memref_squeeze %dma_start3A_1339 : memref<1x128x128xf32, #tpu.memory_space<vmem>> -> memref<128x128xf32, #tpu.memory_space<vmem>>
      %dma_start3A_1341 = arith.constant 0 : i32
      %dma_start3A_1342 = tpu.memref_slice %arg4[%min3A_1200, %dma_start3A_1341] : memref<100000x128xf32, #tpu.memory_space<hbm>> -> memref<128x128xf32, #tpu.memory_space<hbm>>
      %dma_start3A_1343 = arith.constant 0 : i32
      %dma_start3A_1344 = tpu.memref_slice %arg4[%min3A_1200, %dma_start3A_1343] : memref<100000x128xf32, #tpu.memory_space<hbm>> -> memref<128x128xf32, #tpu.memory_space<hbm>>
      %dma_start3A_1345 = arith.constant 0 : i32
      %dma_start3A_1346 = arith.constant 0 : i32
      %dma_start3A_1347 = tpu.memref_slice %arg6[%dma_start3A, %dma_start3A_1345, %dma_start3A_1346] : memref<7x128x128xf32, #tpu.memory_space<vmem>> -> memref<1x128x128xf32, #tpu.memory_space<vmem>>
      %dma_start3A_1348 = tpu.memref_squeeze %dma_start3A_1347 : memref<1x128x128xf32, #tpu.memory_space<vmem>> -> memref<128x128xf32, #tpu.memory_space<vmem>>
      tpu.enqueue_dma source(%dma_start3A_1348 : memref<128x128xf32, #tpu.memory_space<vmem>>) target(%dma_start3A_1344 : memref<128x128xf32, #tpu.memory_space<hbm>>) target_semaphore(%arg15 : memref<!tpu.dma_semaphore, #tpu.memory_space<semaphore_mem>>)
    } else {
    }
    %mul3A_1206 = arith.constant 25 : i32
    %mul3A_1207 = arith.muli %add3A, %mul3A_1206 : i32
    %add3A_1208 = arith.constant 24 : i32
    %add3A_1209 = arith.addi %mul3A_1207, %add3A_1208 : i32
    %mul3A_1210 = arith.constant 25 : i32
    %mul3A_1211 = arith.muli %add3A, %mul3A_1210 : i32
    %add3A_1212 = arith.constant 17 : i32
    %add3A_1213 = arith.addi %mul3A_1211, %add3A_1212 : i32
    %lt3A_1214 = arith.constant 782 : i32
    %lt3A_1215 = arith.cmpi slt, %add3A_1213, %lt3A_1214 : i32
    %convert_element_type3A_1216 = arith.extui %lt3A_1215 : i1 to i32
    %cond3A_1217 = arith.constant 0 : i32
    %cond3A_1218 = arith.cmpi ne, %convert_element_type3A_1216, %cond3A_1217 : i32
    scf.if %cond3A_1218 {
      %dma_wait3A = arith.constant 3 : i32
      %dma_wait3A_1326 = arith.constant 0 : i32
      %dma_wait3A_1327 = arith.constant 0 : i32
      %dma_wait3A_1328 = tpu.memref_slice %arg6[%dma_wait3A, %dma_wait3A_1326, %dma_wait3A_1327] : memref<7x128x128xf32, #tpu.memory_space<vmem>> -> memref<1x128x128xf32, #tpu.memory_space<vmem>>
      %dma_wait3A_1329 = tpu.memref_squeeze %dma_wait3A_1328 : memref<1x128x128xf32, #tpu.memory_space<vmem>> -> memref<128x128xf32, #tpu.memory_space<vmem>>
      %dma_wait3A_1330 = arith.constant 0 : i32
      %dma_wait3A_1331 = arith.constant 0 : i32
      %dma_wait3A_1332 = tpu.memref_slice %arg4[%dma_wait3A_1330, %dma_wait3A_1331] : memref<100000x128xf32, #tpu.memory_space<hbm>> -> memref<128x128xf32, #tpu.memory_space<hbm>>
      %dma_wait3A_1333 = arith.constant 0 : i32
      %dma_wait3A_1334 = arith.constant 0 : i32
      %dma_wait3A_1335 = tpu.memref_slice %arg4[%dma_wait3A_1333, %dma_wait3A_1334] : memref<100000x128xf32, #tpu.memory_space<hbm>> -> memref<128x128xf32, #tpu.memory_space<hbm>>
      %dma_wait3A_1336 = arith.constant 0 : i32
      %dma_wait3A_1337 = arith.constant 0 : i32
      %dma_wait3A_1338 = tpu.memref_slice %arg6[%dma_wait3A, %dma_wait3A_1336, %dma_wait3A_1337] : memref<7x128x128xf32, #tpu.memory_space<vmem>> -> memref<1x128x128xf32, #tpu.memory_space<vmem>>
      %dma_wait3A_1339 = tpu.memref_squeeze %dma_wait3A_1338 : memref<1x128x128xf32, #tpu.memory_space<vmem>> -> memref<128x128xf32, #tpu.memory_space<vmem>>
      tpu.wait_dma2 semaphore(%arg18 : memref<!tpu.dma_semaphore, #tpu.memory_space<semaphore_mem>>) src(%dma_wait3A_1339 : memref<128x128xf32, #tpu.memory_space<vmem>>) dst(%dma_wait3A_1335 : memref<128x128xf32, #tpu.memory_space<hbm>>)
    } else {
    }
    %lt3A_1219 = arith.constant 782 : i32
    %lt3A_1220 = arith.cmpi slt, %add3A_1209, %lt3A_1219 : i32
    %convert_element_type3A_1221 = arith.extui %lt3A_1220 : i1 to i32
    %cond3A_1222 = arith.constant 0 : i32
    %cond3A_1223 = arith.cmpi ne, %convert_element_type3A_1221, %cond3A_1222 : i32
    scf.if %cond3A_1223 {
      %dma_start3A = arith.constant 24 : i32
      %dma_start3A_1326 = arith.constant 3 : i32
      %dma_start3A_1327 = arith.constant 0 : i32
      %dma_start3A_1328 = arith.constant 0 : i32
      %dma_start3A_1329 = tpu.memref_slice %arg6[%dma_start3A_1326, %dma_start3A_1327, %dma_start3A_1328] : memref<7x128x128xf32, #tpu.memory_space<vmem>> -> memref<1x128x128xf32, #tpu.memory_space<vmem>>
      %dma_start3A_1330 = tpu.memref_squeeze %dma_start3A_1329 : memref<1x128x128xf32, #tpu.memory_space<vmem>> -> memref<128x128xf32, #tpu.memory_space<vmem>>
      %dma_start3A_1331 = arith.constant 0 : i32
      %dma_start3A_1332 = tpu.memref_slice %arg5[%dma_start3A, %dma_start3A_1331] : memref<25x128xi32, #tpu.memory_space<vmem>> -> memref<1x128xi32, #tpu.memory_space<vmem>>
      %dma_start3A_1333 = tpu.memref_squeeze %dma_start3A_1332 : memref<1x128xi32, #tpu.memory_space<vmem>> -> memref<128xi32, #tpu.memory_space<vmem>>
      %dma_start3A_1334 = arith.constant 0 : i32
      %dma_start3A_1335 = arith.constant 0 : i32
      %dma_start3A_1336 = tpu.memref_slice %arg7[%dma_start3A_1334, %dma_start3A_1335] : memref<28x128xf32, #tpu.memory_space<vmem_shared>> -> memref<28x128xf32, #tpu.memory_space<vmem_shared>>
      tpu.enqueue_indirect_dma source(%dma_start3A_1336 : memref<28x128xf32, #tpu.memory_space<vmem_shared>>) target(%dma_start3A_1330 : memref<128x128xf32, #tpu.memory_space<vmem>>) offsets(%dma_start3A_1333 : memref<128xi32, #tpu.memory_space<vmem>>) semaphore(%arg11 : memref<!tpu.dma_semaphore, #tpu.memory_space<semaphore_mem>>)
    } else {
    }
    %mul3A_1224 = arith.constant 25 : i32
    %mul3A_1225 = arith.muli %add3A, %mul3A_1224 : i32
    %add3A_1226 = arith.constant 22 : i32
    %add3A_1227 = arith.addi %mul3A_1225, %add3A_1226 : i32
    %mul3A_1228 = arith.constant 128 : i32
    %mul3A_1229 = arith.muli %add3A_1227, %mul3A_1228 : i32
    %min3A_1230 = arith.constant 99872 : i32
    %min3A_1231 = arith.minsi %mul3A_1229, %min3A_1230 : i32
    %lt3A_1232 = arith.constant 782 : i32
    %lt3A_1233 = arith.cmpi slt, %add3A_1227, %lt3A_1232 : i32
    %convert_element_type3A_1234 = arith.extui %lt3A_1233 : i1 to i32
    %cond3A_1235 = arith.constant 0 : i32
    %cond3A_1236 = arith.cmpi ne, %convert_element_type3A_1234, %cond3A_1235 : i32
    scf.if %cond3A_1236 {
      %dma_wait3A = arith.constant 22 : i32
      %dma_wait3A_1326 = arith.constant 1 : i32
      %dma_wait3A_1327 = arith.constant 0 : i32
      %dma_wait3A_1328 = arith.constant 0 : i32
      %dma_wait3A_1329 = tpu.memref_slice %arg6[%dma_wait3A_1326, %dma_wait3A_1327, %dma_wait3A_1328] : memref<7x128x128xf32, #tpu.memory_space<vmem>> -> memref<1x128x128xf32, #tpu.memory_space<vmem>>
      %dma_wait3A_1330 = tpu.memref_squeeze %dma_wait3A_1329 : memref<1x128x128xf32, #tpu.memory_space<vmem>> -> memref<128x128xf32, #tpu.memory_space<vmem>>
      %dma_wait3A_1331 = arith.constant 0 : i32
      %dma_wait3A_1332 = tpu.memref_slice %arg5[%dma_wait3A, %dma_wait3A_1331] : memref<25x128xi32, #tpu.memory_space<vmem>> -> memref<1x128xi32, #tpu.memory_space<vmem>>
      %dma_wait3A_1333 = tpu.memref_squeeze %dma_wait3A_1332 : memref<1x128xi32, #tpu.memory_space<vmem>> -> memref<128xi32, #tpu.memory_space<vmem>>
      %dma_wait3A_1334 = arith.constant 0 : i32
      %dma_wait3A_1335 = arith.constant 0 : i32
      %dma_wait3A_1336 = tpu.memref_slice %arg7[%dma_wait3A_1334, %dma_wait3A_1335] : memref<28x128xf32, #tpu.memory_space<vmem_shared>> -> memref<28x128xf32, #tpu.memory_space<vmem_shared>>
      tpu.wait_indirect_dma semaphore(%arg9 : memref<!tpu.dma_semaphore, #tpu.memory_space<semaphore_mem>>) src(%dma_wait3A_1336 : memref<28x128xf32, #tpu.memory_space<vmem_shared>>) dst(%dma_wait3A_1330 : memref<128x128xf32, #tpu.memory_space<vmem>>)
      %dma_start3A = arith.constant 1 : i32
      %dma_start3A_1337 = arith.constant 0 : i32
      %dma_start3A_1338 = arith.constant 0 : i32
      %dma_start3A_1339 = tpu.memref_slice %arg6[%dma_start3A, %dma_start3A_1337, %dma_start3A_1338] : memref<7x128x128xf32, #tpu.memory_space<vmem>> -> memref<1x128x128xf32, #tpu.memory_space<vmem>>
      %dma_start3A_1340 = tpu.memref_squeeze %dma_start3A_1339 : memref<1x128x128xf32, #tpu.memory_space<vmem>> -> memref<128x128xf32, #tpu.memory_space<vmem>>
      %dma_start3A_1341 = arith.constant 0 : i32
      %dma_start3A_1342 = tpu.memref_slice %arg4[%min3A_1231, %dma_start3A_1341] : memref<100000x128xf32, #tpu.memory_space<hbm>> -> memref<128x128xf32, #tpu.memory_space<hbm>>
      %dma_start3A_1343 = arith.constant 0 : i32
      %dma_start3A_1344 = tpu.memref_slice %arg4[%min3A_1231, %dma_start3A_1343] : memref<100000x128xf32, #tpu.memory_space<hbm>> -> memref<128x128xf32, #tpu.memory_space<hbm>>
      %dma_start3A_1345 = arith.constant 0 : i32
      %dma_start3A_1346 = arith.constant 0 : i32
      %dma_start3A_1347 = tpu.memref_slice %arg6[%dma_start3A, %dma_start3A_1345, %dma_start3A_1346] : memref<7x128x128xf32, #tpu.memory_space<vmem>> -> memref<1x128x128xf32, #tpu.memory_space<vmem>>
      %dma_start3A_1348 = tpu.memref_squeeze %dma_start3A_1347 : memref<1x128x128xf32, #tpu.memory_space<vmem>> -> memref<128x128xf32, #tpu.memory_space<vmem>>
      tpu.enqueue_dma source(%dma_start3A_1348 : memref<128x128xf32, #tpu.memory_space<vmem>>) target(%dma_start3A_1344 : memref<128x128xf32, #tpu.memory_space<hbm>>) target_semaphore(%arg16 : memref<!tpu.dma_semaphore, #tpu.memory_space<semaphore_mem>>)
    } else {
    }
    %mul3A_1237 = arith.constant 25 : i32
    %mul3A_1238 = arith.muli %add3A, %mul3A_1237 : i32
    %add3A_1239 = arith.constant 23 : i32
    %add3A_1240 = arith.addi %mul3A_1238, %add3A_1239 : i32
    %mul3A_1241 = arith.constant 128 : i32
    %mul3A_1242 = arith.muli %add3A_1240, %mul3A_1241 : i32
    %min3A_1243 = arith.constant 99872 : i32
    %min3A_1244 = arith.minsi %mul3A_1242, %min3A_1243 : i32
    %lt3A_1245 = arith.constant 782 : i32
    %lt3A_1246 = arith.cmpi slt, %add3A_1240, %lt3A_1245 : i32
    %convert_element_type3A_1247 = arith.extui %lt3A_1246 : i1 to i32
    %cond3A_1248 = arith.constant 0 : i32
    %cond3A_1249 = arith.cmpi ne, %convert_element_type3A_1247, %cond3A_1248 : i32
    scf.if %cond3A_1249 {
      %dma_wait3A = arith.constant 23 : i32
      %dma_wait3A_1326 = arith.constant 2 : i32
      %dma_wait3A_1327 = arith.constant 0 : i32
      %dma_wait3A_1328 = arith.constant 0 : i32
      %dma_wait3A_1329 = tpu.memref_slice %arg6[%dma_wait3A_1326, %dma_wait3A_1327, %dma_wait3A_1328] : memref<7x128x128xf32, #tpu.memory_space<vmem>> -> memref<1x128x128xf32, #tpu.memory_space<vmem>>
      %dma_wait3A_1330 = tpu.memref_squeeze %dma_wait3A_1329 : memref<1x128x128xf32, #tpu.memory_space<vmem>> -> memref<128x128xf32, #tpu.memory_space<vmem>>
      %dma_wait3A_1331 = arith.constant 0 : i32
      %dma_wait3A_1332 = tpu.memref_slice %arg5[%dma_wait3A, %dma_wait3A_1331] : memref<25x128xi32, #tpu.memory_space<vmem>> -> memref<1x128xi32, #tpu.memory_space<vmem>>
      %dma_wait3A_1333 = tpu.memref_squeeze %dma_wait3A_1332 : memref<1x128xi32, #tpu.memory_space<vmem>> -> memref<128xi32, #tpu.memory_space<vmem>>
      %dma_wait3A_1334 = arith.constant 0 : i32
      %dma_wait3A_1335 = arith.constant 0 : i32
      %dma_wait3A_1336 = tpu.memref_slice %arg7[%dma_wait3A_1334, %dma_wait3A_1335] : memref<28x128xf32, #tpu.memory_space<vmem_shared>> -> memref<28x128xf32, #tpu.memory_space<vmem_shared>>
      tpu.wait_indirect_dma semaphore(%arg10 : memref<!tpu.dma_semaphore, #tpu.memory_space<semaphore_mem>>) src(%dma_wait3A_1336 : memref<28x128xf32, #tpu.memory_space<vmem_shared>>) dst(%dma_wait3A_1330 : memref<128x128xf32, #tpu.memory_space<vmem>>)
      %dma_start3A = arith.constant 2 : i32
      %dma_start3A_1337 = arith.constant 0 : i32
      %dma_start3A_1338 = arith.constant 0 : i32
      %dma_start3A_1339 = tpu.memref_slice %arg6[%dma_start3A, %dma_start3A_1337, %dma_start3A_1338] : memref<7x128x128xf32, #tpu.memory_space<vmem>> -> memref<1x128x128xf32, #tpu.memory_space<vmem>>
      %dma_start3A_1340 = tpu.memref_squeeze %dma_start3A_1339 : memref<1x128x128xf32, #tpu.memory_space<vmem>> -> memref<128x128xf32, #tpu.memory_space<vmem>>
      %dma_start3A_1341 = arith.constant 0 : i32
      %dma_start3A_1342 = tpu.memref_slice %arg4[%min3A_1244, %dma_start3A_1341] : memref<100000x128xf32, #tpu.memory_space<hbm>> -> memref<128x128xf32, #tpu.memory_space<hbm>>
      %dma_start3A_1343 = arith.constant 0 : i32
      %dma_start3A_1344 = tpu.memref_slice %arg4[%min3A_1244, %dma_start3A_1343] : memref<100000x128xf32, #tpu.memory_space<hbm>> -> memref<128x128xf32, #tpu.memory_space<hbm>>
      %dma_start3A_1345 = arith.constant 0 : i32
      %dma_start3A_1346 = arith.constant 0 : i32
      %dma_start3A_1347 = tpu.memref_slice %arg6[%dma_start3A, %dma_start3A_1345, %dma_start3A_1346] : memref<7x128x128xf32, #tpu.memory_space<vmem>> -> memref<1x128x128xf32, #tpu.memory_space<vmem>>
      %dma_start3A_1348 = tpu.memref_squeeze %dma_start3A_1347 : memref<1x128x128xf32, #tpu.memory_space<vmem>> -> memref<128x128xf32, #tpu.memory_space<vmem>>
      tpu.enqueue_dma source(%dma_start3A_1348 : memref<128x128xf32, #tpu.memory_space<vmem>>) target(%dma_start3A_1344 : memref<128x128xf32, #tpu.memory_space<hbm>>) target_semaphore(%arg17 : memref<!tpu.dma_semaphore, #tpu.memory_space<semaphore_mem>>)
    } else {
    }
    %mul3A_1250 = arith.constant 25 : i32
    %mul3A_1251 = arith.muli %add3A, %mul3A_1250 : i32
    %add3A_1252 = arith.constant 24 : i32
    %add3A_1253 = arith.addi %mul3A_1251, %add3A_1252 : i32
    %mul3A_1254 = arith.constant 128 : i32
    %mul3A_1255 = arith.muli %add3A_1253, %mul3A_1254 : i32
    %min3A_1256 = arith.constant 99872 : i32
    %min3A_1257 = arith.minsi %mul3A_1255, %min3A_1256 : i32
    %lt3A_1258 = arith.constant 782 : i32
    %lt3A_1259 = arith.cmpi slt, %add3A_1253, %lt3A_1258 : i32
    %convert_element_type3A_1260 = arith.extui %lt3A_1259 : i1 to i32
    %cond3A_1261 = arith.constant 0 : i32
    %cond3A_1262 = arith.cmpi ne, %convert_element_type3A_1260, %cond3A_1261 : i32
    scf.if %cond3A_1262 {
      %dma_wait3A = arith.constant 24 : i32
      %dma_wait3A_1326 = arith.constant 3 : i32
      %dma_wait3A_1327 = arith.constant 0 : i32
      %dma_wait3A_1328 = arith.constant 0 : i32
      %dma_wait3A_1329 = tpu.memref_slice %arg6[%dma_wait3A_1326, %dma_wait3A_1327, %dma_wait3A_1328] : memref<7x128x128xf32, #tpu.memory_space<vmem>> -> memref<1x128x128xf32, #tpu.memory_space<vmem>>
      %dma_wait3A_1330 = tpu.memref_squeeze %dma_wait3A_1329 : memref<1x128x128xf32, #tpu.memory_space<vmem>> -> memref<128x128xf32, #tpu.memory_space<vmem>>
      %dma_wait3A_1331 = arith.constant 0 : i32
      %dma_wait3A_1332 = tpu.memref_slice %arg5[%dma_wait3A, %dma_wait3A_1331] : memref<25x128xi32, #tpu.memory_space<vmem>> -> memref<1x128xi32, #tpu.memory_space<vmem>>
      %dma_wait3A_1333 = tpu.memref_squeeze %dma_wait3A_1332 : memref<1x128xi32, #tpu.memory_space<vmem>> -> memref<128xi32, #tpu.memory_space<vmem>>
      %dma_wait3A_1334 = arith.constant 0 : i32
      %dma_wait3A_1335 = arith.constant 0 : i32
      %dma_wait3A_1336 = tpu.memref_slice %arg7[%dma_wait3A_1334, %dma_wait3A_1335] : memref<28x128xf32, #tpu.memory_space<vmem_shared>> -> memref<28x128xf32, #tpu.memory_space<vmem_shared>>
      tpu.wait_indirect_dma semaphore(%arg11 : memref<!tpu.dma_semaphore, #tpu.memory_space<semaphore_mem>>) src(%dma_wait3A_1336 : memref<28x128xf32, #tpu.memory_space<vmem_shared>>) dst(%dma_wait3A_1330 : memref<128x128xf32, #tpu.memory_space<vmem>>)
      %dma_start3A = arith.constant 3 : i32
      %dma_start3A_1337 = arith.constant 0 : i32
      %dma_start3A_1338 = arith.constant 0 : i32
      %dma_start3A_1339 = tpu.memref_slice %arg6[%dma_start3A, %dma_start3A_1337, %dma_start3A_1338] : memref<7x128x128xf32, #tpu.memory_space<vmem>> -> memref<1x128x128xf32, #tpu.memory_space<vmem>>
      %dma_start3A_1340 = tpu.memref_squeeze %dma_start3A_1339 : memref<1x128x128xf32, #tpu.memory_space<vmem>> -> memref<128x128xf32, #tpu.memory_space<vmem>>
      %dma_start3A_1341 = arith.constant 0 : i32
      %dma_start3A_1342 = tpu.memref_slice %arg4[%min3A_1257, %dma_start3A_1341] : memref<100000x128xf32, #tpu.memory_space<hbm>> -> memref<128x128xf32, #tpu.memory_space<hbm>>
      %dma_start3A_1343 = arith.constant 0 : i32
      %dma_start3A_1344 = tpu.memref_slice %arg4[%min3A_1257, %dma_start3A_1343] : memref<100000x128xf32, #tpu.memory_space<hbm>> -> memref<128x128xf32, #tpu.memory_space<hbm>>
      %dma_start3A_1345 = arith.constant 0 : i32
      %dma_start3A_1346 = arith.constant 0 : i32
      %dma_start3A_1347 = tpu.memref_slice %arg6[%dma_start3A, %dma_start3A_1345, %dma_start3A_1346] : memref<7x128x128xf32, #tpu.memory_space<vmem>> -> memref<1x128x128xf32, #tpu.memory_space<vmem>>
      %dma_start3A_1348 = tpu.memref_squeeze %dma_start3A_1347 : memref<1x128x128xf32, #tpu.memory_space<vmem>> -> memref<128x128xf32, #tpu.memory_space<vmem>>
      tpu.enqueue_dma source(%dma_start3A_1348 : memref<128x128xf32, #tpu.memory_space<vmem>>) target(%dma_start3A_1344 : memref<128x128xf32, #tpu.memory_space<hbm>>) target_semaphore(%arg18 : memref<!tpu.dma_semaphore, #tpu.memory_space<semaphore_mem>>)
    } else {
    }
    %mul3A_1263 = arith.constant 25 : i32
    %mul3A_1264 = arith.muli %add3A, %mul3A_1263 : i32
    %add3A_1265 = arith.constant 18 : i32
    %add3A_1266 = arith.addi %mul3A_1264, %add3A_1265 : i32
    %lt3A_1267 = arith.constant 782 : i32
    %lt3A_1268 = arith.cmpi slt, %add3A_1266, %lt3A_1267 : i32
    %convert_element_type3A_1269 = arith.extui %lt3A_1268 : i1 to i32
    %cond3A_1270 = arith.constant 0 : i32
    %cond3A_1271 = arith.cmpi ne, %convert_element_type3A_1269, %cond3A_1270 : i32
    scf.if %cond3A_1271 {
      %dma_wait3A = arith.constant 4 : i32
      %dma_wait3A_1326 = arith.constant 0 : i32
      %dma_wait3A_1327 = arith.constant 0 : i32
      %dma_wait3A_1328 = tpu.memref_slice %arg6[%dma_wait3A, %dma_wait3A_1326, %dma_wait3A_1327] : memref<7x128x128xf32, #tpu.memory_space<vmem>> -> memref<1x128x128xf32, #tpu.memory_space<vmem>>
      %dma_wait3A_1329 = tpu.memref_squeeze %dma_wait3A_1328 : memref<1x128x128xf32, #tpu.memory_space<vmem>> -> memref<128x128xf32, #tpu.memory_space<vmem>>
      %dma_wait3A_1330 = arith.constant 0 : i32
      %dma_wait3A_1331 = arith.constant 0 : i32
      %dma_wait3A_1332 = tpu.memref_slice %arg4[%dma_wait3A_1330, %dma_wait3A_1331] : memref<100000x128xf32, #tpu.memory_space<hbm>> -> memref<128x128xf32, #tpu.memory_space<hbm>>
      %dma_wait3A_1333 = arith.constant 0 : i32
      %dma_wait3A_1334 = arith.constant 0 : i32
      %dma_wait3A_1335 = tpu.memref_slice %arg4[%dma_wait3A_1333, %dma_wait3A_1334] : memref<100000x128xf32, #tpu.memory_space<hbm>> -> memref<128x128xf32, #tpu.memory_space<hbm>>
      %dma_wait3A_1336 = arith.constant 0 : i32
      %dma_wait3A_1337 = arith.constant 0 : i32
      %dma_wait3A_1338 = tpu.memref_slice %arg6[%dma_wait3A, %dma_wait3A_1336, %dma_wait3A_1337] : memref<7x128x128xf32, #tpu.memory_space<vmem>> -> memref<1x128x128xf32, #tpu.memory_space<vmem>>
      %dma_wait3A_1339 = tpu.memref_squeeze %dma_wait3A_1338 : memref<1x128x128xf32, #tpu.memory_space<vmem>> -> memref<128x128xf32, #tpu.memory_space<vmem>>
      tpu.wait_dma2 semaphore(%arg19 : memref<!tpu.dma_semaphore, #tpu.memory_space<semaphore_mem>>) src(%dma_wait3A_1339 : memref<128x128xf32, #tpu.memory_space<vmem>>) dst(%dma_wait3A_1335 : memref<128x128xf32, #tpu.memory_space<hbm>>)
    } else {
    }
    %mul3A_1272 = arith.constant 25 : i32
    %mul3A_1273 = arith.muli %add3A, %mul3A_1272 : i32
    %add3A_1274 = arith.constant 19 : i32
    %add3A_1275 = arith.addi %mul3A_1273, %add3A_1274 : i32
    %lt3A_1276 = arith.constant 782 : i32
    %lt3A_1277 = arith.cmpi slt, %add3A_1275, %lt3A_1276 : i32
    %convert_element_type3A_1278 = arith.extui %lt3A_1277 : i1 to i32
    %cond3A_1279 = arith.constant 0 : i32
    %cond3A_1280 = arith.cmpi ne, %convert_element_type3A_1278, %cond3A_1279 : i32
    scf.if %cond3A_1280 {
      %dma_wait3A = arith.constant 5 : i32
      %dma_wait3A_1326 = arith.constant 0 : i32
      %dma_wait3A_1327 = arith.constant 0 : i32
      %dma_wait3A_1328 = tpu.memref_slice %arg6[%dma_wait3A, %dma_wait3A_1326, %dma_wait3A_1327] : memref<7x128x128xf32, #tpu.memory_space<vmem>> -> memref<1x128x128xf32, #tpu.memory_space<vmem>>
      %dma_wait3A_1329 = tpu.memref_squeeze %dma_wait3A_1328 : memref<1x128x128xf32, #tpu.memory_space<vmem>> -> memref<128x128xf32, #tpu.memory_space<vmem>>
      %dma_wait3A_1330 = arith.constant 0 : i32
      %dma_wait3A_1331 = arith.constant 0 : i32
      %dma_wait3A_1332 = tpu.memref_slice %arg4[%dma_wait3A_1330, %dma_wait3A_1331] : memref<100000x128xf32, #tpu.memory_space<hbm>> -> memref<128x128xf32, #tpu.memory_space<hbm>>
      %dma_wait3A_1333 = arith.constant 0 : i32
      %dma_wait3A_1334 = arith.constant 0 : i32
      %dma_wait3A_1335 = tpu.memref_slice %arg4[%dma_wait3A_1333, %dma_wait3A_1334] : memref<100000x128xf32, #tpu.memory_space<hbm>> -> memref<128x128xf32, #tpu.memory_space<hbm>>
      %dma_wait3A_1336 = arith.constant 0 : i32
      %dma_wait3A_1337 = arith.constant 0 : i32
      %dma_wait3A_1338 = tpu.memref_slice %arg6[%dma_wait3A, %dma_wait3A_1336, %dma_wait3A_1337] : memref<7x128x128xf32, #tpu.memory_space<vmem>> -> memref<1x128x128xf32, #tpu.memory_space<vmem>>
      %dma_wait3A_1339 = tpu.memref_squeeze %dma_wait3A_1338 : memref<1x128x128xf32, #tpu.memory_space<vmem>> -> memref<128x128xf32, #tpu.memory_space<vmem>>
      tpu.wait_dma2 semaphore(%arg20 : memref<!tpu.dma_semaphore, #tpu.memory_space<semaphore_mem>>) src(%dma_wait3A_1339 : memref<128x128xf32, #tpu.memory_space<vmem>>) dst(%dma_wait3A_1335 : memref<128x128xf32, #tpu.memory_space<hbm>>)
    } else {
    }
    %mul3A_1281 = arith.constant 25 : i32
    %mul3A_1282 = arith.muli %add3A, %mul3A_1281 : i32
    %add3A_1283 = arith.constant 20 : i32
    %add3A_1284 = arith.addi %mul3A_1282, %add3A_1283 : i32
    %lt3A_1285 = arith.constant 782 : i32
    %lt3A_1286 = arith.cmpi slt, %add3A_1284, %lt3A_1285 : i32
    %convert_element_type3A_1287 = arith.extui %lt3A_1286 : i1 to i32
    %cond3A_1288 = arith.constant 0 : i32
    %cond3A_1289 = arith.cmpi ne, %convert_element_type3A_1287, %cond3A_1288 : i32
    scf.if %cond3A_1289 {
      %dma_wait3A = arith.constant 6 : i32
      %dma_wait3A_1326 = arith.constant 0 : i32
      %dma_wait3A_1327 = arith.constant 0 : i32
      %dma_wait3A_1328 = tpu.memref_slice %arg6[%dma_wait3A, %dma_wait3A_1326, %dma_wait3A_1327] : memref<7x128x128xf32, #tpu.memory_space<vmem>> -> memref<1x128x128xf32, #tpu.memory_space<vmem>>
      %dma_wait3A_1329 = tpu.memref_squeeze %dma_wait3A_1328 : memref<1x128x128xf32, #tpu.memory_space<vmem>> -> memref<128x128xf32, #tpu.memory_space<vmem>>
      %dma_wait3A_1330 = arith.constant 0 : i32
      %dma_wait3A_1331 = arith.constant 0 : i32
      %dma_wait3A_1332 = tpu.memref_slice %arg4[%dma_wait3A_1330, %dma_wait3A_1331] : memref<100000x128xf32, #tpu.memory_space<hbm>> -> memref<128x128xf32, #tpu.memory_space<hbm>>
      %dma_wait3A_1333 = arith.constant 0 : i32
      %dma_wait3A_1334 = arith.constant 0 : i32
      %dma_wait3A_1335 = tpu.memref_slice %arg4[%dma_wait3A_1333, %dma_wait3A_1334] : memref<100000x128xf32, #tpu.memory_space<hbm>> -> memref<128x128xf32, #tpu.memory_space<hbm>>
      %dma_wait3A_1336 = arith.constant 0 : i32
      %dma_wait3A_1337 = arith.constant 0 : i32
      %dma_wait3A_1338 = tpu.memref_slice %arg6[%dma_wait3A, %dma_wait3A_1336, %dma_wait3A_1337] : memref<7x128x128xf32, #tpu.memory_space<vmem>> -> memref<1x128x128xf32, #tpu.memory_space<vmem>>
      %dma_wait3A_1339 = tpu.memref_squeeze %dma_wait3A_1338 : memref<1x128x128xf32, #tpu.memory_space<vmem>> -> memref<128x128xf32, #tpu.memory_space<vmem>>
      tpu.wait_dma2 semaphore(%arg21 : memref<!tpu.dma_semaphore, #tpu.memory_space<semaphore_mem>>) src(%dma_wait3A_1339 : memref<128x128xf32, #tpu.memory_space<vmem>>) dst(%dma_wait3A_1335 : memref<128x128xf32, #tpu.memory_space<hbm>>)
    } else {
    }
    %mul3A_1290 = arith.constant 25 : i32
    %mul3A_1291 = arith.muli %add3A, %mul3A_1290 : i32
    %add3A_1292 = arith.constant 21 : i32
    %add3A_1293 = arith.addi %mul3A_1291, %add3A_1292 : i32
    %lt3A_1294 = arith.constant 782 : i32
    %lt3A_1295 = arith.cmpi slt, %add3A_1293, %lt3A_1294 : i32
    %convert_element_type3A_1296 = arith.extui %lt3A_1295 : i1 to i32
    %cond3A_1297 = arith.constant 0 : i32
    %cond3A_1298 = arith.cmpi ne, %convert_element_type3A_1296, %cond3A_1297 : i32
    scf.if %cond3A_1298 {
      %dma_wait3A = arith.constant 0 : i32
      %dma_wait3A_1326 = arith.constant 0 : i32
      %dma_wait3A_1327 = arith.constant 0 : i32
      %dma_wait3A_1328 = tpu.memref_slice %arg6[%dma_wait3A, %dma_wait3A_1326, %dma_wait3A_1327] : memref<7x128x128xf32, #tpu.memory_space<vmem>> -> memref<1x128x128xf32, #tpu.memory_space<vmem>>
      %dma_wait3A_1329 = tpu.memref_squeeze %dma_wait3A_1328 : memref<1x128x128xf32, #tpu.memory_space<vmem>> -> memref<128x128xf32, #tpu.memory_space<vmem>>
      %dma_wait3A_1330 = arith.constant 0 : i32
      %dma_wait3A_1331 = arith.constant 0 : i32
      %dma_wait3A_1332 = tpu.memref_slice %arg4[%dma_wait3A_1330, %dma_wait3A_1331] : memref<100000x128xf32, #tpu.memory_space<hbm>> -> memref<128x128xf32, #tpu.memory_space<hbm>>
      %dma_wait3A_1333 = arith.constant 0 : i32
      %dma_wait3A_1334 = arith.constant 0 : i32
      %dma_wait3A_1335 = tpu.memref_slice %arg4[%dma_wait3A_1333, %dma_wait3A_1334] : memref<100000x128xf32, #tpu.memory_space<hbm>> -> memref<128x128xf32, #tpu.memory_space<hbm>>
      %dma_wait3A_1336 = arith.constant 0 : i32
      %dma_wait3A_1337 = arith.constant 0 : i32
      %dma_wait3A_1338 = tpu.memref_slice %arg6[%dma_wait3A, %dma_wait3A_1336, %dma_wait3A_1337] : memref<7x128x128xf32, #tpu.memory_space<vmem>> -> memref<1x128x128xf32, #tpu.memory_space<vmem>>
      %dma_wait3A_1339 = tpu.memref_squeeze %dma_wait3A_1338 : memref<1x128x128xf32, #tpu.memory_space<vmem>> -> memref<128x128xf32, #tpu.memory_space<vmem>>
      tpu.wait_dma2 semaphore(%arg15 : memref<!tpu.dma_semaphore, #tpu.memory_space<semaphore_mem>>) src(%dma_wait3A_1339 : memref<128x128xf32, #tpu.memory_space<vmem>>) dst(%dma_wait3A_1335 : memref<128x128xf32, #tpu.memory_space<hbm>>)
    } else {
    }
    %mul3A_1299 = arith.constant 25 : i32
    %mul3A_1300 = arith.muli %add3A, %mul3A_1299 : i32
    %add3A_1301 = arith.constant 22 : i32
    %add3A_1302 = arith.addi %mul3A_1300, %add3A_1301 : i32
    %lt3A_1303 = arith.constant 782 : i32
    %lt3A_1304 = arith.cmpi slt, %add3A_1302, %lt3A_1303 : i32
    %convert_element_type3A_1305 = arith.extui %lt3A_1304 : i1 to i32
    %cond3A_1306 = arith.constant 0 : i32
    %cond3A_1307 = arith.cmpi ne, %convert_element_type3A_1305, %cond3A_1306 : i32
    scf.if %cond3A_1307 {
      %dma_wait3A = arith.constant 1 : i32
      %dma_wait3A_1326 = arith.constant 0 : i32
      %dma_wait3A_1327 = arith.constant 0 : i32
      %dma_wait3A_1328 = tpu.memref_slice %arg6[%dma_wait3A, %dma_wait3A_1326, %dma_wait3A_1327] : memref<7x128x128xf32, #tpu.memory_space<vmem>> -> memref<1x128x128xf32, #tpu.memory_space<vmem>>
      %dma_wait3A_1329 = tpu.memref_squeeze %dma_wait3A_1328 : memref<1x128x128xf32, #tpu.memory_space<vmem>> -> memref<128x128xf32, #tpu.memory_space<vmem>>
      %dma_wait3A_1330 = arith.constant 0 : i32
      %dma_wait3A_1331 = arith.constant 0 : i32
      %dma_wait3A_1332 = tpu.memref_slice %arg4[%dma_wait3A_1330, %dma_wait3A_1331] : memref<100000x128xf32, #tpu.memory_space<hbm>> -> memref<128x128xf32, #tpu.memory_space<hbm>>
      %dma_wait3A_1333 = arith.constant 0 : i32
      %dma_wait3A_1334 = arith.constant 0 : i32
      %dma_wait3A_1335 = tpu.memref_slice %arg4[%dma_wait3A_1333, %dma_wait3A_1334] : memref<100000x128xf32, #tpu.memory_space<hbm>> -> memref<128x128xf32, #tpu.memory_space<hbm>>
      %dma_wait3A_1336 = arith.constant 0 : i32
      %dma_wait3A_1337 = arith.constant 0 : i32
      %dma_wait3A_1338 = tpu.memref_slice %arg6[%dma_wait3A, %dma_wait3A_1336, %dma_wait3A_1337] : memref<7x128x128xf32, #tpu.memory_space<vmem>> -> memref<1x128x128xf32, #tpu.memory_space<vmem>>
      %dma_wait3A_1339 = tpu.memref_squeeze %dma_wait3A_1338 : memref<1x128x128xf32, #tpu.memory_space<vmem>> -> memref<128x128xf32, #tpu.memory_space<vmem>>
      tpu.wait_dma2 semaphore(%arg16 : memref<!tpu.dma_semaphore, #tpu.memory_space<semaphore_mem>>) src(%dma_wait3A_1339 : memref<128x128xf32, #tpu.memory_space<vmem>>) dst(%dma_wait3A_1335 : memref<128x128xf32, #tpu.memory_space<hbm>>)
    } else {
    }
    %mul3A_1308 = arith.constant 25 : i32
    %mul3A_1309 = arith.muli %add3A, %mul3A_1308 : i32
    %add3A_1310 = arith.constant 23 : i32
    %add3A_1311 = arith.addi %mul3A_1309, %add3A_1310 : i32
    %lt3A_1312 = arith.constant 782 : i32
    %lt3A_1313 = arith.cmpi slt, %add3A_1311, %lt3A_1312 : i32
    %convert_element_type3A_1314 = arith.extui %lt3A_1313 : i1 to i32
    %cond3A_1315 = arith.constant 0 : i32
    %cond3A_1316 = arith.cmpi ne, %convert_element_type3A_1314, %cond3A_1315 : i32
    scf.if %cond3A_1316 {
      %dma_wait3A = arith.constant 2 : i32
      %dma_wait3A_1326 = arith.constant 0 : i32
      %dma_wait3A_1327 = arith.constant 0 : i32
      %dma_wait3A_1328 = tpu.memref_slice %arg6[%dma_wait3A, %dma_wait3A_1326, %dma_wait3A_1327] : memref<7x128x128xf32, #tpu.memory_space<vmem>> -> memref<1x128x128xf32, #tpu.memory_space<vmem>>
      %dma_wait3A_1329 = tpu.memref_squeeze %dma_wait3A_1328 : memref<1x128x128xf32, #tpu.memory_space<vmem>> -> memref<128x128xf32, #tpu.memory_space<vmem>>
      %dma_wait3A_1330 = arith.constant 0 : i32
      %dma_wait3A_1331 = arith.constant 0 : i32
      %dma_wait3A_1332 = tpu.memref_slice %arg4[%dma_wait3A_1330, %dma_wait3A_1331] : memref<100000x128xf32, #tpu.memory_space<hbm>> -> memref<128x128xf32, #tpu.memory_space<hbm>>
      %dma_wait3A_1333 = arith.constant 0 : i32
      %dma_wait3A_1334 = arith.constant 0 : i32
      %dma_wait3A_1335 = tpu.memref_slice %arg4[%dma_wait3A_1333, %dma_wait3A_1334] : memref<100000x128xf32, #tpu.memory_space<hbm>> -> memref<128x128xf32, #tpu.memory_space<hbm>>
      %dma_wait3A_1336 = arith.constant 0 : i32
      %dma_wait3A_1337 = arith.constant 0 : i32
      %dma_wait3A_1338 = tpu.memref_slice %arg6[%dma_wait3A, %dma_wait3A_1336, %dma_wait3A_1337] : memref<7x128x128xf32, #tpu.memory_space<vmem>> -> memref<1x128x128xf32, #tpu.memory_space<vmem>>
      %dma_wait3A_1339 = tpu.memref_squeeze %dma_wait3A_1338 : memref<1x128x128xf32, #tpu.memory_space<vmem>> -> memref<128x128xf32, #tpu.memory_space<vmem>>
      tpu.wait_dma2 semaphore(%arg17 : memref<!tpu.dma_semaphore, #tpu.memory_space<semaphore_mem>>) src(%dma_wait3A_1339 : memref<128x128xf32, #tpu.memory_space<vmem>>) dst(%dma_wait3A_1335 : memref<128x128xf32, #tpu.memory_space<hbm>>)
    } else {
    }
    %mul3A_1317 = arith.constant 25 : i32
    %mul3A_1318 = arith.muli %add3A, %mul3A_1317 : i32
    %add3A_1319 = arith.constant 24 : i32
    %add3A_1320 = arith.addi %mul3A_1318, %add3A_1319 : i32
    %lt3A_1321 = arith.constant 782 : i32
    %lt3A_1322 = arith.cmpi slt, %add3A_1320, %lt3A_1321 : i32
    %convert_element_type3A_1323 = arith.extui %lt3A_1322 : i1 to i32
    %cond3A_1324 = arith.constant 0 : i32
    %cond3A_1325 = arith.cmpi ne, %convert_element_type3A_1323, %cond3A_1324 : i32
    scf.if %cond3A_1325 {
      %dma_wait3A = arith.constant 3 : i32
      %dma_wait3A_1326 = arith.constant 0 : i32
      %dma_wait3A_1327 = arith.constant 0 : i32
      %dma_wait3A_1328 = tpu.memref_slice %arg6[%dma_wait3A, %dma_wait3A_1326, %dma_wait3A_1327] : memref<7x128x128xf32, #tpu.memory_space<vmem>> -> memref<1x128x128xf32, #tpu.memory_space<vmem>>
      %dma_wait3A_1329 = tpu.memref_squeeze %dma_wait3A_1328 : memref<1x128x128xf32, #tpu.memory_space<vmem>> -> memref<128x128xf32, #tpu.memory_space<vmem>>
      %dma_wait3A_1330 = arith.constant 0 : i32
      %dma_wait3A_1331 = arith.constant 0 : i32
      %dma_wait3A_1332 = tpu.memref_slice %arg4[%dma_wait3A_1330, %dma_wait3A_1331] : memref<100000x128xf32, #tpu.memory_space<hbm>> -> memref<128x128xf32, #tpu.memory_space<hbm>>
      %dma_wait3A_1333 = arith.constant 0 : i32
      %dma_wait3A_1334 = arith.constant 0 : i32
      %dma_wait3A_1335 = tpu.memref_slice %arg4[%dma_wait3A_1333, %dma_wait3A_1334] : memref<100000x128xf32, #tpu.memory_space<hbm>> -> memref<128x128xf32, #tpu.memory_space<hbm>>
      %dma_wait3A_1336 = arith.constant 0 : i32
      %dma_wait3A_1337 = arith.constant 0 : i32
      %dma_wait3A_1338 = tpu.memref_slice %arg6[%dma_wait3A, %dma_wait3A_1336, %dma_wait3A_1337] : memref<7x128x128xf32, #tpu.memory_space<vmem>> -> memref<1x128x128xf32, #tpu.memory_space<vmem>>
      %dma_wait3A_1339 = tpu.memref_squeeze %dma_wait3A_1338 : memref<1x128x128xf32, #tpu.memory_space<vmem>> -> memref<128x128xf32, #tpu.memory_space<vmem>>
      tpu.wait_dma2 semaphore(%arg18 : memref<!tpu.dma_semaphore, #tpu.memory_space<semaphore_mem>>) src(%dma_wait3A_1339 : memref<128x128xf32, #tpu.memory_space<vmem>>) dst(%dma_wait3A_1335 : memref<128x128xf32, #tpu.memory_space<hbm>>)
    } else {
    }
    return
  }
}

</mosaic_0001>

<sc_bundles>
// kernel: kernel.3.cloned.1.call-start
scs
__scs_entry_jumppad:
0x0: {  	(pc) =	sbr.rel $0x88, $3  }
0x1: {  	(tag) =	ssettag $0x0;
	lr =	simm.s32 $0x1  }
0x2: {  	[smem:$0x3F9F] =	sst lr;
	_ =	strace $0xD0000000  }
0x3: {  	_ = 	snop  }
0x4: {  	_ = 	snop  }
0x5: {  	_ = 	snop  }
0x6: {  	_ = 	snop  }
0x7: {  	_ = 	snop  }
__scs_overlays_trampoline_lowered:
0x8: {  	[smem:$0x3FAE] =	sst s0  }
0x9: {  	[smem:$0x3FAF] =	sst s1  }
0xa: {  	[smem:$0x3FB0] =	sst s2  }
0xb: {  	[smem:$0x3FB1] =	sst s3  }
0xc: {  	[smem:$0x3FB2] =	sst s4  }
0xd: {  	[smem:$0x3FB3] =	sst s5  }
0xe: {  	[smem:$0x3FB4] =	sst s6  }
0xf: {  	[smem:$0x3FB5] =	sst s7  }
0x10: {  	[smem:$0x3FB6] =	sst s8  }
0x11: {  	[smem:$0x3FB7] =	sst s9;
	s0 =	simm.s32 @!p0 $0x0  }
0x12: {  	s1 =	sld [smem:$0x3F9D];
	s0 =	simm.s32 @p0 $0x1  }
0x13: {  	[smem:$0x3FB8] =	sst s0;
	s0 =	simm.s32 @!p1 $0x0  }
0x14: {  	s2 =	sld [smem:$0x3F9C];
	s0 =	simm.s32 @p1 $0x1  }
0x15: {  	[smem:$0x3FB9] =	sst s0;
	s0 =	simm.s32 @!p2 $0x0  }
0x16: {  	s3 =	sld [smem:$0x3FDB];
	s0 =	simm.s32 @p2 $0x1  }
0x17: {  	s4 =	simm.s32 $0x1BF5;
	[smem:$0x3FBB] =	sst s0  }
0x18: {  	s0 =	sld [smem:$0x3F9E];
	_ =	swait.ge [sflag:s4], $0x0  }
0x19: {  	s7 =	sld [smem:$0x3F9F]  }
0x1a: {  	s8 =	sadd.s32 $0xFFFFE003, lr  }
0x1b: {  	s9 =	sadd.s32 $0xFFFFFEF7, lr;
	s5 =	simm.s32 $0xFFFFFFFF;
	p2 =	slt.u32 s8, $0xFFFFF086  }
0x1c: {  	p1 =	slt.u32 s9, $0xF7A;
	s5 =	simm.s32 @!p2 $0x0  }
0x1d: {  	s5 =	simm.s32 @p1 $0x1;
	p0 =	seq.s32 s7, s2  }
0x1e: {  	s7 =	smul.u32 @!p0 $0xF7A, s2;
	p2 =	seq.s32 @!p0 s5, $0x0  }
0x1f: {  	s9 =	smul.u32 $0xF7A, s1;
	s8 =	simm.s32 @!p0 $0x1BF5;
	p2 =	por !p2, p0  }
0x20: {  	[sflag:s8] =	ssyncset.s32 @!p0 $0xFFFFF086;
	s6 =	sadd.s32 @!p0 s3, s7;
	s7 =	simm.s32 @!p0 $0x108  }
0x21: {  	s3 =	sadd.s32 s3, s9;
	s6 =	sadd.s32 @!p0 $0x88, s6;
	s7 =	simm.s32 @p2 $0x1082  }
0x22: {  	[simem:s7], [sflag:s8] =	dma.local @!p0 [hbm:s6], $0xF7A  }
0x23: {  	s9 =	sor.u32 $0xD0000000, s2;
	s6 =	simm.s32 $0x108;
	_ =	swait.ge @!p0 [sflag:s8], $0x0  }
0x24: {  	s3 =	sadd.s32 $0x88, s3;
	s6 =	simm.s32 @!p1 $0x1082;
	[sflag:s4] =	ssyncset.s32 $0xFFFFF086  }
0x25: {  	[simem:s6], [sflag:s4] =	dma.local [hbm:s3], $0xF7A  }
0x26: {  	[smem:$0x3F9F] =	sst s1;
	(tag) =	ssettag s2;
	_ =	strace s9  }
0x27: {  	s1 =	sld [smem:$0x3FAF]  }
0x28: {  	s2 =	sld [smem:$0x3FB0]  }
0x29: {  	s4 =	sld [smem:$0x3FB2]  }
0x2a: {  	p0 =	seq.s32 s5, $0x0;
	s5 =	sld [smem:$0x3FB3]  }
0x2b: {  	s6 =	sld [smem:$0x3FB4]  }
0x2c: {  	s7 =	sld [smem:$0x3FB5]  }
0x2d: {  	s3 =	simm.s32 $0x108;
	s8 =	sld [smem:$0x3FB6]  }
0x2e: {  	s3 =	simm.s32 @!p0 $0x1082;
	s9 =	sld [smem:$0x3FB7]  }
0x2f: {  	lr =	sadd.s32 s0, s3;
	s0 =	sld [smem:$0x3FAE]  }
0x30: {  	s3 =	sld [smem:$0x3FB1]  }
0x31: {  	[smem:$0x3FBA] =	sst s10  }
0x32: {  	s10 =	sld [smem:$0x3FB8];
	_ =	sdelay $0x3  }
0x33: {  	p0 =	seq.s32 s10, $0x1;
	s10 =	sld [smem:$0x3FBA];
	_ =	sdelay $0x3  }
0x34: {  	[smem:$0x3FBA] =	sst s10  }
0x35: {  	s10 =	sld [smem:$0x3FB9];
	_ =	sdelay $0x3  }
0x36: {  	p1 =	seq.s32 s10, $0x1;
	s10 =	sld [smem:$0x3FBA];
	_ =	sdelay $0x3  }
0x37: {  	[smem:$0x3FBA] =	sst s10  }
0x38: {  	s10 =	sld [smem:$0x3FBB]  }
0x39: {  	_ = 	snop;
	(pc) =	sbr.ind lr, $3  }
0x3a: {  	_ = 	snop  }
0x3b: {  	_ = 	snop  }
0x3c: {  	p2 =	seq.s32 s10, $0x1;
	s10 =	sld [smem:$0x3FBA]  }
0x3d: {  	_ =	shalt  }
0x3e: {  	_ =	shalt  }
0x3f: {  	_ =	shalt  }
0x40: {  	_ =	shalt  }
0x41: {  	_ =	shalt  }
0x42: {  	_ =	shalt  }
0x43: {  	_ =	shalt  }
0x44: {  	_ =	shalt  }
0x45: {  	_ =	shalt  }
0x46: {  	_ =	shalt  }
0x47: {  	_ =	shalt  }
0x48: {  	_ =	shalt  }
0x49: {  	_ =	shalt  }
0x4a: {  	_ =	shalt  }
0x4b: {  	_ =	shalt  }
0x4c: {  	_ =	shalt  }
0x4d: {  	_ =	shalt  }
0x4e: {  	_ =	shalt  }
0x4f: {  	_ =	shalt  }
0x50: {  	_ =	shalt  }
0x51: {  	_ =	shalt  }
0x52: {  	_ =	shalt  }
0x53: {  	_ =	shalt  }
0x54: {  	_ =	shalt  }
0x55: {  	_ =	shalt  }
0x56: {  	_ =	shalt  }
0x57: {  	_ =	shalt  }
0x58: {  	_ =	shalt  }
0x59: {  	_ =	shalt  }
0x5a: {  	_ =	shalt  }
0x5b: {  	_ =	shalt  }
0x5c: {  	_ =	shalt  }
0x5d: {  	_ =	shalt  }
0x5e: {  	_ =	shalt  }
0x5f: {  	_ =	shalt  }
0x60: {  	_ =	shalt  }
0x61: {  	_ =	shalt  }
0x62: {  	_ =	shalt  }
0x63: {  	_ =	shalt  }
0x64: {  	_ =	shalt  }
0x65: {  	_ =	shalt  }
0x66: {  	_ =	shalt  }
0x67: {  	_ =	shalt  }
0x68: {  	_ =	shalt  }
0x69: {  	_ =	shalt  }
0x6a: {  	_ =	shalt  }
0x6b: {  	_ =	shalt  }
0x6c: {  	_ =	shalt  }
0x6d: {  	_ =	shalt  }
0x6e: {  	_ =	shalt  }
0x6f: {  	_ =	shalt  }
0x70: {  	_ =	shalt  }
0x71: {  	_ =	shalt  }
0x72: {  	_ =	shalt  }
0x73: {  	_ =	shalt  }
0x74: {  	_ =	shalt  }
0x75: {  	_ =	shalt  }
0x76: {  	_ =	shalt  }
0x77: {  	_ =	shalt  }
0x78: {  	_ =	shalt  }
0x79: {  	_ =	shalt  }
0x7a: {  	_ =	shalt  }
0x7b: {  	_ =	shalt  }
0x7c: {  	_ =	shalt  }
0x7d: {  	_ =	shalt  }
0x7e: {  	_ =	shalt  }
0x7f: {  	_ =	shalt  }
0x80: {  	_ =	shalt  }
0x81: {  	_ =	shalt  }
0x82: {  	_ =	shalt  }
0x83: {  	_ =	shalt  }
0x84: {  	_ =	shalt  }
0x85: {  	_ =	shalt  }
0x86: {  	_ =	shalt  }
0x87: {  	_ =	shalt  }
.Lfunc_end0:
.L_simem_size_0:
called_computation_lowered:
.L_overlay_start_0:
0x88: {  	s2 =	sld [smem:$0x3FD9]  }
0x89: {  	s3 =	sld [smem:$0x3FFE];
	_ =	sdelay $0x1  }
0x8a: {  	s1 =	srdreg.scid  }
0x8b: {  	s0 =	sand.u32 $0x1, s1  }
0x8c: {  	s17 =	sshll.u32 s0, $0xA;
	s2 =	sadd.s32 s3, s2  }
0x8d: {  	s2 =	sadd.s32 s2, s17  }
0x8e: {  	[smem:$0x3FC6] =	sst s2  }
0x8f: {  	_ = 	snop  }
0x90: {  	s2 =	sld [smem:$0x3FC8]  }
0x91: {  	s18 =	sld [smem:$0x3FD0];
	(tm) =	ssettm $0x1  }
0x92: {  	s4 =	sld [smem:$0x3FFB];
	_ =	sdelay $0x3  }
0x93: {  	_ =	strace s4  }
0x94: {  	s4 =	sld [smem:$0x3FFC];
	_ =	sdelay $0x3  }
0x95: {  	_ =	strace s4  }
0x96: {  	s4 =	sld [smem:$0x3FFD];
	_ =	sdelay $0x3  }
0x97: {  	_ =	strace s4  }
0x98: {  	_ =	strace $0x8FFFFFFF  }
0x99: {  	s19 =	sld [smem:$0x3FDB];
	_ =	sdelay $0x1  }
0x9a: {  	s5 =	simm.s32 $_scs_section_size  }
0x9b: {  	s6 =	simm.s32 $_size__tile_overlayer_lowered;
	s7 =	simm.s32 $_tile_overlayer_lowered  }
0x9c: {  	s22 =	simm.s32 $0x1BFF;
	s21 =	sshll.u32 s7, $0x1;
	s4 =	sadd.s32 s5, s19  }
0x9d: {  	s8 =	simm.s32 $0x0;
	s20 =	sshll.u32 s6, $0x1;
	s6 =	sadd.s32 s21, s4  }
0x9e: {  	[timem:s8], [sflag:s22] =	dma.local [hbm:s6], s20  }
0x9f: {  	_ =	swait.ge [sflag:s22], s20  }
0xa0: {  	s5 =	ssub.s32 $0x0, s20;
	[sflag:s22] =	ssyncset.done $0x0  }
0xa1: {  	[sflag:s22] =	ssyncadd.s32 s5;
	_ =	sdelay $0x1  }
0xa2: {  	s23 =	simm.s32 $0x1B8B  }
0xa3: {  	_ =	swait.ge [sflag:s23], $0x1  }
0xa4: {  	[sflag:s23] =	ssyncset.done $0x0  }
0xa5: {  	s25 =	simm.s32 $0x1B8E;
	s24 =	sld [smem:$0x3FFE];
	[sflag:s23] =	ssyncadd.s32 $0xFFFFFFFF  }
0xa6: {  	s26 =	simm.s32 $execute0_lowered;
	[smem:$0x3FD2] =	sst s25  }
0xa7: {  	s6 =	sshll.u32 s26, $0x1;
	_ =	strace $0x80000046;
	[dreg:$0x1] =	wrdreg $0xFFFFFFFF  }
0xa8: {  	s28 =	simm.s32 $_size_execute0_lowered;
	s4 =	sadd.s32 s4, s6;
	[dreg:$0x0] =	wrdreg $0x0  }
0xa9: {  	s6 =	sshll.u32 s28, $0x1;
	[dreg:$0x2] =	wrdreg s4  }
0xaa: {  	[dreg:$0x3] =	wrdreg s6  }
0xab: {  	[dreg:$0x4] =	wrdreg $0xC0  }
0xac: {  	_ =	task [dreg:s8], $0x5FFFF  }
0xad: {  	[dreg:$0x1] =	wrdreg $0xFFFFFFFF  }
0xae: {  	[dreg:$0x0] =	wrdreg $0x60  }
0xaf: {  	[dreg:$0x2] =	wrdreg s24  }
0xb0: {  	[dreg:$0x3] =	wrdreg s2  }
0xb1: {  	[dreg:$0x4] =	wrdreg s18  }
0xb2: {  	[dreg:$0x5] =	wrdreg $0x1D0000  }
0xb3: {  	[dreg:$0x6] =	wrdreg $0x9  }
0xb4: {  	_ =	task.clear_ibuf [dreg:s8], $0x7FFFF;
	_ =	strace $0x90000046  }
0xb5: {  	s29 =	simm.s32 $0x9;
	_ =	strace $0x80000048  }
0xb6: {  	_ =	swait.ge [sflag:s29], $0x1  }
0xb7: {  	[sflag:s29] =	ssyncadd.s32 $0xFFFFFFFF  }
0xb8: {  	_ =	strace $0x90000048  }
0xb9: {  	_ =	sfence  }
0xba: {  	s30 =	sld [smem:$0x0];
	_ =	sdelay $0x2  }
0xbb: {  	s31 =	sshll.u32 s1, $0xD;
	s1 =	sshrl.u32 s1, $0x2  }
0xbc: {  	s3 =	sand.u32 $0x4000, s31;
	s1 =	sadd.s32 s1, s30  }
0xbd: {  	s0 =	sor.u32 s3, s0;
	s1 =	sshll.u32 s1, $0x11  }
0xbe: {  	s0 =	sor.u32 s1, s0  }
0xbf: {  	s0 =	sadd.s32 $0x8F2B, s0  }
0xc0: {  	[sflag:s0] =	ssyncadd.remote.s32 $0x1  }
0xc1: {  	_ =	sfence.sel $0xFFFF  }
0xc2: {  	[dreg:$0x0] =	wrdreg $0xFFFFFFFF;
	(pc) =	sbr.abs _section_cstart, $3  }
0xc3: {  	[dreg:$0x1] =	wrdreg $0xFFFFFFFF  }
0xc4: {  	_ =	task.clear_ibuf [dreg:s8], $0x2FFFF;
	_ =	strace $0x9FFFFFFF  }
0xc5: {  	(tm) =	ssettm $0x7FFFFFFF  }
tec
execute0_lowered:
.L_overlay_start_1:
0x0: {  	(tag) =	ssettag $0x1  }
0x1: {  	s0 =	srdreg.scid;
	s9 =	stileid.u32  }
0x2: {  	s10 =	rddreg [dreg:$0x0];
	s1 =	sand.u32 $0x1, s0;
	s14 =	sshll.u32 s9, $0x1  }
0x3: {  	s31 =	simm.s32 $0x300;
	s0 =	sor.u32 s1, s14;
	s1 =	ssub.s32 $0x2, s1  }
0x4: {  	p0 =	sne.s32 s9, $0x0;
	s11 =	smul.u32 $0xC80, s0;
	s2 =	sshrl.u32 s1, $0x1  }
0x5: {  	p1 =	seq.s32 s0, $0x1F;
	s0 =	smul.u32 $0xC800, s0;
	s3 =	ssub.s32 s1, s2  }
0x6: {  	s4 =	sshrl.u32 s11, $0x3;
	s6 =	sadd.s32 $0x80, s11;
	s7 =	sadd.s32 $0x100, s11  }
0x7: {  	s2 =	sadd.s32 $0x180, s11;
	s8 =	sadd.s32 $0x200, s11;
	s20 =	smin.u32 s11, $0x18320  }
0x8: {  	s24 =	smin.u32 s11, $0x182A0;
	s25 =	smin.u32 s11, $0x18220;
	s13 =	smin.u32 s11, $0x181A0  }
0x9: {  	s3 =	smax.u32 s3, $0x1;
	s15 =	sadd.s32 s10, s4;
	s16 =	sshrl.u32 s6, $0x3  }
0xa: {  	s17 =	sshrl.u32 s7, $0x3;
	s5 =	sshrl.u32 s2, $0x3;
	s21 =	sshrl.u32 s8, $0x3  }
0xb: {  	s13 =	sadd.s32 $0x480, s13;
	s6 =	sshll.u32 s6, $0x4;
	s7 =	sshll.u32 s7, $0x4  }
0xc: {  	[dreg:$0x5] =	wrdreg s15;
	s1 =	sadd.s32 s10, s16;
	s18 =	sadd.s32 s10, s17  }
0xd: {  	s19 =	sadd.s32 s10, s5;
	s5 =	sadd.s32 $0x280, s11;
	[dreg:$0x6] =	wrdreg s1  }
0xe: {  	s4 =	sadd.s32 s10, s21;
	s16 =	smin.u32 s11, $0x18120;
	[dreg:$0x7] =	wrdreg s18  }
0xf: {  	s17 =	smin.u32 s11, $0x180A0;
	s21 =	smin.u32 s11, $0x17F20;
	[dreg:$0x8] =	wrdreg s19  }
0x10: {  	s12 =	sshrl.u32 s5, $0x3;
	s1 =	sadd.s32 $0x300, s20;
	[dreg:$0x9] =	wrdreg s4  }
0x11: {  	s20 =	smin.u32 s11, $0x17FA0;
	s22 =	sadd.s32 s10, s12;
	s23 =	sshrl.u32 s1, $0x3  }
0x12: {  	s12 =	sadd.s32 $0x400, s25;
	s25 =	smin.u32 s11, $0x17DA0;
	s4 =	sadd.s32 s10, s23  }
0x13: {  	s15 =	sshrl.u32 s12, $0x3;
	[dreg:$0xb] =	wrdreg s4;
	s4 =	sadd.s32 $0x380, s24  }
0x14: {  	[dreg:$0xa] =	wrdreg s22;
	s26 =	sadd.s32 s10, s15;
	s14 =	sshrl.u32 s4, $0x3  }
0x15: {  	s15 =	sshrl.u32 s13, $0x3;
	[dreg:$0xd] =	wrdreg s26;
	s14 =	sadd.s32 s10, s14  }
0x16: {  	s1 =	sshll.u32 s1, $0x4;
	[dreg:$0xc] =	wrdreg s14;
	s14 =	sadd.s32 s10, s15  }
0x17: {  	s24 =	smin.u32 s11, $0x17E20;
	s15 =	sadd.s32 $0x580, s17;
	[dreg:$0xe] =	wrdreg s14  }
0x18: {  	s14 =	sadd.s32 $0x500, s16;
	s16 =	smin.u32 s11, $0x18020;
	s18 =	sshrl.u32 s15, $0x3  }
0x19: {  	s16 =	sadd.s32 $0x600, s16;
	s17 =	sshrl.u32 s14, $0x3;
	s18 =	sadd.s32 s10, s18  }
0x1a: {  	s17 =	sadd.s32 s10, s17;
	[dreg:$0x10] =	wrdreg s18;
	s19 =	sshrl.u32 s16, $0x3  }
0x1b: {  	s18 =	sadd.s32 $0x700, s21;
	[dreg:$0xf] =	wrdreg s17;
	s17 =	sadd.s32 s10, s19  }
0x1c: {  	s19 =	smin.u32 s11, $0x17EA0;
	s21 =	sshrl.u32 s18, $0x3;
	[dreg:$0x11] =	wrdreg s17  }
0x1d: {  	s17 =	sadd.s32 $0x680, s20;
	s19 =	sadd.s32 $0x780, s19;
	s22 =	sadd.s32 s10, s21  }
0x1e: {  	s21 =	sadd.s32 $0x880, s25;
	s25 =	smin.u32 s11, $0x17CA0;
	s20 =	sshrl.u32 s17, $0x3  }
0x1f: {  	[dreg:$0x13] =	wrdreg s22;
	s23 =	sshrl.u32 s19, $0x3;
	s20 =	sadd.s32 s10, s20  }
0x20: {  	s22 =	smin.u32 s11, $0x17D20;
	[dreg:$0x12] =	wrdreg s20;
	s20 =	sadd.s32 s10, s23  }
0x21: {  	[dreg:$0x14] =	wrdreg s20;
	s20 =	sadd.s32 $0x800, s24;
	s24 =	sshrl.u32 s21, $0x3  }
0x22: {  	s22 =	sadd.s32 $0x900, s22;
	s23 =	sshrl.u32 s20, $0x3;
	s26 =	sadd.s32 s10, s24  }
0x23: {  	s24 =	sshrl.u32 s22, $0x3;
	s23 =	sadd.s32 s10, s23;
	[dreg:$0x16] =	wrdreg s26  }
0x24: {  	s26 =	smin.u32 s11, $0x17C20;
	[dreg:$0x15] =	wrdreg s23;
	s23 =	sadd.s32 s10, s24  }
0x25: {  	[dreg:$0x17] =	wrdreg s23;
	s23 =	sadd.s32 $0x980, s25;
	s25 =	smin.u32 s11, $0x17BA0  }
0x26: {  	s24 =	sadd.s32 $0xA00, s26;
	s26 =	sadd.s32 $0xA80, s25;
	s25 =	sshrl.u32 s23, $0x3  }
0x27: {  	s9 =	sshll.u32 s12, $0x4;
	s28 =	sshrl.u32 s24, $0x3;
	s25 =	sadd.s32 s10, s25  }
0x28: {  	s9 =	simm.s32 @p1 $0x186200;
	[dreg:$0x18] =	wrdreg s25;
	s25 =	sadd.s32 s10, s28  }
0x29: {  	s12 =	sshll.u32 s14, $0x4;
	[dreg:$0x19] =	wrdreg s25;
	s25 =	sshrl.u32 s26, $0x3  }
0x2a: {  	s14 =	sshll.u32 s16, $0x4;
	s12 =	simm.s32 @p1 $0x186200;
	s25 =	sadd.s32 s10, s25  }
0x2b: {  	s16 =	sshll.u32 s18, $0x4;
	[dreg:$0x1a] =	wrdreg s25;
	s25 =	smin.u32 s11, $0x17B20  }
0x2c: {  	s14 =	simm.s32 @p1 $0x186200;
	s28 =	smin.u32 s11, $0x17AA0;
	s29 =	sadd.s32 $0xB00, s25  }
0x2d: {  	s18 =	sshll.u32 s20, $0x4;
	s28 =	sadd.s32 $0xB80, s28;
	s25 =	sshrl.u32 s29, $0x3  }
0x2e: {  	s30 =	sshrl.u32 s28, $0x3;
	s11 =	smin.u32 s11, $0x17A20;
	s25 =	sadd.s32 s10, s25  }
0x2f: {  	s11 =	sadd.s32 $0xC00, s11;
	[dreg:$0x1b] =	wrdreg s25;
	s25 =	sadd.s32 s10, s30  }
0x30: {  	s20 =	sshll.u32 s22, $0x4;
	[dreg:$0x1c] =	wrdreg s25;
	s25 =	sshrl.u32 s11, $0x3  }
0x31: {  	s16 =	simm.s32 @p1 $0x186200;
	s20 =	simm.s32 @p1 $0x186200;
	s10 =	sadd.s32 s10, s25  }
0x32: {  	s18 =	simm.s32 @p1 $0x186200;
	s25 =	simm.s32 $0x0;
	[dreg:$0x1d] =	wrdreg s10  }
0x33: {  	s10 =	sshll.u32 s13, $0x4;
	s13 =	sshll.u32 s15, $0x4;
	s15 =	sshll.u32 s17, $0x4  }
0x34: {  	s17 =	sshll.u32 s19, $0x4;
	s19 =	sshll.u32 s21, $0x4;
	s21 =	sshll.u32 s23, $0x4  }
0x35: {  	s23 =	sshll.u32 s26, $0x4;
	s26 =	sshll.u32 s28, $0x4;
	s28 =	rddreg [dreg:$0x2]  }
0x36: {  	s22 =	sshll.u32 s24, $0x4;
	[smem:$0x7FF] =	sst s25;
	s0 =	sadd.s32 s28, s0  }
0x37: {  	s22 =	simm.s32 @p1 $0x186200;
	s1 =	sadd.s32 s28, s1;
	[dreg:$0x1e] =	wrdreg s0  }
0x38: {  	s10 =	simm.s32 @p1 $0x186200;
	s0 =	sadd.s32 s28, s6;
	[smem:$0x7EB] =	sst s1  }
0x39: {  	s6 =	sadd.s32 s28, s7;
	s7 =	sshll.u32 s2, $0x4;
	[dreg:$0x1f] =	wrdreg s0  }
0x3a: {  	s2 =	sshll.u32 s8, $0x4;
	s8 =	sadd.s32 s28, s9;
	[smem:$0x7E7] =	sst s6  }
0x3b: {  	s24 =	sshll.u32 s29, $0x4;
	s9 =	sadd.s32 s28, s10;
	[smem:$0x7ED] =	sst s8  }
0x3c: {  	s13 =	simm.s32 @p1 $0x186200;
	s10 =	sadd.s32 s28, s12;
	[smem:$0x7EE] =	sst s9  }
0x3d: {  	s29 =	simm.s32 $0xD;
	s12 =	sadd.s32 s28, s13;
	[smem:$0x7EF] =	sst s10  }
0x3e: {  	s15 =	simm.s32 @p1 $0x186200;
	s13 =	sadd.s32 s28, s14;
	[smem:$0x7F0] =	sst s12  }
0x3f: {  	s24 =	simm.s32 @p1 $0x186200;
	s14 =	sadd.s32 s28, s15;
	[smem:$0x7F1] =	sst s13  }
0x40: {  	s17 =	simm.s32 @p1 $0x186200;
	s15 =	sadd.s32 s28, s16;
	[smem:$0x7F2] =	sst s14  }
0x41: {  	s30 =	simm.s32 $0xE;
	s16 =	sadd.s32 s28, s17;
	[smem:$0x7F3] =	sst s15  }
0x42: {  	s19 =	simm.s32 @p1 $0x186200;
	s17 =	sadd.s32 s28, s18;
	[smem:$0x7F4] =	sst s16  }
0x43: {  	s11 =	sshll.u32 s11, $0x4;
	s18 =	sadd.s32 s28, s19;
	[smem:$0x7F5] =	sst s17  }
0x44: {  	s21 =	simm.s32 @p1 $0x186200;
	s19 =	sadd.s32 s28, s20;
	[smem:$0x7F6] =	sst s18  }
0x45: {  	s11 =	simm.s32 @p1 $0x186200;
	s20 =	sadd.s32 s28, s21;
	[smem:$0x7F7] =	sst s19  }
0x46: {  	s23 =	simm.s32 @p1 $0x186200;
	s21 =	sadd.s32 s28, s22;
	[smem:$0x7F8] =	sst s20  }
0x47: {  	s26 =	simm.s32 @p1 $0x186200;
	s22 =	sadd.s32 s28, s23;
	[smem:$0x7F9] =	sst s21  }
0x48: {  	s23 =	sadd.s32 s28, s24;
	s24 =	sadd.s32 s28, s26;
	[smem:$0x7FA] =	sst s22  }
0x49: {  	s26 =	sadd.s32 s28, s11;
	s11 =	simm.s32 $0x1000;
	[smem:$0x7FB] =	sst s23  }
0x4a: {  	s0 =	sadd.s32 s28, s7;
	s6 =	sshll.u32 s5, $0x4;
	[smem:$0x7FC] =	sst s24  }
0x4b: {  	s7 =	sshll.u32 s4, $0x4;
	[smem:$0x7FD] =	sst s26;
	s4 =	simm.s32 $0x80  }
0x4c: {  	s10 =	simm.s32 $0xF;
	s12 =	simm.s32 $0x5000;
	s13 =	simm.s32 $0x9000  }
0x4d: {  	s14 =	simm.s32 $0x1;
	s15 =	simm.s32 $0xD000;
	s16 =	simm.s32 $0x2  }
0x4e: {  	s17 =	simm.s32 $0x11000;
	s18 =	simm.s32 $0x3;
	s20 =	simm.s32 $0x4  }
0x4f: {  	s21 =	simm.s32 $0x19000;
	s22 =	simm.s32 $0x5;
	[smem:$0x7E8] =	sst s0  }
.Ltmp0:
0x50: {  	s0 =	sadd.s32 s28, s2;
	s2 =	rddreg [dreg:$0x3];
	(pc) =	sbr.rel .LBB2_1-.Ltmp0, $4  }
0x51: {  	s24 =	simm.s32 $0x7;
	s1 =	sadd.s32 s28, s7;
	[smem:$0x7E9] =	sst s0  }
0x52: {  	s19 =	simm.s32 $0x180;
	s0 =	sadd.s32 s28, s6;
	[smem:$0x7EC] =	sst s1  }
0x53: {  	s23 =	simm.s32 $0x200;
	s26 =	simm.s32 $0x280;
	[smem:$0x7EA] =	sst s0  }
0x54: {  	s28 =	simm.s32 $0xC;
	s0 =	simm.s32 $0x15000;
	_ =	strace $0x80000047  }
.LBB2_3:
0x55: {  	_ =	swait.ge [sflag:s5], $0x4000  }
0x56: {  	[sflag:s5] =	ssyncset.done $0x0  }
0x57: {  	[sflag:s5] =	ssyncadd.s32 $0xFFFFC000  }
0x58: {  	_ =	swait.ge [sflag:s6], $0x4000  }
0x59: {  	[sflag:s6] =	ssyncset.done $0x0  }
0x5a: {  	s3 =	sadd.s32 $0xFFFFFFFF, s3;
	[sflag:s6] =	ssyncadd.s32 $0xFFFFC000  }
0x5b: {  	p2 =	sne.s32 s3, $0x0;
	_ =	swait.ge [sflag:s7], $0x4000  }
.Ltmp1:
0x5c: {  	[sflag:s7] =	ssyncset.done $0x0;
	(pc) =	sbr.rel @!p2 .LBB2_4-.Ltmp1, $4  }
0x5d: {  	[sflag:s7] =	ssyncadd.s32 $0xFFFFC000  }
0x5e: {  	_ =	swait.ge [sflag:s1], $0x4000  }
0x5f: {  	[sflag:s1] =	ssyncset.done $0x0  }
0x60: {  	[sflag:s1] =	ssyncadd.s32 $0xFFFFC000  }
.LBB2_1:
0x61: {  	s1 =	sshrl.u32 @!p0 s2, $0x3;
	s5 =	simm.s32 @!p0 $0x1C10;
	s6 =	rddreg [dreg:$0x1]  }
0x62: {  	[spmem:s1], [sflag:s5] =	dma.local @!p0 [hbm:s6], $0x1C0  }
0x63: {  	s1 =	simm.s32 @!p0 $0x10  }
0x64: {  	_ =	swait.ge @!p0 [sflag:s1], $0x1C0  }
0x65: {  	[sflag:s1] =	ssyncset.done @!p0 $0x0  }
0x66: {  	s5 =	rddreg [dreg:$0x5];
	[sflag:s1] =	ssyncadd.s32 @!p0 $0xFFFFFE40  }
0x67: {  	[tilespmem:s25], [sflag:$0xF] =	stream.linear.gather [hbm4b:s5+s25], $0x80, $0x38;
	[tilespmem:$0x1D0E0] =	vst v63  }
0x68: {  	s6 =	rddreg [dreg:$0x6]  }
0x69: {  	[tilespmem:s4], [sflag:$0xF] =	stream.linear.gather [hbm4b:s6+s25], $0x80, $0x38;
	[tilespmem:$0x1D0E0] =	vst v63  }
0x6a: {  	s9 =	simm.s32 $0x100;
	s7 =	rddreg [dreg:$0x7]  }
0x6b: {  	[tilespmem:s9], [sflag:$0xF] =	stream.linear.gather [hbm4b:s7+s25], $0x80, $0x38;
	[tilespmem:$0x1D0E0] =	vst v63  }
0x6c: {  	s8 =	rddreg [dreg:$0x8]  }
0x6d: {  	[tilespmem:s19], [sflag:$0xF] =	stream.linear.gather [hbm4b:s8+s25], $0x80, $0x38;
	[tilespmem:$0x1D0E0] =	vst v63  }
0x6e: {  	s5 =	rddreg [dreg:$0x9]  }
0x6f: {  	[tilespmem:s23], [sflag:$0xF] =	stream.linear.gather [hbm4b:s5+s25], $0x80, $0x38;
	[tilespmem:$0x1D0E0] =	vst v63  }
0x70: {  	s6 =	rddreg [dreg:$0xa]  }
0x71: {  	[tilespmem:s26], [sflag:$0xF] =	stream.linear.gather [hbm4b:s6+s25], $0x80, $0x38;
	[tilespmem:$0x1D0E0] =	vst v63  }
0x72: {  	s7 =	rddreg [dreg:$0xb]  }
0x73: {  	[tilespmem:s31], [sflag:$0xF] =	stream.linear.gather [hbm4b:s7+s25], $0x80, $0x38;
	[tilespmem:$0x1D0E0] =	vst v63  }
0x74: {  	s1 =	rddreg [dreg:$0xc];
	s5 =	simm.s32 @!p1 $0x0;
	s6 =	simm.s32 @!p1 $0x380  }
0x75: {  	[tilespmem:s6], [sflag:$0xF] =	stream.linear.gather @!p1 [hbm4b:s1+s5], $0x80, $0x38;
	[tilespmem:$0x1D0E0] =	vst v63  }
0x76: {  	s7 =	rddreg [dreg:$0xd];
	s1 =	simm.s32 @!p1 $0x400  }
0x77: {  	[tilespmem:s1], [sflag:$0xF] =	stream.linear.gather @!p1 [hbm4b:s7+s5], $0x80, $0x38;
	[tilespmem:$0x1D0E0] =	vst v63  }
0x78: {  	s8 =	rddreg [dreg:$0xe];
	s7 =	simm.s32 @!p1 $0x480  }
0x79: {  	[tilespmem:s7], [sflag:$0xF] =	stream.linear.gather @!p1 [hbm4b:s8+s5], $0x80, $0x38;
	[tilespmem:$0x1D0E0] =	vst v63  }
0x7a: {  	s7 =	simm.s32 @!p1 $0x500;
	s8 =	rddreg [dreg:$0xf]  }
0x7b: {  	[tilespmem:s7], [sflag:$0xF] =	stream.linear.gather @!p1 [hbm4b:s8+s5], $0x80, $0x38;
	[tilespmem:$0x1D0E0] =	vst v63  }
0x7c: {  	s7 =	simm.s32 @!p1 $0x580;
	s8 =	rddreg [dreg:$0x10]  }
0x7d: {  	[tilespmem:s7], [sflag:$0xF] =	stream.linear.gather @!p1 [hbm4b:s8+s5], $0x80, $0x38;
	[tilespmem:$0x1D0E0] =	vst v63  }
0x7e: {  	s7 =	simm.s32 @!p1 $0x600;
	s8 =	rddreg [dreg:$0x11]  }
0x7f: {  	[tilespmem:s7], [sflag:$0xF] =	stream.linear.gather @!p1 [hbm4b:s8+s5], $0x80, $0x38;
	[tilespmem:$0x1D0E0] =	vst v63  }
0x80: {  	s7 =	simm.s32 @!p1 $0x680;
	s8 =	rddreg [dreg:$0x12]  }
0x81: {  	[tilespmem:s7], [sflag:$0xF] =	stream.linear.gather @!p1 [hbm4b:s8+s5], $0x80, $0x38;
	[tilespmem:$0x1D0E0] =	vst v63  }
0x82: {  	s7 =	simm.s32 @!p1 $0x700;
	s8 =	rddreg [dreg:$0x13]  }
0x83: {  	[tilespmem:s7], [sflag:$0xF] =	stream.linear.gather @!p1 [hbm4b:s8+s5], $0x80, $0x38;
	[tilespmem:$0x1D0E0] =	vst v63  }
0x84: {  	s7 =	simm.s32 @!p1 $0x780;
	s8 =	rddreg [dreg:$0x14]  }
0x85: {  	[tilespmem:s7], [sflag:$0xF] =	stream.linear.gather @!p1 [hbm4b:s8+s5], $0x80, $0x38;
	[tilespmem:$0x1D0E0] =	vst v63  }
0x86: {  	s7 =	simm.s32 @!p1 $0x800;
	s8 =	rddreg [dreg:$0x15]  }
0x87: {  	[tilespmem:s7], [sflag:$0xF] =	stream.linear.gather @!p1 [hbm4b:s8+s5], $0x80, $0x38;
	[tilespmem:$0x1D0E0] =	vst v63  }
0x88: {  	s7 =	simm.s32 @!p1 $0x880;
	s8 =	rddreg [dreg:$0x16]  }
0x89: {  	[tilespmem:s7], [sflag:$0xF] =	stream.linear.gather @!p1 [hbm4b:s8+s5], $0x80, $0x38;
	[tilespmem:$0x1D0E0] =	vst v63  }
0x8a: {  	s7 =	simm.s32 @!p1 $0x900;
	s8 =	rddreg [dreg:$0x17]  }
0x8b: {  	[tilespmem:s7], [sflag:$0xF] =	stream.linear.gather @!p1 [hbm4b:s8+s5], $0x80, $0x38;
	[tilespmem:$0x1D0E0] =	vst v63  }
0x8c: {  	s7 =	simm.s32 @!p1 $0x980;
	s8 =	rddreg [dreg:$0x18]  }
0x8d: {  	[tilespmem:s7], [sflag:$0xF] =	stream.linear.gather @!p1 [hbm4b:s8+s5], $0x80, $0x38;
	[tilespmem:$0x1D0E0] =	vst v63  }
0x8e: {  	s7 =	simm.s32 @!p1 $0xA00;
	s8 =	rddreg [dreg:$0x19]  }
0x8f: {  	[tilespmem:s7], [sflag:$0xF] =	stream.linear.gather @!p1 [hbm4b:s8+s5], $0x80, $0x38;
	[tilespmem:$0x1D0E0] =	vst v63  }
0x90: {  	s7 =	simm.s32 @!p1 $0xA80;
	s8 =	rddreg [dreg:$0x1a]  }
0x91: {  	[tilespmem:s7], [sflag:$0xF] =	stream.linear.gather @!p1 [hbm4b:s8+s5], $0x80, $0x38;
	[tilespmem:$0x1D0E0] =	vst v63  }
0x92: {  	s7 =	simm.s32 @!p1 $0xB00;
	s8 =	rddreg [dreg:$0x1b]  }
0x93: {  	[tilespmem:s7], [sflag:$0xF] =	stream.linear.gather @!p1 [hbm4b:s8+s5], $0x80, $0x38;
	[tilespmem:$0x1D0E0] =	vst v63  }
0x94: {  	s7 =	simm.s32 @!p1 $0xB80;
	s8 =	rddreg [dreg:$0x1c]  }
0x95: {  	[tilespmem:s7], [sflag:$0xF] =	stream.linear.gather @!p1 [hbm4b:s8+s5], $0x80, $0x38;
	[tilespmem:$0x1D0E0] =	vst v63  }
0x96: {  	s7 =	simm.s32 @!p1 $0xC00;
	s8 =	rddreg [dreg:$0x1d]  }
0x97: {  	[tilespmem:s7], [sflag:$0xF] =	stream.linear.gather @!p1 [hbm4b:s8+s5], $0x80, $0x38;
	[tilespmem:$0x1D0E0] =	vst v63  }
0x98: {  	_ =	swait.ge [sflag:s10], $0x80  }
0x99: {  	[sflag:s10] =	ssyncset.done $0x0  }
0x9a: {  	[sflag:s10] =	ssyncadd.s32 $0xFFFFFF80  }
0x9b: {  	_ =	swait.ge [sflag:s10], $0x80  }
0x9c: {  	[sflag:s10] =	ssyncset.done $0x0  }
0x9d: {  	[sflag:s10] =	ssyncadd.s32 $0xFFFFFF80  }
0x9e: {  	_ =	swait.ge [sflag:s10], $0x80  }
0x9f: {  	[sflag:s10] =	ssyncset.done $0x0  }
0xa0: {  	[sflag:s10] =	ssyncadd.s32 $0xFFFFFF80  }
0xa1: {  	_ =	swait.ge [sflag:s10], $0x80  }
0xa2: {  	[sflag:s10] =	ssyncset.done $0x0  }
0xa3: {  	[sflag:s10] =	ssyncadd.s32 $0xFFFFFF80  }
0xa4: {  	_ =	swait.ge [sflag:s10], $0x80  }
0xa5: {  	[sflag:s10] =	ssyncset.done $0x0  }
0xa6: {  	[sflag:s10] =	ssyncadd.s32 $0xFFFFFF80  }
0xa7: {  	_ =	swait.ge [sflag:s10], $0x80  }
0xa8: {  	[sflag:s10] =	ssyncset.done $0x0  }
0xa9: {  	[sflag:s10] =	ssyncadd.s32 $0xFFFFFF80  }
0xaa: {  	_ =	swait.ge [sflag:s10], $0x80  }
0xab: {  	[sflag:s10] =	ssyncset.done $0x0  }
0xac: {  	s7 =	simm.s32 @!p1 $0xF;
	[sflag:s10] =	ssyncadd.s32 $0xFFFFFF80  }
0xad: {  	_ =	swait.ge @!p1 [sflag:s7], $0x80  }
0xae: {  	[sflag:s7] =	ssyncset.done @!p1 $0x0  }
0xaf: {  	[sflag:s7] =	ssyncadd.s32 @!p1 $0xFFFFFF80  }
0xb0: {  	_ =	swait.ge @!p1 [sflag:s7], $0x80  }
0xb1: {  	[sflag:s7] =	ssyncset.done @!p1 $0x0  }
0xb2: {  	[sflag:s7] =	ssyncadd.s32 @!p1 $0xFFFFFF80  }
0xb3: {  	_ =	swait.ge @!p1 [sflag:s7], $0x80  }
0xb4: {  	[sflag:s7] =	ssyncset.done @!p1 $0x0  }
0xb5: {  	[sflag:s7] =	ssyncadd.s32 @!p1 $0xFFFFFF80  }
0xb6: {  	_ =	swait.ge @!p1 [sflag:s7], $0x80  }
0xb7: {  	[sflag:s7] =	ssyncset.done @!p1 $0x0  }
0xb8: {  	[sflag:s7] =	ssyncadd.s32 @!p1 $0xFFFFFF80  }
0xb9: {  	_ =	swait.ge @!p1 [sflag:s7], $0x80  }
0xba: {  	[sflag:s7] =	ssyncset.done @!p1 $0x0  }
0xbb: {  	[sflag:s7] =	ssyncadd.s32 @!p1 $0xFFFFFF80  }
0xbc: {  	_ =	swait.ge @!p1 [sflag:s7], $0x80  }
0xbd: {  	[sflag:s7] =	ssyncset.done @!p1 $0x0  }
0xbe: {  	[sflag:s7] =	ssyncadd.s32 @!p1 $0xFFFFFF80  }
0xbf: {  	_ =	swait.ge @!p1 [sflag:s7], $0x80  }
0xc0: {  	[sflag:s7] =	ssyncset.done @!p1 $0x0  }
0xc1: {  	[sflag:s7] =	ssyncadd.s32 @!p1 $0xFFFFFF80  }
0xc2: {  	_ =	swait.ge @!p1 [sflag:s7], $0x80  }
0xc3: {  	[sflag:s7] =	ssyncset.done @!p1 $0x0  }
0xc4: {  	[sflag:s7] =	ssyncadd.s32 @!p1 $0xFFFFFF80  }
0xc5: {  	_ =	swait.ge @!p1 [sflag:s7], $0x80  }
0xc6: {  	[sflag:s7] =	ssyncset.done @!p1 $0x0  }
0xc7: {  	[sflag:s7] =	ssyncadd.s32 @!p1 $0xFFFFFF80  }
0xc8: {  	_ =	swait.ge @!p1 [sflag:s7], $0x80  }
0xc9: {  	[sflag:s7] =	ssyncset.done @!p1 $0x0  }
0xca: {  	[sflag:s7] =	ssyncadd.s32 @!p1 $0xFFFFFF80  }
0xcb: {  	_ =	swait.ge @!p1 [sflag:s7], $0x80  }
0xcc: {  	[sflag:s7] =	ssyncset.done @!p1 $0x0  }
0xcd: {  	[sflag:s7] =	ssyncadd.s32 @!p1 $0xFFFFFF80  }
0xce: {  	_ =	swait.ge @!p1 [sflag:s7], $0x80  }
0xcf: {  	[sflag:s7] =	ssyncset.done @!p1 $0x0  }
0xd0: {  	[sflag:s7] =	ssyncadd.s32 @!p1 $0xFFFFFF80  }
0xd1: {  	_ =	swait.ge @!p1 [sflag:s7], $0x80  }
0xd2: {  	[sflag:s7] =	ssyncset.done @!p1 $0x0  }
0xd3: {  	[sflag:s7] =	ssyncadd.s32 @!p1 $0xFFFFFF80  }
0xd4: {  	_ =	swait.ge @!p1 [sflag:s7], $0x80  }
0xd5: {  	[sflag:s7] =	ssyncset.done @!p1 $0x0  }
0xd6: {  	[sflag:s7] =	ssyncadd.s32 @!p1 $0xFFFFFF80  }
0xd7: {  	_ =	swait.ge @!p1 [sflag:s7], $0x80  }
0xd8: {  	[sflag:s7] =	ssyncset.done @!p1 $0x0  }
0xd9: {  	[sflag:s7] =	ssyncadd.s32 @!p1 $0xFFFFFF80  }
0xda: {  	_ =	swait.ge @!p1 [sflag:s7], $0x80  }
0xdb: {  	[sflag:s7] =	ssyncset.done @!p1 $0x0  }
0xdc: {  	[sflag:s7] =	ssyncadd.s32 @!p1 $0xFFFFFF80  }
0xdd: {  	_ =	swait.ge @!p1 [sflag:s7], $0x80  }
0xde: {  	[sflag:s7] =	ssyncset.done @!p1 $0x0  }
0xdf: {  	[sflag:s7] =	ssyncadd.s32 @!p1 $0xFFFFFF80  }
0xe0: {  	_ =	swait.ge @!p1 [sflag:s7], $0x80  }
0xe1: {  	[sflag:s7] =	ssyncset.done @!p1 $0x0  }
0xe2: {  	[sflag:s7] =	ssyncadd.s32 @!p1 $0xFFFFFF80  }
0xe3: {  	[bflag:$0x0] =	sbarrier.arrive $0xFFFF  }
0xe4: {  	[tilespmem:s11], [sflag:$0x1] =	stream.indirect.gather [spmem:s2], $0x80, s25, s4, $0xb8;
	[tilespmem:$0x1D0E0] =	vst v63  }
0xe5: {  	_ = 	snop  }
0xe6: {  	[tilespmem:s12], [sflag:$0x2] =	stream.indirect.gather [spmem:s2], $0x80, s4, s4, $0xb8;
	[tilespmem:$0x1D0E0] =	vst v63  }
0xe7: {  	_ = 	snop  }
0xe8: {  	[tilespmem:s13], [sflag:$0x3] =	stream.indirect.gather [spmem:s2], $0x80, s9, s4, $0xb8;
	[tilespmem:$0x1D0E0] =	vst v63  }
0xe9: {  	_ =	swait.ge [sflag:s14], $0x4000  }
0xea: {  	[sflag:s14] =	ssyncset.done $0x0  }
0xeb: {  	s8 =	rddreg [dreg:$0x1e];
	[sflag:s14] =	ssyncadd.s32 $0xFFFFC000  }
0xec: {  	[hbm4b:s8+s25] =	stream.linear.scatter [tilespmem:s11], [sflag:$0x8], $0x4000, $0x38;
	[tilespmem:$0x1D0E0] =	vst v63  }
0xed: {  	_ = 	snop  }
0xee: {  	[tilespmem:s15], [sflag:$0x4] =	stream.indirect.gather [spmem:s2], $0x80, s19, s4, $0xb8;
	[tilespmem:$0x1D0E0] =	vst v63  }
0xef: {  	_ =	swait.ge [sflag:s16], $0x4000  }
0xf0: {  	[sflag:s16] =	ssyncset.done $0x0  }
0xf1: {  	s9 =	rddreg [dreg:$0x1f];
	[sflag:s16] =	ssyncadd.s32 $0xFFFFC000  }
0xf2: {  	[hbm4b:s9+s25] =	stream.linear.scatter [tilespmem:s12], [sflag:$0x9], $0x4000, $0x38;
	[tilespmem:$0x1D0E0] =	vst v63  }
0xf3: {  	_ = 	snop  }
0xf4: {  	[tilespmem:s17], [sflag:$0x5] =	stream.indirect.gather [spmem:s2], $0x80, s23, s4, $0xb8;
	[tilespmem:$0x1D0E0] =	vst v63  }
0xf5: {  	_ =	swait.ge [sflag:s18], $0x4000  }
0xf6: {  	s8 =	sld [smem:$0x7E7]  }
0xf7: {  	[sflag:s18] =	ssyncset.done $0x0  }
0xf8: {  	[sflag:s18] =	ssyncadd.s32 $0xFFFFC000  }
0xf9: {  	[hbm4b:s8+s25] =	stream.linear.scatter [tilespmem:s13], [sflag:$0xA], $0x4000, $0x38;
	[tilespmem:$0x1D0E0] =	vst v63  }
0xfa: {  	_ = 	snop  }
0xfb: {  	[tilespmem:s0], [sflag:$0x6] =	stream.indirect.gather [spmem:s2], $0x80, s26, s4, $0xb8;
	[tilespmem:$0x1D0E0] =	vst v63  }
0xfc: {  	_ =	swait.ge [sflag:s20], $0x4000  }
0xfd: {  	s9 =	sld [smem:$0x7E8]  }
0xfe: {  	[sflag:s20] =	ssyncset.done $0x0  }
0xff: {  	[sflag:s20] =	ssyncadd.s32 $0xFFFFC000  }
0x100: {  	[hbm4b:s9+s25] =	stream.linear.scatter [tilespmem:s15], [sflag:$0xB], $0x4000, $0x38;
	[tilespmem:$0x1D0E0] =	vst v63  }
0x101: {  	_ = 	snop  }
0x102: {  	[tilespmem:s21], [sflag:$0x7] =	stream.indirect.gather [spmem:s2], $0x80, s31, s4, $0xb8;
	[tilespmem:$0x1D0E0] =	vst v63  }
0x103: {  	_ =	swait.ge [sflag:s22], $0x4000  }
0x104: {  	s8 =	sld [smem:$0x7E9]  }
0x105: {  	[sflag:s22] =	ssyncset.done $0x0  }
0x106: {  	s9 =	simm.s32 $0x8;
	[sflag:s22] =	ssyncadd.s32 $0xFFFFC000  }
0x107: {  	[hbm4b:s8+s25] =	stream.linear.scatter [tilespmem:s17], [sflag:$0xC], $0x4000, $0x38;
	[tilespmem:$0x1D0E0] =	vst v63  }
0x108: {  	_ =	swait.ge [sflag:s9], $0x4000  }
0x109: {  	[sflag:s9] =	ssyncset.done $0x0  }
0x10a: {  	s7 =	simm.s32 @p1 $0x6;
	[sflag:s9] =	ssyncadd.s32 $0xFFFFC000  }
0x10b: {  	_ =	swait.ge @p1 [sflag:s7], $0x4000  }
0x10c: {  	s9 =	sld [smem:$0x7EA]  }
0x10d: {  	[sflag:s7] =	ssyncset.done @p1 $0x0  }
0x10e: {  	s8 =	simm.s32 @p1 $0x15000;
	[sflag:s7] =	ssyncadd.s32 @p1 $0xFFFFC000;
	s7 =	simm.s32 @p1 $0x0  }
0x10f: {  	[hbm4b:s9+s7] =	stream.linear.scatter @p1 [tilespmem:s8], [sflag:$0xD], $0x4000, $0x38;
	[tilespmem:$0x1D0E0] =	vst v63  }
0x110: {  	s7 =	simm.s32 @p1 $0x9  }
0x111: {  	_ =	swait.ge @p1 [sflag:s7], $0x4000  }
0x112: {  	[sflag:s7] =	ssyncset.done @p1 $0x0  }
0x113: {  	s8 =	simm.s32 @!p1 $0x1000;
	[sflag:s7] =	ssyncadd.s32 @p1 $0xFFFFC000;
	s7 =	simm.s32 @!p1 $0x80  }
0x114: {  	[tilespmem:s8], [sflag:$0x1] =	stream.indirect.gather @!p1 [spmem:s2], $0x80, s6, s7, $0xb8;
	[tilespmem:$0x1D0E0] =	vst v63  }
0x115: {  	s6 =	simm.s32 @!p1 $0x6  }
0x116: {  	_ =	swait.ge @!p1 [sflag:s6], $0x4000  }
0x117: {  	[sflag:s6] =	ssyncset.done @!p1 $0x0  }
0x118: {  	[sflag:s6] =	ssyncadd.s32 @!p1 $0xFFFFC000;
	s6 =	simm.s32 @!p1 $0x15000  }
0x119: {  	[hbm4b:s9+s5] =	stream.linear.scatter @!p1 [tilespmem:s6], [sflag:$0xD], $0x4000, $0x38;
	[tilespmem:$0x1D0E0] =	vst v63  }
0x11a: {  	s5 =	simm.s32 @!p1 $0x9  }
0x11b: {  	_ =	swait.ge @!p1 [sflag:s5], $0x4000  }
0x11c: {  	[sflag:s5] =	ssyncset.done @!p1 $0x0  }
0x11d: {  	[sflag:s5] =	ssyncadd.s32 @!p1 $0xFFFFC000;
	s5 =	simm.s32 @!p1 $0x5000  }
0x11e: {  	[tilespmem:s5], [sflag:$0x2] =	stream.indirect.gather @!p1 [spmem:s2], $0x80, s1, s7, $0xb8;
	[tilespmem:$0x1D0E0] =	vst v63  }
0x11f: {  	_ =	swait.ge [sflag:s24], $0x4000  }
0x120: {  	s8 =	sld [smem:$0x7EB]  }
0x121: {  	[sflag:s24] =	ssyncset.done $0x0  }
.Ltmp2:
0x122: {  	s9 =	simm.s32 $0xA;
	[sflag:s24] =	ssyncadd.s32 $0xFFFFC000;
	(pc) =	sbr.rel @p1 .LBB2_3-.Ltmp2, $4  }
0x123: {  	[hbm4b:s8+s25] =	stream.linear.scatter [tilespmem:s21], [sflag:$0xE], $0x4000, $0x38;
	[tilespmem:$0x1D0E0] =	vst v63  }
0x124: {  	_ =	swait.ge [sflag:s9], $0x4000  }
0x125: {  	s6 =	simm.s32 $0xC;
	s5 =	simm.s32 $0xB;
	[sflag:s9] =	ssyncset.done $0x0  }
0x126: {  	s7 =	simm.s32 $0xD;
	s1 =	simm.s32 $0xE;
	[sflag:s9] =	ssyncadd.s32 $0xFFFFC000  }
0x127: {  	s0 =	simm.s32 $0x480  }
0x128: {  	[tilespmem:s13], [sflag:$0x3] =	stream.indirect.gather [spmem:s2], $0x80, s0, s4, $0xb8;
	[tilespmem:$0x1D0E0] =	vst v63  }
0x129: {  	_ =	swait.ge [sflag:s14], $0x4000  }
0x12a: {  	s1 =	sld [smem:$0x7EC]  }
0x12b: {  	[sflag:s14] =	ssyncset.done $0x0  }
0x12c: {  	[sflag:s14] =	ssyncadd.s32 $0xFFFFC000  }
0x12d: {  	[hbm4b:s1+s25] =	stream.linear.scatter [tilespmem:s11], [sflag:$0x8], $0x4000, $0x38;
	[tilespmem:$0x1D0E0] =	vst v63  }
0x12e: {  	s1 =	simm.s32 $0xB  }
0x12f: {  	_ =	swait.ge [sflag:s1], $0x4000  }
0x130: {  	[sflag:s1] =	ssyncset.done $0x0  }
0x131: {  	s5 =	simm.s32 $0x500;
	[sflag:s1] =	ssyncadd.s32 $0xFFFFC000  }
0x132: {  	[tilespmem:s15], [sflag:$0x4] =	stream.indirect.gather [spmem:s2], $0x80, s5, s4, $0xb8;
	[tilespmem:$0x1D0E0] =	vst v63  }
0x133: {  	_ =	swait.ge [sflag:s16], $0x4000  }
0x134: {  	s5 =	sld [smem:$0x7ED]  }
0x135: {  	[sflag:s16] =	ssyncset.done $0x0  }
0x136: {  	[sflag:s16] =	ssyncadd.s32 $0xFFFFC000  }
0x137: {  	[hbm4b:s5+s25] =	stream.linear.scatter [tilespmem:s12], [sflag:$0x9], $0x4000, $0x38;
	[tilespmem:$0x1D0E0] =	vst v63  }
0x138: {  	_ =	swait.ge [sflag:s28], $0x4000  }
0x139: {  	[sflag:s28] =	ssyncset.done $0x0  }
0x13a: {  	s6 =	simm.s32 $0x580;
	[sflag:s28] =	ssyncadd.s32 $0xFFFFC000  }
0x13b: {  	[tilespmem:s17], [sflag:$0x5] =	stream.indirect.gather [spmem:s2], $0x80, s6, s4, $0xb8;
	[tilespmem:$0x1D0E0] =	vst v63  }
0x13c: {  	_ =	swait.ge [sflag:s18], $0x4000  }
0x13d: {  	s7 =	sld [smem:$0x7EE]  }
0x13e: {  	[sflag:s18] =	ssyncset.done $0x0  }
0x13f: {  	[sflag:s18] =	ssyncadd.s32 $0xFFFFC000  }
0x140: {  	[hbm4b:s7+s25] =	stream.linear.scatter [tilespmem:s13], [sflag:$0xA], $0x4000, $0x38;
	[tilespmem:$0x1D0E0] =	vst v63  }
0x141: {  	_ =	swait.ge [sflag:s29], $0x4000  }
0x142: {  	[sflag:s29] =	ssyncset.done $0x0  }
0x143: {  	s9 =	simm.s32 $0x15000;
	s8 =	simm.s32 $0x600;
	[sflag:s29] =	ssyncadd.s32 $0xFFFFC000  }
0x144: {  	[tilespmem:s9], [sflag:$0x6] =	stream.indirect.gather [spmem:s2], $0x80, s8, s4, $0xb8;
	[tilespmem:$0x1D0E0] =	vst v63  }
0x145: {  	_ =	swait.ge [sflag:s20], $0x4000  }
0x146: {  	s0 =	sld [smem:$0x7EF]  }
0x147: {  	[sflag:s20] =	ssyncset.done $0x0  }
0x148: {  	[sflag:s20] =	ssyncadd.s32 $0xFFFFC000  }
0x149: {  	[hbm4b:s0+s25] =	stream.linear.scatter [tilespmem:s15], [sflag:$0xB], $0x4000, $0x38;
	[tilespmem:$0x1D0E0] =	vst v63  }
0x14a: {  	_ =	swait.ge [sflag:s30], $0x4000  }
0x14b: {  	[sflag:s30] =	ssyncset.done $0x0  }
0x14c: {  	s5 =	simm.s32 $0x680;
	[sflag:s30] =	ssyncadd.s32 $0xFFFFC000  }
0x14d: {  	[tilespmem:s21], [sflag:$0x7] =	stream.indirect.gather [spmem:s2], $0x80, s5, s4, $0xb8;
	[tilespmem:$0x1D0E0] =	vst v63  }
0x14e: {  	_ =	swait.ge [sflag:s22], $0x4000  }
0x14f: {  	s6 =	sld [smem:$0x7F0]  }
0x150: {  	[sflag:s22] =	ssyncset.done $0x0  }
0x151: {  	s5 =	simm.s32 $0x8;
	[sflag:s22] =	ssyncadd.s32 $0xFFFFC000  }
0x152: {  	[hbm4b:s6+s25] =	stream.linear.scatter [tilespmem:s17], [sflag:$0xC], $0x4000, $0x38;
	[tilespmem:$0x1D0E0] =	vst v63  }
0x153: {  	_ =	swait.ge [sflag:s5], $0x4000  }
0x154: {  	[sflag:s5] =	ssyncset.done $0x0  }
0x155: {  	s7 =	simm.s32 $0x700;
	s0 =	simm.s32 $0x6;
	[sflag:s5] =	ssyncadd.s32 $0xFFFFC000  }
0x156: {  	[tilespmem:s11], [sflag:$0x1] =	stream.indirect.gather [spmem:s2], $0x80, s7, s4, $0xb8;
	[tilespmem:$0x1D0E0] =	vst v63  }
0x157: {  	_ =	swait.ge [sflag:s0], $0x4000  }
0x158: {  	s6 =	sld [smem:$0x7F1]  }
0x159: {  	[sflag:s0] =	ssyncset.done $0x0  }
0x15a: {  	[sflag:s0] =	ssyncadd.s32 $0xFFFFC000  }
0x15b: {  	[hbm4b:s6+s25] =	stream.linear.scatter [tilespmem:s9], [sflag:$0xD], $0x4000, $0x38;
	[tilespmem:$0x1D0E0] =	vst v63  }
0x15c: {  	s6 =	simm.s32 $0x9  }
0x15d: {  	_ =	swait.ge [sflag:s6], $0x4000  }
0x15e: {  	[sflag:s6] =	ssyncset.done $0x0  }
0x15f: {  	s7 =	simm.s32 $0x780;
	[sflag:s6] =	ssyncadd.s32 $0xFFFFC000  }
0x160: {  	[tilespmem:s12], [sflag:$0x2] =	stream.indirect.gather [spmem:s2], $0x80, s7, s4, $0xb8;
	[tilespmem:$0x1D0E0] =	vst v63  }
0x161: {  	_ =	swait.ge [sflag:s24], $0x4000  }
0x162: {  	s8 =	sld [smem:$0x7F2]  }
0x163: {  	[sflag:s24] =	ssyncset.done $0x0  }
0x164: {  	s7 =	simm.s32 $0xA;
	[sflag:s24] =	ssyncadd.s32 $0xFFFFC000  }
0x165: {  	[hbm4b:s8+s25] =	stream.linear.scatter [tilespmem:s21], [sflag:$0xE], $0x4000, $0x38;
	[tilespmem:$0x1D0E0] =	vst v63  }
0x166: {  	_ =	swait.ge [sflag:s7], $0x4000  }
0x167: {  	[sflag:s7] =	ssyncset.done $0x0  }
0x168: {  	s8 =	simm.s32 $0x800;
	[sflag:s7] =	ssyncadd.s32 $0xFFFFC000  }
0x169: {  	[tilespmem:s13], [sflag:$0x3] =	stream.indirect.gather [spmem:s2], $0x80, s8, s4, $0xb8;
	[tilespmem:$0x1D0E0] =	vst v63  }
0x16a: {  	_ =	swait.ge [sflag:s14], $0x4000  }
0x16b: {  	s8 =	sld [smem:$0x7F3]  }
0x16c: {  	[sflag:s14] =	ssyncset.done $0x0  }
0x16d: {  	[sflag:s14] =	ssyncadd.s32 $0xFFFFC000  }
0x16e: {  	[hbm4b:s8+s25] =	stream.linear.scatter [tilespmem:s11], [sflag:$0x8], $0x4000, $0x38;
	[tilespmem:$0x1D0E0] =	vst v63  }
0x16f: {  	_ =	swait.ge [sflag:s1], $0x4000  }
0x170: {  	[sflag:s1] =	ssyncset.done $0x0  }
0x171: {  	s8 =	simm.s32 $0x880;
	[sflag:s1] =	ssyncadd.s32 $0xFFFFC000  }
0x172: {  	[tilespmem:s15], [sflag:$0x4] =	stream.indirect.gather [spmem:s2], $0x80, s8, s4, $0xb8;
	[tilespmem:$0x1D0E0] =	vst v63  }
0x173: {  	_ =	swait.ge [sflag:s16], $0x4000  }
0x174: {  	s8 =	sld [smem:$0x7F4]  }
0x175: {  	[sflag:s16] =	ssyncset.done $0x0  }
0x176: {  	[sflag:s16] =	ssyncadd.s32 $0xFFFFC000  }
0x177: {  	[hbm4b:s8+s25] =	stream.linear.scatter [tilespmem:s12], [sflag:$0x9], $0x4000, $0x38;
	[tilespmem:$0x1D0E0] =	vst v63  }
0x178: {  	_ =	swait.ge [sflag:s28], $0x4000  }
0x179: {  	[sflag:s28] =	ssyncset.done $0x0  }
0x17a: {  	s8 =	simm.s32 $0x900;
	[sflag:s28] =	ssyncadd.s32 $0xFFFFC000  }
0x17b: {  	[tilespmem:s17], [sflag:$0x5] =	stream.indirect.gather [spmem:s2], $0x80, s8, s4, $0xb8;
	[tilespmem:$0x1D0E0] =	vst v63  }
0x17c: {  	_ =	swait.ge [sflag:s18], $0x4000  }
0x17d: {  	s8 =	sld [smem:$0x7F5]  }
0x17e: {  	[sflag:s18] =	ssyncset.done $0x0  }
0x17f: {  	[sflag:s18] =	ssyncadd.s32 $0xFFFFC000  }
0x180: {  	[hbm4b:s8+s25] =	stream.linear.scatter [tilespmem:s13], [sflag:$0xA], $0x4000, $0x38;
	[tilespmem:$0x1D0E0] =	vst v63  }
0x181: {  	_ =	swait.ge [sflag:s29], $0x4000  }
0x182: {  	[sflag:s29] =	ssyncset.done $0x0  }
0x183: {  	s8 =	simm.s32 $0x980;
	[sflag:s29] =	ssyncadd.s32 $0xFFFFC000  }
0x184: {  	[tilespmem:s9], [sflag:$0x6] =	stream.indirect.gather [spmem:s2], $0x80, s8, s4, $0xb8;
	[tilespmem:$0x1D0E0] =	vst v63  }
0x185: {  	_ =	swait.ge [sflag:s20], $0x4000  }
0x186: {  	s8 =	sld [smem:$0x7F6]  }
0x187: {  	[sflag:s20] =	ssyncset.done $0x0  }
0x188: {  	[sflag:s20] =	ssyncadd.s32 $0xFFFFC000  }
0x189: {  	[hbm4b:s8+s25] =	stream.linear.scatter [tilespmem:s15], [sflag:$0xB], $0x4000, $0x38;
	[tilespmem:$0x1D0E0] =	vst v63  }
0x18a: {  	_ =	swait.ge [sflag:s30], $0x4000  }
0x18b: {  	[sflag:s30] =	ssyncset.done $0x0  }
0x18c: {  	s8 =	simm.s32 $0xA00;
	[sflag:s30] =	ssyncadd.s32 $0xFFFFC000  }
0x18d: {  	[tilespmem:s21], [sflag:$0x7] =	stream.indirect.gather [spmem:s2], $0x80, s8, s4, $0xb8;
	[tilespmem:$0x1D0E0] =	vst v63  }
0x18e: {  	_ =	swait.ge [sflag:s22], $0x4000  }
0x18f: {  	s8 =	sld [smem:$0x7F7]  }
0x190: {  	[sflag:s22] =	ssyncset.done $0x0  }
0x191: {  	[sflag:s22] =	ssyncadd.s32 $0xFFFFC000  }
0x192: {  	[hbm4b:s8+s25] =	stream.linear.scatter [tilespmem:s17], [sflag:$0xC], $0x4000, $0x38;
	[tilespmem:$0x1D0E0] =	vst v63  }
0x193: {  	_ =	swait.ge [sflag:s5], $0x4000  }
0x194: {  	[sflag:s5] =	ssyncset.done $0x0  }
0x195: {  	s8 =	simm.s32 $0xA80;
	[sflag:s5] =	ssyncadd.s32 $0xFFFFC000  }
0x196: {  	[tilespmem:s11], [sflag:$0x1] =	stream.indirect.gather [spmem:s2], $0x80, s8, s4, $0xb8;
	[tilespmem:$0x1D0E0] =	vst v63  }
0x197: {  	_ =	swait.ge [sflag:s0], $0x4000  }
0x198: {  	s8 =	sld [smem:$0x7F8]  }
0x199: {  	[sflag:s0] =	ssyncset.done $0x0  }
0x19a: {  	[sflag:s0] =	ssyncadd.s32 $0xFFFFC000  }
0x19b: {  	[hbm4b:s8+s25] =	stream.linear.scatter [tilespmem:s9], [sflag:$0xD], $0x4000, $0x38;
	[tilespmem:$0x1D0E0] =	vst v63  }
0x19c: {  	_ =	swait.ge [sflag:s6], $0x4000  }
0x19d: {  	[sflag:s6] =	ssyncset.done $0x0  }
0x19e: {  	s9 =	simm.s32 $0xB00;
	[sflag:s6] =	ssyncadd.s32 $0xFFFFC000  }
0x19f: {  	[tilespmem:s12], [sflag:$0x2] =	stream.indirect.gather [spmem:s2], $0x80, s9, s4, $0xb8;
	[tilespmem:$0x1D0E0] =	vst v63  }
0x1a0: {  	_ =	swait.ge [sflag:s24], $0x4000  }
0x1a1: {  	s9 =	sld [smem:$0x7F9]  }
0x1a2: {  	[sflag:s24] =	ssyncset.done $0x0  }
0x1a3: {  	[sflag:s24] =	ssyncadd.s32 $0xFFFFC000  }
0x1a4: {  	[hbm4b:s9+s25] =	stream.linear.scatter [tilespmem:s21], [sflag:$0xE], $0x4000, $0x38;
	[tilespmem:$0x1D0E0] =	vst v63  }
0x1a5: {  	_ =	swait.ge [sflag:s7], $0x4000  }
0x1a6: {  	[sflag:s7] =	ssyncset.done $0x0  }
0x1a7: {  	s9 =	simm.s32 $0xB80;
	[sflag:s7] =	ssyncadd.s32 $0xFFFFC000  }
0x1a8: {  	[tilespmem:s13], [sflag:$0x3] =	stream.indirect.gather [spmem:s2], $0x80, s9, s4, $0xb8;
	[tilespmem:$0x1D0E0] =	vst v63  }
0x1a9: {  	_ =	swait.ge [sflag:s14], $0x4000  }
0x1aa: {  	s9 =	sld [smem:$0x7FA]  }
0x1ab: {  	[sflag:s14] =	ssyncset.done $0x0  }
0x1ac: {  	[sflag:s14] =	ssyncadd.s32 $0xFFFFC000  }
0x1ad: {  	[hbm4b:s9+s25] =	stream.linear.scatter [tilespmem:s11], [sflag:$0x8], $0x4000, $0x38;
	[tilespmem:$0x1D0E0] =	vst v63  }
0x1ae: {  	_ =	swait.ge [sflag:s1], $0x4000  }
0x1af: {  	[sflag:s1] =	ssyncset.done $0x0  }
0x1b0: {  	s9 =	simm.s32 $0xC00;
	[sflag:s1] =	ssyncadd.s32 $0xFFFFC000  }
0x1b1: {  	[tilespmem:s15], [sflag:$0x4] =	stream.indirect.gather [spmem:s2], $0x80, s9, s4, $0xb8;
	[tilespmem:$0x1D0E0] =	vst v63  }
0x1b2: {  	_ =	swait.ge [sflag:s16], $0x4000  }
0x1b3: {  	s9 =	sld [smem:$0x7FB]  }
0x1b4: {  	[sflag:s16] =	ssyncset.done $0x0  }
0x1b5: {  	[sflag:s16] =	ssyncadd.s32 $0xFFFFC000  }
0x1b6: {  	[hbm4b:s9+s25] =	stream.linear.scatter [tilespmem:s12], [sflag:$0x9], $0x4000, $0x38;
	[tilespmem:$0x1D0E0] =	vst v63  }
0x1b7: {  	_ =	swait.ge [sflag:s18], $0x4000  }
0x1b8: {  	s9 =	sld [smem:$0x7FC]  }
0x1b9: {  	[sflag:s18] =	ssyncset.done $0x0  }
0x1ba: {  	[sflag:s18] =	ssyncadd.s32 $0xFFFFC000  }
0x1bb: {  	[hbm4b:s9+s25] =	stream.linear.scatter [tilespmem:s13], [sflag:$0xA], $0x4000, $0x38;
	[tilespmem:$0x1D0E0] =	vst v63  }
0x1bc: {  	_ =	swait.ge [sflag:s20], $0x4000  }
0x1bd: {  	s9 =	sld [smem:$0x7FD]  }
0x1be: {  	[sflag:s20] =	ssyncset.done $0x0  }
0x1bf: {  	[sflag:s20] =	ssyncadd.s32 $0xFFFFC000  }
0x1c0: {  	[hbm4b:s9+s25] =	stream.linear.scatter [tilespmem:s15], [sflag:$0xB], $0x4000, $0x38;
	[tilespmem:$0x1D0E0] =	vst v63  }
0x1c1: {  	_ =	swait.ge [sflag:s28], $0x4000  }
0x1c2: {  	[sflag:s28] =	ssyncset.done $0x0  }
0x1c3: {  	[sflag:s28] =	ssyncadd.s32 $0xFFFFC000  }
0x1c4: {  	_ =	swait.ge [sflag:s29], $0x4000  }
.Ltmp3:
0x1c5: {  	[sflag:s29] =	ssyncset.done $0x0;
	(pc) =	sbr.rel .LBB2_3-.Ltmp3, $4  }
0x1c6: {  	[sflag:s29] =	ssyncadd.s32 $0xFFFFC000  }
0x1c7: {  	_ =	swait.ge [sflag:s30], $0x4000  }
0x1c8: {  	[sflag:s30] =	ssyncset.done $0x0  }
0x1c9: {  	s0 =	simm.s32 $0x15000;
	[sflag:s30] =	ssyncadd.s32 $0xFFFFC000  }
.LBB2_4:
0x1ca: {  	_ =	sfence.sel $0x180000  }
0x1cb: {  	[bflag:$0x0] =	sbarrier.arrive $0xFFFF  }
0x1cc: {  	_ =	strace $0x90000047  }
0x1cd: {  	[bflag:$0x2] =	sbarrier.arrive $0xFFFF  }
0x1ce: {  	s0 =	rddreg [dreg:$0x4]  }
0x1cf: {  	s0 =	sadd.s32 @!p0 $0x100000, s0  }
0x1d0: {  	[sflag:s0] =	ssyncadd.tile.s32 @!p0 $0x1;
	_ =	shalt  }
.Lfunc_end2:
_tile_overlayer_lowered:
.L_overlay_start_2:
0x1d1: {  	(tag) =	ssettag $0x2  }
0x1d2: {  	s0 =	rddreg [dreg:$0x0];
	s2 =	stileid.u32  }
0x1d3: {  	s1 =	rddreg [dreg:$0x1];
	p0 =	sne.s32 s2, $0x0  }
0x1d4: {  	s3 =	rddreg [dreg:$0x2];
	[bflag:$0x3] =	sbarrier.arrive $0xFFFF;
	s2 =	simm.s32 @!p0 $0x1C10  }
0x1d5: {  	[timem:s3], [sflag:s2] =	dma.local @!p0 [hbm:s0], s1  }
0x1d6: {  	s0 =	simm.s32 @!p0 $0x10  }
0x1d7: {  	_ =	swait.ge @!p0 [sflag:s0], s1  }
0x1d8: {  	s1 =	ssub.s32 @!p0 $0x0, s1;
	[sflag:s0] =	ssyncset.done @!p0 $0x0  }
0x1d9: {  	[sflag:s0] =	ssyncadd.s32 @!p0 s1  }
0x1da: {  	[bflag:$0x3] =	sbarrier.arrive $0xFFFF  }
0x1db: {  	_ =	shalt  }

</sc_bundles>
